<compile_context>
chip_gen: v7x
topology: tpu7x:2x2x1
jax: 0.10.2.dev20260603
libtpu: 0.0.44.dev20260713+nightly
codegen_flags: <defaults>
</compile_context>

<pallas_src>
import dataclasses
import functools

import jax
import jax.numpy as jnp
from jax import lax
from jax.experimental import pallas as pl
from jax.experimental.pallas import tpu as pltpu
from jax.experimental.pallas import tpu_sc as plsc

NUM_NODES = 100000
B = 4096
DIM_EMBED = 128
DIM_EDGE = 16
DIM_TIME = 100
MAIL_DIM = DIM_EMBED + DIM_EDGE
N3 = 3 * B
N2 = 2 * B
NW = 32
GCH = N3 // (NW * 128)
SCH = N2 // (NW * 128)

_mesh = plsc.VectorSubcoreMesh(core_axis_name="c", subcore_axis_name="s",
                               num_cores=2, num_subcores=16)

f32 = jnp.float32
i32 = jnp.int32


def _wid():
    return lax.axis_index("s") * 2 + lax.axis_index("c")


@functools.partial(
    pl.kernel,
    out_type=(
        jax.ShapeDtypeStruct((N3, DIM_EMBED), f32),
        jax.ShapeDtypeStruct((N3, MAIL_DIM), f32),
        jax.ShapeDtypeStruct((N3,), f32),
        jax.ShapeDtypeStruct((N3,), f32),
    ),
    mesh=_mesh,
    scratch_types=[
        pltpu.VMEM((GCH, 128), i32),
        pltpu.VMEM((128, DIM_EMBED), f32),
        pltpu.VMEM((128, MAIL_DIM), f32),
        pltpu.VMEM((128,), f32),
        pltpu.VMEM((128,), f32),
        pltpu.SemaphoreType.DMA,
    ],
)
def _sc_gather(mem_hbm, mail_hbm, mts_hbm, lts_hbm, idx_hbm,
               pm_hbm, m_hbm, pts_hbm, mtsg_hbm,
               idx_v, rows_v, mrows_v, ts1_v, ts2_v, sem):
    w = _wid()
    pltpu.sync_copy(idx_hbm.at[w], idx_v)
    for j in range(GCH):
        base = (w * GCH + j) * 128
        pltpu.sync_copy(mem_hbm.at[idx_v.at[j]], rows_v)
        pltpu.sync_copy(rows_v, pm_hbm.at[pl.ds(base, 128), :])
        pltpu.sync_copy(mts_hbm.at[idx_v.at[j]], ts1_v)
        pltpu.sync_copy(ts1_v, pts_hbm.at[pl.ds(base, 128)])
        pltpu.sync_copy(lts_hbm.at[idx_v.at[j]], ts2_v)
        pltpu.sync_copy(ts2_v, mtsg_hbm.at[pl.ds(base, 128)])

        @pl.loop(0, 128, step=16)
        def _(l0):
            l0 = pl.multiple_of(l0, 16)
            v = idx_v[j, pl.ds(l0, 16)]
            for k in range(16):
                pltpu.async_copy(mail_hbm.at[v[k]], mrows_v.at[l0 + k], sem)

        @pl.loop(0, 128)
        def _(l):
            pltpu.make_async_copy(mail_hbm.at[0], mrows_v.at[0], sem).wait()

        pltpu.sync_copy(mrows_v, m_hbm.at[pl.ds(base, 128), :])


_GD = lax.GatherDimensionNumbers(
    offset_dims=(), collapsed_slice_dims=(0,), start_index_map=(0,))


_cp_no_layout = pltpu.CompilerParams()
if "needs_layout_passes" in pltpu.CompilerParams.__dataclass_fields__:
    _cp_no_layout = dataclasses.replace(_cp_no_layout, needs_layout_passes=False)


@functools.partial(
    pl.kernel,
    out_type=jax.ShapeDtypeStruct((N2,), i32),
    mesh=_mesh,
    compiler_params=_cp_no_layout,
    scratch_types=[
        pltpu.VMEM((N2,), i32),
        pltpu.VMEM((NUM_NODES,), i32),
        pltpu.VMEM((N2,), i32),
    ],
)
def _sc_lastpos(idx_hbm, lp_hbm, idx_v, tbl_v, lp_v):
    w = _wid()

    @pl.when(w == 0)
    def _():
        pltpu.sync_copy(idx_hbm, idx_v)
        iota = lax.iota(i32, 16)
        cidx = jnp.minimum(iota + 1, 15)
        is_last = iota == 15

        @pl.loop(0, N2, step=16)
        def _(c):
            c = pl.multiple_of(c, 16)
            k = idx_v[pl.ds(c, 16)]
            comb = (k << 13) | (iota + c)
            comb, _unused = plsc.sort_key_val(comb, comb)
            nid = comb >> 13
            npos = comb & 8191
            nxt = lax.gather(nid, cidx[:, None], _GD, slice_sizes=(1,),
                             mode=lax.GatherScatterMode.PROMISE_IN_BOUNDS)
            mask = (nid != nxt) | is_last
            plsc.store_scatter(tbl_v, [nid], npos, mask=mask)

        @pl.loop(0, N2, step=16)
        def _(c):
            c = pl.multiple_of(c, 16)
            k = idx_v[pl.ds(c, 16)]
            lp_v[pl.ds(c, 16)] = plsc.load_gather(tbl_v, [k])

        pltpu.sync_copy(lp_v, lp_hbm)


@functools.partial(
    pl.kernel,
    out_type=(),
    mesh=_mesh,
    scratch_types=[
        pltpu.VMEM((SCH, 128), i32),
        pltpu.VMEM((SCH, 128), i32),
        pltpu.VMEM((128, DIM_EMBED), f32),
        pltpu.VMEM((128,), f32),
        pltpu.VMEM((128,), f32),
        pltpu.SemaphoreType.DMA,
    ],
)
def _sc_scatter(mem_ref, mail_ref, mts_ref, lts_ref,
                nrm_hbm, mrow_hbm, mtsv_hbm, rt2_hbm, idx_hbm, lp_hbm,
                idx_v, lp_v, rows_v, ts1_v, ts2_v, sem):
    w = _wid()
    pltpu.sync_copy(idx_hbm.at[w], idx_v)
    pltpu.sync_copy(lp_hbm.at[w], lp_v)

    for j in range(SCH):
        pltpu.sync_copy(nrm_hbm.at[lp_v.at[j]], rows_v)
        pltpu.sync_copy(rows_v, mem_ref.at[idx_v.at[j]])
        pltpu.sync_copy(mtsv_hbm.at[lp_v.at[j]], ts1_v)
        pltpu.sync_copy(ts1_v, mts_ref.at[idx_v.at[j]])
        pltpu.sync_copy(rt2_hbm.at[lp_v.at[j]], ts2_v)
        pltpu.sync_copy(ts2_v, lts_ref.at[idx_v.at[j]])

        @pl.loop(0, 128, step=16)
        def _(l0):
            l0 = pl.multiple_of(l0, 16)
            vl = lp_v[j, pl.ds(l0, 16)]
            vi = idx_v[j, pl.ds(l0, 16)]
            for k in range(16):
                pltpu.async_copy(mrow_hbm.at[vl[k]], mail_ref.at[vi[k]], sem)

        @pl.loop(0, 128)
        def _(l):
            pltpu.make_async_copy(mrow_hbm.at[0], mail_ref.at[0], sem).wait()


def _dense_body(pm_ref, m_ref, pts_ref, mts_ref, rts_ref, ef_ref,
                wm_ref, wt_ref, whh_ref, b_ref, tw_ref, tb_ref,
                tlw_ref, tlb_ref, lng_ref, lnb_ref,
                eps_ref, epsb_ref, epd_ref, epdb_ref, epo_ref, epob_ref,
                nrm_ref, mail_ref, pos_ref, neg_ref):
    n = 3 * 512
    pts = pts_ref[...].reshape(n, 1)
    mts = mts_ref[...].reshape(n, 1)
    dt = mts - pts
    tf = jnp.cos(dt * tw_ref[...] + tb_ref[...])
    x = (jnp.dot(m_ref[...].reshape(n, MAIL_DIM), wm_ref[...],
                 preferred_element_type=f32)
         + jnp.dot(tf, wt_ref[...], preferred_element_type=f32)
         + jnp.dot(pm_ref[...].reshape(n, DIM_EMBED), whh_ref[...],
                   preferred_element_type=f32)
         + b_ref[...])
    upd = jnp.tanh(x)
    mu = jnp.mean(upd, axis=-1, keepdims=True)
    var = jnp.mean((upd - mu) ** 2, axis=-1, keepdims=True)
    nrm = (upd - mu) / jnp.sqrt(var + 1e-5) * lng_ref[...] + lnb_ref[...]
    nrm3 = nrm.reshape(3, 512, DIM_EMBED)
    nrm_ref[...] = nrm3

    me = jnp.stack([nrm3[1], nrm3[0]])
    ef = jnp.broadcast_to(ef_ref[...][None], (2, 512, DIM_EDGE))
    mail_ref[...] = jnp.concatenate([me, ef], axis=-1)

    rt = jnp.broadcast_to(rts_ref[...].reshape(1, 512, 1), (3, 512, 1))
    rt = rt.reshape(n, 1)
    td = (rt - mts) / (rt + 1.0)
    proj = nrm * (1.0 + td * tlw_ref[...] + tlb_ref[...])
    p3 = proj.reshape(3, 512, DIM_EMBED)

    a = (jnp.dot(p3[0], eps_ref[...], preferred_element_type=f32)
         + epsb_ref[...])
    hp = jax.nn.relu(a + jnp.dot(p3[1], epd_ref[...],
                                 preferred_element_type=f32) + epdb_ref[...])
    hn = jax.nn.relu(a + jnp.dot(p3[2], epd_ref[...],
                                 preferred_element_type=f32) + epdb_ref[...])
    pos_ref[...] = (jnp.dot(hp, epo_ref[...], preferred_element_type=f32)
                    + epob_ref[...])
    neg_ref[...] = (jnp.dot(hn, epo_ref[...], preferred_element_type=f32)
                    + epob_ref[...])


def _full(shape):
    return pl.BlockSpec(shape, lambda g: tuple(0 for _ in shape))


def _make_tc_dense(interpret=False):
  return pl.pallas_call(
    _dense_body,
    interpret=interpret,
    grid=(B // 512,),
    in_specs=[
        pl.BlockSpec((3, 512, DIM_EMBED), lambda g: (0, g, 0)),
        pl.BlockSpec((3, 512, MAIL_DIM), lambda g: (0, g, 0)),
        pl.BlockSpec((3, 512, 1), lambda g: (0, g, 0)),
        pl.BlockSpec((3, 512, 1), lambda g: (0, g, 0)),
        pl.BlockSpec((512, 1), lambda g: (g, 0)),
        pl.BlockSpec((512, DIM_EDGE), lambda g: (g, 0)),
        _full((MAIL_DIM, DIM_EMBED)),
        _full((DIM_TIME, DIM_EMBED)),
        _full((DIM_EMBED, DIM_EMBED)),
        _full((1, DIM_EMBED)),
        _full((1, DIM_TIME)),
        _full((1, DIM_TIME)),
        _full((1, DIM_EMBED)),
        _full((1, DIM_EMBED)),
        _full((1, DIM_EMBED)),
        _full((1, DIM_EMBED)),
        _full((DIM_EMBED, DIM_EMBED)),
        _full((1, DIM_EMBED)),
        _full((DIM_EMBED, DIM_EMBED)),
        _full((1, DIM_EMBED)),
        _full((DIM_EMBED, 1)),
        _full((1, 1)),
    ],
    out_specs=[
        pl.BlockSpec((3, 512, DIM_EMBED), lambda g: (0, g, 0)),
        pl.BlockSpec((2, 512, MAIL_DIM), lambda g: (0, g, 0)),
        pl.BlockSpec((512, 1), lambda g: (g, 0)),
        pl.BlockSpec((512, 1), lambda g: (g, 0)),
    ],
    out_shape=[
        jax.ShapeDtypeStruct((3, B, DIM_EMBED), f32),
        jax.ShapeDtypeStruct((2, B, MAIL_DIM), f32),
        jax.ShapeDtypeStruct((B, 1), f32),
        jax.ShapeDtypeStruct((B, 1), f32),
    ],
  )


_tc_dense = _make_tc_dense()


def kernel(dst_nodes, root_ts, root_edge_feat, memory, memory_ts, mail,
           mail_ts, W_ih, b_ih, W_hh, b_hh, time_w, time_b, tl_W, tl_b,
           ln_g, ln_b, ep_src_W, ep_src_b, ep_dst_W, ep_dst_b, ep_out_W,
           ep_out_b):
    idx_all = dst_nodes.astype(i32)
    idx_g = idx_all.reshape(NW, GCH, 128)
    idx_s = idx_all[:N2].reshape(NW, SCH, 128)

    pm, m, pts, mtsg = _sc_gather(memory, mail, memory_ts, mail_ts, idx_g)
    lp = _sc_lastpos(idx_all[:N2])

    wihT = W_ih.T
    outs = _tc_dense(
        pm.reshape(3, B, DIM_EMBED), m.reshape(3, B, MAIL_DIM),
        pts.reshape(3, B, 1), mtsg.reshape(3, B, 1),
        root_ts.reshape(B, 1), root_edge_feat,
        wihT[:MAIL_DIM], wihT[MAIL_DIM:], W_hh.T,
        (b_ih + b_hh).reshape(1, DIM_EMBED),
        time_w.reshape(1, DIM_TIME), time_b.reshape(1, DIM_TIME),
        tl_W.reshape(1, DIM_EMBED), tl_b.reshape(1, DIM_EMBED),
        ln_g.reshape(1, DIM_EMBED), ln_b.reshape(1, DIM_EMBED),
        ep_src_W.T, ep_src_b.reshape(1, DIM_EMBED),
        ep_dst_W.T, ep_dst_b.reshape(1, DIM_EMBED),
        ep_out_W.T, ep_out_b.reshape(1, 1),
    )
    nrm3, mail3, pos_scores, neg_scores = outs

    mem_ref = jax.new_ref(memory)
    mail_ref = jax.new_ref(mail)
    mts_ref = jax.new_ref(memory_ts)
    lts_ref = jax.new_ref(mail_ts)
    _sc_scatter(mem_ref, mail_ref, mts_ref, lts_ref,
                nrm3.reshape(N3, DIM_EMBED), mail3.reshape(N2, MAIL_DIM),
                mtsg, jnp.concatenate([root_ts, root_ts]),
                idx_s, lp.reshape(NW, SCH, 128))

    return (pos_scores, neg_scores, mem_ref[...], mts_ref[...],
            mail_ref[...], lts_ref[...])

# --- scband reference (transcript-rebuilt; emitter-appended) ---
"""Pipeline reference for scband-atlas-jodie-31911607009496 (READ-ONLY COPY).

The authoritative reference and input builder live on the scoring server;
editing this copy changes nothing except your own understanding.
"""

import jax, jax.numpy as jnp
import numpy as np

NUM_NODES = 100000
B = 4096
DIM_EMBED = 128
DIM_EDGE = 16
DIM_TIME = 100
DIM_INPUT = DIM_EMBED + DIM_EDGE + DIM_TIME
MAIL_DIM = DIM_EMBED + DIM_EDGE


def _u(k, shape, s):
    return jax.random.uniform(k, shape, dtype=jnp.float32, minval=-s, maxval=s)


def setup_inputs(seed: int = 0) -> dict:
    key = jax.random.key(seed)
    ks = jax.random.split(key, 20)
    s = 1.0 / np.sqrt(DIM_EMBED)
    time_w = jnp.asarray(1.0 / (10.0 ** np.linspace(0.0, 9.0, DIM_TIME)), dtype=jnp.float32)
    return {
        "dst_nodes": jax.random.randint(ks[0], (3 * B,), 0, NUM_NODES),
        "root_ts": jax.random.uniform(ks[1], (B,), dtype=jnp.float32),
        "root_edge_feat": jax.random.normal(ks[2], (B, DIM_EDGE), dtype=jnp.float32),
        "memory": jax.random.normal(ks[3], (NUM_NODES, DIM_EMBED), dtype=jnp.float32) * 0.1,
        "memory_ts": jax.random.uniform(ks[4], (NUM_NODES,), dtype=jnp.float32),
        "mail": jax.random.normal(ks[5], (NUM_NODES, MAIL_DIM), dtype=jnp.float32) * 0.1,
        "mail_ts": jax.random.uniform(ks[6], (NUM_NODES,), dtype=jnp.float32),
        "W_ih": _u(ks[7], (DIM_EMBED, DIM_INPUT), s),
        "b_ih": _u(ks[8], (DIM_EMBED,), s),
        "W_hh": _u(ks[9], (DIM_EMBED, DIM_EMBED), s),
        "b_hh": _u(ks[10], (DIM_EMBED,), s),
        "time_w": time_w,
        "time_b": jnp.zeros((DIM_TIME,), dtype=jnp.float32),
        "tl_W": jax.random.normal(ks[11], (DIM_EMBED, 1), dtype=jnp.float32),
        "tl_b": jax.random.normal(ks[12], (DIM_EMBED,), dtype=jnp.float32),
        "ln_g": jnp.ones((DIM_EMBED,), dtype=jnp.float32),
        "ln_b": jnp.zeros((DIM_EMBED,), dtype=jnp.float32),
        "ep_src_W": _u(ks[13], (DIM_EMBED, DIM_EMBED), s),
        "ep_src_b": _u(ks[14], (DIM_EMBED,), s),
        "ep_dst_W": _u(ks[15], (DIM_EMBED, DIM_EMBED), s),
        "ep_dst_b": _u(ks[16], (DIM_EMBED,), s),
        "ep_out_W": _u(ks[17], (1, DIM_EMBED), s),
        "ep_out_b": _u(ks[18], (1,), s),
    }


def _layer_norm(x, g, b, eps=1e-5):
    mu = jnp.mean(x, axis=-1, keepdims=True)
    var = jnp.mean((x - mu) ** 2, axis=-1, keepdims=True)
    return (x - mu) / jnp.sqrt(var + eps) * g + b


def reference(dst_nodes, root_ts, root_edge_feat, memory, memory_ts, mail, mail_ts,
              W_ih, b_ih, W_hh, b_hh, time_w, time_b, tl_W, tl_b, ln_g, ln_b,
              ep_src_W, ep_src_b, ep_dst_W, ep_dst_b, ep_out_W, ep_out_b):
    Bsz = root_ts.shape[0]
    # gather state for the 3B root nodes (src | dst | neg)
    prev_mem = jnp.take(memory, dst_nodes, axis=0)
    prev_ts = jnp.take(memory_ts, dst_nodes, axis=0)
    m = jnp.take(mail, dst_nodes, axis=0)
    m_ts = jnp.take(mail_ts, dst_nodes, axis=0)
    # time encoding of delta t
    delta_t = m_ts - prev_ts
    time_feat = jnp.cos(delta_t[:, None] * time_w[None, :] + time_b[None, :])
    # RNNCell memory updater
    updater_in = jnp.concatenate([m, time_feat], axis=1)
    updated = jnp.tanh(updater_in @ W_ih.T + b_ih + prev_mem @ W_hh.T + b_hh)
    # dst_feat is None -> plain LayerNorm
    normalized = _layer_norm(updated, ln_g, ln_b)
    # scatter-write memory / memory_ts for positive (src,dst) nodes
    pos_nodes = dst_nodes[: 2 * Bsz]
    new_memory = memory.at[pos_nodes].set(normalized[: 2 * Bsz])
    new_memory_ts = memory_ts.at[pos_nodes].set(m_ts[: 2 * Bsz])
    # store mail: swap src/dst embeddings, append edge features
    mail_embed = jnp.concatenate([normalized[Bsz: 2 * Bsz], normalized[:Bsz]], axis=0)
    edge_pairs = jnp.concatenate([root_edge_feat, root_edge_feat], axis=0)
    new_mail_rows = jnp.concatenate([mail_embed, edge_pairs], axis=1)
    new_mail = mail.at[pos_nodes].set(new_mail_rows)
    new_mail_ts = mail_ts.at[pos_nodes].set(jnp.tile(root_ts, 2))
    # JODIE time projection
    times = jnp.tile(root_ts, 3)
    delta = times - m_ts
    time_diff = (delta / (times + 1.0))[:, None]
    projected = normalized * (1.0 + time_diff @ tl_W.T + tl_b)
    src_h = projected[:Bsz]
    dst_h = projected[Bsz: 2 * Bsz]
    neg_h = projected[2 * Bsz: 3 * Bsz]
    def edge_pred(a, c):
        h = jax.nn.relu(a @ ep_src_W.T + ep_src_b + c @ ep_dst_W.T + ep_dst_b)
        return h @ ep_out_W.T + ep_out_b
    pos_scores = edge_pred(src_h, dst_h)
    neg_scores = edge_pred(src_h, neg_h)
    return (pos_scores, neg_scores, new_memory, new_memory_ts, new_mail, new_mail_ts)

if __name__ == "__main__":
    import jax
    _d = setup_inputs()
    print(jax.jit(kernel)(*tuple(_d.values())))

</pallas_src>

<mosaic_0001>
#map = affine_map<(d0, d1) -> (0, 0)>
#map1 = affine_map<(d0, d1) -> (0)>
#map2 = affine_map<(d0, d1) -> (0, 0, 0)>
module attributes {stable_mosaic.version = 14 : i64} {
  func.func @new_body(%arg0: i32, %arg1: i32, %arg2: memref<100000x128xf32, #tpu.memory_space<hbm>>, %arg3: memref<100000x144xf32, #tpu.memory_space<hbm>>, %arg4: memref<100000xf32, #tpu.memory_space<hbm>>, %arg5: memref<100000xf32, #tpu.memory_space<hbm>>, %arg6: memref<12288x128xf32, #tpu.memory_space<hbm>>, %arg7: memref<8192x144xf32, #tpu.memory_space<hbm>>, %arg8: memref<12288xf32, #tpu.memory_space<hbm>>, %arg9: memref<8192xf32, #tpu.memory_space<hbm>>, %arg10: memref<32x2x128xi32, #tpu.memory_space<hbm>>, %arg11: memref<32x2x128xi32, #tpu.memory_space<hbm>>, %arg12: memref<100000x128xf32, #tpu.memory_space<hbm>>, %arg13: memref<100000x144xf32, #tpu.memory_space<hbm>>, %arg14: memref<100000xf32, #tpu.memory_space<hbm>>, %arg15: memref<100000xf32, #tpu.memory_space<hbm>>, %arg16: memref<2x128xi32, #tpu.memory_space<vmem>>, %arg17: memref<2x128xi32, #tpu.memory_space<vmem>>, %arg18: memref<128x128xf32, #tpu.memory_space<vmem>>, %arg19: memref<128xf32, #tpu.memory_space<vmem>>, %arg20: memref<128xf32, #tpu.memory_space<vmem>>, %arg21: memref<!tpu.dma_semaphore, #tpu.memory_space<semaphore_mem>>) attributes {dimension_semantics = [#tpu.dimension_semantics<core_parallel>, #tpu.dimension_semantics<subcore_parallel>], iteration_bounds = array<i64: 2, 16>, scalar_prefetch = 0 : i64, scratch_operands = 6 : i64, tpu.core_type = #tpu.core_type<sc_vector_subcore>, window_params = [{transform_indices = #map}, {transform_indices = #map}, {transform_indices = #map1}, {transform_indices = #map1}, {transform_indices = #map}, {transform_indices = #map}, {transform_indices = #map1}, {transform_indices = #map1}, {transform_indices = #map2}, {transform_indices = #map2}, {transform_indices = #map}, {transform_indices = #map}, {transform_indices = #map1}, {transform_indices = #map1}]} {
    %mul3A = arith.constant 2 : i32
    %mul3A_0 = arith.muli %arg1, %mul3A : i32
    %add3A = arith.addi %mul3A_0, %arg0 : i32
    "tpu.region"() ({
      %run_scoped3A_31 = tpu.sem_alloc : memref<!tpu.dma_semaphore, #tpu.memory_space<semaphore_mem>>
      %dma_start3A = arith.constant 0 : i32
      %dma_start3A_32 = arith.constant 0 : i32
      %dma_start3A_33 = tpu.memref_slice %arg10[%add3A, %dma_start3A, %dma_start3A_32] : memref<32x2x128xi32, #tpu.memory_space<hbm>> -> memref<1x2x128xi32, #tpu.memory_space<hbm>>
      %dma_start3A_34 = tpu.memref_squeeze %dma_start3A_33 : memref<1x2x128xi32, #tpu.memory_space<hbm>> -> memref<2x128xi32, #tpu.memory_space<hbm>>
      %dma_start3A_35 = arith.constant 0 : i32
      %dma_start3A_36 = arith.constant 0 : i32
      %dma_start3A_37 = tpu.memref_slice %arg10[%add3A, %dma_start3A_35, %dma_start3A_36] : memref<32x2x128xi32, #tpu.memory_space<hbm>> -> memref<1x2x128xi32, #tpu.memory_space<hbm>>
      %dma_start3A_38 = tpu.memref_squeeze %dma_start3A_37 : memref<1x2x128xi32, #tpu.memory_space<hbm>> -> memref<2x128xi32, #tpu.memory_space<hbm>>
      tpu.enqueue_dma source(%dma_start3A_38 : memref<2x128xi32, #tpu.memory_space<hbm>>) target(%arg16 : memref<2x128xi32, #tpu.memory_space<vmem>>) target_semaphore(%run_scoped3A_31 : memref<!tpu.dma_semaphore, #tpu.memory_space<semaphore_mem>>)
      %dma_wait3A = arith.constant 0 : i32
      %dma_wait3A_39 = arith.constant 0 : i32
      %dma_wait3A_40 = tpu.memref_slice %arg10[%add3A, %dma_wait3A, %dma_wait3A_39] : memref<32x2x128xi32, #tpu.memory_space<hbm>> -> memref<1x2x128xi32, #tpu.memory_space<hbm>>
      %dma_wait3A_41 = tpu.memref_squeeze %dma_wait3A_40 : memref<1x2x128xi32, #tpu.memory_space<hbm>> -> memref<2x128xi32, #tpu.memory_space<hbm>>
      %dma_wait3A_42 = arith.constant 0 : i32
      %dma_wait3A_43 = arith.constant 0 : i32
      %dma_wait3A_44 = tpu.memref_slice %arg10[%add3A, %dma_wait3A_42, %dma_wait3A_43] : memref<32x2x128xi32, #tpu.memory_space<hbm>> -> memref<1x2x128xi32, #tpu.memory_space<hbm>>
      %dma_wait3A_45 = tpu.memref_squeeze %dma_wait3A_44 : memref<1x2x128xi32, #tpu.memory_space<hbm>> -> memref<2x128xi32, #tpu.memory_space<hbm>>
      tpu.wait_dma2 semaphore(%run_scoped3A_31 : memref<!tpu.dma_semaphore, #tpu.memory_space<semaphore_mem>>) src(%dma_wait3A_45 : memref<2x128xi32, #tpu.memory_space<hbm>>) dst(%arg16 : memref<2x128xi32, #tpu.memory_space<vmem>>)
      tpu.yield
    }) : () -> ()
    "tpu.region"() ({
      %run_scoped3A_31 = tpu.sem_alloc : memref<!tpu.dma_semaphore, #tpu.memory_space<semaphore_mem>>
      %dma_start3A = arith.constant 0 : i32
      %dma_start3A_32 = arith.constant 0 : i32
      %dma_start3A_33 = tpu.memref_slice %arg11[%add3A, %dma_start3A, %dma_start3A_32] : memref<32x2x128xi32, #tpu.memory_space<hbm>> -> memref<1x2x128xi32, #tpu.memory_space<hbm>>
      %dma_start3A_34 = tpu.memref_squeeze %dma_start3A_33 : memref<1x2x128xi32, #tpu.memory_space<hbm>> -> memref<2x128xi32, #tpu.memory_space<hbm>>
      %dma_start3A_35 = arith.constant 0 : i32
      %dma_start3A_36 = arith.constant 0 : i32
      %dma_start3A_37 = tpu.memref_slice %arg11[%add3A, %dma_start3A_35, %dma_start3A_36] : memref<32x2x128xi32, #tpu.memory_space<hbm>> -> memref<1x2x128xi32, #tpu.memory_space<hbm>>
      %dma_start3A_38 = tpu.memref_squeeze %dma_start3A_37 : memref<1x2x128xi32, #tpu.memory_space<hbm>> -> memref<2x128xi32, #tpu.memory_space<hbm>>
      tpu.enqueue_dma source(%dma_start3A_38 : memref<2x128xi32, #tpu.memory_space<hbm>>) target(%arg17 : memref<2x128xi32, #tpu.memory_space<vmem>>) target_semaphore(%run_scoped3A_31 : memref<!tpu.dma_semaphore, #tpu.memory_space<semaphore_mem>>)
      %dma_wait3A = arith.constant 0 : i32
      %dma_wait3A_39 = arith.constant 0 : i32
      %dma_wait3A_40 = tpu.memref_slice %arg11[%add3A, %dma_wait3A, %dma_wait3A_39] : memref<32x2x128xi32, #tpu.memory_space<hbm>> -> memref<1x2x128xi32, #tpu.memory_space<hbm>>
      %dma_wait3A_41 = tpu.memref_squeeze %dma_wait3A_40 : memref<1x2x128xi32, #tpu.memory_space<hbm>> -> memref<2x128xi32, #tpu.memory_space<hbm>>
      %dma_wait3A_42 = arith.constant 0 : i32
      %dma_wait3A_43 = arith.constant 0 : i32
      %dma_wait3A_44 = tpu.memref_slice %arg11[%add3A, %dma_wait3A_42, %dma_wait3A_43] : memref<32x2x128xi32, #tpu.memory_space<hbm>> -> memref<1x2x128xi32, #tpu.memory_space<hbm>>
      %dma_wait3A_45 = tpu.memref_squeeze %dma_wait3A_44 : memref<1x2x128xi32, #tpu.memory_space<hbm>> -> memref<2x128xi32, #tpu.memory_space<hbm>>
      tpu.wait_dma2 semaphore(%run_scoped3A_31 : memref<!tpu.dma_semaphore, #tpu.memory_space<semaphore_mem>>) src(%dma_wait3A_45 : memref<2x128xi32, #tpu.memory_space<hbm>>) dst(%arg17 : memref<2x128xi32, #tpu.memory_space<vmem>>)
      tpu.yield
    }) : () -> ()
    %run_scoped3A = arith.constant 0 : i32
    "tpu.region"() ({
      %run_scoped3A_31 = tpu.sem_alloc : memref<!tpu.dma_semaphore, #tpu.memory_space<semaphore_mem>>
      %dma_start3A = arith.constant 0 : i32
      %dma_start3A_32 = tpu.memref_slice %arg17[%run_scoped3A, %dma_start3A] : memref<2x128xi32, #tpu.memory_space<vmem>> -> memref<1x128xi32, #tpu.memory_space<vmem>>
      %dma_start3A_33 = tpu.memref_squeeze %dma_start3A_32 : memref<1x128xi32, #tpu.memory_space<vmem>> -> memref<128xi32, #tpu.memory_space<vmem>>
      %dma_start3A_34 = arith.constant 0 : i32
      %dma_start3A_35 = arith.constant 0 : i32
      %dma_start3A_36 = tpu.memref_slice %arg6[%dma_start3A_34, %dma_start3A_35] : memref<12288x128xf32, #tpu.memory_space<hbm>> -> memref<12288x128xf32, #tpu.memory_space<hbm>>
      tpu.enqueue_indirect_dma source(%dma_start3A_36 : memref<12288x128xf32, #tpu.memory_space<hbm>>) target(%arg18 : memref<128x128xf32, #tpu.memory_space<vmem>>) offsets(%dma_start3A_33 : memref<128xi32, #tpu.memory_space<vmem>>) semaphore(%run_scoped3A_31 : memref<!tpu.dma_semaphore, #tpu.memory_space<semaphore_mem>>)
      %dma_wait3A = arith.constant 0 : i32
      %dma_wait3A_37 = tpu.memref_slice %arg17[%run_scoped3A, %dma_wait3A] : memref<2x128xi32, #tpu.memory_space<vmem>> -> memref<1x128xi32, #tpu.memory_space<vmem>>
      %dma_wait3A_38 = tpu.memref_squeeze %dma_wait3A_37 : memref<1x128xi32, #tpu.memory_space<vmem>> -> memref<128xi32, #tpu.memory_space<vmem>>
      %dma_wait3A_39 = arith.constant 0 : i32
      %dma_wait3A_40 = arith.constant 0 : i32
      %dma_wait3A_41 = tpu.memref_slice %arg6[%dma_wait3A_39, %dma_wait3A_40] : memref<12288x128xf32, #tpu.memory_space<hbm>> -> memref<12288x128xf32, #tpu.memory_space<hbm>>
      tpu.wait_indirect_dma semaphore(%run_scoped3A_31 : memref<!tpu.dma_semaphore, #tpu.memory_space<semaphore_mem>>) src(%dma_wait3A_41 : memref<12288x128xf32, #tpu.memory_space<hbm>>) dst(%arg18 : memref<128x128xf32, #tpu.memory_space<vmem>>)
      tpu.yield
    }) : () -> ()
    %run_scoped3A_1 = arith.constant 0 : i32
    "tpu.region"() ({
      %run_scoped3A_31 = tpu.sem_alloc : memref<!tpu.dma_semaphore, #tpu.memory_space<semaphore_mem>>
      %dma_start3A = arith.constant 0 : i32
      %dma_start3A_32 = tpu.memref_slice %arg16[%run_scoped3A_1, %dma_start3A] : memref<2x128xi32, #tpu.memory_space<vmem>> -> memref<1x128xi32, #tpu.memory_space<vmem>>
      %dma_start3A_33 = tpu.memref_squeeze %dma_start3A_32 : memref<1x128xi32, #tpu.memory_space<vmem>> -> memref<128xi32, #tpu.memory_space<vmem>>
      %dma_start3A_34 = arith.constant 0 : i32
      %dma_start3A_35 = arith.constant 0 : i32
      %dma_start3A_36 = tpu.memref_slice %arg2[%dma_start3A_34, %dma_start3A_35] : memref<100000x128xf32, #tpu.memory_space<hbm>> -> memref<100000x128xf32, #tpu.memory_space<hbm>>
      tpu.enqueue_indirect_dma source(%arg18 : memref<128x128xf32, #tpu.memory_space<vmem>>) target(%dma_start3A_36 : memref<100000x128xf32, #tpu.memory_space<hbm>>) offsets(%dma_start3A_33 : memref<128xi32, #tpu.memory_space<vmem>>) semaphore(%run_scoped3A_31 : memref<!tpu.dma_semaphore, #tpu.memory_space<semaphore_mem>>)
      %dma_wait3A = arith.constant 0 : i32
      %dma_wait3A_37 = tpu.memref_slice %arg16[%run_scoped3A_1, %dma_wait3A] : memref<2x128xi32, #tpu.memory_space<vmem>> -> memref<1x128xi32, #tpu.memory_space<vmem>>
      %dma_wait3A_38 = tpu.memref_squeeze %dma_wait3A_37 : memref<1x128xi32, #tpu.memory_space<vmem>> -> memref<128xi32, #tpu.memory_space<vmem>>
      %dma_wait3A_39 = arith.constant 0 : i32
      %dma_wait3A_40 = arith.constant 0 : i32
      %dma_wait3A_41 = tpu.memref_slice %arg2[%dma_wait3A_39, %dma_wait3A_40] : memref<100000x128xf32, #tpu.memory_space<hbm>> -> memref<100000x128xf32, #tpu.memory_space<hbm>>
      tpu.wait_indirect_dma semaphore(%run_scoped3A_31 : memref<!tpu.dma_semaphore, #tpu.memory_space<semaphore_mem>>) src(%arg18 : memref<128x128xf32, #tpu.memory_space<vmem>>) dst(%dma_wait3A_41 : memref<100000x128xf32, #tpu.memory_space<hbm>>)
      tpu.yield
    }) : () -> ()
    %run_scoped3A_2 = arith.constant 0 : i32
    "tpu.region"() ({
      %run_scoped3A_31 = tpu.sem_alloc : memref<!tpu.dma_semaphore, #tpu.memory_space<semaphore_mem>>
      %dma_start3A = arith.constant 0 : i32
      %dma_start3A_32 = tpu.memref_slice %arg17[%run_scoped3A_2, %dma_start3A] : memref<2x128xi32, #tpu.memory_space<vmem>> -> memref<1x128xi32, #tpu.memory_space<vmem>>
      %dma_start3A_33 = tpu.memref_squeeze %dma_start3A_32 : memref<1x128xi32, #tpu.memory_space<vmem>> -> memref<128xi32, #tpu.memory_space<vmem>>
      %dma_start3A_34 = arith.constant 0 : i32
      %dma_start3A_35 = tpu.memref_slice %arg8[%dma_start3A_34] : memref<12288xf32, #tpu.memory_space<hbm>> -> memref<12288xf32, #tpu.memory_space<hbm>>
      tpu.enqueue_indirect_dma source(%dma_start3A_35 : memref<12288xf32, #tpu.memory_space<hbm>>) target(%arg19 : memref<128xf32, #tpu.memory_space<vmem>>) offsets(%dma_start3A_33 : memref<128xi32, #tpu.memory_space<vmem>>) semaphore(%run_scoped3A_31 : memref<!tpu.dma_semaphore, #tpu.memory_space<semaphore_mem>>)
      %dma_wait3A = arith.constant 0 : i32
      %dma_wait3A_36 = tpu.memref_slice %arg17[%run_scoped3A_2, %dma_wait3A] : memref<2x128xi32, #tpu.memory_space<vmem>> -> memref<1x128xi32, #tpu.memory_space<vmem>>
      %dma_wait3A_37 = tpu.memref_squeeze %dma_wait3A_36 : memref<1x128xi32, #tpu.memory_space<vmem>> -> memref<128xi32, #tpu.memory_space<vmem>>
      %dma_wait3A_38 = arith.constant 0 : i32
      %dma_wait3A_39 = tpu.memref_slice %arg8[%dma_wait3A_38] : memref<12288xf32, #tpu.memory_space<hbm>> -> memref<12288xf32, #tpu.memory_space<hbm>>
      tpu.wait_indirect_dma semaphore(%run_scoped3A_31 : memref<!tpu.dma_semaphore, #tpu.memory_space<semaphore_mem>>) src(%dma_wait3A_39 : memref<12288xf32, #tpu.memory_space<hbm>>) dst(%arg19 : memref<128xf32, #tpu.memory_space<vmem>>)
      tpu.yield
    }) : () -> ()
    %run_scoped3A_3 = arith.constant 0 : i32
    "tpu.region"() ({
      %run_scoped3A_31 = tpu.sem_alloc : memref<!tpu.dma_semaphore, #tpu.memory_space<semaphore_mem>>
      %dma_start3A = arith.constant 0 : i32
      %dma_start3A_32 = tpu.memref_slice %arg16[%run_scoped3A_3, %dma_start3A] : memref<2x128xi32, #tpu.memory_space<vmem>> -> memref<1x128xi32, #tpu.memory_space<vmem>>
      %dma_start3A_33 = tpu.memref_squeeze %dma_start3A_32 : memref<1x128xi32, #tpu.memory_space<vmem>> -> memref<128xi32, #tpu.memory_space<vmem>>
      %dma_start3A_34 = arith.constant 0 : i32
      %dma_start3A_35 = tpu.memref_slice %arg4[%dma_start3A_34] : memref<100000xf32, #tpu.memory_space<hbm>> -> memref<100000xf32, #tpu.memory_space<hbm>>
      tpu.enqueue_indirect_dma source(%arg19 : memref<128xf32, #tpu.memory_space<vmem>>) target(%dma_start3A_35 : memref<100000xf32, #tpu.memory_space<hbm>>) offsets(%dma_start3A_33 : memref<128xi32, #tpu.memory_space<vmem>>) semaphore(%run_scoped3A_31 : memref<!tpu.dma_semaphore, #tpu.memory_space<semaphore_mem>>)
      %dma_wait3A = arith.constant 0 : i32
      %dma_wait3A_36 = tpu.memref_slice %arg16[%run_scoped3A_3, %dma_wait3A] : memref<2x128xi32, #tpu.memory_space<vmem>> -> memref<1x128xi32, #tpu.memory_space<vmem>>
      %dma_wait3A_37 = tpu.memref_squeeze %dma_wait3A_36 : memref<1x128xi32, #tpu.memory_space<vmem>> -> memref<128xi32, #tpu.memory_space<vmem>>
      %dma_wait3A_38 = arith.constant 0 : i32
      %dma_wait3A_39 = tpu.memref_slice %arg4[%dma_wait3A_38] : memref<100000xf32, #tpu.memory_space<hbm>> -> memref<100000xf32, #tpu.memory_space<hbm>>
      tpu.wait_indirect_dma semaphore(%run_scoped3A_31 : memref<!tpu.dma_semaphore, #tpu.memory_space<semaphore_mem>>) src(%arg19 : memref<128xf32, #tpu.memory_space<vmem>>) dst(%dma_wait3A_39 : memref<100000xf32, #tpu.memory_space<hbm>>)
      tpu.yield
    }) : () -> ()
    %run_scoped3A_4 = arith.constant 0 : i32
    "tpu.region"() ({
      %run_scoped3A_31 = tpu.sem_alloc : memref<!tpu.dma_semaphore, #tpu.memory_space<semaphore_mem>>
      %dma_start3A = arith.constant 0 : i32
      %dma_start3A_32 = tpu.memref_slice %arg17[%run_scoped3A_4, %dma_start3A] : memref<2x128xi32, #tpu.memory_space<vmem>> -> memref<1x128xi32, #tpu.memory_space<vmem>>
      %dma_start3A_33 = tpu.memref_squeeze %dma_start3A_32 : memref<1x128xi32, #tpu.memory_space<vmem>> -> memref<128xi32, #tpu.memory_space<vmem>>
      %dma_start3A_34 = arith.constant 0 : i32
      %dma_start3A_35 = tpu.memref_slice %arg9[%dma_start3A_34] : memref<8192xf32, #tpu.memory_space<hbm>> -> memref<8192xf32, #tpu.memory_space<hbm>>
      tpu.enqueue_indirect_dma source(%dma_start3A_35 : memref<8192xf32, #tpu.memory_space<hbm>>) target(%arg20 : memref<128xf32, #tpu.memory_space<vmem>>) offsets(%dma_start3A_33 : memref<128xi32, #tpu.memory_space<vmem>>) semaphore(%run_scoped3A_31 : memref<!tpu.dma_semaphore, #tpu.memory_space<semaphore_mem>>)
      %dma_wait3A = arith.constant 0 : i32
      %dma_wait3A_36 = tpu.memref_slice %arg17[%run_scoped3A_4, %dma_wait3A] : memref<2x128xi32, #tpu.memory_space<vmem>> -> memref<1x128xi32, #tpu.memory_space<vmem>>
      %dma_wait3A_37 = tpu.memref_squeeze %dma_wait3A_36 : memref<1x128xi32, #tpu.memory_space<vmem>> -> memref<128xi32, #tpu.memory_space<vmem>>
      %dma_wait3A_38 = arith.constant 0 : i32
      %dma_wait3A_39 = tpu.memref_slice %arg9[%dma_wait3A_38] : memref<8192xf32, #tpu.memory_space<hbm>> -> memref<8192xf32, #tpu.memory_space<hbm>>
      tpu.wait_indirect_dma semaphore(%run_scoped3A_31 : memref<!tpu.dma_semaphore, #tpu.memory_space<semaphore_mem>>) src(%dma_wait3A_39 : memref<8192xf32, #tpu.memory_space<hbm>>) dst(%arg20 : memref<128xf32, #tpu.memory_space<vmem>>)
      tpu.yield
    }) : () -> ()
    %run_scoped3A_5 = arith.constant 0 : i32
    "tpu.region"() ({
      %run_scoped3A_31 = tpu.sem_alloc : memref<!tpu.dma_semaphore, #tpu.memory_space<semaphore_mem>>
      %dma_start3A = arith.constant 0 : i32
      %dma_start3A_32 = tpu.memref_slice %arg16[%run_scoped3A_5, %dma_start3A] : memref<2x128xi32, #tpu.memory_space<vmem>> -> memref<1x128xi32, #tpu.memory_space<vmem>>
      %dma_start3A_33 = tpu.memref_squeeze %dma_start3A_32 : memref<1x128xi32, #tpu.memory_space<vmem>> -> memref<128xi32, #tpu.memory_space<vmem>>
      %dma_start3A_34 = arith.constant 0 : i32
      %dma_start3A_35 = tpu.memref_slice %arg5[%dma_start3A_34] : memref<100000xf32, #tpu.memory_space<hbm>> -> memref<100000xf32, #tpu.memory_space<hbm>>
      tpu.enqueue_indirect_dma source(%arg20 : memref<128xf32, #tpu.memory_space<vmem>>) target(%dma_start3A_35 : memref<100000xf32, #tpu.memory_space<hbm>>) offsets(%dma_start3A_33 : memref<128xi32, #tpu.memory_space<vmem>>) semaphore(%run_scoped3A_31 : memref<!tpu.dma_semaphore, #tpu.memory_space<semaphore_mem>>)
      %dma_wait3A = arith.constant 0 : i32
      %dma_wait3A_36 = tpu.memref_slice %arg16[%run_scoped3A_5, %dma_wait3A] : memref<2x128xi32, #tpu.memory_space<vmem>> -> memref<1x128xi32, #tpu.memory_space<vmem>>
      %dma_wait3A_37 = tpu.memref_squeeze %dma_wait3A_36 : memref<1x128xi32, #tpu.memory_space<vmem>> -> memref<128xi32, #tpu.memory_space<vmem>>
      %dma_wait3A_38 = arith.constant 0 : i32
      %dma_wait3A_39 = tpu.memref_slice %arg5[%dma_wait3A_38] : memref<100000xf32, #tpu.memory_space<hbm>> -> memref<100000xf32, #tpu.memory_space<hbm>>
      tpu.wait_indirect_dma semaphore(%run_scoped3A_31 : memref<!tpu.dma_semaphore, #tpu.memory_space<semaphore_mem>>) src(%arg20 : memref<128xf32, #tpu.memory_space<vmem>>) dst(%dma_wait3A_39 : memref<100000xf32, #tpu.memory_space<hbm>>)
      tpu.yield
    }) : () -> ()
    %scan3A = arith.constant 0 : i32
    %scan3A_6 = arith.constant 8 : i32
    %scan3A_7 = arith.addi %scan3A, %scan3A_6 : i32
    %scan3A_8 = arith.constant 1 : i32
    scf.for %scan3A_31 = %scan3A to %scan3A_7 step %scan3A_8  : i32 {
      %mul3A_32 = arith.constant 16 : i32
      %mul3A_33 = arith.muli %scan3A_31, %mul3A_32 : i32
      %add3A_34 = arith.constant 0 : i32
      %add3A_35 = arith.addi %add3A_34, %mul3A_33 : i32
      %multiple_of3A = tpu.assume_multiple %add3A_35, 16 : i32
      %get3A = arith.constant 0 : i32
      %get3A_36 = arith.index_cast %get3A : i32 to index
      %get3A_37 = arith.index_cast %multiple_of3A : i32 to index
      %get3A_38 = tpu.vector_load %arg17[%get3A_36, %get3A_37] {strides = array<i32>} : memref<2x128xi32, #tpu.memory_space<vmem>>, vector<1x16xi32>,
      %get3A_39 = vector.shape_cast %get3A_38 : vector<1x16xi32> to vector<16xi32>
      %get3A_40 = arith.constant 0 : i32
      %get3A_41 = arith.index_cast %get3A_40 : i32 to index
      %get3A_42 = arith.index_cast %multiple_of3A : i32 to index
      %get3A_43 = tpu.vector_load %arg16[%get3A_41, %get3A_42] {strides = array<i32>} : memref<2x128xi32, #tpu.memory_space<vmem>>, vector<1x16xi32>,
      %get3A_44 = vector.shape_cast %get3A_43 : vector<1x16xi32> to vector<16xi32>
      %slice3A = vector.extract_strided_slice %get3A_39 {offsets = [0], sizes = [1], strides = [1]} : vector<16xi32> to vector<1xi32>
      %squeeze3A = vector.extract %slice3A[0] : i32 from vector<1xi32>
      %slice3A_45 = vector.extract_strided_slice %get3A_44 {offsets = [0], sizes = [1], strides = [1]} : vector<16xi32> to vector<1xi32>
      %squeeze3A_46 = vector.extract %slice3A_45[0] : i32 from vector<1xi32>
      %dma_start3A = arith.constant 0 : i32
      %dma_start3A_47 = tpu.memref_slice %arg3[%squeeze3A_46, %dma_start3A] : memref<100000x144xf32, #tpu.memory_space<hbm>> -> memref<1x144xf32, #tpu.memory_space<hbm>>
      %dma_start3A_48 = tpu.memref_squeeze %dma_start3A_47 : memref<1x144xf32, #tpu.memory_space<hbm>> -> memref<144xf32, #tpu.memory_space<hbm>>
      %dma_start3A_49 = arith.constant 0 : i32
      %dma_start3A_50 = tpu.memref_slice %arg7[%squeeze3A, %dma_start3A_49] : memref<8192x144xf32, #tpu.memory_space<hbm>> -> memref<1x144xf32, #tpu.memory_space<hbm>>
      %dma_start3A_51 = tpu.memref_squeeze %dma_start3A_50 : memref<1x144xf32, #tpu.memory_space<hbm>> -> memref<144xf32, #tpu.memory_space<hbm>>
      tpu.enqueue_dma source(%dma_start3A_51 : memref<144xf32, #tpu.memory_space<hbm>>) target(%dma_start3A_48 : memref<144xf32, #tpu.memory_space<hbm>>) target_semaphore(%arg21 : memref<!tpu.dma_semaphore, #tpu.memory_space<semaphore_mem>>)
      %slice3A_52 = vector.extract_strided_slice %get3A_39 {offsets = [1], sizes = [1], strides = [1]} : vector<16xi32> to vector<1xi32>
      %squeeze3A_53 = vector.extract %slice3A_52[0] : i32 from vector<1xi32>
      %slice3A_54 = vector.extract_strided_slice %get3A_44 {offsets = [1], sizes = [1], strides = [1]} : vector<16xi32> to vector<1xi32>
      %squeeze3A_55 = vector.extract %slice3A_54[0] : i32 from vector<1xi32>
      %dma_start3A_56 = arith.constant 0 : i32
      %dma_start3A_57 = tpu.memref_slice %arg3[%squeeze3A_55, %dma_start3A_56] : memref<100000x144xf32, #tpu.memory_space<hbm>> -> memref<1x144xf32, #tpu.memory_space<hbm>>
      %dma_start3A_58 = tpu.memref_squeeze %dma_start3A_57 : memref<1x144xf32, #tpu.memory_space<hbm>> -> memref<144xf32, #tpu.memory_space<hbm>>
      %dma_start3A_59 = arith.constant 0 : i32
      %dma_start3A_60 = tpu.memref_slice %arg7[%squeeze3A_53, %dma_start3A_59] : memref<8192x144xf32, #tpu.memory_space<hbm>> -> memref<1x144xf32, #tpu.memory_space<hbm>>
      %dma_start3A_61 = tpu.memref_squeeze %dma_start3A_60 : memref<1x144xf32, #tpu.memory_space<hbm>> -> memref<144xf32, #tpu.memory_space<hbm>>
      tpu.enqueue_dma source(%dma_start3A_61 : memref<144xf32, #tpu.memory_space<hbm>>) target(%dma_start3A_58 : memref<144xf32, #tpu.memory_space<hbm>>) target_semaphore(%arg21 : memref<!tpu.dma_semaphore, #tpu.memory_space<semaphore_mem>>)
      %slice3A_62 = vector.extract_strided_slice %get3A_39 {offsets = [2], sizes = [1], strides = [1]} : vector<16xi32> to vector<1xi32>
      %squeeze3A_63 = vector.extract %slice3A_62[0] : i32 from vector<1xi32>
      %slice3A_64 = vector.extract_strided_slice %get3A_44 {offsets = [2], sizes = [1], strides = [1]} : vector<16xi32> to vector<1xi32>
      %squeeze3A_65 = vector.extract %slice3A_64[0] : i32 from vector<1xi32>
      %dma_start3A_66 = arith.constant 0 : i32
      %dma_start3A_67 = tpu.memref_slice %arg3[%squeeze3A_65, %dma_start3A_66] : memref<100000x144xf32, #tpu.memory_space<hbm>> -> memref<1x144xf32, #tpu.memory_space<hbm>>
      %dma_start3A_68 = tpu.memref_squeeze %dma_start3A_67 : memref<1x144xf32, #tpu.memory_space<hbm>> -> memref<144xf32, #tpu.memory_space<hbm>>
      %dma_start3A_69 = arith.constant 0 : i32
      %dma_start3A_70 = tpu.memref_slice %arg7[%squeeze3A_63, %dma_start3A_69] : memref<8192x144xf32, #tpu.memory_space<hbm>> -> memref<1x144xf32, #tpu.memory_space<hbm>>
      %dma_start3A_71 = tpu.memref_squeeze %dma_start3A_70 : memref<1x144xf32, #tpu.memory_space<hbm>> -> memref<144xf32, #tpu.memory_space<hbm>>
      tpu.enqueue_dma source(%dma_start3A_71 : memref<144xf32, #tpu.memory_space<hbm>>) target(%dma_start3A_68 : memref<144xf32, #tpu.memory_space<hbm>>) target_semaphore(%arg21 : memref<!tpu.dma_semaphore, #tpu.memory_space<semaphore_mem>>)
      %slice3A_72 = vector.extract_strided_slice %get3A_39 {offsets = [3], sizes = [1], strides = [1]} : vector<16xi32> to vector<1xi32>
      %squeeze3A_73 = vector.extract %slice3A_72[0] : i32 from vector<1xi32>
      %slice3A_74 = vector.extract_strided_slice %get3A_44 {offsets = [3], sizes = [1], strides = [1]} : vector<16xi32> to vector<1xi32>
      %squeeze3A_75 = vector.extract %slice3A_74[0] : i32 from vector<1xi32>
      %dma_start3A_76 = arith.constant 0 : i32
      %dma_start3A_77 = tpu.memref_slice %arg3[%squeeze3A_75, %dma_start3A_76] : memref<100000x144xf32, #tpu.memory_space<hbm>> -> memref<1x144xf32, #tpu.memory_space<hbm>>
      %dma_start3A_78 = tpu.memref_squeeze %dma_start3A_77 : memref<1x144xf32, #tpu.memory_space<hbm>> -> memref<144xf32, #tpu.memory_space<hbm>>
      %dma_start3A_79 = arith.constant 0 : i32
      %dma_start3A_80 = tpu.memref_slice %arg7[%squeeze3A_73, %dma_start3A_79] : memref<8192x144xf32, #tpu.memory_space<hbm>> -> memref<1x144xf32, #tpu.memory_space<hbm>>
      %dma_start3A_81 = tpu.memref_squeeze %dma_start3A_80 : memref<1x144xf32, #tpu.memory_space<hbm>> -> memref<144xf32, #tpu.memory_space<hbm>>
      tpu.enqueue_dma source(%dma_start3A_81 : memref<144xf32, #tpu.memory_space<hbm>>) target(%dma_start3A_78 : memref<144xf32, #tpu.memory_space<hbm>>) target_semaphore(%arg21 : memref<!tpu.dma_semaphore, #tpu.memory_space<semaphore_mem>>)
      %slice3A_82 = vector.extract_strided_slice %get3A_39 {offsets = [4], sizes = [1], strides = [1]} : vector<16xi32> to vector<1xi32>
      %squeeze3A_83 = vector.extract %slice3A_82[0] : i32 from vector<1xi32>
      %slice3A_84 = vector.extract_strided_slice %get3A_44 {offsets = [4], sizes = [1], strides = [1]} : vector<16xi32> to vector<1xi32>
      %squeeze3A_85 = vector.extract %slice3A_84[0] : i32 from vector<1xi32>
      %dma_start3A_86 = arith.constant 0 : i32
      %dma_start3A_87 = tpu.memref_slice %arg3[%squeeze3A_85, %dma_start3A_86] : memref<100000x144xf32, #tpu.memory_space<hbm>> -> memref<1x144xf32, #tpu.memory_space<hbm>>
      %dma_start3A_88 = tpu.memref_squeeze %dma_start3A_87 : memref<1x144xf32, #tpu.memory_space<hbm>> -> memref<144xf32, #tpu.memory_space<hbm>>
      %dma_start3A_89 = arith.constant 0 : i32
      %dma_start3A_90 = tpu.memref_slice %arg7[%squeeze3A_83, %dma_start3A_89] : memref<8192x144xf32, #tpu.memory_space<hbm>> -> memref<1x144xf32, #tpu.memory_space<hbm>>
      %dma_start3A_91 = tpu.memref_squeeze %dma_start3A_90 : memref<1x144xf32, #tpu.memory_space<hbm>> -> memref<144xf32, #tpu.memory_space<hbm>>
      tpu.enqueue_dma source(%dma_start3A_91 : memref<144xf32, #tpu.memory_space<hbm>>) target(%dma_start3A_88 : memref<144xf32, #tpu.memory_space<hbm>>) target_semaphore(%arg21 : memref<!tpu.dma_semaphore, #tpu.memory_space<semaphore_mem>>)
      %slice3A_92 = vector.extract_strided_slice %get3A_39 {offsets = [5], sizes = [1], strides = [1]} : vector<16xi32> to vector<1xi32>
      %squeeze3A_93 = vector.extract %slice3A_92[0] : i32 from vector<1xi32>
      %slice3A_94 = vector.extract_strided_slice %get3A_44 {offsets = [5], sizes = [1], strides = [1]} : vector<16xi32> to vector<1xi32>
      %squeeze3A_95 = vector.extract %slice3A_94[0] : i32 from vector<1xi32>
      %dma_start3A_96 = arith.constant 0 : i32
      %dma_start3A_97 = tpu.memref_slice %arg3[%squeeze3A_95, %dma_start3A_96] : memref<100000x144xf32, #tpu.memory_space<hbm>> -> memref<1x144xf32, #tpu.memory_space<hbm>>
      %dma_start3A_98 = tpu.memref_squeeze %dma_start3A_97 : memref<1x144xf32, #tpu.memory_space<hbm>> -> memref<144xf32, #tpu.memory_space<hbm>>
      %dma_start3A_99 = arith.constant 0 : i32
      %dma_start3A_100 = tpu.memref_slice %arg7[%squeeze3A_93, %dma_start3A_99] : memref<8192x144xf32, #tpu.memory_space<hbm>> -> memref<1x144xf32, #tpu.memory_space<hbm>>
      %dma_start3A_101 = tpu.memref_squeeze %dma_start3A_100 : memref<1x144xf32, #tpu.memory_space<hbm>> -> memref<144xf32, #tpu.memory_space<hbm>>
      tpu.enqueue_dma source(%dma_start3A_101 : memref<144xf32, #tpu.memory_space<hbm>>) target(%dma_start3A_98 : memref<144xf32, #tpu.memory_space<hbm>>) target_semaphore(%arg21 : memref<!tpu.dma_semaphore, #tpu.memory_space<semaphore_mem>>)
      %slice3A_102 = vector.extract_strided_slice %get3A_39 {offsets = [6], sizes = [1], strides = [1]} : vector<16xi32> to vector<1xi32>
      %squeeze3A_103 = vector.extract %slice3A_102[0] : i32 from vector<1xi32>
      %slice3A_104 = vector.extract_strided_slice %get3A_44 {offsets = [6], sizes = [1], strides = [1]} : vector<16xi32> to vector<1xi32>
      %squeeze3A_105 = vector.extract %slice3A_104[0] : i32 from vector<1xi32>
      %dma_start3A_106 = arith.constant 0 : i32
      %dma_start3A_107 = tpu.memref_slice %arg3[%squeeze3A_105, %dma_start3A_106] : memref<100000x144xf32, #tpu.memory_space<hbm>> -> memref<1x144xf32, #tpu.memory_space<hbm>>
      %dma_start3A_108 = tpu.memref_squeeze %dma_start3A_107 : memref<1x144xf32, #tpu.memory_space<hbm>> -> memref<144xf32, #tpu.memory_space<hbm>>
      %dma_start3A_109 = arith.constant 0 : i32
      %dma_start3A_110 = tpu.memref_slice %arg7[%squeeze3A_103, %dma_start3A_109] : memref<8192x144xf32, #tpu.memory_space<hbm>> -> memref<1x144xf32, #tpu.memory_space<hbm>>
      %dma_start3A_111 = tpu.memref_squeeze %dma_start3A_110 : memref<1x144xf32, #tpu.memory_space<hbm>> -> memref<144xf32, #tpu.memory_space<hbm>>
      tpu.enqueue_dma source(%dma_start3A_111 : memref<144xf32, #tpu.memory_space<hbm>>) target(%dma_start3A_108 : memref<144xf32, #tpu.memory_space<hbm>>) target_semaphore(%arg21 : memref<!tpu.dma_semaphore, #tpu.memory_space<semaphore_mem>>)
      %slice3A_112 = vector.extract_strided_slice %get3A_39 {offsets = [7], sizes = [1], strides = [1]} : vector<16xi32> to vector<1xi32>
      %squeeze3A_113 = vector.extract %slice3A_112[0] : i32 from vector<1xi32>
      %slice3A_114 = vector.extract_strided_slice %get3A_44 {offsets = [7], sizes = [1], strides = [1]} : vector<16xi32> to vector<1xi32>
      %squeeze3A_115 = vector.extract %slice3A_114[0] : i32 from vector<1xi32>
      %dma_start3A_116 = arith.constant 0 : i32
      %dma_start3A_117 = tpu.memref_slice %arg3[%squeeze3A_115, %dma_start3A_116] : memref<100000x144xf32, #tpu.memory_space<hbm>> -> memref<1x144xf32, #tpu.memory_space<hbm>>
      %dma_start3A_118 = tpu.memref_squeeze %dma_start3A_117 : memref<1x144xf32, #tpu.memory_space<hbm>> -> memref<144xf32, #tpu.memory_space<hbm>>
      %dma_start3A_119 = arith.constant 0 : i32
      %dma_start3A_120 = tpu.memref_slice %arg7[%squeeze3A_113, %dma_start3A_119] : memref<8192x144xf32, #tpu.memory_space<hbm>> -> memref<1x144xf32, #tpu.memory_space<hbm>>
      %dma_start3A_121 = tpu.memref_squeeze %dma_start3A_120 : memref<1x144xf32, #tpu.memory_space<hbm>> -> memref<144xf32, #tpu.memory_space<hbm>>
      tpu.enqueue_dma source(%dma_start3A_121 : memref<144xf32, #tpu.memory_space<hbm>>) target(%dma_start3A_118 : memref<144xf32, #tpu.memory_space<hbm>>) target_semaphore(%arg21 : memref<!tpu.dma_semaphore, #tpu.memory_space<semaphore_mem>>)
      %slice3A_122 = vector.extract_strided_slice %get3A_39 {offsets = [8], sizes = [1], strides = [1]} : vector<16xi32> to vector<1xi32>
      %squeeze3A_123 = vector.extract %slice3A_122[0] : i32 from vector<1xi32>
      %slice3A_124 = vector.extract_strided_slice %get3A_44 {offsets = [8], sizes = [1], strides = [1]} : vector<16xi32> to vector<1xi32>
      %squeeze3A_125 = vector.extract %slice3A_124[0] : i32 from vector<1xi32>
      %dma_start3A_126 = arith.constant 0 : i32
      %dma_start3A_127 = tpu.memref_slice %arg3[%squeeze3A_125, %dma_start3A_126] : memref<100000x144xf32, #tpu.memory_space<hbm>> -> memref<1x144xf32, #tpu.memory_space<hbm>>
      %dma_start3A_128 = tpu.memref_squeeze %dma_start3A_127 : memref<1x144xf32, #tpu.memory_space<hbm>> -> memref<144xf32, #tpu.memory_space<hbm>>
      %dma_start3A_129 = arith.constant 0 : i32
      %dma_start3A_130 = tpu.memref_slice %arg7[%squeeze3A_123, %dma_start3A_129] : memref<8192x144xf32, #tpu.memory_space<hbm>> -> memref<1x144xf32, #tpu.memory_space<hbm>>
      %dma_start3A_131 = tpu.memref_squeeze %dma_start3A_130 : memref<1x144xf32, #tpu.memory_space<hbm>> -> memref<144xf32, #tpu.memory_space<hbm>>
      tpu.enqueue_dma source(%dma_start3A_131 : memref<144xf32, #tpu.memory_space<hbm>>) target(%dma_start3A_128 : memref<144xf32, #tpu.memory_space<hbm>>) target_semaphore(%arg21 : memref<!tpu.dma_semaphore, #tpu.memory_space<semaphore_mem>>)
      %slice3A_132 = vector.extract_strided_slice %get3A_39 {offsets = [9], sizes = [1], strides = [1]} : vector<16xi32> to vector<1xi32>
      %squeeze3A_133 = vector.extract %slice3A_132[0] : i32 from vector<1xi32>
      %slice3A_134 = vector.extract_strided_slice %get3A_44 {offsets = [9], sizes = [1], strides = [1]} : vector<16xi32> to vector<1xi32>
      %squeeze3A_135 = vector.extract %slice3A_134[0] : i32 from vector<1xi32>
      %dma_start3A_136 = arith.constant 0 : i32
      %dma_start3A_137 = tpu.memref_slice %arg3[%squeeze3A_135, %dma_start3A_136] : memref<100000x144xf32, #tpu.memory_space<hbm>> -> memref<1x144xf32, #tpu.memory_space<hbm>>
      %dma_start3A_138 = tpu.memref_squeeze %dma_start3A_137 : memref<1x144xf32, #tpu.memory_space<hbm>> -> memref<144xf32, #tpu.memory_space<hbm>>
      %dma_start3A_139 = arith.constant 0 : i32
      %dma_start3A_140 = tpu.memref_slice %arg7[%squeeze3A_133, %dma_start3A_139] : memref<8192x144xf32, #tpu.memory_space<hbm>> -> memref<1x144xf32, #tpu.memory_space<hbm>>
      %dma_start3A_141 = tpu.memref_squeeze %dma_start3A_140 : memref<1x144xf32, #tpu.memory_space<hbm>> -> memref<144xf32, #tpu.memory_space<hbm>>
      tpu.enqueue_dma source(%dma_start3A_141 : memref<144xf32, #tpu.memory_space<hbm>>) target(%dma_start3A_138 : memref<144xf32, #tpu.memory_space<hbm>>) target_semaphore(%arg21 : memref<!tpu.dma_semaphore, #tpu.memory_space<semaphore_mem>>)
      %slice3A_142 = vector.extract_strided_slice %get3A_39 {offsets = [10], sizes = [1], strides = [1]} : vector<16xi32> to vector<1xi32>
      %squeeze3A_143 = vector.extract %slice3A_142[0] : i32 from vector<1xi32>
      %slice3A_144 = vector.extract_strided_slice %get3A_44 {offsets = [10], sizes = [1], strides = [1]} : vector<16xi32> to vector<1xi32>
      %squeeze3A_145 = vector.extract %slice3A_144[0] : i32 from vector<1xi32>
      %dma_start3A_146 = arith.constant 0 : i32
      %dma_start3A_147 = tpu.memref_slice %arg3[%squeeze3A_145, %dma_start3A_146] : memref<100000x144xf32, #tpu.memory_space<hbm>> -> memref<1x144xf32, #tpu.memory_space<hbm>>
      %dma_start3A_148 = tpu.memref_squeeze %dma_start3A_147 : memref<1x144xf32, #tpu.memory_space<hbm>> -> memref<144xf32, #tpu.memory_space<hbm>>
      %dma_start3A_149 = arith.constant 0 : i32
      %dma_start3A_150 = tpu.memref_slice %arg7[%squeeze3A_143, %dma_start3A_149] : memref<8192x144xf32, #tpu.memory_space<hbm>> -> memref<1x144xf32, #tpu.memory_space<hbm>>
      %dma_start3A_151 = tpu.memref_squeeze %dma_start3A_150 : memref<1x144xf32, #tpu.memory_space<hbm>> -> memref<144xf32, #tpu.memory_space<hbm>>
      tpu.enqueue_dma source(%dma_start3A_151 : memref<144xf32, #tpu.memory_space<hbm>>) target(%dma_start3A_148 : memref<144xf32, #tpu.memory_space<hbm>>) target_semaphore(%arg21 : memref<!tpu.dma_semaphore, #tpu.memory_space<semaphore_mem>>)
      %slice3A_152 = vector.extract_strided_slice %get3A_39 {offsets = [11], sizes = [1], strides = [1]} : vector<16xi32> to vector<1xi32>
      %squeeze3A_153 = vector.extract %slice3A_152[0] : i32 from vector<1xi32>
      %slice3A_154 = vector.extract_strided_slice %get3A_44 {offsets = [11], sizes = [1], strides = [1]} : vector<16xi32> to vector<1xi32>
      %squeeze3A_155 = vector.extract %slice3A_154[0] : i32 from vector<1xi32>
      %dma_start3A_156 = arith.constant 0 : i32
      %dma_start3A_157 = tpu.memref_slice %arg3[%squeeze3A_155, %dma_start3A_156] : memref<100000x144xf32, #tpu.memory_space<hbm>> -> memref<1x144xf32, #tpu.memory_space<hbm>>
      %dma_start3A_158 = tpu.memref_squeeze %dma_start3A_157 : memref<1x144xf32, #tpu.memory_space<hbm>> -> memref<144xf32, #tpu.memory_space<hbm>>
      %dma_start3A_159 = arith.constant 0 : i32
      %dma_start3A_160 = tpu.memref_slice %arg7[%squeeze3A_153, %dma_start3A_159] : memref<8192x144xf32, #tpu.memory_space<hbm>> -> memref<1x144xf32, #tpu.memory_space<hbm>>
      %dma_start3A_161 = tpu.memref_squeeze %dma_start3A_160 : memref<1x144xf32, #tpu.memory_space<hbm>> -> memref<144xf32, #tpu.memory_space<hbm>>
      tpu.enqueue_dma source(%dma_start3A_161 : memref<144xf32, #tpu.memory_space<hbm>>) target(%dma_start3A_158 : memref<144xf32, #tpu.memory_space<hbm>>) target_semaphore(%arg21 : memref<!tpu.dma_semaphore, #tpu.memory_space<semaphore_mem>>)
      %slice3A_162 = vector.extract_strided_slice %get3A_39 {offsets = [12], sizes = [1], strides = [1]} : vector<16xi32> to vector<1xi32>
      %squeeze3A_163 = vector.extract %slice3A_162[0] : i32 from vector<1xi32>
      %slice3A_164 = vector.extract_strided_slice %get3A_44 {offsets = [12], sizes = [1], strides = [1]} : vector<16xi32> to vector<1xi32>
      %squeeze3A_165 = vector.extract %slice3A_164[0] : i32 from vector<1xi32>
      %dma_start3A_166 = arith.constant 0 : i32
      %dma_start3A_167 = tpu.memref_slice %arg3[%squeeze3A_165, %dma_start3A_166] : memref<100000x144xf32, #tpu.memory_space<hbm>> -> memref<1x144xf32, #tpu.memory_space<hbm>>
      %dma_start3A_168 = tpu.memref_squeeze %dma_start3A_167 : memref<1x144xf32, #tpu.memory_space<hbm>> -> memref<144xf32, #tpu.memory_space<hbm>>
      %dma_start3A_169 = arith.constant 0 : i32
      %dma_start3A_170 = tpu.memref_slice %arg7[%squeeze3A_163, %dma_start3A_169] : memref<8192x144xf32, #tpu.memory_space<hbm>> -> memref<1x144xf32, #tpu.memory_space<hbm>>
      %dma_start3A_171 = tpu.memref_squeeze %dma_start3A_170 : memref<1x144xf32, #tpu.memory_space<hbm>> -> memref<144xf32, #tpu.memory_space<hbm>>
      tpu.enqueue_dma source(%dma_start3A_171 : memref<144xf32, #tpu.memory_space<hbm>>) target(%dma_start3A_168 : memref<144xf32, #tpu.memory_space<hbm>>) target_semaphore(%arg21 : memref<!tpu.dma_semaphore, #tpu.memory_space<semaphore_mem>>)
      %slice3A_172 = vector.extract_strided_slice %get3A_39 {offsets = [13], sizes = [1], strides = [1]} : vector<16xi32> to vector<1xi32>
      %squeeze3A_173 = vector.extract %slice3A_172[0] : i32 from vector<1xi32>
      %slice3A_174 = vector.extract_strided_slice %get3A_44 {offsets = [13], sizes = [1], strides = [1]} : vector<16xi32> to vector<1xi32>
      %squeeze3A_175 = vector.extract %slice3A_174[0] : i32 from vector<1xi32>
      %dma_start3A_176 = arith.constant 0 : i32
      %dma_start3A_177 = tpu.memref_slice %arg3[%squeeze3A_175, %dma_start3A_176] : memref<100000x144xf32, #tpu.memory_space<hbm>> -> memref<1x144xf32, #tpu.memory_space<hbm>>
      %dma_start3A_178 = tpu.memref_squeeze %dma_start3A_177 : memref<1x144xf32, #tpu.memory_space<hbm>> -> memref<144xf32, #tpu.memory_space<hbm>>
      %dma_start3A_179 = arith.constant 0 : i32
      %dma_start3A_180 = tpu.memref_slice %arg7[%squeeze3A_173, %dma_start3A_179] : memref<8192x144xf32, #tpu.memory_space<hbm>> -> memref<1x144xf32, #tpu.memory_space<hbm>>
      %dma_start3A_181 = tpu.memref_squeeze %dma_start3A_180 : memref<1x144xf32, #tpu.memory_space<hbm>> -> memref<144xf32, #tpu.memory_space<hbm>>
      tpu.enqueue_dma source(%dma_start3A_181 : memref<144xf32, #tpu.memory_space<hbm>>) target(%dma_start3A_178 : memref<144xf32, #tpu.memory_space<hbm>>) target_semaphore(%arg21 : memref<!tpu.dma_semaphore, #tpu.memory_space<semaphore_mem>>)
      %slice3A_182 = vector.extract_strided_slice %get3A_39 {offsets = [14], sizes = [1], strides = [1]} : vector<16xi32> to vector<1xi32>
      %squeeze3A_183 = vector.extract %slice3A_182[0] : i32 from vector<1xi32>
      %slice3A_184 = vector.extract_strided_slice %get3A_44 {offsets = [14], sizes = [1], strides = [1]} : vector<16xi32> to vector<1xi32>
      %squeeze3A_185 = vector.extract %slice3A_184[0] : i32 from vector<1xi32>
      %dma_start3A_186 = arith.constant 0 : i32
      %dma_start3A_187 = tpu.memref_slice %arg3[%squeeze3A_185, %dma_start3A_186] : memref<100000x144xf32, #tpu.memory_space<hbm>> -> memref<1x144xf32, #tpu.memory_space<hbm>>
      %dma_start3A_188 = tpu.memref_squeeze %dma_start3A_187 : memref<1x144xf32, #tpu.memory_space<hbm>> -> memref<144xf32, #tpu.memory_space<hbm>>
      %dma_start3A_189 = arith.constant 0 : i32
      %dma_start3A_190 = tpu.memref_slice %arg7[%squeeze3A_183, %dma_start3A_189] : memref<8192x144xf32, #tpu.memory_space<hbm>> -> memref<1x144xf32, #tpu.memory_space<hbm>>
      %dma_start3A_191 = tpu.memref_squeeze %dma_start3A_190 : memref<1x144xf32, #tpu.memory_space<hbm>> -> memref<144xf32, #tpu.memory_space<hbm>>
      tpu.enqueue_dma source(%dma_start3A_191 : memref<144xf32, #tpu.memory_space<hbm>>) target(%dma_start3A_188 : memref<144xf32, #tpu.memory_space<hbm>>) target_semaphore(%arg21 : memref<!tpu.dma_semaphore, #tpu.memory_space<semaphore_mem>>)
      %slice3A_192 = vector.extract_strided_slice %get3A_39 {offsets = [15], sizes = [1], strides = [1]} : vector<16xi32> to vector<1xi32>
      %squeeze3A_193 = vector.extract %slice3A_192[0] : i32 from vector<1xi32>
      %slice3A_194 = vector.extract_strided_slice %get3A_44 {offsets = [15], sizes = [1], strides = [1]} : vector<16xi32> to vector<1xi32>
      %squeeze3A_195 = vector.extract %slice3A_194[0] : i32 from vector<1xi32>
      %dma_start3A_196 = arith.constant 0 : i32
      %dma_start3A_197 = tpu.memref_slice %arg3[%squeeze3A_195, %dma_start3A_196] : memref<100000x144xf32, #tpu.memory_space<hbm>> -> memref<1x144xf32, #tpu.memory_space<hbm>>
      %dma_start3A_198 = tpu.memref_squeeze %dma_start3A_197 : memref<1x144xf32, #tpu.memory_space<hbm>> -> memref<144xf32, #tpu.memory_space<hbm>>
      %dma_start3A_199 = arith.constant 0 : i32
      %dma_start3A_200 = tpu.memref_slice %arg7[%squeeze3A_193, %dma_start3A_199] : memref<8192x144xf32, #tpu.memory_space<hbm>> -> memref<1x144xf32, #tpu.memory_space<hbm>>
      %dma_start3A_201 = tpu.memref_squeeze %dma_start3A_200 : memref<1x144xf32, #tpu.memory_space<hbm>> -> memref<144xf32, #tpu.memory_space<hbm>>
      tpu.enqueue_dma source(%dma_start3A_201 : memref<144xf32, #tpu.memory_space<hbm>>) target(%dma_start3A_198 : memref<144xf32, #tpu.memory_space<hbm>>) target_semaphore(%arg21 : memref<!tpu.dma_semaphore, #tpu.memory_space<semaphore_mem>>)
    }
    %scan3A_9 = arith.constant 8 : i32
    %scan3A_10 = arith.constant 0 : i32
    %scan3A_11 = arith.constant 128 : i32
    %scan3A_12 = arith.addi %scan3A_10, %scan3A_11 : i32
    %scan3A_13 = arith.constant 1 : i32
    scf.for %scan3A_31 = %scan3A_10 to %scan3A_12 step %scan3A_13  : i32 {
      %mul3A_32 = arith.constant 1 : i32
      %mul3A_33 = arith.muli %scan3A_31, %mul3A_32 : i32
      %add3A_34 = arith.constant 0 : i32
      %add3A_35 = arith.addi %add3A_34, %mul3A_33 : i32
      %dma_wait3A = arith.constant 0 : i32
      %dma_wait3A_36 = arith.constant 0 : i32
      %dma_wait3A_37 = arith.constant 0 : i32
      %dma_wait3A_38 = tpu.memref_slice %arg3[%dma_wait3A_36, %dma_wait3A_37] : memref<100000x144xf32, #tpu.memory_space<hbm>> -> memref<1x144xf32, #tpu.memory_space<hbm>>
      %dma_wait3A_39 = tpu.memref_squeeze %dma_wait3A_38 : memref<1x144xf32, #tpu.memory_space<hbm>> -> memref<144xf32, #tpu.memory_space<hbm>>
      %dma_wait3A_40 = arith.constant 0 : i32
      %dma_wait3A_41 = tpu.memref_slice %arg7[%dma_wait3A, %dma_wait3A_40] : memref<8192x144xf32, #tpu.memory_space<hbm>> -> memref<1x144xf32, #tpu.memory_space<hbm>>
      %dma_wait3A_42 = tpu.memref_squeeze %dma_wait3A_41 : memref<1x144xf32, #tpu.memory_space<hbm>> -> memref<144xf32, #tpu.memory_space<hbm>>
      tpu.wait_dma2 semaphore(%arg21 : memref<!tpu.dma_semaphore, #tpu.memory_space<semaphore_mem>>) src(%dma_wait3A_42 : memref<144xf32, #tpu.memory_space<hbm>>) dst(%dma_wait3A_39 : memref<144xf32, #tpu.memory_space<hbm>>)
    }
    %scan3A_14 = arith.constant 128 : i32
    %run_scoped3A_15 = arith.constant 1 : i32
    "tpu.region"() ({
      %run_scoped3A_31 = tpu.sem_alloc : memref<!tpu.dma_semaphore, #tpu.memory_space<semaphore_mem>>
      %dma_start3A = arith.constant 0 : i32
      %dma_start3A_32 = tpu.memref_slice %arg17[%run_scoped3A_15, %dma_start3A] : memref<2x128xi32, #tpu.memory_space<vmem>> -> memref<1x128xi32, #tpu.memory_space<vmem>>
      %dma_start3A_33 = tpu.memref_squeeze %dma_start3A_32 : memref<1x128xi32, #tpu.memory_space<vmem>> -> memref<128xi32, #tpu.memory_space<vmem>>
      %dma_start3A_34 = arith.constant 0 : i32
      %dma_start3A_35 = arith.constant 0 : i32
      %dma_start3A_36 = tpu.memref_slice %arg6[%dma_start3A_34, %dma_start3A_35] : memref<12288x128xf32, #tpu.memory_space<hbm>> -> memref<12288x128xf32, #tpu.memory_space<hbm>>
      tpu.enqueue_indirect_dma source(%dma_start3A_36 : memref<12288x128xf32, #tpu.memory_space<hbm>>) target(%arg18 : memref<128x128xf32, #tpu.memory_space<vmem>>) offsets(%dma_start3A_33 : memref<128xi32, #tpu.memory_space<vmem>>) semaphore(%run_scoped3A_31 : memref<!tpu.dma_semaphore, #tpu.memory_space<semaphore_mem>>)
      %dma_wait3A = arith.constant 0 : i32
      %dma_wait3A_37 = tpu.memref_slice %arg17[%run_scoped3A_15, %dma_wait3A] : memref<2x128xi32, #tpu.memory_space<vmem>> -> memref<1x128xi32, #tpu.memory_space<vmem>>
      %dma_wait3A_38 = tpu.memref_squeeze %dma_wait3A_37 : memref<1x128xi32, #tpu.memory_space<vmem>> -> memref<128xi32, #tpu.memory_space<vmem>>
      %dma_wait3A_39 = arith.constant 0 : i32
      %dma_wait3A_40 = arith.constant 0 : i32
      %dma_wait3A_41 = tpu.memref_slice %arg6[%dma_wait3A_39, %dma_wait3A_40] : memref<12288x128xf32, #tpu.memory_space<hbm>> -> memref<12288x128xf32, #tpu.memory_space<hbm>>
      tpu.wait_indirect_dma semaphore(%run_scoped3A_31 : memref<!tpu.dma_semaphore, #tpu.memory_space<semaphore_mem>>) src(%dma_wait3A_41 : memref<12288x128xf32, #tpu.memory_space<hbm>>) dst(%arg18 : memref<128x128xf32, #tpu.memory_space<vmem>>)
      tpu.yield
    }) : () -> ()
    %run_scoped3A_16 = arith.constant 1 : i32
    "tpu.region"() ({
      %run_scoped3A_31 = tpu.sem_alloc : memref<!tpu.dma_semaphore, #tpu.memory_space<semaphore_mem>>
      %dma_start3A = arith.constant 0 : i32
      %dma_start3A_32 = tpu.memref_slice %arg16[%run_scoped3A_16, %dma_start3A] : memref<2x128xi32, #tpu.memory_space<vmem>> -> memref<1x128xi32, #tpu.memory_space<vmem>>
      %dma_start3A_33 = tpu.memref_squeeze %dma_start3A_32 : memref<1x128xi32, #tpu.memory_space<vmem>> -> memref<128xi32, #tpu.memory_space<vmem>>
      %dma_start3A_34 = arith.constant 0 : i32
      %dma_start3A_35 = arith.constant 0 : i32
      %dma_start3A_36 = tpu.memref_slice %arg2[%dma_start3A_34, %dma_start3A_35] : memref<100000x128xf32, #tpu.memory_space<hbm>> -> memref<100000x128xf32, #tpu.memory_space<hbm>>
      tpu.enqueue_indirect_dma source(%arg18 : memref<128x128xf32, #tpu.memory_space<vmem>>) target(%dma_start3A_36 : memref<100000x128xf32, #tpu.memory_space<hbm>>) offsets(%dma_start3A_33 : memref<128xi32, #tpu.memory_space<vmem>>) semaphore(%run_scoped3A_31 : memref<!tpu.dma_semaphore, #tpu.memory_space<semaphore_mem>>)
      %dma_wait3A = arith.constant 0 : i32
      %dma_wait3A_37 = tpu.memref_slice %arg16[%run_scoped3A_16, %dma_wait3A] : memref<2x128xi32, #tpu.memory_space<vmem>> -> memref<1x128xi32, #tpu.memory_space<vmem>>
      %dma_wait3A_38 = tpu.memref_squeeze %dma_wait3A_37 : memref<1x128xi32, #tpu.memory_space<vmem>> -> memref<128xi32, #tpu.memory_space<vmem>>
      %dma_wait3A_39 = arith.constant 0 : i32
      %dma_wait3A_40 = arith.constant 0 : i32
      %dma_wait3A_41 = tpu.memref_slice %arg2[%dma_wait3A_39, %dma_wait3A_40] : memref<100000x128xf32, #tpu.memory_space<hbm>> -> memref<100000x128xf32, #tpu.memory_space<hbm>>
      tpu.wait_indirect_dma semaphore(%run_scoped3A_31 : memref<!tpu.dma_semaphore, #tpu.memory_space<semaphore_mem>>) src(%arg18 : memref<128x128xf32, #tpu.memory_space<vmem>>) dst(%dma_wait3A_41 : memref<100000x128xf32, #tpu.memory_space<hbm>>)
      tpu.yield
    }) : () -> ()
    %run_scoped3A_17 = arith.constant 1 : i32
    "tpu.region"() ({
      %run_scoped3A_31 = tpu.sem_alloc : memref<!tpu.dma_semaphore, #tpu.memory_space<semaphore_mem>>
      %dma_start3A = arith.constant 0 : i32
      %dma_start3A_32 = tpu.memref_slice %arg17[%run_scoped3A_17, %dma_start3A] : memref<2x128xi32, #tpu.memory_space<vmem>> -> memref<1x128xi32, #tpu.memory_space<vmem>>
      %dma_start3A_33 = tpu.memref_squeeze %dma_start3A_32 : memref<1x128xi32, #tpu.memory_space<vmem>> -> memref<128xi32, #tpu.memory_space<vmem>>
      %dma_start3A_34 = arith.constant 0 : i32
      %dma_start3A_35 = tpu.memref_slice %arg8[%dma_start3A_34] : memref<12288xf32, #tpu.memory_space<hbm>> -> memref<12288xf32, #tpu.memory_space<hbm>>
      tpu.enqueue_indirect_dma source(%dma_start3A_35 : memref<12288xf32, #tpu.memory_space<hbm>>) target(%arg19 : memref<128xf32, #tpu.memory_space<vmem>>) offsets(%dma_start3A_33 : memref<128xi32, #tpu.memory_space<vmem>>) semaphore(%run_scoped3A_31 : memref<!tpu.dma_semaphore, #tpu.memory_space<semaphore_mem>>)
      %dma_wait3A = arith.constant 0 : i32
      %dma_wait3A_36 = tpu.memref_slice %arg17[%run_scoped3A_17, %dma_wait3A] : memref<2x128xi32, #tpu.memory_space<vmem>> -> memref<1x128xi32, #tpu.memory_space<vmem>>
      %dma_wait3A_37 = tpu.memref_squeeze %dma_wait3A_36 : memref<1x128xi32, #tpu.memory_space<vmem>> -> memref<128xi32, #tpu.memory_space<vmem>>
      %dma_wait3A_38 = arith.constant 0 : i32
      %dma_wait3A_39 = tpu.memref_slice %arg8[%dma_wait3A_38] : memref<12288xf32, #tpu.memory_space<hbm>> -> memref<12288xf32, #tpu.memory_space<hbm>>
      tpu.wait_indirect_dma semaphore(%run_scoped3A_31 : memref<!tpu.dma_semaphore, #tpu.memory_space<semaphore_mem>>) src(%dma_wait3A_39 : memref<12288xf32, #tpu.memory_space<hbm>>) dst(%arg19 : memref<128xf32, #tpu.memory_space<vmem>>)
      tpu.yield
    }) : () -> ()
    %run_scoped3A_18 = arith.constant 1 : i32
    "tpu.region"() ({
      %run_scoped3A_31 = tpu.sem_alloc : memref<!tpu.dma_semaphore, #tpu.memory_space<semaphore_mem>>
      %dma_start3A = arith.constant 0 : i32
      %dma_start3A_32 = tpu.memref_slice %arg16[%run_scoped3A_18, %dma_start3A] : memref<2x128xi32, #tpu.memory_space<vmem>> -> memref<1x128xi32, #tpu.memory_space<vmem>>
      %dma_start3A_33 = tpu.memref_squeeze %dma_start3A_32 : memref<1x128xi32, #tpu.memory_space<vmem>> -> memref<128xi32, #tpu.memory_space<vmem>>
      %dma_start3A_34 = arith.constant 0 : i32
      %dma_start3A_35 = tpu.memref_slice %arg4[%dma_start3A_34] : memref<100000xf32, #tpu.memory_space<hbm>> -> memref<100000xf32, #tpu.memory_space<hbm>>
      tpu.enqueue_indirect_dma source(%arg19 : memref<128xf32, #tpu.memory_space<vmem>>) target(%dma_start3A_35 : memref<100000xf32, #tpu.memory_space<hbm>>) offsets(%dma_start3A_33 : memref<128xi32, #tpu.memory_space<vmem>>) semaphore(%run_scoped3A_31 : memref<!tpu.dma_semaphore, #tpu.memory_space<semaphore_mem>>)
      %dma_wait3A = arith.constant 0 : i32
      %dma_wait3A_36 = tpu.memref_slice %arg16[%run_scoped3A_18, %dma_wait3A] : memref<2x128xi32, #tpu.memory_space<vmem>> -> memref<1x128xi32, #tpu.memory_space<vmem>>
      %dma_wait3A_37 = tpu.memref_squeeze %dma_wait3A_36 : memref<1x128xi32, #tpu.memory_space<vmem>> -> memref<128xi32, #tpu.memory_space<vmem>>
      %dma_wait3A_38 = arith.constant 0 : i32
      %dma_wait3A_39 = tpu.memref_slice %arg4[%dma_wait3A_38] : memref<100000xf32, #tpu.memory_space<hbm>> -> memref<100000xf32, #tpu.memory_space<hbm>>
      tpu.wait_indirect_dma semaphore(%run_scoped3A_31 : memref<!tpu.dma_semaphore, #tpu.memory_space<semaphore_mem>>) src(%arg19 : memref<128xf32, #tpu.memory_space<vmem>>) dst(%dma_wait3A_39 : memref<100000xf32, #tpu.memory_space<hbm>>)
      tpu.yield
    }) : () -> ()
    %run_scoped3A_19 = arith.constant 1 : i32
    "tpu.region"() ({
      %run_scoped3A_31 = tpu.sem_alloc : memref<!tpu.dma_semaphore, #tpu.memory_space<semaphore_mem>>
      %dma_start3A = arith.constant 0 : i32
      %dma_start3A_32 = tpu.memref_slice %arg17[%run_scoped3A_19, %dma_start3A] : memref<2x128xi32, #tpu.memory_space<vmem>> -> memref<1x128xi32, #tpu.memory_space<vmem>>
      %dma_start3A_33 = tpu.memref_squeeze %dma_start3A_32 : memref<1x128xi32, #tpu.memory_space<vmem>> -> memref<128xi32, #tpu.memory_space<vmem>>
      %dma_start3A_34 = arith.constant 0 : i32
      %dma_start3A_35 = tpu.memref_slice %arg9[%dma_start3A_34] : memref<8192xf32, #tpu.memory_space<hbm>> -> memref<8192xf32, #tpu.memory_space<hbm>>
      tpu.enqueue_indirect_dma source(%dma_start3A_35 : memref<8192xf32, #tpu.memory_space<hbm>>) target(%arg20 : memref<128xf32, #tpu.memory_space<vmem>>) offsets(%dma_start3A_33 : memref<128xi32, #tpu.memory_space<vmem>>) semaphore(%run_scoped3A_31 : memref<!tpu.dma_semaphore, #tpu.memory_space<semaphore_mem>>)
      %dma_wait3A = arith.constant 0 : i32
      %dma_wait3A_36 = tpu.memref_slice %arg17[%run_scoped3A_19, %dma_wait3A] : memref<2x128xi32, #tpu.memory_space<vmem>> -> memref<1x128xi32, #tpu.memory_space<vmem>>
      %dma_wait3A_37 = tpu.memref_squeeze %dma_wait3A_36 : memref<1x128xi32, #tpu.memory_space<vmem>> -> memref<128xi32, #tpu.memory_space<vmem>>
      %dma_wait3A_38 = arith.constant 0 : i32
      %dma_wait3A_39 = tpu.memref_slice %arg9[%dma_wait3A_38] : memref<8192xf32, #tpu.memory_space<hbm>> -> memref<8192xf32, #tpu.memory_space<hbm>>
      tpu.wait_indirect_dma semaphore(%run_scoped3A_31 : memref<!tpu.dma_semaphore, #tpu.memory_space<semaphore_mem>>) src(%dma_wait3A_39 : memref<8192xf32, #tpu.memory_space<hbm>>) dst(%arg20 : memref<128xf32, #tpu.memory_space<vmem>>)
      tpu.yield
    }) : () -> ()
    %run_scoped3A_20 = arith.constant 1 : i32
    "tpu.region"() ({
      %run_scoped3A_31 = tpu.sem_alloc : memref<!tpu.dma_semaphore, #tpu.memory_space<semaphore_mem>>
      %dma_start3A = arith.constant 0 : i32
      %dma_start3A_32 = tpu.memref_slice %arg16[%run_scoped3A_20, %dma_start3A] : memref<2x128xi32, #tpu.memory_space<vmem>> -> memref<1x128xi32, #tpu.memory_space<vmem>>
      %dma_start3A_33 = tpu.memref_squeeze %dma_start3A_32 : memref<1x128xi32, #tpu.memory_space<vmem>> -> memref<128xi32, #tpu.memory_space<vmem>>
      %dma_start3A_34 = arith.constant 0 : i32
      %dma_start3A_35 = tpu.memref_slice %arg5[%dma_start3A_34] : memref<100000xf32, #tpu.memory_space<hbm>> -> memref<100000xf32, #tpu.memory_space<hbm>>
      tpu.enqueue_indirect_dma source(%arg20 : memref<128xf32, #tpu.memory_space<vmem>>) target(%dma_start3A_35 : memref<100000xf32, #tpu.memory_space<hbm>>) offsets(%dma_start3A_33 : memref<128xi32, #tpu.memory_space<vmem>>) semaphore(%run_scoped3A_31 : memref<!tpu.dma_semaphore, #tpu.memory_space<semaphore_mem>>)
      %dma_wait3A = arith.constant 0 : i32
      %dma_wait3A_36 = tpu.memref_slice %arg16[%run_scoped3A_20, %dma_wait3A] : memref<2x128xi32, #tpu.memory_space<vmem>> -> memref<1x128xi32, #tpu.memory_space<vmem>>
      %dma_wait3A_37 = tpu.memref_squeeze %dma_wait3A_36 : memref<1x128xi32, #tpu.memory_space<vmem>> -> memref<128xi32, #tpu.memory_space<vmem>>
      %dma_wait3A_38 = arith.constant 0 : i32
      %dma_wait3A_39 = tpu.memref_slice %arg5[%dma_wait3A_38] : memref<100000xf32, #tpu.memory_space<hbm>> -> memref<100000xf32, #tpu.memory_space<hbm>>
      tpu.wait_indirect_dma semaphore(%run_scoped3A_31 : memref<!tpu.dma_semaphore, #tpu.memory_space<semaphore_mem>>) src(%arg20 : memref<128xf32, #tpu.memory_space<vmem>>) dst(%dma_wait3A_39 : memref<100000xf32, #tpu.memory_space<hbm>>)
      tpu.yield
    }) : () -> ()
    %scan3A_21 = arith.constant 0 : i32
    %scan3A_22 = arith.constant 8 : i32
    %scan3A_23 = arith.addi %scan3A_21, %scan3A_22 : i32
    %scan3A_24 = arith.constant 1 : i32
    scf.for %scan3A_31 = %scan3A_21 to %scan3A_23 step %scan3A_24  : i32 {
      %mul3A_32 = arith.constant 16 : i32
      %mul3A_33 = arith.muli %scan3A_31, %mul3A_32 : i32
      %add3A_34 = arith.constant 0 : i32
      %add3A_35 = arith.addi %add3A_34, %mul3A_33 : i32
      %multiple_of3A = tpu.assume_multiple %add3A_35, 16 : i32
      %get3A = arith.constant 1 : i32
      %get3A_36 = arith.index_cast %get3A : i32 to index
      %get3A_37 = arith.index_cast %multiple_of3A : i32 to index
      %get3A_38 = tpu.vector_load %arg17[%get3A_36, %get3A_37] {strides = array<i32>} : memref<2x128xi32, #tpu.memory_space<vmem>>, vector<1x16xi32>,
      %get3A_39 = vector.shape_cast %get3A_38 : vector<1x16xi32> to vector<16xi32>
      %get3A_40 = arith.constant 1 : i32
      %get3A_41 = arith.index_cast %get3A_40 : i32 to index
      %get3A_42 = arith.index_cast %multiple_of3A : i32 to index
      %get3A_43 = tpu.vector_load %arg16[%get3A_41, %get3A_42] {strides = array<i32>} : memref<2x128xi32, #tpu.memory_space<vmem>>, vector<1x16xi32>,
      %get3A_44 = vector.shape_cast %get3A_43 : vector<1x16xi32> to vector<16xi32>
      %slice3A = vector.extract_strided_slice %get3A_39 {offsets = [0], sizes = [1], strides = [1]} : vector<16xi32> to vector<1xi32>
      %squeeze3A = vector.extract %slice3A[0] : i32 from vector<1xi32>
      %slice3A_45 = vector.extract_strided_slice %get3A_44 {offsets = [0], sizes = [1], strides = [1]} : vector<16xi32> to vector<1xi32>
      %squeeze3A_46 = vector.extract %slice3A_45[0] : i32 from vector<1xi32>
      %dma_start3A = arith.constant 0 : i32
      %dma_start3A_47 = tpu.memref_slice %arg3[%squeeze3A_46, %dma_start3A] : memref<100000x144xf32, #tpu.memory_space<hbm>> -> memref<1x144xf32, #tpu.memory_space<hbm>>
      %dma_start3A_48 = tpu.memref_squeeze %dma_start3A_47 : memref<1x144xf32, #tpu.memory_space<hbm>> -> memref<144xf32, #tpu.memory_space<hbm>>
      %dma_start3A_49 = arith.constant 0 : i32
      %dma_start3A_50 = tpu.memref_slice %arg7[%squeeze3A, %dma_start3A_49] : memref<8192x144xf32, #tpu.memory_space<hbm>> -> memref<1x144xf32, #tpu.memory_space<hbm>>
      %dma_start3A_51 = tpu.memref_squeeze %dma_start3A_50 : memref<1x144xf32, #tpu.memory_space<hbm>> -> memref<144xf32, #tpu.memory_space<hbm>>
      tpu.enqueue_dma source(%dma_start3A_51 : memref<144xf32, #tpu.memory_space<hbm>>) target(%dma_start3A_48 : memref<144xf32, #tpu.memory_space<hbm>>) target_semaphore(%arg21 : memref<!tpu.dma_semaphore, #tpu.memory_space<semaphore_mem>>)
      %slice3A_52 = vector.extract_strided_slice %get3A_39 {offsets = [1], sizes = [1], strides = [1]} : vector<16xi32> to vector<1xi32>
      %squeeze3A_53 = vector.extract %slice3A_52[0] : i32 from vector<1xi32>
      %slice3A_54 = vector.extract_strided_slice %get3A_44 {offsets = [1], sizes = [1], strides = [1]} : vector<16xi32> to vector<1xi32>
      %squeeze3A_55 = vector.extract %slice3A_54[0] : i32 from vector<1xi32>
      %dma_start3A_56 = arith.constant 0 : i32
      %dma_start3A_57 = tpu.memref_slice %arg3[%squeeze3A_55, %dma_start3A_56] : memref<100000x144xf32, #tpu.memory_space<hbm>> -> memref<1x144xf32, #tpu.memory_space<hbm>>
      %dma_start3A_58 = tpu.memref_squeeze %dma_start3A_57 : memref<1x144xf32, #tpu.memory_space<hbm>> -> memref<144xf32, #tpu.memory_space<hbm>>
      %dma_start3A_59 = arith.constant 0 : i32
      %dma_start3A_60 = tpu.memref_slice %arg7[%squeeze3A_53, %dma_start3A_59] : memref<8192x144xf32, #tpu.memory_space<hbm>> -> memref<1x144xf32, #tpu.memory_space<hbm>>
      %dma_start3A_61 = tpu.memref_squeeze %dma_start3A_60 : memref<1x144xf32, #tpu.memory_space<hbm>> -> memref<144xf32, #tpu.memory_space<hbm>>
      tpu.enqueue_dma source(%dma_start3A_61 : memref<144xf32, #tpu.memory_space<hbm>>) target(%dma_start3A_58 : memref<144xf32, #tpu.memory_space<hbm>>) target_semaphore(%arg21 : memref<!tpu.dma_semaphore, #tpu.memory_space<semaphore_mem>>)
      %slice3A_62 = vector.extract_strided_slice %get3A_39 {offsets = [2], sizes = [1], strides = [1]} : vector<16xi32> to vector<1xi32>
      %squeeze3A_63 = vector.extract %slice3A_62[0] : i32 from vector<1xi32>
      %slice3A_64 = vector.extract_strided_slice %get3A_44 {offsets = [2], sizes = [1], strides = [1]} : vector<16xi32> to vector<1xi32>
      %squeeze3A_65 = vector.extract %slice3A_64[0] : i32 from vector<1xi32>
      %dma_start3A_66 = arith.constant 0 : i32
      %dma_start3A_67 = tpu.memref_slice %arg3[%squeeze3A_65, %dma_start3A_66] : memref<100000x144xf32, #tpu.memory_space<hbm>> -> memref<1x144xf32, #tpu.memory_space<hbm>>
      %dma_start3A_68 = tpu.memref_squeeze %dma_start3A_67 : memref<1x144xf32, #tpu.memory_space<hbm>> -> memref<144xf32, #tpu.memory_space<hbm>>
      %dma_start3A_69 = arith.constant 0 : i32
      %dma_start3A_70 = tpu.memref_slice %arg7[%squeeze3A_63, %dma_start3A_69] : memref<8192x144xf32, #tpu.memory_space<hbm>> -> memref<1x144xf32, #tpu.memory_space<hbm>>
      %dma_start3A_71 = tpu.memref_squeeze %dma_start3A_70 : memref<1x144xf32, #tpu.memory_space<hbm>> -> memref<144xf32, #tpu.memory_space<hbm>>
      tpu.enqueue_dma source(%dma_start3A_71 : memref<144xf32, #tpu.memory_space<hbm>>) target(%dma_start3A_68 : memref<144xf32, #tpu.memory_space<hbm>>) target_semaphore(%arg21 : memref<!tpu.dma_semaphore, #tpu.memory_space<semaphore_mem>>)
      %slice3A_72 = vector.extract_strided_slice %get3A_39 {offsets = [3], sizes = [1], strides = [1]} : vector<16xi32> to vector<1xi32>
      %squeeze3A_73 = vector.extract %slice3A_72[0] : i32 from vector<1xi32>
      %slice3A_74 = vector.extract_strided_slice %get3A_44 {offsets = [3], sizes = [1], strides = [1]} : vector<16xi32> to vector<1xi32>
      %squeeze3A_75 = vector.extract %slice3A_74[0] : i32 from vector<1xi32>
      %dma_start3A_76 = arith.constant 0 : i32
      %dma_start3A_77 = tpu.memref_slice %arg3[%squeeze3A_75, %dma_start3A_76] : memref<100000x144xf32, #tpu.memory_space<hbm>> -> memref<1x144xf32, #tpu.memory_space<hbm>>
      %dma_start3A_78 = tpu.memref_squeeze %dma_start3A_77 : memref<1x144xf32, #tpu.memory_space<hbm>> -> memref<144xf32, #tpu.memory_space<hbm>>
      %dma_start3A_79 = arith.constant 0 : i32
      %dma_start3A_80 = tpu.memref_slice %arg7[%squeeze3A_73, %dma_start3A_79] : memref<8192x144xf32, #tpu.memory_space<hbm>> -> memref<1x144xf32, #tpu.memory_space<hbm>>
      %dma_start3A_81 = tpu.memref_squeeze %dma_start3A_80 : memref<1x144xf32, #tpu.memory_space<hbm>> -> memref<144xf32, #tpu.memory_space<hbm>>
      tpu.enqueue_dma source(%dma_start3A_81 : memref<144xf32, #tpu.memory_space<hbm>>) target(%dma_start3A_78 : memref<144xf32, #tpu.memory_space<hbm>>) target_semaphore(%arg21 : memref<!tpu.dma_semaphore, #tpu.memory_space<semaphore_mem>>)
      %slice3A_82 = vector.extract_strided_slice %get3A_39 {offsets = [4], sizes = [1], strides = [1]} : vector<16xi32> to vector<1xi32>
      %squeeze3A_83 = vector.extract %slice3A_82[0] : i32 from vector<1xi32>
      %slice3A_84 = vector.extract_strided_slice %get3A_44 {offsets = [4], sizes = [1], strides = [1]} : vector<16xi32> to vector<1xi32>
      %squeeze3A_85 = vector.extract %slice3A_84[0] : i32 from vector<1xi32>
      %dma_start3A_86 = arith.constant 0 : i32
      %dma_start3A_87 = tpu.memref_slice %arg3[%squeeze3A_85, %dma_start3A_86] : memref<100000x144xf32, #tpu.memory_space<hbm>> -> memref<1x144xf32, #tpu.memory_space<hbm>>
      %dma_start3A_88 = tpu.memref_squeeze %dma_start3A_87 : memref<1x144xf32, #tpu.memory_space<hbm>> -> memref<144xf32, #tpu.memory_space<hbm>>
      %dma_start3A_89 = arith.constant 0 : i32
      %dma_start3A_90 = tpu.memref_slice %arg7[%squeeze3A_83, %dma_start3A_89] : memref<8192x144xf32, #tpu.memory_space<hbm>> -> memref<1x144xf32, #tpu.memory_space<hbm>>
      %dma_start3A_91 = tpu.memref_squeeze %dma_start3A_90 : memref<1x144xf32, #tpu.memory_space<hbm>> -> memref<144xf32, #tpu.memory_space<hbm>>
      tpu.enqueue_dma source(%dma_start3A_91 : memref<144xf32, #tpu.memory_space<hbm>>) target(%dma_start3A_88 : memref<144xf32, #tpu.memory_space<hbm>>) target_semaphore(%arg21 : memref<!tpu.dma_semaphore, #tpu.memory_space<semaphore_mem>>)
      %slice3A_92 = vector.extract_strided_slice %get3A_39 {offsets = [5], sizes = [1], strides = [1]} : vector<16xi32> to vector<1xi32>
      %squeeze3A_93 = vector.extract %slice3A_92[0] : i32 from vector<1xi32>
      %slice3A_94 = vector.extract_strided_slice %get3A_44 {offsets = [5], sizes = [1], strides = [1]} : vector<16xi32> to vector<1xi32>
      %squeeze3A_95 = vector.extract %slice3A_94[0] : i32 from vector<1xi32>
      %dma_start3A_96 = arith.constant 0 : i32
      %dma_start3A_97 = tpu.memref_slice %arg3[%squeeze3A_95, %dma_start3A_96] : memref<100000x144xf32, #tpu.memory_space<hbm>> -> memref<1x144xf32, #tpu.memory_space<hbm>>
      %dma_start3A_98 = tpu.memref_squeeze %dma_start3A_97 : memref<1x144xf32, #tpu.memory_space<hbm>> -> memref<144xf32, #tpu.memory_space<hbm>>
      %dma_start3A_99 = arith.constant 0 : i32
      %dma_start3A_100 = tpu.memref_slice %arg7[%squeeze3A_93, %dma_start3A_99] : memref<8192x144xf32, #tpu.memory_space<hbm>> -> memref<1x144xf32, #tpu.memory_space<hbm>>
      %dma_start3A_101 = tpu.memref_squeeze %dma_start3A_100 : memref<1x144xf32, #tpu.memory_space<hbm>> -> memref<144xf32, #tpu.memory_space<hbm>>
      tpu.enqueue_dma source(%dma_start3A_101 : memref<144xf32, #tpu.memory_space<hbm>>) target(%dma_start3A_98 : memref<144xf32, #tpu.memory_space<hbm>>) target_semaphore(%arg21 : memref<!tpu.dma_semaphore, #tpu.memory_space<semaphore_mem>>)
      %slice3A_102 = vector.extract_strided_slice %get3A_39 {offsets = [6], sizes = [1], strides = [1]} : vector<16xi32> to vector<1xi32>
      %squeeze3A_103 = vector.extract %slice3A_102[0] : i32 from vector<1xi32>
      %slice3A_104 = vector.extract_strided_slice %get3A_44 {offsets = [6], sizes = [1], strides = [1]} : vector<16xi32> to vector<1xi32>
      %squeeze3A_105 = vector.extract %slice3A_104[0] : i32 from vector<1xi32>
      %dma_start3A_106 = arith.constant 0 : i32
      %dma_start3A_107 = tpu.memref_slice %arg3[%squeeze3A_105, %dma_start3A_106] : memref<100000x144xf32, #tpu.memory_space<hbm>> -> memref<1x144xf32, #tpu.memory_space<hbm>>
      %dma_start3A_108 = tpu.memref_squeeze %dma_start3A_107 : memref<1x144xf32, #tpu.memory_space<hbm>> -> memref<144xf32, #tpu.memory_space<hbm>>
      %dma_start3A_109 = arith.constant 0 : i32
      %dma_start3A_110 = tpu.memref_slice %arg7[%squeeze3A_103, %dma_start3A_109] : memref<8192x144xf32, #tpu.memory_space<hbm>> -> memref<1x144xf32, #tpu.memory_space<hbm>>
      %dma_start3A_111 = tpu.memref_squeeze %dma_start3A_110 : memref<1x144xf32, #tpu.memory_space<hbm>> -> memref<144xf32, #tpu.memory_space<hbm>>
      tpu.enqueue_dma source(%dma_start3A_111 : memref<144xf32, #tpu.memory_space<hbm>>) target(%dma_start3A_108 : memref<144xf32, #tpu.memory_space<hbm>>) target_semaphore(%arg21 : memref<!tpu.dma_semaphore, #tpu.memory_space<semaphore_mem>>)
      %slice3A_112 = vector.extract_strided_slice %get3A_39 {offsets = [7], sizes = [1], strides = [1]} : vector<16xi32> to vector<1xi32>
      %squeeze3A_113 = vector.extract %slice3A_112[0] : i32 from vector<1xi32>
      %slice3A_114 = vector.extract_strided_slice %get3A_44 {offsets = [7], sizes = [1], strides = [1]} : vector<16xi32> to vector<1xi32>
      %squeeze3A_115 = vector.extract %slice3A_114[0] : i32 from vector<1xi32>
      %dma_start3A_116 = arith.constant 0 : i32
      %dma_start3A_117 = tpu.memref_slice %arg3[%squeeze3A_115, %dma_start3A_116] : memref<100000x144xf32, #tpu.memory_space<hbm>> -> memref<1x144xf32, #tpu.memory_space<hbm>>
      %dma_start3A_118 = tpu.memref_squeeze %dma_start3A_117 : memref<1x144xf32, #tpu.memory_space<hbm>> -> memref<144xf32, #tpu.memory_space<hbm>>
      %dma_start3A_119 = arith.constant 0 : i32
      %dma_start3A_120 = tpu.memref_slice %arg7[%squeeze3A_113, %dma_start3A_119] : memref<8192x144xf32, #tpu.memory_space<hbm>> -> memref<1x144xf32, #tpu.memory_space<hbm>>
      %dma_start3A_121 = tpu.memref_squeeze %dma_start3A_120 : memref<1x144xf32, #tpu.memory_space<hbm>> -> memref<144xf32, #tpu.memory_space<hbm>>
      tpu.enqueue_dma source(%dma_start3A_121 : memref<144xf32, #tpu.memory_space<hbm>>) target(%dma_start3A_118 : memref<144xf32, #tpu.memory_space<hbm>>) target_semaphore(%arg21 : memref<!tpu.dma_semaphore, #tpu.memory_space<semaphore_mem>>)
      %slice3A_122 = vector.extract_strided_slice %get3A_39 {offsets = [8], sizes = [1], strides = [1]} : vector<16xi32> to vector<1xi32>
      %squeeze3A_123 = vector.extract %slice3A_122[0] : i32 from vector<1xi32>
      %slice3A_124 = vector.extract_strided_slice %get3A_44 {offsets = [8], sizes = [1], strides = [1]} : vector<16xi32> to vector<1xi32>
      %squeeze3A_125 = vector.extract %slice3A_124[0] : i32 from vector<1xi32>
      %dma_start3A_126 = arith.constant 0 : i32
      %dma_start3A_127 = tpu.memref_slice %arg3[%squeeze3A_125, %dma_start3A_126] : memref<100000x144xf32, #tpu.memory_space<hbm>> -> memref<1x144xf32, #tpu.memory_space<hbm>>
      %dma_start3A_128 = tpu.memref_squeeze %dma_start3A_127 : memref<1x144xf32, #tpu.memory_space<hbm>> -> memref<144xf32, #tpu.memory_space<hbm>>
      %dma_start3A_129 = arith.constant 0 : i32
      %dma_start3A_130 = tpu.memref_slice %arg7[%squeeze3A_123, %dma_start3A_129] : memref<8192x144xf32, #tpu.memory_space<hbm>> -> memref<1x144xf32, #tpu.memory_space<hbm>>
      %dma_start3A_131 = tpu.memref_squeeze %dma_start3A_130 : memref<1x144xf32, #tpu.memory_space<hbm>> -> memref<144xf32, #tpu.memory_space<hbm>>
      tpu.enqueue_dma source(%dma_start3A_131 : memref<144xf32, #tpu.memory_space<hbm>>) target(%dma_start3A_128 : memref<144xf32, #tpu.memory_space<hbm>>) target_semaphore(%arg21 : memref<!tpu.dma_semaphore, #tpu.memory_space<semaphore_mem>>)
      %slice3A_132 = vector.extract_strided_slice %get3A_39 {offsets = [9], sizes = [1], strides = [1]} : vector<16xi32> to vector<1xi32>
      %squeeze3A_133 = vector.extract %slice3A_132[0] : i32 from vector<1xi32>
      %slice3A_134 = vector.extract_strided_slice %get3A_44 {offsets = [9], sizes = [1], strides = [1]} : vector<16xi32> to vector<1xi32>
      %squeeze3A_135 = vector.extract %slice3A_134[0] : i32 from vector<1xi32>
      %dma_start3A_136 = arith.constant 0 : i32
      %dma_start3A_137 = tpu.memref_slice %arg3[%squeeze3A_135, %dma_start3A_136] : memref<100000x144xf32, #tpu.memory_space<hbm>> -> memref<1x144xf32, #tpu.memory_space<hbm>>
      %dma_start3A_138 = tpu.memref_squeeze %dma_start3A_137 : memref<1x144xf32, #tpu.memory_space<hbm>> -> memref<144xf32, #tpu.memory_space<hbm>>
      %dma_start3A_139 = arith.constant 0 : i32
      %dma_start3A_140 = tpu.memref_slice %arg7[%squeeze3A_133, %dma_start3A_139] : memref<8192x144xf32, #tpu.memory_space<hbm>> -> memref<1x144xf32, #tpu.memory_space<hbm>>
      %dma_start3A_141 = tpu.memref_squeeze %dma_start3A_140 : memref<1x144xf32, #tpu.memory_space<hbm>> -> memref<144xf32, #tpu.memory_space<hbm>>
      tpu.enqueue_dma source(%dma_start3A_141 : memref<144xf32, #tpu.memory_space<hbm>>) target(%dma_start3A_138 : memref<144xf32, #tpu.memory_space<hbm>>) target_semaphore(%arg21 : memref<!tpu.dma_semaphore, #tpu.memory_space<semaphore_mem>>)
      %slice3A_142 = vector.extract_strided_slice %get3A_39 {offsets = [10], sizes = [1], strides = [1]} : vector<16xi32> to vector<1xi32>
      %squeeze3A_143 = vector.extract %slice3A_142[0] : i32 from vector<1xi32>
      %slice3A_144 = vector.extract_strided_slice %get3A_44 {offsets = [10], sizes = [1], strides = [1]} : vector<16xi32> to vector<1xi32>
      %squeeze3A_145 = vector.extract %slice3A_144[0] : i32 from vector<1xi32>
      %dma_start3A_146 = arith.constant 0 : i32
      %dma_start3A_147 = tpu.memref_slice %arg3[%squeeze3A_145, %dma_start3A_146] : memref<100000x144xf32, #tpu.memory_space<hbm>> -> memref<1x144xf32, #tpu.memory_space<hbm>>
      %dma_start3A_148 = tpu.memref_squeeze %dma_start3A_147 : memref<1x144xf32, #tpu.memory_space<hbm>> -> memref<144xf32, #tpu.memory_space<hbm>>
      %dma_start3A_149 = arith.constant 0 : i32
      %dma_start3A_150 = tpu.memref_slice %arg7[%squeeze3A_143, %dma_start3A_149] : memref<8192x144xf32, #tpu.memory_space<hbm>> -> memref<1x144xf32, #tpu.memory_space<hbm>>
      %dma_start3A_151 = tpu.memref_squeeze %dma_start3A_150 : memref<1x144xf32, #tpu.memory_space<hbm>> -> memref<144xf32, #tpu.memory_space<hbm>>
      tpu.enqueue_dma source(%dma_start3A_151 : memref<144xf32, #tpu.memory_space<hbm>>) target(%dma_start3A_148 : memref<144xf32, #tpu.memory_space<hbm>>) target_semaphore(%arg21 : memref<!tpu.dma_semaphore, #tpu.memory_space<semaphore_mem>>)
      %slice3A_152 = vector.extract_strided_slice %get3A_39 {offsets = [11], sizes = [1], strides = [1]} : vector<16xi32> to vector<1xi32>
      %squeeze3A_153 = vector.extract %slice3A_152[0] : i32 from vector<1xi32>
      %slice3A_154 = vector.extract_strided_slice %get3A_44 {offsets = [11], sizes = [1], strides = [1]} : vector<16xi32> to vector<1xi32>
      %squeeze3A_155 = vector.extract %slice3A_154[0] : i32 from vector<1xi32>
      %dma_start3A_156 = arith.constant 0 : i32
      %dma_start3A_157 = tpu.memref_slice %arg3[%squeeze3A_155, %dma_start3A_156] : memref<100000x144xf32, #tpu.memory_space<hbm>> -> memref<1x144xf32, #tpu.memory_space<hbm>>
      %dma_start3A_158 = tpu.memref_squeeze %dma_start3A_157 : memref<1x144xf32, #tpu.memory_space<hbm>> -> memref<144xf32, #tpu.memory_space<hbm>>
      %dma_start3A_159 = arith.constant 0 : i32
      %dma_start3A_160 = tpu.memref_slice %arg7[%squeeze3A_153, %dma_start3A_159] : memref<8192x144xf32, #tpu.memory_space<hbm>> -> memref<1x144xf32, #tpu.memory_space<hbm>>
      %dma_start3A_161 = tpu.memref_squeeze %dma_start3A_160 : memref<1x144xf32, #tpu.memory_space<hbm>> -> memref<144xf32, #tpu.memory_space<hbm>>
      tpu.enqueue_dma source(%dma_start3A_161 : memref<144xf32, #tpu.memory_space<hbm>>) target(%dma_start3A_158 : memref<144xf32, #tpu.memory_space<hbm>>) target_semaphore(%arg21 : memref<!tpu.dma_semaphore, #tpu.memory_space<semaphore_mem>>)
      %slice3A_162 = vector.extract_strided_slice %get3A_39 {offsets = [12], sizes = [1], strides = [1]} : vector<16xi32> to vector<1xi32>
      %squeeze3A_163 = vector.extract %slice3A_162[0] : i32 from vector<1xi32>
      %slice3A_164 = vector.extract_strided_slice %get3A_44 {offsets = [12], sizes = [1], strides = [1]} : vector<16xi32> to vector<1xi32>
      %squeeze3A_165 = vector.extract %slice3A_164[0] : i32 from vector<1xi32>
      %dma_start3A_166 = arith.constant 0 : i32
      %dma_start3A_167 = tpu.memref_slice %arg3[%squeeze3A_165, %dma_start3A_166] : memref<100000x144xf32, #tpu.memory_space<hbm>> -> memref<1x144xf32, #tpu.memory_space<hbm>>
      %dma_start3A_168 = tpu.memref_squeeze %dma_start3A_167 : memref<1x144xf32, #tpu.memory_space<hbm>> -> memref<144xf32, #tpu.memory_space<hbm>>
      %dma_start3A_169 = arith.constant 0 : i32
      %dma_start3A_170 = tpu.memref_slice %arg7[%squeeze3A_163, %dma_start3A_169] : memref<8192x144xf32, #tpu.memory_space<hbm>> -> memref<1x144xf32, #tpu.memory_space<hbm>>
      %dma_start3A_171 = tpu.memref_squeeze %dma_start3A_170 : memref<1x144xf32, #tpu.memory_space<hbm>> -> memref<144xf32, #tpu.memory_space<hbm>>
      tpu.enqueue_dma source(%dma_start3A_171 : memref<144xf32, #tpu.memory_space<hbm>>) target(%dma_start3A_168 : memref<144xf32, #tpu.memory_space<hbm>>) target_semaphore(%arg21 : memref<!tpu.dma_semaphore, #tpu.memory_space<semaphore_mem>>)
      %slice3A_172 = vector.extract_strided_slice %get3A_39 {offsets = [13], sizes = [1], strides = [1]} : vector<16xi32> to vector<1xi32>
      %squeeze3A_173 = vector.extract %slice3A_172[0] : i32 from vector<1xi32>
      %slice3A_174 = vector.extract_strided_slice %get3A_44 {offsets = [13], sizes = [1], strides = [1]} : vector<16xi32> to vector<1xi32>
      %squeeze3A_175 = vector.extract %slice3A_174[0] : i32 from vector<1xi32>
      %dma_start3A_176 = arith.constant 0 : i32
      %dma_start3A_177 = tpu.memref_slice %arg3[%squeeze3A_175, %dma_start3A_176] : memref<100000x144xf32, #tpu.memory_space<hbm>> -> memref<1x144xf32, #tpu.memory_space<hbm>>
      %dma_start3A_178 = tpu.memref_squeeze %dma_start3A_177 : memref<1x144xf32, #tpu.memory_space<hbm>> -> memref<144xf32, #tpu.memory_space<hbm>>
      %dma_start3A_179 = arith.constant 0 : i32
      %dma_start3A_180 = tpu.memref_slice %arg7[%squeeze3A_173, %dma_start3A_179] : memref<8192x144xf32, #tpu.memory_space<hbm>> -> memref<1x144xf32, #tpu.memory_space<hbm>>
      %dma_start3A_181 = tpu.memref_squeeze %dma_start3A_180 : memref<1x144xf32, #tpu.memory_space<hbm>> -> memref<144xf32, #tpu.memory_space<hbm>>
      tpu.enqueue_dma source(%dma_start3A_181 : memref<144xf32, #tpu.memory_space<hbm>>) target(%dma_start3A_178 : memref<144xf32, #tpu.memory_space<hbm>>) target_semaphore(%arg21 : memref<!tpu.dma_semaphore, #tpu.memory_space<semaphore_mem>>)
      %slice3A_182 = vector.extract_strided_slice %get3A_39 {offsets = [14], sizes = [1], strides = [1]} : vector<16xi32> to vector<1xi32>
      %squeeze3A_183 = vector.extract %slice3A_182[0] : i32 from vector<1xi32>
      %slice3A_184 = vector.extract_strided_slice %get3A_44 {offsets = [14], sizes = [1], strides = [1]} : vector<16xi32> to vector<1xi32>
      %squeeze3A_185 = vector.extract %slice3A_184[0] : i32 from vector<1xi32>
      %dma_start3A_186 = arith.constant 0 : i32
      %dma_start3A_187 = tpu.memref_slice %arg3[%squeeze3A_185, %dma_start3A_186] : memref<100000x144xf32, #tpu.memory_space<hbm>> -> memref<1x144xf32, #tpu.memory_space<hbm>>
      %dma_start3A_188 = tpu.memref_squeeze %dma_start3A_187 : memref<1x144xf32, #tpu.memory_space<hbm>> -> memref<144xf32, #tpu.memory_space<hbm>>
      %dma_start3A_189 = arith.constant 0 : i32
      %dma_start3A_190 = tpu.memref_slice %arg7[%squeeze3A_183, %dma_start3A_189] : memref<8192x144xf32, #tpu.memory_space<hbm>> -> memref<1x144xf32, #tpu.memory_space<hbm>>
      %dma_start3A_191 = tpu.memref_squeeze %dma_start3A_190 : memref<1x144xf32, #tpu.memory_space<hbm>> -> memref<144xf32, #tpu.memory_space<hbm>>
      tpu.enqueue_dma source(%dma_start3A_191 : memref<144xf32, #tpu.memory_space<hbm>>) target(%dma_start3A_188 : memref<144xf32, #tpu.memory_space<hbm>>) target_semaphore(%arg21 : memref<!tpu.dma_semaphore, #tpu.memory_space<semaphore_mem>>)
      %slice3A_192 = vector.extract_strided_slice %get3A_39 {offsets = [15], sizes = [1], strides = [1]} : vector<16xi32> to vector<1xi32>
      %squeeze3A_193 = vector.extract %slice3A_192[0] : i32 from vector<1xi32>
      %slice3A_194 = vector.extract_strided_slice %get3A_44 {offsets = [15], sizes = [1], strides = [1]} : vector<16xi32> to vector<1xi32>
      %squeeze3A_195 = vector.extract %slice3A_194[0] : i32 from vector<1xi32>
      %dma_start3A_196 = arith.constant 0 : i32
      %dma_start3A_197 = tpu.memref_slice %arg3[%squeeze3A_195, %dma_start3A_196] : memref<100000x144xf32, #tpu.memory_space<hbm>> -> memref<1x144xf32, #tpu.memory_space<hbm>>
      %dma_start3A_198 = tpu.memref_squeeze %dma_start3A_197 : memref<1x144xf32, #tpu.memory_space<hbm>> -> memref<144xf32, #tpu.memory_space<hbm>>
      %dma_start3A_199 = arith.constant 0 : i32
      %dma_start3A_200 = tpu.memref_slice %arg7[%squeeze3A_193, %dma_start3A_199] : memref<8192x144xf32, #tpu.memory_space<hbm>> -> memref<1x144xf32, #tpu.memory_space<hbm>>
      %dma_start3A_201 = tpu.memref_squeeze %dma_start3A_200 : memref<1x144xf32, #tpu.memory_space<hbm>> -> memref<144xf32, #tpu.memory_space<hbm>>
      tpu.enqueue_dma source(%dma_start3A_201 : memref<144xf32, #tpu.memory_space<hbm>>) target(%dma_start3A_198 : memref<144xf32, #tpu.memory_space<hbm>>) target_semaphore(%arg21 : memref<!tpu.dma_semaphore, #tpu.memory_space<semaphore_mem>>)
    }
    %scan3A_25 = arith.constant 8 : i32
    %scan3A_26 = arith.constant 0 : i32
    %scan3A_27 = arith.constant 128 : i32
    %scan3A_28 = arith.addi %scan3A_26, %scan3A_27 : i32
    %scan3A_29 = arith.constant 1 : i32
    scf.for %scan3A_31 = %scan3A_26 to %scan3A_28 step %scan3A_29  : i32 {
      %mul3A_32 = arith.constant 1 : i32
      %mul3A_33 = arith.muli %scan3A_31, %mul3A_32 : i32
      %add3A_34 = arith.constant 0 : i32
      %add3A_35 = arith.addi %add3A_34, %mul3A_33 : i32
      %dma_wait3A = arith.constant 0 : i32
      %dma_wait3A_36 = arith.constant 0 : i32
      %dma_wait3A_37 = arith.constant 0 : i32
      %dma_wait3A_38 = tpu.memref_slice %arg3[%dma_wait3A_36, %dma_wait3A_37] : memref<100000x144xf32, #tpu.memory_space<hbm>> -> memref<1x144xf32, #tpu.memory_space<hbm>>
      %dma_wait3A_39 = tpu.memref_squeeze %dma_wait3A_38 : memref<1x144xf32, #tpu.memory_space<hbm>> -> memref<144xf32, #tpu.memory_space<hbm>>
      %dma_wait3A_40 = arith.constant 0 : i32
      %dma_wait3A_41 = tpu.memref_slice %arg7[%dma_wait3A, %dma_wait3A_40] : memref<8192x144xf32, #tpu.memory_space<hbm>> -> memref<1x144xf32, #tpu.memory_space<hbm>>
      %dma_wait3A_42 = tpu.memref_squeeze %dma_wait3A_41 : memref<1x144xf32, #tpu.memory_space<hbm>> -> memref<144xf32, #tpu.memory_space<hbm>>
      tpu.wait_dma2 semaphore(%arg21 : memref<!tpu.dma_semaphore, #tpu.memory_space<semaphore_mem>>) src(%dma_wait3A_42 : memref<144xf32, #tpu.memory_space<hbm>>) dst(%dma_wait3A_39 : memref<144xf32, #tpu.memory_space<hbm>>)
    }
    %scan3A_30 = arith.constant 128 : i32
    return
  }
}

#map = affine_map<(d0, d1) -> (0)>
module attributes {stable_mosaic.version = 14 : i64} {
  func.func @_sc_lastpos(%arg0: i32, %arg1: i32, %arg2: memref<8192xi32, #tpu.memory_space<hbm>>, %arg3: memref<8192xi32, #tpu.memory_space<hbm>>, %arg4: memref<8192xi32, #tpu.memory_space<vmem>>, %arg5: memref<100000xi32, #tpu.memory_space<vmem>>, %arg6: memref<8192xi32, #tpu.memory_space<vmem>>) attributes {dimension_semantics = [#tpu.dimension_semantics<core_parallel>, #tpu.dimension_semantics<subcore_parallel>], iteration_bounds = array<i64: 2, 16>, scalar_prefetch = 0 : i64, scratch_operands = 3 : i64, tpu.core_type = #tpu.core_type<sc_vector_subcore>, window_params = [{transform_indices = #map}, {transform_indices = #map}]} {
    %mul3A = arith.constant 2 : i32
    %mul3A_0 = arith.muli %arg1, %mul3A : i32
    %add3A = arith.addi %mul3A_0, %arg0 : i32
    %eq3A = arith.constant 0 : i32
    %eq3A_1 = arith.cmpi eq, %add3A, %eq3A : i32
    %convert_element_type3A = arith.extui %eq3A_1 : i1 to i32
    %cond3A = arith.constant 0 : i32
    %cond3A_2 = arith.cmpi ne, %convert_element_type3A, %cond3A : i32
    scf.if %cond3A_2 {
      "tpu.region"() ({
        %run_scoped3A = tpu.sem_alloc : memref<!tpu.dma_semaphore, #tpu.memory_space<semaphore_mem>>
        tpu.enqueue_dma source(%arg2 : memref<8192xi32, #tpu.memory_space<hbm>>) target(%arg4 : memref<8192xi32, #tpu.memory_space<vmem>>) target_semaphore(%run_scoped3A : memref<!tpu.dma_semaphore, #tpu.memory_space<semaphore_mem>>)
        tpu.wait_dma2 semaphore(%run_scoped3A : memref<!tpu.dma_semaphore, #tpu.memory_space<semaphore_mem>>) src(%arg2 : memref<8192xi32, #tpu.memory_space<hbm>>) dst(%arg4 : memref<8192xi32, #tpu.memory_space<vmem>>)
        tpu.yield
      }) : () -> ()
      %iota3A = tpu.iota {dimensions = array<i32: 0>} : vector<16xi32>
      %add3A_3 = arith.constant 1 : i32
      %add3A_4 = vector.broadcast %add3A_3 : i32 to vector<16xi32>
      %add3A_5 = arith.addi %iota3A, %add3A_4 : vector<16xi32>
      %min3A = arith.constant 15 : i32
      %min3A_6 = vector.broadcast %min3A : i32 to vector<16xi32>
      %min3A_7 = arith.minsi %add3A_5, %min3A_6 : vector<16xi32>
      %eq3A_8 = arith.constant 15 : i32
      %eq3A_9 = vector.broadcast %eq3A_8 : i32 to vector<16xi32>
      %eq3A_10 = arith.cmpi eq, %iota3A, %eq3A_9 : vector<16xi32>
      %scan3A = arith.constant 0 : i32
      %scan3A_11 = arith.constant 512 : i32
      %scan3A_12 = arith.addi %scan3A, %scan3A_11 : i32
      %scan3A_13 = arith.constant 1 : i32
      scf.for %scan3A_20 = %scan3A to %scan3A_12 step %scan3A_13  : i32 {
        %mul3A_21 = arith.constant 16 : i32
        %mul3A_22 = arith.muli %scan3A_20, %mul3A_21 : i32
        %add3A_23 = arith.constant 0 : i32
        %add3A_24 = arith.addi %add3A_23, %mul3A_22 : i32
        %multiple_of3A = tpu.assume_multiple %add3A_24, 16 : i32
        %get3A = arith.index_cast %multiple_of3A : i32 to index
        %get3A_25 = tpu.vector_load %arg4[%get3A] {strides = array<i32>} : memref<8192xi32, #tpu.memory_space<vmem>>, vector<16xi32>,
        %shift_left3A = arith.constant 13 : i32
        %shift_left3A_26 = vector.broadcast %shift_left3A : i32 to vector<16xi32>
        %shift_left3A_27 = arith.shli %get3A_25, %shift_left3A_26 : vector<16xi32>
        %add3A_28 = vector.broadcast %multiple_of3A : i32 to vector<16xi32>
        %add3A_29 = arith.addi %iota3A, %add3A_28 : vector<16xi32>
        %or3A = arith.ori %shift_left3A_27, %add3A_29 : vector<16xi32>
        %masked_sort3A = arith.constant dense<true> : vector<16xi1>
        %masked_sort3A_30 = arith.constant -2147483648 : i32
        %masked_sort3A_31 = vector.broadcast %masked_sort3A_30 : i32 to vector<16xi32>
        %masked_sort3A_32 = arith.xori %or3A, %masked_sort3A_31 : vector<16xi32>
        %masked_sort3A_33, %masked_sort3A_34, %masked_sort3A_35 = tpu.sort %masked_sort3A_32, %or3A masked %masked_sort3A : (vector<16xi32>, vector<16xi32>, vector<16xi1>) -> (vector<16xi1>, vector<16xi32>, vector<16xi32>)
        %masked_sort3A_36 = arith.xori %masked_sort3A_34, %masked_sort3A_31 : vector<16xi32>
        %shift_right_arithmetic3A = arith.constant 13 : i32
        %shift_right_arithmetic3A_37 = vector.broadcast %shift_right_arithmetic3A : i32 to vector<16xi32>
        %shift_right_arithmetic3A_38 = arith.shrsi %masked_sort3A_36, %shift_right_arithmetic3A_37 : vector<16xi32>
        %and3A = arith.constant 8191 : i32
        %and3A_39 = vector.broadcast %and3A : i32 to vector<16xi32>
        %and3A_40 = arith.andi %masked_sort3A_36, %and3A_39 : vector<16xi32>
        %broadcast_in_dim3A = vector.shape_cast %min3A_7 : vector<16xi32> to vector<16x1xi32>
        %gather3A = vector.shape_cast %broadcast_in_dim3A : vector<16x1xi32> to vector<16xi32>
        %gather3A_41 = tpu.dynamic_gather %shift_right_arithmetic3A_38[%gather3A] in [0] : vector<16xi32>, vector<16xi32> -> vector<16xi32>
        %ne3A = arith.cmpi ne, %shift_right_arithmetic3A_38, %gather3A_41 : vector<16xi32>
        %or3A_42 = arith.ori %ne3A, %eq3A_10 : vector<16xi1>
        tpu.vector_store_idx %arg5[%shift_right_arithmetic3A_38], %and3A_40 masked %or3A_42 : memref<100000xi32, #tpu.memory_space<vmem>>[vector<16xi32>], vector<16xi32>, vector<16xi1>
      }
      %scan3A_14 = arith.constant 512 : i32
      %scan3A_15 = arith.constant 0 : i32
      %scan3A_16 = arith.constant 512 : i32
      %scan3A_17 = arith.addi %scan3A_15, %scan3A_16 : i32
      %scan3A_18 = arith.constant 1 : i32
      scf.for %scan3A_20 = %scan3A_15 to %scan3A_17 step %scan3A_18  : i32 {
        %mul3A_21 = arith.constant 16 : i32
        %mul3A_22 = arith.muli %scan3A_20, %mul3A_21 : i32
        %add3A_23 = arith.constant 0 : i32
        %add3A_24 = arith.addi %add3A_23, %mul3A_22 : i32
        %multiple_of3A = tpu.assume_multiple %add3A_24, 16 : i32
        %get3A = arith.index_cast %multiple_of3A : i32 to index
        %get3A_25 = tpu.vector_load %arg4[%get3A] {strides = array<i32>} : memref<8192xi32, #tpu.memory_space<vmem>>, vector<16xi32>,
        %gather3A = tpu.vector_load_idx %arg5[%get3A_25] : memref<100000xi32, #tpu.memory_space<vmem>>[vector<16xi32>], vector<16xi32>,
        %swap3A = arith.index_cast %multiple_of3A : i32 to index
        %swap3A_26 = tpu.vector_load %arg6[%swap3A] {strides = array<i32>} : memref<8192xi32, #tpu.memory_space<vmem>>, vector<16xi32>,
        tpu.vector_store %arg6[%swap3A], %gather3A {strides = array<i32>} : memref<8192xi32, #tpu.memory_space<vmem>>, vector<16xi32>,
      }
      %scan3A_19 = arith.constant 512 : i32
      "tpu.region"() ({
        %run_scoped3A = tpu.sem_alloc : memref<!tpu.dma_semaphore, #tpu.memory_space<semaphore_mem>>
        tpu.enqueue_dma source(%arg6 : memref<8192xi32, #tpu.memory_space<vmem>>) target(%arg3 : memref<8192xi32, #tpu.memory_space<hbm>>) target_semaphore(%run_scoped3A : memref<!tpu.dma_semaphore, #tpu.memory_space<semaphore_mem>>)
        tpu.wait_dma2 semaphore(%run_scoped3A : memref<!tpu.dma_semaphore, #tpu.memory_space<semaphore_mem>>) src(%arg6 : memref<8192xi32, #tpu.memory_space<vmem>>) dst(%arg3 : memref<8192xi32, #tpu.memory_space<hbm>>)
        tpu.yield
      }) : () -> ()
    } else {
    }
    return
  }
}

#map = affine_map<(d0, d1) -> (0, 0)>
#map1 = affine_map<(d0, d1) -> (0)>
#map2 = affine_map<(d0, d1) -> (0, 0, 0)>
module attributes {stable_mosaic.version = 14 : i64} {
  func.func @_sc_gather(%arg0: i32, %arg1: i32, %arg2: memref<100000x128xf32, #tpu.memory_space<hbm>>, %arg3: memref<100000x144xf32, #tpu.memory_space<hbm>>, %arg4: memref<100000xf32, #tpu.memory_space<hbm>>, %arg5: memref<100000xf32, #tpu.memory_space<hbm>>, %arg6: memref<32x3x128xi32, #tpu.memory_space<hbm>>, %arg7: memref<12288x128xf32, #tpu.memory_space<hbm>>, %arg8: memref<12288x144xf32, #tpu.memory_space<hbm>>, %arg9: memref<12288xf32, #tpu.memory_space<hbm>>, %arg10: memref<12288xf32, #tpu.memory_space<hbm>>, %arg11: memref<3x128xi32, #tpu.memory_space<vmem>>, %arg12: memref<128x128xf32, #tpu.memory_space<vmem>>, %arg13: memref<128x144xf32, #tpu.memory_space<vmem>>, %arg14: memref<128xf32, #tpu.memory_space<vmem>>, %arg15: memref<128xf32, #tpu.memory_space<vmem>>, %arg16: memref<!tpu.dma_semaphore, #tpu.memory_space<semaphore_mem>>) attributes {dimension_semantics = [#tpu.dimension_semantics<core_parallel>, #tpu.dimension_semantics<subcore_parallel>], iteration_bounds = array<i64: 2, 16>, scalar_prefetch = 0 : i64, scratch_operands = 6 : i64, tpu.core_type = #tpu.core_type<sc_vector_subcore>, window_params = [{transform_indices = #map}, {transform_indices = #map}, {transform_indices = #map1}, {transform_indices = #map1}, {transform_indices = #map2}, {transform_indices = #map}, {transform_indices = #map}, {transform_indices = #map1}, {transform_indices = #map1}]} {
    %mul3A = arith.constant 2 : i32
    %mul3A_0 = arith.muli %arg1, %mul3A : i32
    %add3A = arith.addi %mul3A_0, %arg0 : i32
    "tpu.region"() ({
      %run_scoped3A_56 = tpu.sem_alloc : memref<!tpu.dma_semaphore, #tpu.memory_space<semaphore_mem>>
      %dma_start3A = arith.constant 0 : i32
      %dma_start3A_57 = arith.constant 0 : i32
      %dma_start3A_58 = tpu.memref_slice %arg6[%add3A, %dma_start3A, %dma_start3A_57] : memref<32x3x128xi32, #tpu.memory_space<hbm>> -> memref<1x3x128xi32, #tpu.memory_space<hbm>>
      %dma_start3A_59 = tpu.memref_squeeze %dma_start3A_58 : memref<1x3x128xi32, #tpu.memory_space<hbm>> -> memref<3x128xi32, #tpu.memory_space<hbm>>
      %dma_start3A_60 = arith.constant 0 : i32
      %dma_start3A_61 = arith.constant 0 : i32
      %dma_start3A_62 = tpu.memref_slice %arg6[%add3A, %dma_start3A_60, %dma_start3A_61] : memref<32x3x128xi32, #tpu.memory_space<hbm>> -> memref<1x3x128xi32, #tpu.memory_space<hbm>>
      %dma_start3A_63 = tpu.memref_squeeze %dma_start3A_62 : memref<1x3x128xi32, #tpu.memory_space<hbm>> -> memref<3x128xi32, #tpu.memory_space<hbm>>
      tpu.enqueue_dma source(%dma_start3A_63 : memref<3x128xi32, #tpu.memory_space<hbm>>) target(%arg11 : memref<3x128xi32, #tpu.memory_space<vmem>>) target_semaphore(%run_scoped3A_56 : memref<!tpu.dma_semaphore, #tpu.memory_space<semaphore_mem>>)
      %dma_wait3A = arith.constant 0 : i32
      %dma_wait3A_64 = arith.constant 0 : i32
      %dma_wait3A_65 = tpu.memref_slice %arg6[%add3A, %dma_wait3A, %dma_wait3A_64] : memref<32x3x128xi32, #tpu.memory_space<hbm>> -> memref<1x3x128xi32, #tpu.memory_space<hbm>>
      %dma_wait3A_66 = tpu.memref_squeeze %dma_wait3A_65 : memref<1x3x128xi32, #tpu.memory_space<hbm>> -> memref<3x128xi32, #tpu.memory_space<hbm>>
      %dma_wait3A_67 = arith.constant 0 : i32
      %dma_wait3A_68 = arith.constant 0 : i32
      %dma_wait3A_69 = tpu.memref_slice %arg6[%add3A, %dma_wait3A_67, %dma_wait3A_68] : memref<32x3x128xi32, #tpu.memory_space<hbm>> -> memref<1x3x128xi32, #tpu.memory_space<hbm>>
      %dma_wait3A_70 = tpu.memref_squeeze %dma_wait3A_69 : memref<1x3x128xi32, #tpu.memory_space<hbm>> -> memref<3x128xi32, #tpu.memory_space<hbm>>
      tpu.wait_dma2 semaphore(%run_scoped3A_56 : memref<!tpu.dma_semaphore, #tpu.memory_space<semaphore_mem>>) src(%dma_wait3A_70 : memref<3x128xi32, #tpu.memory_space<hbm>>) dst(%arg11 : memref<3x128xi32, #tpu.memory_space<vmem>>)
      tpu.yield
    }) : () -> ()
    %mul3A_1 = arith.constant 3 : i32
    %mul3A_2 = arith.muli %add3A, %mul3A_1 : i32
    %add3A_3 = arith.constant 0 : i32
    %add3A_4 = arith.addi %mul3A_2, %add3A_3 : i32
    %mul3A_5 = arith.constant 128 : i32
    %mul3A_6 = arith.muli %add3A_4, %mul3A_5 : i32
    %run_scoped3A = arith.constant 0 : i32
    "tpu.region"() ({
      %run_scoped3A_56 = tpu.sem_alloc : memref<!tpu.dma_semaphore, #tpu.memory_space<semaphore_mem>>
      %dma_start3A = arith.constant 0 : i32
      %dma_start3A_57 = tpu.memref_slice %arg11[%run_scoped3A, %dma_start3A] : memref<3x128xi32, #tpu.memory_space<vmem>> -> memref<1x128xi32, #tpu.memory_space<vmem>>
      %dma_start3A_58 = tpu.memref_squeeze %dma_start3A_57 : memref<1x128xi32, #tpu.memory_space<vmem>> -> memref<128xi32, #tpu.memory_space<vmem>>
      %dma_start3A_59 = arith.constant 0 : i32
      %dma_start3A_60 = arith.constant 0 : i32
      %dma_start3A_61 = tpu.memref_slice %arg2[%dma_start3A_59, %dma_start3A_60] : memref<100000x128xf32, #tpu.memory_space<hbm>> -> memref<100000x128xf32, #tpu.memory_space<hbm>>
      tpu.enqueue_indirect_dma source(%dma_start3A_61 : memref<100000x128xf32, #tpu.memory_space<hbm>>) target(%arg12 : memref<128x128xf32, #tpu.memory_space<vmem>>) offsets(%dma_start3A_58 : memref<128xi32, #tpu.memory_space<vmem>>) semaphore(%run_scoped3A_56 : memref<!tpu.dma_semaphore, #tpu.memory_space<semaphore_mem>>)
      %dma_wait3A = arith.constant 0 : i32
      %dma_wait3A_62 = tpu.memref_slice %arg11[%run_scoped3A, %dma_wait3A] : memref<3x128xi32, #tpu.memory_space<vmem>> -> memref<1x128xi32, #tpu.memory_space<vmem>>
      %dma_wait3A_63 = tpu.memref_squeeze %dma_wait3A_62 : memref<1x128xi32, #tpu.memory_space<vmem>> -> memref<128xi32, #tpu.memory_space<vmem>>
      %dma_wait3A_64 = arith.constant 0 : i32
      %dma_wait3A_65 = arith.constant 0 : i32
      %dma_wait3A_66 = tpu.memref_slice %arg2[%dma_wait3A_64, %dma_wait3A_65] : memref<100000x128xf32, #tpu.memory_space<hbm>> -> memref<100000x128xf32, #tpu.memory_space<hbm>>
      tpu.wait_indirect_dma semaphore(%run_scoped3A_56 : memref<!tpu.dma_semaphore, #tpu.memory_space<semaphore_mem>>) src(%dma_wait3A_66 : memref<100000x128xf32, #tpu.memory_space<hbm>>) dst(%arg12 : memref<128x128xf32, #tpu.memory_space<vmem>>)
      tpu.yield
    }) : () -> ()
    "tpu.region"() ({
      %run_scoped3A_56 = tpu.sem_alloc : memref<!tpu.dma_semaphore, #tpu.memory_space<semaphore_mem>>
      %dma_start3A = arith.constant 0 : i32
      %dma_start3A_57 = tpu.memref_slice %arg7[%mul3A_6, %dma_start3A] : memref<12288x128xf32, #tpu.memory_space<hbm>> -> memref<128x128xf32, #tpu.memory_space<hbm>>
      %dma_start3A_58 = arith.constant 0 : i32
      %dma_start3A_59 = tpu.memref_slice %arg7[%mul3A_6, %dma_start3A_58] : memref<12288x128xf32, #tpu.memory_space<hbm>> -> memref<128x128xf32, #tpu.memory_space<hbm>>
      tpu.enqueue_dma source(%arg12 : memref<128x128xf32, #tpu.memory_space<vmem>>) target(%dma_start3A_59 : memref<128x128xf32, #tpu.memory_space<hbm>>) target_semaphore(%run_scoped3A_56 : memref<!tpu.dma_semaphore, #tpu.memory_space<semaphore_mem>>)
      %dma_wait3A = arith.constant 0 : i32
      %dma_wait3A_60 = tpu.memref_slice %arg7[%mul3A_6, %dma_wait3A] : memref<12288x128xf32, #tpu.memory_space<hbm>> -> memref<128x128xf32, #tpu.memory_space<hbm>>
      %dma_wait3A_61 = arith.constant 0 : i32
      %dma_wait3A_62 = tpu.memref_slice %arg7[%mul3A_6, %dma_wait3A_61] : memref<12288x128xf32, #tpu.memory_space<hbm>> -> memref<128x128xf32, #tpu.memory_space<hbm>>
      tpu.wait_dma2 semaphore(%run_scoped3A_56 : memref<!tpu.dma_semaphore, #tpu.memory_space<semaphore_mem>>) src(%arg12 : memref<128x128xf32, #tpu.memory_space<vmem>>) dst(%dma_wait3A_62 : memref<128x128xf32, #tpu.memory_space<hbm>>)
      tpu.yield
    }) : () -> ()
    %run_scoped3A_7 = arith.constant 0 : i32
    "tpu.region"() ({
      %run_scoped3A_56 = tpu.sem_alloc : memref<!tpu.dma_semaphore, #tpu.memory_space<semaphore_mem>>
      %dma_start3A = arith.constant 0 : i32
      %dma_start3A_57 = tpu.memref_slice %arg11[%run_scoped3A_7, %dma_start3A] : memref<3x128xi32, #tpu.memory_space<vmem>> -> memref<1x128xi32, #tpu.memory_space<vmem>>
      %dma_start3A_58 = tpu.memref_squeeze %dma_start3A_57 : memref<1x128xi32, #tpu.memory_space<vmem>> -> memref<128xi32, #tpu.memory_space<vmem>>
      %dma_start3A_59 = arith.constant 0 : i32
      %dma_start3A_60 = tpu.memref_slice %arg4[%dma_start3A_59] : memref<100000xf32, #tpu.memory_space<hbm>> -> memref<100000xf32, #tpu.memory_space<hbm>>
      tpu.enqueue_indirect_dma source(%dma_start3A_60 : memref<100000xf32, #tpu.memory_space<hbm>>) target(%arg14 : memref<128xf32, #tpu.memory_space<vmem>>) offsets(%dma_start3A_58 : memref<128xi32, #tpu.memory_space<vmem>>) semaphore(%run_scoped3A_56 : memref<!tpu.dma_semaphore, #tpu.memory_space<semaphore_mem>>)
      %dma_wait3A = arith.constant 0 : i32
      %dma_wait3A_61 = tpu.memref_slice %arg11[%run_scoped3A_7, %dma_wait3A] : memref<3x128xi32, #tpu.memory_space<vmem>> -> memref<1x128xi32, #tpu.memory_space<vmem>>
      %dma_wait3A_62 = tpu.memref_squeeze %dma_wait3A_61 : memref<1x128xi32, #tpu.memory_space<vmem>> -> memref<128xi32, #tpu.memory_space<vmem>>
      %dma_wait3A_63 = arith.constant 0 : i32
      %dma_wait3A_64 = tpu.memref_slice %arg4[%dma_wait3A_63] : memref<100000xf32, #tpu.memory_space<hbm>> -> memref<100000xf32, #tpu.memory_space<hbm>>
      tpu.wait_indirect_dma semaphore(%run_scoped3A_56 : memref<!tpu.dma_semaphore, #tpu.memory_space<semaphore_mem>>) src(%dma_wait3A_64 : memref<100000xf32, #tpu.memory_space<hbm>>) dst(%arg14 : memref<128xf32, #tpu.memory_space<vmem>>)
      tpu.yield
    }) : () -> ()
    "tpu.region"() ({
      %run_scoped3A_56 = tpu.sem_alloc : memref<!tpu.dma_semaphore, #tpu.memory_space<semaphore_mem>>
      %dma_start3A = tpu.memref_slice %arg9[%mul3A_6] : memref<12288xf32, #tpu.memory_space<hbm>> -> memref<128xf32, #tpu.memory_space<hbm>>
      %dma_start3A_57 = tpu.memref_slice %arg9[%mul3A_6] : memref<12288xf32, #tpu.memory_space<hbm>> -> memref<128xf32, #tpu.memory_space<hbm>>
      tpu.enqueue_dma source(%arg14 : memref<128xf32, #tpu.memory_space<vmem>>) target(%dma_start3A_57 : memref<128xf32, #tpu.memory_space<hbm>>) target_semaphore(%run_scoped3A_56 : memref<!tpu.dma_semaphore, #tpu.memory_space<semaphore_mem>>)
      %dma_wait3A = tpu.memref_slice %arg9[%mul3A_6] : memref<12288xf32, #tpu.memory_space<hbm>> -> memref<128xf32, #tpu.memory_space<hbm>>
      %dma_wait3A_58 = tpu.memref_slice %arg9[%mul3A_6] : memref<12288xf32, #tpu.memory_space<hbm>> -> memref<128xf32, #tpu.memory_space<hbm>>
      tpu.wait_dma2 semaphore(%run_scoped3A_56 : memref<!tpu.dma_semaphore, #tpu.memory_space<semaphore_mem>>) src(%arg14 : memref<128xf32, #tpu.memory_space<vmem>>) dst(%dma_wait3A_58 : memref<128xf32, #tpu.memory_space<hbm>>)
      tpu.yield
    }) : () -> ()
    %run_scoped3A_8 = arith.constant 0 : i32
    "tpu.region"() ({
      %run_scoped3A_56 = tpu.sem_alloc : memref<!tpu.dma_semaphore, #tpu.memory_space<semaphore_mem>>
      %dma_start3A = arith.constant 0 : i32
      %dma_start3A_57 = tpu.memref_slice %arg11[%run_scoped3A_8, %dma_start3A] : memref<3x128xi32, #tpu.memory_space<vmem>> -> memref<1x128xi32, #tpu.memory_space<vmem>>
      %dma_start3A_58 = tpu.memref_squeeze %dma_start3A_57 : memref<1x128xi32, #tpu.memory_space<vmem>> -> memref<128xi32, #tpu.memory_space<vmem>>
      %dma_start3A_59 = arith.constant 0 : i32
      %dma_start3A_60 = tpu.memref_slice %arg5[%dma_start3A_59] : memref<100000xf32, #tpu.memory_space<hbm>> -> memref<100000xf32, #tpu.memory_space<hbm>>
      tpu.enqueue_indirect_dma source(%dma_start3A_60 : memref<100000xf32, #tpu.memory_space<hbm>>) target(%arg15 : memref<128xf32, #tpu.memory_space<vmem>>) offsets(%dma_start3A_58 : memref<128xi32, #tpu.memory_space<vmem>>) semaphore(%run_scoped3A_56 : memref<!tpu.dma_semaphore, #tpu.memory_space<semaphore_mem>>)
      %dma_wait3A = arith.constant 0 : i32
      %dma_wait3A_61 = tpu.memref_slice %arg11[%run_scoped3A_8, %dma_wait3A] : memref<3x128xi32, #tpu.memory_space<vmem>> -> memref<1x128xi32, #tpu.memory_space<vmem>>
      %dma_wait3A_62 = tpu.memref_squeeze %dma_wait3A_61 : memref<1x128xi32, #tpu.memory_space<vmem>> -> memref<128xi32, #tpu.memory_space<vmem>>
      %dma_wait3A_63 = arith.constant 0 : i32
      %dma_wait3A_64 = tpu.memref_slice %arg5[%dma_wait3A_63] : memref<100000xf32, #tpu.memory_space<hbm>> -> memref<100000xf32, #tpu.memory_space<hbm>>
      tpu.wait_indirect_dma semaphore(%run_scoped3A_56 : memref<!tpu.dma_semaphore, #tpu.memory_space<semaphore_mem>>) src(%dma_wait3A_64 : memref<100000xf32, #tpu.memory_space<hbm>>) dst(%arg15 : memref<128xf32, #tpu.memory_space<vmem>>)
      tpu.yield
    }) : () -> ()
    "tpu.region"() ({
      %run_scoped3A_56 = tpu.sem_alloc : memref<!tpu.dma_semaphore, #tpu.memory_space<semaphore_mem>>
      %dma_start3A = tpu.memref_slice %arg10[%mul3A_6] : memref<12288xf32, #tpu.memory_space<hbm>> -> memref<128xf32, #tpu.memory_space<hbm>>
      %dma_start3A_57 = tpu.memref_slice %arg10[%mul3A_6] : memref<12288xf32, #tpu.memory_space<hbm>> -> memref<128xf32, #tpu.memory_space<hbm>>
      tpu.enqueue_dma source(%arg15 : memref<128xf32, #tpu.memory_space<vmem>>) target(%dma_start3A_57 : memref<128xf32, #tpu.memory_space<hbm>>) target_semaphore(%run_scoped3A_56 : memref<!tpu.dma_semaphore, #tpu.memory_space<semaphore_mem>>)
      %dma_wait3A = tpu.memref_slice %arg10[%mul3A_6] : memref<12288xf32, #tpu.memory_space<hbm>> -> memref<128xf32, #tpu.memory_space<hbm>>
      %dma_wait3A_58 = tpu.memref_slice %arg10[%mul3A_6] : memref<12288xf32, #tpu.memory_space<hbm>> -> memref<128xf32, #tpu.memory_space<hbm>>
      tpu.wait_dma2 semaphore(%run_scoped3A_56 : memref<!tpu.dma_semaphore, #tpu.memory_space<semaphore_mem>>) src(%arg15 : memref<128xf32, #tpu.memory_space<vmem>>) dst(%dma_wait3A_58 : memref<128xf32, #tpu.memory_space<hbm>>)
      tpu.yield
    }) : () -> ()
    %scan3A = arith.constant 0 : i32
    %scan3A_9 = arith.constant 8 : i32
    %scan3A_10 = arith.addi %scan3A, %scan3A_9 : i32
    %scan3A_11 = arith.constant 1 : i32
    scf.for %scan3A_56 = %scan3A to %scan3A_10 step %scan3A_11  : i32 {
      %mul3A_57 = arith.constant 16 : i32
      %mul3A_58 = arith.muli %scan3A_56, %mul3A_57 : i32
      %add3A_59 = arith.constant 0 : i32
      %add3A_60 = arith.addi %add3A_59, %mul3A_58 : i32
      %multiple_of3A = tpu.assume_multiple %add3A_60, 16 : i32
      %get3A = arith.constant 0 : i32
      %get3A_61 = arith.index_cast %get3A : i32 to index
      %get3A_62 = arith.index_cast %multiple_of3A : i32 to index
      %get3A_63 = tpu.vector_load %arg11[%get3A_61, %get3A_62] {strides = array<i32>} : memref<3x128xi32, #tpu.memory_space<vmem>>, vector<1x16xi32>,
      %get3A_64 = vector.shape_cast %get3A_63 : vector<1x16xi32> to vector<16xi32>
      %slice3A = vector.extract_strided_slice %get3A_64 {offsets = [0], sizes = [1], strides = [1]} : vector<16xi32> to vector<1xi32>
      %squeeze3A = vector.extract %slice3A[0] : i32 from vector<1xi32>
      %add3A_65 = arith.constant 0 : i32
      %add3A_66 = arith.addi %multiple_of3A, %add3A_65 : i32
      %dma_start3A = arith.constant 0 : i32
      %dma_start3A_67 = tpu.memref_slice %arg13[%add3A_66, %dma_start3A] : memref<128x144xf32, #tpu.memory_space<vmem>> -> memref<1x144xf32, #tpu.memory_space<vmem>>
      %dma_start3A_68 = tpu.memref_squeeze %dma_start3A_67 : memref<1x144xf32, #tpu.memory_space<vmem>> -> memref<144xf32, #tpu.memory_space<vmem>>
      %dma_start3A_69 = arith.constant 0 : i32
      %dma_start3A_70 = tpu.memref_slice %arg3[%squeeze3A, %dma_start3A_69] : memref<100000x144xf32, #tpu.memory_space<hbm>> -> memref<1x144xf32, #tpu.memory_space<hbm>>
      %dma_start3A_71 = tpu.memref_squeeze %dma_start3A_70 : memref<1x144xf32, #tpu.memory_space<hbm>> -> memref<144xf32, #tpu.memory_space<hbm>>
      %dma_start3A_72 = arith.constant 0 : i32
      %dma_start3A_73 = tpu.memref_slice %arg13[%add3A_66, %dma_start3A_72] : memref<128x144xf32, #tpu.memory_space<vmem>> -> memref<1x144xf32, #tpu.memory_space<vmem>>
      %dma_start3A_74 = tpu.memref_squeeze %dma_start3A_73 : memref<1x144xf32, #tpu.memory_space<vmem>> -> memref<144xf32, #tpu.memory_space<vmem>>
      %dma_start3A_75 = arith.constant 0 : i32
      %dma_start3A_76 = tpu.memref_slice %arg3[%squeeze3A, %dma_start3A_75] : memref<100000x144xf32, #tpu.memory_space<hbm>> -> memref<1x144xf32, #tpu.memory_space<hbm>>
      %dma_start3A_77 = tpu.memref_squeeze %dma_start3A_76 : memref<1x144xf32, #tpu.memory_space<hbm>> -> memref<144xf32, #tpu.memory_space<hbm>>
      tpu.enqueue_dma source(%dma_start3A_77 : memref<144xf32, #tpu.memory_space<hbm>>) target(%dma_start3A_74 : memref<144xf32, #tpu.memory_space<vmem>>) target_semaphore(%arg16 : memref<!tpu.dma_semaphore, #tpu.memory_space<semaphore_mem>>)
      %slice3A_78 = vector.extract_strided_slice %get3A_64 {offsets = [1], sizes = [1], strides = [1]} : vector<16xi32> to vector<1xi32>
      %squeeze3A_79 = vector.extract %slice3A_78[0] : i32 from vector<1xi32>
      %add3A_80 = arith.constant 1 : i32
      %add3A_81 = arith.addi %multiple_of3A, %add3A_80 : i32
      %dma_start3A_82 = arith.constant 0 : i32
      %dma_start3A_83 = tpu.memref_slice %arg13[%add3A_81, %dma_start3A_82] : memref<128x144xf32, #tpu.memory_space<vmem>> -> memref<1x144xf32, #tpu.memory_space<vmem>>
      %dma_start3A_84 = tpu.memref_squeeze %dma_start3A_83 : memref<1x144xf32, #tpu.memory_space<vmem>> -> memref<144xf32, #tpu.memory_space<vmem>>
      %dma_start3A_85 = arith.constant 0 : i32
      %dma_start3A_86 = tpu.memref_slice %arg3[%squeeze3A_79, %dma_start3A_85] : memref<100000x144xf32, #tpu.memory_space<hbm>> -> memref<1x144xf32, #tpu.memory_space<hbm>>
      %dma_start3A_87 = tpu.memref_squeeze %dma_start3A_86 : memref<1x144xf32, #tpu.memory_space<hbm>> -> memref<144xf32, #tpu.memory_space<hbm>>
      %dma_start3A_88 = arith.constant 0 : i32
      %dma_start3A_89 = tpu.memref_slice %arg13[%add3A_81, %dma_start3A_88] : memref<128x144xf32, #tpu.memory_space<vmem>> -> memref<1x144xf32, #tpu.memory_space<vmem>>
      %dma_start3A_90 = tpu.memref_squeeze %dma_start3A_89 : memref<1x144xf32, #tpu.memory_space<vmem>> -> memref<144xf32, #tpu.memory_space<vmem>>
      %dma_start3A_91 = arith.constant 0 : i32
      %dma_start3A_92 = tpu.memref_slice %arg3[%squeeze3A_79, %dma_start3A_91] : memref<100000x144xf32, #tpu.memory_space<hbm>> -> memref<1x144xf32, #tpu.memory_space<hbm>>
      %dma_start3A_93 = tpu.memref_squeeze %dma_start3A_92 : memref<1x144xf32, #tpu.memory_space<hbm>> -> memref<144xf32, #tpu.memory_space<hbm>>
      tpu.enqueue_dma source(%dma_start3A_93 : memref<144xf32, #tpu.memory_space<hbm>>) target(%dma_start3A_90 : memref<144xf32, #tpu.memory_space<vmem>>) target_semaphore(%arg16 : memref<!tpu.dma_semaphore, #tpu.memory_space<semaphore_mem>>)
      %slice3A_94 = vector.extract_strided_slice %get3A_64 {offsets = [2], sizes = [1], strides = [1]} : vector<16xi32> to vector<1xi32>
      %squeeze3A_95 = vector.extract %slice3A_94[0] : i32 from vector<1xi32>
      %add3A_96 = arith.constant 2 : i32
      %add3A_97 = arith.addi %multiple_of3A, %add3A_96 : i32
      %dma_start3A_98 = arith.constant 0 : i32
      %dma_start3A_99 = tpu.memref_slice %arg13[%add3A_97, %dma_start3A_98] : memref<128x144xf32, #tpu.memory_space<vmem>> -> memref<1x144xf32, #tpu.memory_space<vmem>>
      %dma_start3A_100 = tpu.memref_squeeze %dma_start3A_99 : memref<1x144xf32, #tpu.memory_space<vmem>> -> memref<144xf32, #tpu.memory_space<vmem>>
      %dma_start3A_101 = arith.constant 0 : i32
      %dma_start3A_102 = tpu.memref_slice %arg3[%squeeze3A_95, %dma_start3A_101] : memref<100000x144xf32, #tpu.memory_space<hbm>> -> memref<1x144xf32, #tpu.memory_space<hbm>>
      %dma_start3A_103 = tpu.memref_squeeze %dma_start3A_102 : memref<1x144xf32, #tpu.memory_space<hbm>> -> memref<144xf32, #tpu.memory_space<hbm>>
      %dma_start3A_104 = arith.constant 0 : i32
      %dma_start3A_105 = tpu.memref_slice %arg13[%add3A_97, %dma_start3A_104] : memref<128x144xf32, #tpu.memory_space<vmem>> -> memref<1x144xf32, #tpu.memory_space<vmem>>
      %dma_start3A_106 = tpu.memref_squeeze %dma_start3A_105 : memref<1x144xf32, #tpu.memory_space<vmem>> -> memref<144xf32, #tpu.memory_space<vmem>>
      %dma_start3A_107 = arith.constant 0 : i32
      %dma_start3A_108 = tpu.memref_slice %arg3[%squeeze3A_95, %dma_start3A_107] : memref<100000x144xf32, #tpu.memory_space<hbm>> -> memref<1x144xf32, #tpu.memory_space<hbm>>
      %dma_start3A_109 = tpu.memref_squeeze %dma_start3A_108 : memref<1x144xf32, #tpu.memory_space<hbm>> -> memref<144xf32, #tpu.memory_space<hbm>>
      tpu.enqueue_dma source(%dma_start3A_109 : memref<144xf32, #tpu.memory_space<hbm>>) target(%dma_start3A_106 : memref<144xf32, #tpu.memory_space<vmem>>) target_semaphore(%arg16 : memref<!tpu.dma_semaphore, #tpu.memory_space<semaphore_mem>>)
      %slice3A_110 = vector.extract_strided_slice %get3A_64 {offsets = [3], sizes = [1], strides = [1]} : vector<16xi32> to vector<1xi32>
      %squeeze3A_111 = vector.extract %slice3A_110[0] : i32 from vector<1xi32>
      %add3A_112 = arith.constant 3 : i32
      %add3A_113 = arith.addi %multiple_of3A, %add3A_112 : i32
      %dma_start3A_114 = arith.constant 0 : i32
      %dma_start3A_115 = tpu.memref_slice %arg13[%add3A_113, %dma_start3A_114] : memref<128x144xf32, #tpu.memory_space<vmem>> -> memref<1x144xf32, #tpu.memory_space<vmem>>
      %dma_start3A_116 = tpu.memref_squeeze %dma_start3A_115 : memref<1x144xf32, #tpu.memory_space<vmem>> -> memref<144xf32, #tpu.memory_space<vmem>>
      %dma_start3A_117 = arith.constant 0 : i32
      %dma_start3A_118 = tpu.memref_slice %arg3[%squeeze3A_111, %dma_start3A_117] : memref<100000x144xf32, #tpu.memory_space<hbm>> -> memref<1x144xf32, #tpu.memory_space<hbm>>
      %dma_start3A_119 = tpu.memref_squeeze %dma_start3A_118 : memref<1x144xf32, #tpu.memory_space<hbm>> -> memref<144xf32, #tpu.memory_space<hbm>>
      %dma_start3A_120 = arith.constant 0 : i32
      %dma_start3A_121 = tpu.memref_slice %arg13[%add3A_113, %dma_start3A_120] : memref<128x144xf32, #tpu.memory_space<vmem>> -> memref<1x144xf32, #tpu.memory_space<vmem>>
      %dma_start3A_122 = tpu.memref_squeeze %dma_start3A_121 : memref<1x144xf32, #tpu.memory_space<vmem>> -> memref<144xf32, #tpu.memory_space<vmem>>
      %dma_start3A_123 = arith.constant 0 : i32
      %dma_start3A_124 = tpu.memref_slice %arg3[%squeeze3A_111, %dma_start3A_123] : memref<100000x144xf32, #tpu.memory_space<hbm>> -> memref<1x144xf32, #tpu.memory_space<hbm>>
      %dma_start3A_125 = tpu.memref_squeeze %dma_start3A_124 : memref<1x144xf32, #tpu.memory_space<hbm>> -> memref<144xf32, #tpu.memory_space<hbm>>
      tpu.enqueue_dma source(%dma_start3A_125 : memref<144xf32, #tpu.memory_space<hbm>>) target(%dma_start3A_122 : memref<144xf32, #tpu.memory_space<vmem>>) target_semaphore(%arg16 : memref<!tpu.dma_semaphore, #tpu.memory_space<semaphore_mem>>)
      %slice3A_126 = vector.extract_strided_slice %get3A_64 {offsets = [4], sizes = [1], strides = [1]} : vector<16xi32> to vector<1xi32>
      %squeeze3A_127 = vector.extract %slice3A_126[0] : i32 from vector<1xi32>
      %add3A_128 = arith.constant 4 : i32
      %add3A_129 = arith.addi %multiple_of3A, %add3A_128 : i32
      %dma_start3A_130 = arith.constant 0 : i32
      %dma_start3A_131 = tpu.memref_slice %arg13[%add3A_129, %dma_start3A_130] : memref<128x144xf32, #tpu.memory_space<vmem>> -> memref<1x144xf32, #tpu.memory_space<vmem>>
      %dma_start3A_132 = tpu.memref_squeeze %dma_start3A_131 : memref<1x144xf32, #tpu.memory_space<vmem>> -> memref<144xf32, #tpu.memory_space<vmem>>
      %dma_start3A_133 = arith.constant 0 : i32
      %dma_start3A_134 = tpu.memref_slice %arg3[%squeeze3A_127, %dma_start3A_133] : memref<100000x144xf32, #tpu.memory_space<hbm>> -> memref<1x144xf32, #tpu.memory_space<hbm>>
      %dma_start3A_135 = tpu.memref_squeeze %dma_start3A_134 : memref<1x144xf32, #tpu.memory_space<hbm>> -> memref<144xf32, #tpu.memory_space<hbm>>
      %dma_start3A_136 = arith.constant 0 : i32
      %dma_start3A_137 = tpu.memref_slice %arg13[%add3A_129, %dma_start3A_136] : memref<128x144xf32, #tpu.memory_space<vmem>> -> memref<1x144xf32, #tpu.memory_space<vmem>>
      %dma_start3A_138 = tpu.memref_squeeze %dma_start3A_137 : memref<1x144xf32, #tpu.memory_space<vmem>> -> memref<144xf32, #tpu.memory_space<vmem>>
      %dma_start3A_139 = arith.constant 0 : i32
      %dma_start3A_140 = tpu.memref_slice %arg3[%squeeze3A_127, %dma_start3A_139] : memref<100000x144xf32, #tpu.memory_space<hbm>> -> memref<1x144xf32, #tpu.memory_space<hbm>>
      %dma_start3A_141 = tpu.memref_squeeze %dma_start3A_140 : memref<1x144xf32, #tpu.memory_space<hbm>> -> memref<144xf32, #tpu.memory_space<hbm>>
      tpu.enqueue_dma source(%dma_start3A_141 : memref<144xf32, #tpu.memory_space<hbm>>) target(%dma_start3A_138 : memref<144xf32, #tpu.memory_space<vmem>>) target_semaphore(%arg16 : memref<!tpu.dma_semaphore, #tpu.memory_space<semaphore_mem>>)
      %slice3A_142 = vector.extract_strided_slice %get3A_64 {offsets = [5], sizes = [1], strides = [1]} : vector<16xi32> to vector<1xi32>
      %squeeze3A_143 = vector.extract %slice3A_142[0] : i32 from vector<1xi32>
      %add3A_144 = arith.constant 5 : i32
      %add3A_145 = arith.addi %multiple_of3A, %add3A_144 : i32
      %dma_start3A_146 = arith.constant 0 : i32
      %dma_start3A_147 = tpu.memref_slice %arg13[%add3A_145, %dma_start3A_146] : memref<128x144xf32, #tpu.memory_space<vmem>> -> memref<1x144xf32, #tpu.memory_space<vmem>>
      %dma_start3A_148 = tpu.memref_squeeze %dma_start3A_147 : memref<1x144xf32, #tpu.memory_space<vmem>> -> memref<144xf32, #tpu.memory_space<vmem>>
      %dma_start3A_149 = arith.constant 0 : i32
      %dma_start3A_150 = tpu.memref_slice %arg3[%squeeze3A_143, %dma_start3A_149] : memref<100000x144xf32, #tpu.memory_space<hbm>> -> memref<1x144xf32, #tpu.memory_space<hbm>>
      %dma_start3A_151 = tpu.memref_squeeze %dma_start3A_150 : memref<1x144xf32, #tpu.memory_space<hbm>> -> memref<144xf32, #tpu.memory_space<hbm>>
      %dma_start3A_152 = arith.constant 0 : i32
      %dma_start3A_153 = tpu.memref_slice %arg13[%add3A_145, %dma_start3A_152] : memref<128x144xf32, #tpu.memory_space<vmem>> -> memref<1x144xf32, #tpu.memory_space<vmem>>
      %dma_start3A_154 = tpu.memref_squeeze %dma_start3A_153 : memref<1x144xf32, #tpu.memory_space<vmem>> -> memref<144xf32, #tpu.memory_space<vmem>>
      %dma_start3A_155 = arith.constant 0 : i32
      %dma_start3A_156 = tpu.memref_slice %arg3[%squeeze3A_143, %dma_start3A_155] : memref<100000x144xf32, #tpu.memory_space<hbm>> -> memref<1x144xf32, #tpu.memory_space<hbm>>
      %dma_start3A_157 = tpu.memref_squeeze %dma_start3A_156 : memref<1x144xf32, #tpu.memory_space<hbm>> -> memref<144xf32, #tpu.memory_space<hbm>>
      tpu.enqueue_dma source(%dma_start3A_157 : memref<144xf32, #tpu.memory_space<hbm>>) target(%dma_start3A_154 : memref<144xf32, #tpu.memory_space<vmem>>) target_semaphore(%arg16 : memref<!tpu.dma_semaphore, #tpu.memory_space<semaphore_mem>>)
      %slice3A_158 = vector.extract_strided_slice %get3A_64 {offsets = [6], sizes = [1], strides = [1]} : vector<16xi32> to vector<1xi32>
      %squeeze3A_159 = vector.extract %slice3A_158[0] : i32 from vector<1xi32>
      %add3A_160 = arith.constant 6 : i32
      %add3A_161 = arith.addi %multiple_of3A, %add3A_160 : i32
      %dma_start3A_162 = arith.constant 0 : i32
      %dma_start3A_163 = tpu.memref_slice %arg13[%add3A_161, %dma_start3A_162] : memref<128x144xf32, #tpu.memory_space<vmem>> -> memref<1x144xf32, #tpu.memory_space<vmem>>
      %dma_start3A_164 = tpu.memref_squeeze %dma_start3A_163 : memref<1x144xf32, #tpu.memory_space<vmem>> -> memref<144xf32, #tpu.memory_space<vmem>>
      %dma_start3A_165 = arith.constant 0 : i32
      %dma_start3A_166 = tpu.memref_slice %arg3[%squeeze3A_159, %dma_start3A_165] : memref<100000x144xf32, #tpu.memory_space<hbm>> -> memref<1x144xf32, #tpu.memory_space<hbm>>
      %dma_start3A_167 = tpu.memref_squeeze %dma_start3A_166 : memref<1x144xf32, #tpu.memory_space<hbm>> -> memref<144xf32, #tpu.memory_space<hbm>>
      %dma_start3A_168 = arith.constant 0 : i32
      %dma_start3A_169 = tpu.memref_slice %arg13[%add3A_161, %dma_start3A_168] : memref<128x144xf32, #tpu.memory_space<vmem>> -> memref<1x144xf32, #tpu.memory_space<vmem>>
      %dma_start3A_170 = tpu.memref_squeeze %dma_start3A_169 : memref<1x144xf32, #tpu.memory_space<vmem>> -> memref<144xf32, #tpu.memory_space<vmem>>
      %dma_start3A_171 = arith.constant 0 : i32
      %dma_start3A_172 = tpu.memref_slice %arg3[%squeeze3A_159, %dma_start3A_171] : memref<100000x144xf32, #tpu.memory_space<hbm>> -> memref<1x144xf32, #tpu.memory_space<hbm>>
      %dma_start3A_173 = tpu.memref_squeeze %dma_start3A_172 : memref<1x144xf32, #tpu.memory_space<hbm>> -> memref<144xf32, #tpu.memory_space<hbm>>
      tpu.enqueue_dma source(%dma_start3A_173 : memref<144xf32, #tpu.memory_space<hbm>>) target(%dma_start3A_170 : memref<144xf32, #tpu.memory_space<vmem>>) target_semaphore(%arg16 : memref<!tpu.dma_semaphore, #tpu.memory_space<semaphore_mem>>)
      %slice3A_174 = vector.extract_strided_slice %get3A_64 {offsets = [7], sizes = [1], strides = [1]} : vector<16xi32> to vector<1xi32>
      %squeeze3A_175 = vector.extract %slice3A_174[0] : i32 from vector<1xi32>
      %add3A_176 = arith.constant 7 : i32
      %add3A_177 = arith.addi %multiple_of3A, %add3A_176 : i32
      %dma_start3A_178 = arith.constant 0 : i32
      %dma_start3A_179 = tpu.memref_slice %arg13[%add3A_177, %dma_start3A_178] : memref<128x144xf32, #tpu.memory_space<vmem>> -> memref<1x144xf32, #tpu.memory_space<vmem>>
      %dma_start3A_180 = tpu.memref_squeeze %dma_start3A_179 : memref<1x144xf32, #tpu.memory_space<vmem>> -> memref<144xf32, #tpu.memory_space<vmem>>
      %dma_start3A_181 = arith.constant 0 : i32
      %dma_start3A_182 = tpu.memref_slice %arg3[%squeeze3A_175, %dma_start3A_181] : memref<100000x144xf32, #tpu.memory_space<hbm>> -> memref<1x144xf32, #tpu.memory_space<hbm>>
      %dma_start3A_183 = tpu.memref_squeeze %dma_start3A_182 : memref<1x144xf32, #tpu.memory_space<hbm>> -> memref<144xf32, #tpu.memory_space<hbm>>
      %dma_start3A_184 = arith.constant 0 : i32
      %dma_start3A_185 = tpu.memref_slice %arg13[%add3A_177, %dma_start3A_184] : memref<128x144xf32, #tpu.memory_space<vmem>> -> memref<1x144xf32, #tpu.memory_space<vmem>>
      %dma_start3A_186 = tpu.memref_squeeze %dma_start3A_185 : memref<1x144xf32, #tpu.memory_space<vmem>> -> memref<144xf32, #tpu.memory_space<vmem>>
      %dma_start3A_187 = arith.constant 0 : i32
      %dma_start3A_188 = tpu.memref_slice %arg3[%squeeze3A_175, %dma_start3A_187] : memref<100000x144xf32, #tpu.memory_space<hbm>> -> memref<1x144xf32, #tpu.memory_space<hbm>>
      %dma_start3A_189 = tpu.memref_squeeze %dma_start3A_188 : memref<1x144xf32, #tpu.memory_space<hbm>> -> memref<144xf32, #tpu.memory_space<hbm>>
      tpu.enqueue_dma source(%dma_start3A_189 : memref<144xf32, #tpu.memory_space<hbm>>) target(%dma_start3A_186 : memref<144xf32, #tpu.memory_space<vmem>>) target_semaphore(%arg16 : memref<!tpu.dma_semaphore, #tpu.memory_space<semaphore_mem>>)
      %slice3A_190 = vector.extract_strided_slice %get3A_64 {offsets = [8], sizes = [1], strides = [1]} : vector<16xi32> to vector<1xi32>
      %squeeze3A_191 = vector.extract %slice3A_190[0] : i32 from vector<1xi32>
      %add3A_192 = arith.constant 8 : i32
      %add3A_193 = arith.addi %multiple_of3A, %add3A_192 : i32
      %dma_start3A_194 = arith.constant 0 : i32
      %dma_start3A_195 = tpu.memref_slice %arg13[%add3A_193, %dma_start3A_194] : memref<128x144xf32, #tpu.memory_space<vmem>> -> memref<1x144xf32, #tpu.memory_space<vmem>>
      %dma_start3A_196 = tpu.memref_squeeze %dma_start3A_195 : memref<1x144xf32, #tpu.memory_space<vmem>> -> memref<144xf32, #tpu.memory_space<vmem>>
      %dma_start3A_197 = arith.constant 0 : i32
      %dma_start3A_198 = tpu.memref_slice %arg3[%squeeze3A_191, %dma_start3A_197] : memref<100000x144xf32, #tpu.memory_space<hbm>> -> memref<1x144xf32, #tpu.memory_space<hbm>>
      %dma_start3A_199 = tpu.memref_squeeze %dma_start3A_198 : memref<1x144xf32, #tpu.memory_space<hbm>> -> memref<144xf32, #tpu.memory_space<hbm>>
      %dma_start3A_200 = arith.constant 0 : i32
      %dma_start3A_201 = tpu.memref_slice %arg13[%add3A_193, %dma_start3A_200] : memref<128x144xf32, #tpu.memory_space<vmem>> -> memref<1x144xf32, #tpu.memory_space<vmem>>
      %dma_start3A_202 = tpu.memref_squeeze %dma_start3A_201 : memref<1x144xf32, #tpu.memory_space<vmem>> -> memref<144xf32, #tpu.memory_space<vmem>>
      %dma_start3A_203 = arith.constant 0 : i32
      %dma_start3A_204 = tpu.memref_slice %arg3[%squeeze3A_191, %dma_start3A_203] : memref<100000x144xf32, #tpu.memory_space<hbm>> -> memref<1x144xf32, #tpu.memory_space<hbm>>
      %dma_start3A_205 = tpu.memref_squeeze %dma_start3A_204 : memref<1x144xf32, #tpu.memory_space<hbm>> -> memref<144xf32, #tpu.memory_space<hbm>>
      tpu.enqueue_dma source(%dma_start3A_205 : memref<144xf32, #tpu.memory_space<hbm>>) target(%dma_start3A_202 : memref<144xf32, #tpu.memory_space<vmem>>) target_semaphore(%arg16 : memref<!tpu.dma_semaphore, #tpu.memory_space<semaphore_mem>>)
      %slice3A_206 = vector.extract_strided_slice %get3A_64 {offsets = [9], sizes = [1], strides = [1]} : vector<16xi32> to vector<1xi32>
      %squeeze3A_207 = vector.extract %slice3A_206[0] : i32 from vector<1xi32>
      %add3A_208 = arith.constant 9 : i32
      %add3A_209 = arith.addi %multiple_of3A, %add3A_208 : i32
      %dma_start3A_210 = arith.constant 0 : i32
      %dma_start3A_211 = tpu.memref_slice %arg13[%add3A_209, %dma_start3A_210] : memref<128x144xf32, #tpu.memory_space<vmem>> -> memref<1x144xf32, #tpu.memory_space<vmem>>
      %dma_start3A_212 = tpu.memref_squeeze %dma_start3A_211 : memref<1x144xf32, #tpu.memory_space<vmem>> -> memref<144xf32, #tpu.memory_space<vmem>>
      %dma_start3A_213 = arith.constant 0 : i32
      %dma_start3A_214 = tpu.memref_slice %arg3[%squeeze3A_207, %dma_start3A_213] : memref<100000x144xf32, #tpu.memory_space<hbm>> -> memref<1x144xf32, #tpu.memory_space<hbm>>
      %dma_start3A_215 = tpu.memref_squeeze %dma_start3A_214 : memref<1x144xf32, #tpu.memory_space<hbm>> -> memref<144xf32, #tpu.memory_space<hbm>>
      %dma_start3A_216 = arith.constant 0 : i32
      %dma_start3A_217 = tpu.memref_slice %arg13[%add3A_209, %dma_start3A_216] : memref<128x144xf32, #tpu.memory_space<vmem>> -> memref<1x144xf32, #tpu.memory_space<vmem>>
      %dma_start3A_218 = tpu.memref_squeeze %dma_start3A_217 : memref<1x144xf32, #tpu.memory_space<vmem>> -> memref<144xf32, #tpu.memory_space<vmem>>
      %dma_start3A_219 = arith.constant 0 : i32
      %dma_start3A_220 = tpu.memref_slice %arg3[%squeeze3A_207, %dma_start3A_219] : memref<100000x144xf32, #tpu.memory_space<hbm>> -> memref<1x144xf32, #tpu.memory_space<hbm>>
      %dma_start3A_221 = tpu.memref_squeeze %dma_start3A_220 : memref<1x144xf32, #tpu.memory_space<hbm>> -> memref<144xf32, #tpu.memory_space<hbm>>
      tpu.enqueue_dma source(%dma_start3A_221 : memref<144xf32, #tpu.memory_space<hbm>>) target(%dma_start3A_218 : memref<144xf32, #tpu.memory_space<vmem>>) target_semaphore(%arg16 : memref<!tpu.dma_semaphore, #tpu.memory_space<semaphore_mem>>)
      %slice3A_222 = vector.extract_strided_slice %get3A_64 {offsets = [10], sizes = [1], strides = [1]} : vector<16xi32> to vector<1xi32>
      %squeeze3A_223 = vector.extract %slice3A_222[0] : i32 from vector<1xi32>
      %add3A_224 = arith.constant 10 : i32
      %add3A_225 = arith.addi %multiple_of3A, %add3A_224 : i32
      %dma_start3A_226 = arith.constant 0 : i32
      %dma_start3A_227 = tpu.memref_slice %arg13[%add3A_225, %dma_start3A_226] : memref<128x144xf32, #tpu.memory_space<vmem>> -> memref<1x144xf32, #tpu.memory_space<vmem>>
      %dma_start3A_228 = tpu.memref_squeeze %dma_start3A_227 : memref<1x144xf32, #tpu.memory_space<vmem>> -> memref<144xf32, #tpu.memory_space<vmem>>
      %dma_start3A_229 = arith.constant 0 : i32
      %dma_start3A_230 = tpu.memref_slice %arg3[%squeeze3A_223, %dma_start3A_229] : memref<100000x144xf32, #tpu.memory_space<hbm>> -> memref<1x144xf32, #tpu.memory_space<hbm>>
      %dma_start3A_231 = tpu.memref_squeeze %dma_start3A_230 : memref<1x144xf32, #tpu.memory_space<hbm>> -> memref<144xf32, #tpu.memory_space<hbm>>
      %dma_start3A_232 = arith.constant 0 : i32
      %dma_start3A_233 = tpu.memref_slice %arg13[%add3A_225, %dma_start3A_232] : memref<128x144xf32, #tpu.memory_space<vmem>> -> memref<1x144xf32, #tpu.memory_space<vmem>>
      %dma_start3A_234 = tpu.memref_squeeze %dma_start3A_233 : memref<1x144xf32, #tpu.memory_space<vmem>> -> memref<144xf32, #tpu.memory_space<vmem>>
      %dma_start3A_235 = arith.constant 0 : i32
      %dma_start3A_236 = tpu.memref_slice %arg3[%squeeze3A_223, %dma_start3A_235] : memref<100000x144xf32, #tpu.memory_space<hbm>> -> memref<1x144xf32, #tpu.memory_space<hbm>>
      %dma_start3A_237 = tpu.memref_squeeze %dma_start3A_236 : memref<1x144xf32, #tpu.memory_space<hbm>> -> memref<144xf32, #tpu.memory_space<hbm>>
      tpu.enqueue_dma source(%dma_start3A_237 : memref<144xf32, #tpu.memory_space<hbm>>) target(%dma_start3A_234 : memref<144xf32, #tpu.memory_space<vmem>>) target_semaphore(%arg16 : memref<!tpu.dma_semaphore, #tpu.memory_space<semaphore_mem>>)
      %slice3A_238 = vector.extract_strided_slice %get3A_64 {offsets = [11], sizes = [1], strides = [1]} : vector<16xi32> to vector<1xi32>
      %squeeze3A_239 = vector.extract %slice3A_238[0] : i32 from vector<1xi32>
      %add3A_240 = arith.constant 11 : i32
      %add3A_241 = arith.addi %multiple_of3A, %add3A_240 : i32
      %dma_start3A_242 = arith.constant 0 : i32
      %dma_start3A_243 = tpu.memref_slice %arg13[%add3A_241, %dma_start3A_242] : memref<128x144xf32, #tpu.memory_space<vmem>> -> memref<1x144xf32, #tpu.memory_space<vmem>>
      %dma_start3A_244 = tpu.memref_squeeze %dma_start3A_243 : memref<1x144xf32, #tpu.memory_space<vmem>> -> memref<144xf32, #tpu.memory_space<vmem>>
      %dma_start3A_245 = arith.constant 0 : i32
      %dma_start3A_246 = tpu.memref_slice %arg3[%squeeze3A_239, %dma_start3A_245] : memref<100000x144xf32, #tpu.memory_space<hbm>> -> memref<1x144xf32, #tpu.memory_space<hbm>>
      %dma_start3A_247 = tpu.memref_squeeze %dma_start3A_246 : memref<1x144xf32, #tpu.memory_space<hbm>> -> memref<144xf32, #tpu.memory_space<hbm>>
      %dma_start3A_248 = arith.constant 0 : i32
      %dma_start3A_249 = tpu.memref_slice %arg13[%add3A_241, %dma_start3A_248] : memref<128x144xf32, #tpu.memory_space<vmem>> -> memref<1x144xf32, #tpu.memory_space<vmem>>
      %dma_start3A_250 = tpu.memref_squeeze %dma_start3A_249 : memref<1x144xf32, #tpu.memory_space<vmem>> -> memref<144xf32, #tpu.memory_space<vmem>>
      %dma_start3A_251 = arith.constant 0 : i32
      %dma_start3A_252 = tpu.memref_slice %arg3[%squeeze3A_239, %dma_start3A_251] : memref<100000x144xf32, #tpu.memory_space<hbm>> -> memref<1x144xf32, #tpu.memory_space<hbm>>
      %dma_start3A_253 = tpu.memref_squeeze %dma_start3A_252 : memref<1x144xf32, #tpu.memory_space<hbm>> -> memref<144xf32, #tpu.memory_space<hbm>>
      tpu.enqueue_dma source(%dma_start3A_253 : memref<144xf32, #tpu.memory_space<hbm>>) target(%dma_start3A_250 : memref<144xf32, #tpu.memory_space<vmem>>) target_semaphore(%arg16 : memref<!tpu.dma_semaphore, #tpu.memory_space<semaphore_mem>>)
      %slice3A_254 = vector.extract_strided_slice %get3A_64 {offsets = [12], sizes = [1], strides = [1]} : vector<16xi32> to vector<1xi32>
      %squeeze3A_255 = vector.extract %slice3A_254[0] : i32 from vector<1xi32>
      %add3A_256 = arith.constant 12 : i32
      %add3A_257 = arith.addi %multiple_of3A, %add3A_256 : i32
      %dma_start3A_258 = arith.constant 0 : i32
      %dma_start3A_259 = tpu.memref_slice %arg13[%add3A_257, %dma_start3A_258] : memref<128x144xf32, #tpu.memory_space<vmem>> -> memref<1x144xf32, #tpu.memory_space<vmem>>
      %dma_start3A_260 = tpu.memref_squeeze %dma_start3A_259 : memref<1x144xf32, #tpu.memory_space<vmem>> -> memref<144xf32, #tpu.memory_space<vmem>>
      %dma_start3A_261 = arith.constant 0 : i32
      %dma_start3A_262 = tpu.memref_slice %arg3[%squeeze3A_255, %dma_start3A_261] : memref<100000x144xf32, #tpu.memory_space<hbm>> -> memref<1x144xf32, #tpu.memory_space<hbm>>
      %dma_start3A_263 = tpu.memref_squeeze %dma_start3A_262 : memref<1x144xf32, #tpu.memory_space<hbm>> -> memref<144xf32, #tpu.memory_space<hbm>>
      %dma_start3A_264 = arith.constant 0 : i32
      %dma_start3A_265 = tpu.memref_slice %arg13[%add3A_257, %dma_start3A_264] : memref<128x144xf32, #tpu.memory_space<vmem>> -> memref<1x144xf32, #tpu.memory_space<vmem>>
      %dma_start3A_266 = tpu.memref_squeeze %dma_start3A_265 : memref<1x144xf32, #tpu.memory_space<vmem>> -> memref<144xf32, #tpu.memory_space<vmem>>
      %dma_start3A_267 = arith.constant 0 : i32
      %dma_start3A_268 = tpu.memref_slice %arg3[%squeeze3A_255, %dma_start3A_267] : memref<100000x144xf32, #tpu.memory_space<hbm>> -> memref<1x144xf32, #tpu.memory_space<hbm>>
      %dma_start3A_269 = tpu.memref_squeeze %dma_start3A_268 : memref<1x144xf32, #tpu.memory_space<hbm>> -> memref<144xf32, #tpu.memory_space<hbm>>
      tpu.enqueue_dma source(%dma_start3A_269 : memref<144xf32, #tpu.memory_space<hbm>>) target(%dma_start3A_266 : memref<144xf32, #tpu.memory_space<vmem>>) target_semaphore(%arg16 : memref<!tpu.dma_semaphore, #tpu.memory_space<semaphore_mem>>)
      %slice3A_270 = vector.extract_strided_slice %get3A_64 {offsets = [13], sizes = [1], strides = [1]} : vector<16xi32> to vector<1xi32>
      %squeeze3A_271 = vector.extract %slice3A_270[0] : i32 from vector<1xi32>
      %add3A_272 = arith.constant 13 : i32
      %add3A_273 = arith.addi %multiple_of3A, %add3A_272 : i32
      %dma_start3A_274 = arith.constant 0 : i32
      %dma_start3A_275 = tpu.memref_slice %arg13[%add3A_273, %dma_start3A_274] : memref<128x144xf32, #tpu.memory_space<vmem>> -> memref<1x144xf32, #tpu.memory_space<vmem>>
      %dma_start3A_276 = tpu.memref_squeeze %dma_start3A_275 : memref<1x144xf32, #tpu.memory_space<vmem>> -> memref<144xf32, #tpu.memory_space<vmem>>
      %dma_start3A_277 = arith.constant 0 : i32
      %dma_start3A_278 = tpu.memref_slice %arg3[%squeeze3A_271, %dma_start3A_277] : memref<100000x144xf32, #tpu.memory_space<hbm>> -> memref<1x144xf32, #tpu.memory_space<hbm>>
      %dma_start3A_279 = tpu.memref_squeeze %dma_start3A_278 : memref<1x144xf32, #tpu.memory_space<hbm>> -> memref<144xf32, #tpu.memory_space<hbm>>
      %dma_start3A_280 = arith.constant 0 : i32
      %dma_start3A_281 = tpu.memref_slice %arg13[%add3A_273, %dma_start3A_280] : memref<128x144xf32, #tpu.memory_space<vmem>> -> memref<1x144xf32, #tpu.memory_space<vmem>>
      %dma_start3A_282 = tpu.memref_squeeze %dma_start3A_281 : memref<1x144xf32, #tpu.memory_space<vmem>> -> memref<144xf32, #tpu.memory_space<vmem>>
      %dma_start3A_283 = arith.constant 0 : i32
      %dma_start3A_284 = tpu.memref_slice %arg3[%squeeze3A_271, %dma_start3A_283] : memref<100000x144xf32, #tpu.memory_space<hbm>> -> memref<1x144xf32, #tpu.memory_space<hbm>>
      %dma_start3A_285 = tpu.memref_squeeze %dma_start3A_284 : memref<1x144xf32, #tpu.memory_space<hbm>> -> memref<144xf32, #tpu.memory_space<hbm>>
      tpu.enqueue_dma source(%dma_start3A_285 : memref<144xf32, #tpu.memory_space<hbm>>) target(%dma_start3A_282 : memref<144xf32, #tpu.memory_space<vmem>>) target_semaphore(%arg16 : memref<!tpu.dma_semaphore, #tpu.memory_space<semaphore_mem>>)
      %slice3A_286 = vector.extract_strided_slice %get3A_64 {offsets = [14], sizes = [1], strides = [1]} : vector<16xi32> to vector<1xi32>
      %squeeze3A_287 = vector.extract %slice3A_286[0] : i32 from vector<1xi32>
      %add3A_288 = arith.constant 14 : i32
      %add3A_289 = arith.addi %multiple_of3A, %add3A_288 : i32
      %dma_start3A_290 = arith.constant 0 : i32
      %dma_start3A_291 = tpu.memref_slice %arg13[%add3A_289, %dma_start3A_290] : memref<128x144xf32, #tpu.memory_space<vmem>> -> memref<1x144xf32, #tpu.memory_space<vmem>>
      %dma_start3A_292 = tpu.memref_squeeze %dma_start3A_291 : memref<1x144xf32, #tpu.memory_space<vmem>> -> memref<144xf32, #tpu.memory_space<vmem>>
      %dma_start3A_293 = arith.constant 0 : i32
      %dma_start3A_294 = tpu.memref_slice %arg3[%squeeze3A_287, %dma_start3A_293] : memref<100000x144xf32, #tpu.memory_space<hbm>> -> memref<1x144xf32, #tpu.memory_space<hbm>>
      %dma_start3A_295 = tpu.memref_squeeze %dma_start3A_294 : memref<1x144xf32, #tpu.memory_space<hbm>> -> memref<144xf32, #tpu.memory_space<hbm>>
      %dma_start3A_296 = arith.constant 0 : i32
      %dma_start3A_297 = tpu.memref_slice %arg13[%add3A_289, %dma_start3A_296] : memref<128x144xf32, #tpu.memory_space<vmem>> -> memref<1x144xf32, #tpu.memory_space<vmem>>
      %dma_start3A_298 = tpu.memref_squeeze %dma_start3A_297 : memref<1x144xf32, #tpu.memory_space<vmem>> -> memref<144xf32, #tpu.memory_space<vmem>>
      %dma_start3A_299 = arith.constant 0 : i32
      %dma_start3A_300 = tpu.memref_slice %arg3[%squeeze3A_287, %dma_start3A_299] : memref<100000x144xf32, #tpu.memory_space<hbm>> -> memref<1x144xf32, #tpu.memory_space<hbm>>
      %dma_start3A_301 = tpu.memref_squeeze %dma_start3A_300 : memref<1x144xf32, #tpu.memory_space<hbm>> -> memref<144xf32, #tpu.memory_space<hbm>>
      tpu.enqueue_dma source(%dma_start3A_301 : memref<144xf32, #tpu.memory_space<hbm>>) target(%dma_start3A_298 : memref<144xf32, #tpu.memory_space<vmem>>) target_semaphore(%arg16 : memref<!tpu.dma_semaphore, #tpu.memory_space<semaphore_mem>>)
      %slice3A_302 = vector.extract_strided_slice %get3A_64 {offsets = [15], sizes = [1], strides = [1]} : vector<16xi32> to vector<1xi32>
      %squeeze3A_303 = vector.extract %slice3A_302[0] : i32 from vector<1xi32>
      %add3A_304 = arith.constant 15 : i32
      %add3A_305 = arith.addi %multiple_of3A, %add3A_304 : i32
      %dma_start3A_306 = arith.constant 0 : i32
      %dma_start3A_307 = tpu.memref_slice %arg13[%add3A_305, %dma_start3A_306] : memref<128x144xf32, #tpu.memory_space<vmem>> -> memref<1x144xf32, #tpu.memory_space<vmem>>
      %dma_start3A_308 = tpu.memref_squeeze %dma_start3A_307 : memref<1x144xf32, #tpu.memory_space<vmem>> -> memref<144xf32, #tpu.memory_space<vmem>>
      %dma_start3A_309 = arith.constant 0 : i32
      %dma_start3A_310 = tpu.memref_slice %arg3[%squeeze3A_303, %dma_start3A_309] : memref<100000x144xf32, #tpu.memory_space<hbm>> -> memref<1x144xf32, #tpu.memory_space<hbm>>
      %dma_start3A_311 = tpu.memref_squeeze %dma_start3A_310 : memref<1x144xf32, #tpu.memory_space<hbm>> -> memref<144xf32, #tpu.memory_space<hbm>>
      %dma_start3A_312 = arith.constant 0 : i32
      %dma_start3A_313 = tpu.memref_slice %arg13[%add3A_305, %dma_start3A_312] : memref<128x144xf32, #tpu.memory_space<vmem>> -> memref<1x144xf32, #tpu.memory_space<vmem>>
      %dma_start3A_314 = tpu.memref_squeeze %dma_start3A_313 : memref<1x144xf32, #tpu.memory_space<vmem>> -> memref<144xf32, #tpu.memory_space<vmem>>
      %dma_start3A_315 = arith.constant 0 : i32
      %dma_start3A_316 = tpu.memref_slice %arg3[%squeeze3A_303, %dma_start3A_315] : memref<100000x144xf32, #tpu.memory_space<hbm>> -> memref<1x144xf32, #tpu.memory_space<hbm>>
      %dma_start3A_317 = tpu.memref_squeeze %dma_start3A_316 : memref<1x144xf32, #tpu.memory_space<hbm>> -> memref<144xf32, #tpu.memory_space<hbm>>
      tpu.enqueue_dma source(%dma_start3A_317 : memref<144xf32, #tpu.memory_space<hbm>>) target(%dma_start3A_314 : memref<144xf32, #tpu.memory_space<vmem>>) target_semaphore(%arg16 : memref<!tpu.dma_semaphore, #tpu.memory_space<semaphore_mem>>)
    }
    %scan3A_12 = arith.constant 8 : i32
    %scan3A_13 = arith.constant 0 : i32
    %scan3A_14 = arith.constant 128 : i32
    %scan3A_15 = arith.addi %scan3A_13, %scan3A_14 : i32
    %scan3A_16 = arith.constant 1 : i32
    scf.for %scan3A_56 = %scan3A_13 to %scan3A_15 step %scan3A_16  : i32 {
      %mul3A_57 = arith.constant 1 : i32
      %mul3A_58 = arith.muli %scan3A_56, %mul3A_57 : i32
      %add3A_59 = arith.constant 0 : i32
      %add3A_60 = arith.addi %add3A_59, %mul3A_58 : i32
      %dma_wait3A = arith.constant 0 : i32
      %dma_wait3A_61 = arith.constant 0 : i32
      %dma_wait3A_62 = arith.constant 0 : i32
      %dma_wait3A_63 = tpu.memref_slice %arg13[%dma_wait3A_61, %dma_wait3A_62] : memref<128x144xf32, #tpu.memory_space<vmem>> -> memref<1x144xf32, #tpu.memory_space<vmem>>
      %dma_wait3A_64 = tpu.memref_squeeze %dma_wait3A_63 : memref<1x144xf32, #tpu.memory_space<vmem>> -> memref<144xf32, #tpu.memory_space<vmem>>
      %dma_wait3A_65 = arith.constant 0 : i32
      %dma_wait3A_66 = tpu.memref_slice %arg3[%dma_wait3A, %dma_wait3A_65] : memref<100000x144xf32, #tpu.memory_space<hbm>> -> memref<1x144xf32, #tpu.memory_space<hbm>>
      %dma_wait3A_67 = tpu.memref_squeeze %dma_wait3A_66 : memref<1x144xf32, #tpu.memory_space<hbm>> -> memref<144xf32, #tpu.memory_space<hbm>>
      %dma_wait3A_68 = arith.constant 0 : i32
      %dma_wait3A_69 = tpu.memref_slice %arg13[%dma_wait3A_61, %dma_wait3A_68] : memref<128x144xf32, #tpu.memory_space<vmem>> -> memref<1x144xf32, #tpu.memory_space<vmem>>
      %dma_wait3A_70 = tpu.memref_squeeze %dma_wait3A_69 : memref<1x144xf32, #tpu.memory_space<vmem>> -> memref<144xf32, #tpu.memory_space<vmem>>
      %dma_wait3A_71 = arith.constant 0 : i32
      %dma_wait3A_72 = tpu.memref_slice %arg3[%dma_wait3A, %dma_wait3A_71] : memref<100000x144xf32, #tpu.memory_space<hbm>> -> memref<1x144xf32, #tpu.memory_space<hbm>>
      %dma_wait3A_73 = tpu.memref_squeeze %dma_wait3A_72 : memref<1x144xf32, #tpu.memory_space<hbm>> -> memref<144xf32, #tpu.memory_space<hbm>>
      tpu.wait_dma2 semaphore(%arg16 : memref<!tpu.dma_semaphore, #tpu.memory_space<semaphore_mem>>) src(%dma_wait3A_73 : memref<144xf32, #tpu.memory_space<hbm>>) dst(%dma_wait3A_70 : memref<144xf32, #tpu.memory_space<vmem>>)
    }
    %scan3A_17 = arith.constant 128 : i32
    "tpu.region"() ({
      %run_scoped3A_56 = tpu.sem_alloc : memref<!tpu.dma_semaphore, #tpu.memory_space<semaphore_mem>>
      %dma_start3A = arith.constant 0 : i32
      %dma_start3A_57 = tpu.memref_slice %arg8[%mul3A_6, %dma_start3A] : memref<12288x144xf32, #tpu.memory_space<hbm>> -> memref<128x144xf32, #tpu.memory_space<hbm>>
      %dma_start3A_58 = arith.constant 0 : i32
      %dma_start3A_59 = tpu.memref_slice %arg8[%mul3A_6, %dma_start3A_58] : memref<12288x144xf32, #tpu.memory_space<hbm>> -> memref<128x144xf32, #tpu.memory_space<hbm>>
      tpu.enqueue_dma source(%arg13 : memref<128x144xf32, #tpu.memory_space<vmem>>) target(%dma_start3A_59 : memref<128x144xf32, #tpu.memory_space<hbm>>) target_semaphore(%run_scoped3A_56 : memref<!tpu.dma_semaphore, #tpu.memory_space<semaphore_mem>>)
      %dma_wait3A = arith.constant 0 : i32
      %dma_wait3A_60 = tpu.memref_slice %arg8[%mul3A_6, %dma_wait3A] : memref<12288x144xf32, #tpu.memory_space<hbm>> -> memref<128x144xf32, #tpu.memory_space<hbm>>
      %dma_wait3A_61 = arith.constant 0 : i32
      %dma_wait3A_62 = tpu.memref_slice %arg8[%mul3A_6, %dma_wait3A_61] : memref<12288x144xf32, #tpu.memory_space<hbm>> -> memref<128x144xf32, #tpu.memory_space<hbm>>
      tpu.wait_dma2 semaphore(%run_scoped3A_56 : memref<!tpu.dma_semaphore, #tpu.memory_space<semaphore_mem>>) src(%arg13 : memref<128x144xf32, #tpu.memory_space<vmem>>) dst(%dma_wait3A_62 : memref<128x144xf32, #tpu.memory_space<hbm>>)
      tpu.yield
    }) : () -> ()
    %mul3A_18 = arith.constant 3 : i32
    %mul3A_19 = arith.muli %add3A, %mul3A_18 : i32
    %add3A_20 = arith.constant 1 : i32
    %add3A_21 = arith.addi %mul3A_19, %add3A_20 : i32
    %mul3A_22 = arith.constant 128 : i32
    %mul3A_23 = arith.muli %add3A_21, %mul3A_22 : i32
    %run_scoped3A_24 = arith.constant 1 : i32
    "tpu.region"() ({
      %run_scoped3A_56 = tpu.sem_alloc : memref<!tpu.dma_semaphore, #tpu.memory_space<semaphore_mem>>
      %dma_start3A = arith.constant 0 : i32
      %dma_start3A_57 = tpu.memref_slice %arg11[%run_scoped3A_24, %dma_start3A] : memref<3x128xi32, #tpu.memory_space<vmem>> -> memref<1x128xi32, #tpu.memory_space<vmem>>
      %dma_start3A_58 = tpu.memref_squeeze %dma_start3A_57 : memref<1x128xi32, #tpu.memory_space<vmem>> -> memref<128xi32, #tpu.memory_space<vmem>>
      %dma_start3A_59 = arith.constant 0 : i32
      %dma_start3A_60 = arith.constant 0 : i32
      %dma_start3A_61 = tpu.memref_slice %arg2[%dma_start3A_59, %dma_start3A_60] : memref<100000x128xf32, #tpu.memory_space<hbm>> -> memref<100000x128xf32, #tpu.memory_space<hbm>>
      tpu.enqueue_indirect_dma source(%dma_start3A_61 : memref<100000x128xf32, #tpu.memory_space<hbm>>) target(%arg12 : memref<128x128xf32, #tpu.memory_space<vmem>>) offsets(%dma_start3A_58 : memref<128xi32, #tpu.memory_space<vmem>>) semaphore(%run_scoped3A_56 : memref<!tpu.dma_semaphore, #tpu.memory_space<semaphore_mem>>)
      %dma_wait3A = arith.constant 0 : i32
      %dma_wait3A_62 = tpu.memref_slice %arg11[%run_scoped3A_24, %dma_wait3A] : memref<3x128xi32, #tpu.memory_space<vmem>> -> memref<1x128xi32, #tpu.memory_space<vmem>>
      %dma_wait3A_63 = tpu.memref_squeeze %dma_wait3A_62 : memref<1x128xi32, #tpu.memory_space<vmem>> -> memref<128xi32, #tpu.memory_space<vmem>>
      %dma_wait3A_64 = arith.constant 0 : i32
      %dma_wait3A_65 = arith.constant 0 : i32
      %dma_wait3A_66 = tpu.memref_slice %arg2[%dma_wait3A_64, %dma_wait3A_65] : memref<100000x128xf32, #tpu.memory_space<hbm>> -> memref<100000x128xf32, #tpu.memory_space<hbm>>
      tpu.wait_indirect_dma semaphore(%run_scoped3A_56 : memref<!tpu.dma_semaphore, #tpu.memory_space<semaphore_mem>>) src(%dma_wait3A_66 : memref<100000x128xf32, #tpu.memory_space<hbm>>) dst(%arg12 : memref<128x128xf32, #tpu.memory_space<vmem>>)
      tpu.yield
    }) : () -> ()
    "tpu.region"() ({
      %run_scoped3A_56 = tpu.sem_alloc : memref<!tpu.dma_semaphore, #tpu.memory_space<semaphore_mem>>
      %dma_start3A = arith.constant 0 : i32
      %dma_start3A_57 = tpu.memref_slice %arg7[%mul3A_23, %dma_start3A] : memref<12288x128xf32, #tpu.memory_space<hbm>> -> memref<128x128xf32, #tpu.memory_space<hbm>>
      %dma_start3A_58 = arith.constant 0 : i32
      %dma_start3A_59 = tpu.memref_slice %arg7[%mul3A_23, %dma_start3A_58] : memref<12288x128xf32, #tpu.memory_space<hbm>> -> memref<128x128xf32, #tpu.memory_space<hbm>>
      tpu.enqueue_dma source(%arg12 : memref<128x128xf32, #tpu.memory_space<vmem>>) target(%dma_start3A_59 : memref<128x128xf32, #tpu.memory_space<hbm>>) target_semaphore(%run_scoped3A_56 : memref<!tpu.dma_semaphore, #tpu.memory_space<semaphore_mem>>)
      %dma_wait3A = arith.constant 0 : i32
      %dma_wait3A_60 = tpu.memref_slice %arg7[%mul3A_23, %dma_wait3A] : memref<12288x128xf32, #tpu.memory_space<hbm>> -> memref<128x128xf32, #tpu.memory_space<hbm>>
      %dma_wait3A_61 = arith.constant 0 : i32
      %dma_wait3A_62 = tpu.memref_slice %arg7[%mul3A_23, %dma_wait3A_61] : memref<12288x128xf32, #tpu.memory_space<hbm>> -> memref<128x128xf32, #tpu.memory_space<hbm>>
      tpu.wait_dma2 semaphore(%run_scoped3A_56 : memref<!tpu.dma_semaphore, #tpu.memory_space<semaphore_mem>>) src(%arg12 : memref<128x128xf32, #tpu.memory_space<vmem>>) dst(%dma_wait3A_62 : memref<128x128xf32, #tpu.memory_space<hbm>>)
      tpu.yield
    }) : () -> ()
    %run_scoped3A_25 = arith.constant 1 : i32
    "tpu.region"() ({
      %run_scoped3A_56 = tpu.sem_alloc : memref<!tpu.dma_semaphore, #tpu.memory_space<semaphore_mem>>
      %dma_start3A = arith.constant 0 : i32
      %dma_start3A_57 = tpu.memref_slice %arg11[%run_scoped3A_25, %dma_start3A] : memref<3x128xi32, #tpu.memory_space<vmem>> -> memref<1x128xi32, #tpu.memory_space<vmem>>
      %dma_start3A_58 = tpu.memref_squeeze %dma_start3A_57 : memref<1x128xi32, #tpu.memory_space<vmem>> -> memref<128xi32, #tpu.memory_space<vmem>>
      %dma_start3A_59 = arith.constant 0 : i32
      %dma_start3A_60 = tpu.memref_slice %arg4[%dma_start3A_59] : memref<100000xf32, #tpu.memory_space<hbm>> -> memref<100000xf32, #tpu.memory_space<hbm>>
      tpu.enqueue_indirect_dma source(%dma_start3A_60 : memref<100000xf32, #tpu.memory_space<hbm>>) target(%arg14 : memref<128xf32, #tpu.memory_space<vmem>>) offsets(%dma_start3A_58 : memref<128xi32, #tpu.memory_space<vmem>>) semaphore(%run_scoped3A_56 : memref<!tpu.dma_semaphore, #tpu.memory_space<semaphore_mem>>)
      %dma_wait3A = arith.constant 0 : i32
      %dma_wait3A_61 = tpu.memref_slice %arg11[%run_scoped3A_25, %dma_wait3A] : memref<3x128xi32, #tpu.memory_space<vmem>> -> memref<1x128xi32, #tpu.memory_space<vmem>>
      %dma_wait3A_62 = tpu.memref_squeeze %dma_wait3A_61 : memref<1x128xi32, #tpu.memory_space<vmem>> -> memref<128xi32, #tpu.memory_space<vmem>>
      %dma_wait3A_63 = arith.constant 0 : i32
      %dma_wait3A_64 = tpu.memref_slice %arg4[%dma_wait3A_63] : memref<100000xf32, #tpu.memory_space<hbm>> -> memref<100000xf32, #tpu.memory_space<hbm>>
      tpu.wait_indirect_dma semaphore(%run_scoped3A_56 : memref<!tpu.dma_semaphore, #tpu.memory_space<semaphore_mem>>) src(%dma_wait3A_64 : memref<100000xf32, #tpu.memory_space<hbm>>) dst(%arg14 : memref<128xf32, #tpu.memory_space<vmem>>)
      tpu.yield
    }) : () -> ()
    "tpu.region"() ({
      %run_scoped3A_56 = tpu.sem_alloc : memref<!tpu.dma_semaphore, #tpu.memory_space<semaphore_mem>>
      %dma_start3A = tpu.memref_slice %arg9[%mul3A_23] : memref<12288xf32, #tpu.memory_space<hbm>> -> memref<128xf32, #tpu.memory_space<hbm>>
      %dma_start3A_57 = tpu.memref_slice %arg9[%mul3A_23] : memref<12288xf32, #tpu.memory_space<hbm>> -> memref<128xf32, #tpu.memory_space<hbm>>
      tpu.enqueue_dma source(%arg14 : memref<128xf32, #tpu.memory_space<vmem>>) target(%dma_start3A_57 : memref<128xf32, #tpu.memory_space<hbm>>) target_semaphore(%run_scoped3A_56 : memref<!tpu.dma_semaphore, #tpu.memory_space<semaphore_mem>>)
      %dma_wait3A = tpu.memref_slice %arg9[%mul3A_23] : memref<12288xf32, #tpu.memory_space<hbm>> -> memref<128xf32, #tpu.memory_space<hbm>>
      %dma_wait3A_58 = tpu.memref_slice %arg9[%mul3A_23] : memref<12288xf32, #tpu.memory_space<hbm>> -> memref<128xf32, #tpu.memory_space<hbm>>
      tpu.wait_dma2 semaphore(%run_scoped3A_56 : memref<!tpu.dma_semaphore, #tpu.memory_space<semaphore_mem>>) src(%arg14 : memref<128xf32, #tpu.memory_space<vmem>>) dst(%dma_wait3A_58 : memref<128xf32, #tpu.memory_space<hbm>>)
      tpu.yield
    }) : () -> ()
    %run_scoped3A_26 = arith.constant 1 : i32
    "tpu.region"() ({
      %run_scoped3A_56 = tpu.sem_alloc : memref<!tpu.dma_semaphore, #tpu.memory_space<semaphore_mem>>
      %dma_start3A = arith.constant 0 : i32
      %dma_start3A_57 = tpu.memref_slice %arg11[%run_scoped3A_26, %dma_start3A] : memref<3x128xi32, #tpu.memory_space<vmem>> -> memref<1x128xi32, #tpu.memory_space<vmem>>
      %dma_start3A_58 = tpu.memref_squeeze %dma_start3A_57 : memref<1x128xi32, #tpu.memory_space<vmem>> -> memref<128xi32, #tpu.memory_space<vmem>>
      %dma_start3A_59 = arith.constant 0 : i32
      %dma_start3A_60 = tpu.memref_slice %arg5[%dma_start3A_59] : memref<100000xf32, #tpu.memory_space<hbm>> -> memref<100000xf32, #tpu.memory_space<hbm>>
      tpu.enqueue_indirect_dma source(%dma_start3A_60 : memref<100000xf32, #tpu.memory_space<hbm>>) target(%arg15 : memref<128xf32, #tpu.memory_space<vmem>>) offsets(%dma_start3A_58 : memref<128xi32, #tpu.memory_space<vmem>>) semaphore(%run_scoped3A_56 : memref<!tpu.dma_semaphore, #tpu.memory_space<semaphore_mem>>)
      %dma_wait3A = arith.constant 0 : i32
      %dma_wait3A_61 = tpu.memref_slice %arg11[%run_scoped3A_26, %dma_wait3A] : memref<3x128xi32, #tpu.memory_space<vmem>> -> memref<1x128xi32, #tpu.memory_space<vmem>>
      %dma_wait3A_62 = tpu.memref_squeeze %dma_wait3A_61 : memref<1x128xi32, #tpu.memory_space<vmem>> -> memref<128xi32, #tpu.memory_space<vmem>>
      %dma_wait3A_63 = arith.constant 0 : i32
      %dma_wait3A_64 = tpu.memref_slice %arg5[%dma_wait3A_63] : memref<100000xf32, #tpu.memory_space<hbm>> -> memref<100000xf32, #tpu.memory_space<hbm>>
      tpu.wait_indirect_dma semaphore(%run_scoped3A_56 : memref<!tpu.dma_semaphore, #tpu.memory_space<semaphore_mem>>) src(%dma_wait3A_64 : memref<100000xf32, #tpu.memory_space<hbm>>) dst(%arg15 : memref<128xf32, #tpu.memory_space<vmem>>)
      tpu.yield
    }) : () -> ()
    "tpu.region"() ({
      %run_scoped3A_56 = tpu.sem_alloc : memref<!tpu.dma_semaphore, #tpu.memory_space<semaphore_mem>>
      %dma_start3A = tpu.memref_slice %arg10[%mul3A_23] : memref<12288xf32, #tpu.memory_space<hbm>> -> memref<128xf32, #tpu.memory_space<hbm>>
      %dma_start3A_57 = tpu.memref_slice %arg10[%mul3A_23] : memref<12288xf32, #tpu.memory_space<hbm>> -> memref<128xf32, #tpu.memory_space<hbm>>
      tpu.enqueue_dma source(%arg15 : memref<128xf32, #tpu.memory_space<vmem>>) target(%dma_start3A_57 : memref<128xf32, #tpu.memory_space<hbm>>) target_semaphore(%run_scoped3A_56 : memref<!tpu.dma_semaphore, #tpu.memory_space<semaphore_mem>>)
      %dma_wait3A = tpu.memref_slice %arg10[%mul3A_23] : memref<12288xf32, #tpu.memory_space<hbm>> -> memref<128xf32, #tpu.memory_space<hbm>>
      %dma_wait3A_58 = tpu.memref_slice %arg10[%mul3A_23] : memref<12288xf32, #tpu.memory_space<hbm>> -> memref<128xf32, #tpu.memory_space<hbm>>
      tpu.wait_dma2 semaphore(%run_scoped3A_56 : memref<!tpu.dma_semaphore, #tpu.memory_space<semaphore_mem>>) src(%arg15 : memref<128xf32, #tpu.memory_space<vmem>>) dst(%dma_wait3A_58 : memref<128xf32, #tpu.memory_space<hbm>>)
      tpu.yield
    }) : () -> ()
    %scan3A_27 = arith.constant 0 : i32
    %scan3A_28 = arith.constant 8 : i32
    %scan3A_29 = arith.addi %scan3A_27, %scan3A_28 : i32
    %scan3A_30 = arith.constant 1 : i32
    scf.for %scan3A_56 = %scan3A_27 to %scan3A_29 step %scan3A_30  : i32 {
      %mul3A_57 = arith.constant 16 : i32
      %mul3A_58 = arith.muli %scan3A_56, %mul3A_57 : i32
      %add3A_59 = arith.constant 0 : i32
      %add3A_60 = arith.addi %add3A_59, %mul3A_58 : i32
      %multiple_of3A = tpu.assume_multiple %add3A_60, 16 : i32
      %get3A = arith.constant 1 : i32
      %get3A_61 = arith.index_cast %get3A : i32 to index
      %get3A_62 = arith.index_cast %multiple_of3A : i32 to index
      %get3A_63 = tpu.vector_load %arg11[%get3A_61, %get3A_62] {strides = array<i32>} : memref<3x128xi32, #tpu.memory_space<vmem>>, vector<1x16xi32>,
      %get3A_64 = vector.shape_cast %get3A_63 : vector<1x16xi32> to vector<16xi32>
      %slice3A = vector.extract_strided_slice %get3A_64 {offsets = [0], sizes = [1], strides = [1]} : vector<16xi32> to vector<1xi32>
      %squeeze3A = vector.extract %slice3A[0] : i32 from vector<1xi32>
      %add3A_65 = arith.constant 0 : i32
      %add3A_66 = arith.addi %multiple_of3A, %add3A_65 : i32
      %dma_start3A = arith.constant 0 : i32
      %dma_start3A_67 = tpu.memref_slice %arg13[%add3A_66, %dma_start3A] : memref<128x144xf32, #tpu.memory_space<vmem>> -> memref<1x144xf32, #tpu.memory_space<vmem>>
      %dma_start3A_68 = tpu.memref_squeeze %dma_start3A_67 : memref<1x144xf32, #tpu.memory_space<vmem>> -> memref<144xf32, #tpu.memory_space<vmem>>
      %dma_start3A_69 = arith.constant 0 : i32
      %dma_start3A_70 = tpu.memref_slice %arg3[%squeeze3A, %dma_start3A_69] : memref<100000x144xf32, #tpu.memory_space<hbm>> -> memref<1x144xf32, #tpu.memory_space<hbm>>
      %dma_start3A_71 = tpu.memref_squeeze %dma_start3A_70 : memref<1x144xf32, #tpu.memory_space<hbm>> -> memref<144xf32, #tpu.memory_space<hbm>>
      %dma_start3A_72 = arith.constant 0 : i32
      %dma_start3A_73 = tpu.memref_slice %arg13[%add3A_66, %dma_start3A_72] : memref<128x144xf32, #tpu.memory_space<vmem>> -> memref<1x144xf32, #tpu.memory_space<vmem>>
      %dma_start3A_74 = tpu.memref_squeeze %dma_start3A_73 : memref<1x144xf32, #tpu.memory_space<vmem>> -> memref<144xf32, #tpu.memory_space<vmem>>
      %dma_start3A_75 = arith.constant 0 : i32
      %dma_start3A_76 = tpu.memref_slice %arg3[%squeeze3A, %dma_start3A_75] : memref<100000x144xf32, #tpu.memory_space<hbm>> -> memref<1x144xf32, #tpu.memory_space<hbm>>
      %dma_start3A_77 = tpu.memref_squeeze %dma_start3A_76 : memref<1x144xf32, #tpu.memory_space<hbm>> -> memref<144xf32, #tpu.memory_space<hbm>>
      tpu.enqueue_dma source(%dma_start3A_77 : memref<144xf32, #tpu.memory_space<hbm>>) target(%dma_start3A_74 : memref<144xf32, #tpu.memory_space<vmem>>) target_semaphore(%arg16 : memref<!tpu.dma_semaphore, #tpu.memory_space<semaphore_mem>>)
      %slice3A_78 = vector.extract_strided_slice %get3A_64 {offsets = [1], sizes = [1], strides = [1]} : vector<16xi32> to vector<1xi32>
      %squeeze3A_79 = vector.extract %slice3A_78[0] : i32 from vector<1xi32>
      %add3A_80 = arith.constant 1 : i32
      %add3A_81 = arith.addi %multiple_of3A, %add3A_80 : i32
      %dma_start3A_82 = arith.constant 0 : i32
      %dma_start3A_83 = tpu.memref_slice %arg13[%add3A_81, %dma_start3A_82] : memref<128x144xf32, #tpu.memory_space<vmem>> -> memref<1x144xf32, #tpu.memory_space<vmem>>
      %dma_start3A_84 = tpu.memref_squeeze %dma_start3A_83 : memref<1x144xf32, #tpu.memory_space<vmem>> -> memref<144xf32, #tpu.memory_space<vmem>>
      %dma_start3A_85 = arith.constant 0 : i32
      %dma_start3A_86 = tpu.memref_slice %arg3[%squeeze3A_79, %dma_start3A_85] : memref<100000x144xf32, #tpu.memory_space<hbm>> -> memref<1x144xf32, #tpu.memory_space<hbm>>
      %dma_start3A_87 = tpu.memref_squeeze %dma_start3A_86 : memref<1x144xf32, #tpu.memory_space<hbm>> -> memref<144xf32, #tpu.memory_space<hbm>>
      %dma_start3A_88 = arith.constant 0 : i32
      %dma_start3A_89 = tpu.memref_slice %arg13[%add3A_81, %dma_start3A_88] : memref<128x144xf32, #tpu.memory_space<vmem>> -> memref<1x144xf32, #tpu.memory_space<vmem>>
      %dma_start3A_90 = tpu.memref_squeeze %dma_start3A_89 : memref<1x144xf32, #tpu.memory_space<vmem>> -> memref<144xf32, #tpu.memory_space<vmem>>
      %dma_start3A_91 = arith.constant 0 : i32
      %dma_start3A_92 = tpu.memref_slice %arg3[%squeeze3A_79, %dma_start3A_91] : memref<100000x144xf32, #tpu.memory_space<hbm>> -> memref<1x144xf32, #tpu.memory_space<hbm>>
      %dma_start3A_93 = tpu.memref_squeeze %dma_start3A_92 : memref<1x144xf32, #tpu.memory_space<hbm>> -> memref<144xf32, #tpu.memory_space<hbm>>
      tpu.enqueue_dma source(%dma_start3A_93 : memref<144xf32, #tpu.memory_space<hbm>>) target(%dma_start3A_90 : memref<144xf32, #tpu.memory_space<vmem>>) target_semaphore(%arg16 : memref<!tpu.dma_semaphore, #tpu.memory_space<semaphore_mem>>)
      %slice3A_94 = vector.extract_strided_slice %get3A_64 {offsets = [2], sizes = [1], strides = [1]} : vector<16xi32> to vector<1xi32>
      %squeeze3A_95 = vector.extract %slice3A_94[0] : i32 from vector<1xi32>
      %add3A_96 = arith.constant 2 : i32
      %add3A_97 = arith.addi %multiple_of3A, %add3A_96 : i32
      %dma_start3A_98 = arith.constant 0 : i32
      %dma_start3A_99 = tpu.memref_slice %arg13[%add3A_97, %dma_start3A_98] : memref<128x144xf32, #tpu.memory_space<vmem>> -> memref<1x144xf32, #tpu.memory_space<vmem>>
      %dma_start3A_100 = tpu.memref_squeeze %dma_start3A_99 : memref<1x144xf32, #tpu.memory_space<vmem>> -> memref<144xf32, #tpu.memory_space<vmem>>
      %dma_start3A_101 = arith.constant 0 : i32
      %dma_start3A_102 = tpu.memref_slice %arg3[%squeeze3A_95, %dma_start3A_101] : memref<100000x144xf32, #tpu.memory_space<hbm>> -> memref<1x144xf32, #tpu.memory_space<hbm>>
      %dma_start3A_103 = tpu.memref_squeeze %dma_start3A_102 : memref<1x144xf32, #tpu.memory_space<hbm>> -> memref<144xf32, #tpu.memory_space<hbm>>
      %dma_start3A_104 = arith.constant 0 : i32
      %dma_start3A_105 = tpu.memref_slice %arg13[%add3A_97, %dma_start3A_104] : memref<128x144xf32, #tpu.memory_space<vmem>> -> memref<1x144xf32, #tpu.memory_space<vmem>>
      %dma_start3A_106 = tpu.memref_squeeze %dma_start3A_105 : memref<1x144xf32, #tpu.memory_space<vmem>> -> memref<144xf32, #tpu.memory_space<vmem>>
      %dma_start3A_107 = arith.constant 0 : i32
      %dma_start3A_108 = tpu.memref_slice %arg3[%squeeze3A_95, %dma_start3A_107] : memref<100000x144xf32, #tpu.memory_space<hbm>> -> memref<1x144xf32, #tpu.memory_space<hbm>>
      %dma_start3A_109 = tpu.memref_squeeze %dma_start3A_108 : memref<1x144xf32, #tpu.memory_space<hbm>> -> memref<144xf32, #tpu.memory_space<hbm>>
      tpu.enqueue_dma source(%dma_start3A_109 : memref<144xf32, #tpu.memory_space<hbm>>) target(%dma_start3A_106 : memref<144xf32, #tpu.memory_space<vmem>>) target_semaphore(%arg16 : memref<!tpu.dma_semaphore, #tpu.memory_space<semaphore_mem>>)
      %slice3A_110 = vector.extract_strided_slice %get3A_64 {offsets = [3], sizes = [1], strides = [1]} : vector<16xi32> to vector<1xi32>
      %squeeze3A_111 = vector.extract %slice3A_110[0] : i32 from vector<1xi32>
      %add3A_112 = arith.constant 3 : i32
      %add3A_113 = arith.addi %multiple_of3A, %add3A_112 : i32
      %dma_start3A_114 = arith.constant 0 : i32
      %dma_start3A_115 = tpu.memref_slice %arg13[%add3A_113, %dma_start3A_114] : memref<128x144xf32, #tpu.memory_space<vmem>> -> memref<1x144xf32, #tpu.memory_space<vmem>>
      %dma_start3A_116 = tpu.memref_squeeze %dma_start3A_115 : memref<1x144xf32, #tpu.memory_space<vmem>> -> memref<144xf32, #tpu.memory_space<vmem>>
      %dma_start3A_117 = arith.constant 0 : i32
      %dma_start3A_118 = tpu.memref_slice %arg3[%squeeze3A_111, %dma_start3A_117] : memref<100000x144xf32, #tpu.memory_space<hbm>> -> memref<1x144xf32, #tpu.memory_space<hbm>>
      %dma_start3A_119 = tpu.memref_squeeze %dma_start3A_118 : memref<1x144xf32, #tpu.memory_space<hbm>> -> memref<144xf32, #tpu.memory_space<hbm>>
      %dma_start3A_120 = arith.constant 0 : i32
      %dma_start3A_121 = tpu.memref_slice %arg13[%add3A_113, %dma_start3A_120] : memref<128x144xf32, #tpu.memory_space<vmem>> -> memref<1x144xf32, #tpu.memory_space<vmem>>
      %dma_start3A_122 = tpu.memref_squeeze %dma_start3A_121 : memref<1x144xf32, #tpu.memory_space<vmem>> -> memref<144xf32, #tpu.memory_space<vmem>>
      %dma_start3A_123 = arith.constant 0 : i32
      %dma_start3A_124 = tpu.memref_slice %arg3[%squeeze3A_111, %dma_start3A_123] : memref<100000x144xf32, #tpu.memory_space<hbm>> -> memref<1x144xf32, #tpu.memory_space<hbm>>
      %dma_start3A_125 = tpu.memref_squeeze %dma_start3A_124 : memref<1x144xf32, #tpu.memory_space<hbm>> -> memref<144xf32, #tpu.memory_space<hbm>>
      tpu.enqueue_dma source(%dma_start3A_125 : memref<144xf32, #tpu.memory_space<hbm>>) target(%dma_start3A_122 : memref<144xf32, #tpu.memory_space<vmem>>) target_semaphore(%arg16 : memref<!tpu.dma_semaphore, #tpu.memory_space<semaphore_mem>>)
      %slice3A_126 = vector.extract_strided_slice %get3A_64 {offsets = [4], sizes = [1], strides = [1]} : vector<16xi32> to vector<1xi32>
      %squeeze3A_127 = vector.extract %slice3A_126[0] : i32 from vector<1xi32>
      %add3A_128 = arith.constant 4 : i32
      %add3A_129 = arith.addi %multiple_of3A, %add3A_128 : i32
      %dma_start3A_130 = arith.constant 0 : i32
      %dma_start3A_131 = tpu.memref_slice %arg13[%add3A_129, %dma_start3A_130] : memref<128x144xf32, #tpu.memory_space<vmem>> -> memref<1x144xf32, #tpu.memory_space<vmem>>
      %dma_start3A_132 = tpu.memref_squeeze %dma_start3A_131 : memref<1x144xf32, #tpu.memory_space<vmem>> -> memref<144xf32, #tpu.memory_space<vmem>>
      %dma_start3A_133 = arith.constant 0 : i32
      %dma_start3A_134 = tpu.memref_slice %arg3[%squeeze3A_127, %dma_start3A_133] : memref<100000x144xf32, #tpu.memory_space<hbm>> -> memref<1x144xf32, #tpu.memory_space<hbm>>
      %dma_start3A_135 = tpu.memref_squeeze %dma_start3A_134 : memref<1x144xf32, #tpu.memory_space<hbm>> -> memref<144xf32, #tpu.memory_space<hbm>>
      %dma_start3A_136 = arith.constant 0 : i32
      %dma_start3A_137 = tpu.memref_slice %arg13[%add3A_129, %dma_start3A_136] : memref<128x144xf32, #tpu.memory_space<vmem>> -> memref<1x144xf32, #tpu.memory_space<vmem>>
      %dma_start3A_138 = tpu.memref_squeeze %dma_start3A_137 : memref<1x144xf32, #tpu.memory_space<vmem>> -> memref<144xf32, #tpu.memory_space<vmem>>
      %dma_start3A_139 = arith.constant 0 : i32
      %dma_start3A_140 = tpu.memref_slice %arg3[%squeeze3A_127, %dma_start3A_139] : memref<100000x144xf32, #tpu.memory_space<hbm>> -> memref<1x144xf32, #tpu.memory_space<hbm>>
      %dma_start3A_141 = tpu.memref_squeeze %dma_start3A_140 : memref<1x144xf32, #tpu.memory_space<hbm>> -> memref<144xf32, #tpu.memory_space<hbm>>
      tpu.enqueue_dma source(%dma_start3A_141 : memref<144xf32, #tpu.memory_space<hbm>>) target(%dma_start3A_138 : memref<144xf32, #tpu.memory_space<vmem>>) target_semaphore(%arg16 : memref<!tpu.dma_semaphore, #tpu.memory_space<semaphore_mem>>)
      %slice3A_142 = vector.extract_strided_slice %get3A_64 {offsets = [5], sizes = [1], strides = [1]} : vector<16xi32> to vector<1xi32>
      %squeeze3A_143 = vector.extract %slice3A_142[0] : i32 from vector<1xi32>
      %add3A_144 = arith.constant 5 : i32
      %add3A_145 = arith.addi %multiple_of3A, %add3A_144 : i32
      %dma_start3A_146 = arith.constant 0 : i32
      %dma_start3A_147 = tpu.memref_slice %arg13[%add3A_145, %dma_start3A_146] : memref<128x144xf32, #tpu.memory_space<vmem>> -> memref<1x144xf32, #tpu.memory_space<vmem>>
      %dma_start3A_148 = tpu.memref_squeeze %dma_start3A_147 : memref<1x144xf32, #tpu.memory_space<vmem>> -> memref<144xf32, #tpu.memory_space<vmem>>
      %dma_start3A_149 = arith.constant 0 : i32
      %dma_start3A_150 = tpu.memref_slice %arg3[%squeeze3A_143, %dma_start3A_149] : memref<100000x144xf32, #tpu.memory_space<hbm>> -> memref<1x144xf32, #tpu.memory_space<hbm>>
      %dma_start3A_151 = tpu.memref_squeeze %dma_start3A_150 : memref<1x144xf32, #tpu.memory_space<hbm>> -> memref<144xf32, #tpu.memory_space<hbm>>
      %dma_start3A_152 = arith.constant 0 : i32
      %dma_start3A_153 = tpu.memref_slice %arg13[%add3A_145, %dma_start3A_152] : memref<128x144xf32, #tpu.memory_space<vmem>> -> memref<1x144xf32, #tpu.memory_space<vmem>>
      %dma_start3A_154 = tpu.memref_squeeze %dma_start3A_153 : memref<1x144xf32, #tpu.memory_space<vmem>> -> memref<144xf32, #tpu.memory_space<vmem>>
      %dma_start3A_155 = arith.constant 0 : i32
      %dma_start3A_156 = tpu.memref_slice %arg3[%squeeze3A_143, %dma_start3A_155] : memref<100000x144xf32, #tpu.memory_space<hbm>> -> memref<1x144xf32, #tpu.memory_space<hbm>>
      %dma_start3A_157 = tpu.memref_squeeze %dma_start3A_156 : memref<1x144xf32, #tpu.memory_space<hbm>> -> memref<144xf32, #tpu.memory_space<hbm>>
      tpu.enqueue_dma source(%dma_start3A_157 : memref<144xf32, #tpu.memory_space<hbm>>) target(%dma_start3A_154 : memref<144xf32, #tpu.memory_space<vmem>>) target_semaphore(%arg16 : memref<!tpu.dma_semaphore, #tpu.memory_space<semaphore_mem>>)
      %slice3A_158 = vector.extract_strided_slice %get3A_64 {offsets = [6], sizes = [1], strides = [1]} : vector<16xi32> to vector<1xi32>
      %squeeze3A_159 = vector.extract %slice3A_158[0] : i32 from vector<1xi32>
      %add3A_160 = arith.constant 6 : i32
      %add3A_161 = arith.addi %multiple_of3A, %add3A_160 : i32
      %dma_start3A_162 = arith.constant 0 : i32
      %dma_start3A_163 = tpu.memref_slice %arg13[%add3A_161, %dma_start3A_162] : memref<128x144xf32, #tpu.memory_space<vmem>> -> memref<1x144xf32, #tpu.memory_space<vmem>>
      %dma_start3A_164 = tpu.memref_squeeze %dma_start3A_163 : memref<1x144xf32, #tpu.memory_space<vmem>> -> memref<144xf32, #tpu.memory_space<vmem>>
      %dma_start3A_165 = arith.constant 0 : i32
      %dma_start3A_166 = tpu.memref_slice %arg3[%squeeze3A_159, %dma_start3A_165] : memref<100000x144xf32, #tpu.memory_space<hbm>> -> memref<1x144xf32, #tpu.memory_space<hbm>>
      %dma_start3A_167 = tpu.memref_squeeze %dma_start3A_166 : memref<1x144xf32, #tpu.memory_space<hbm>> -> memref<144xf32, #tpu.memory_space<hbm>>
      %dma_start3A_168 = arith.constant 0 : i32
      %dma_start3A_169 = tpu.memref_slice %arg13[%add3A_161, %dma_start3A_168] : memref<128x144xf32, #tpu.memory_space<vmem>> -> memref<1x144xf32, #tpu.memory_space<vmem>>
      %dma_start3A_170 = tpu.memref_squeeze %dma_start3A_169 : memref<1x144xf32, #tpu.memory_space<vmem>> -> memref<144xf32, #tpu.memory_space<vmem>>
      %dma_start3A_171 = arith.constant 0 : i32
      %dma_start3A_172 = tpu.memref_slice %arg3[%squeeze3A_159, %dma_start3A_171] : memref<100000x144xf32, #tpu.memory_space<hbm>> -> memref<1x144xf32, #tpu.memory_space<hbm>>
      %dma_start3A_173 = tpu.memref_squeeze %dma_start3A_172 : memref<1x144xf32, #tpu.memory_space<hbm>> -> memref<144xf32, #tpu.memory_space<hbm>>
      tpu.enqueue_dma source(%dma_start3A_173 : memref<144xf32, #tpu.memory_space<hbm>>) target(%dma_start3A_170 : memref<144xf32, #tpu.memory_space<vmem>>) target_semaphore(%arg16 : memref<!tpu.dma_semaphore, #tpu.memory_space<semaphore_mem>>)
      %slice3A_174 = vector.extract_strided_slice %get3A_64 {offsets = [7], sizes = [1], strides = [1]} : vector<16xi32> to vector<1xi32>
      %squeeze3A_175 = vector.extract %slice3A_174[0] : i32 from vector<1xi32>
      %add3A_176 = arith.constant 7 : i32
      %add3A_177 = arith.addi %multiple_of3A, %add3A_176 : i32
      %dma_start3A_178 = arith.constant 0 : i32
      %dma_start3A_179 = tpu.memref_slice %arg13[%add3A_177, %dma_start3A_178] : memref<128x144xf32, #tpu.memory_space<vmem>> -> memref<1x144xf32, #tpu.memory_space<vmem>>
      %dma_start3A_180 = tpu.memref_squeeze %dma_start3A_179 : memref<1x144xf32, #tpu.memory_space<vmem>> -> memref<144xf32, #tpu.memory_space<vmem>>
      %dma_start3A_181 = arith.constant 0 : i32
      %dma_start3A_182 = tpu.memref_slice %arg3[%squeeze3A_175, %dma_start3A_181] : memref<100000x144xf32, #tpu.memory_space<hbm>> -> memref<1x144xf32, #tpu.memory_space<hbm>>
      %dma_start3A_183 = tpu.memref_squeeze %dma_start3A_182 : memref<1x144xf32, #tpu.memory_space<hbm>> -> memref<144xf32, #tpu.memory_space<hbm>>
      %dma_start3A_184 = arith.constant 0 : i32
      %dma_start3A_185 = tpu.memref_slice %arg13[%add3A_177, %dma_start3A_184] : memref<128x144xf32, #tpu.memory_space<vmem>> -> memref<1x144xf32, #tpu.memory_space<vmem>>
      %dma_start3A_186 = tpu.memref_squeeze %dma_start3A_185 : memref<1x144xf32, #tpu.memory_space<vmem>> -> memref<144xf32, #tpu.memory_space<vmem>>
      %dma_start3A_187 = arith.constant 0 : i32
      %dma_start3A_188 = tpu.memref_slice %arg3[%squeeze3A_175, %dma_start3A_187] : memref<100000x144xf32, #tpu.memory_space<hbm>> -> memref<1x144xf32, #tpu.memory_space<hbm>>
      %dma_start3A_189 = tpu.memref_squeeze %dma_start3A_188 : memref<1x144xf32, #tpu.memory_space<hbm>> -> memref<144xf32, #tpu.memory_space<hbm>>
      tpu.enqueue_dma source(%dma_start3A_189 : memref<144xf32, #tpu.memory_space<hbm>>) target(%dma_start3A_186 : memref<144xf32, #tpu.memory_space<vmem>>) target_semaphore(%arg16 : memref<!tpu.dma_semaphore, #tpu.memory_space<semaphore_mem>>)
      %slice3A_190 = vector.extract_strided_slice %get3A_64 {offsets = [8], sizes = [1], strides = [1]} : vector<16xi32> to vector<1xi32>
      %squeeze3A_191 = vector.extract %slice3A_190[0] : i32 from vector<1xi32>
      %add3A_192 = arith.constant 8 : i32
      %add3A_193 = arith.addi %multiple_of3A, %add3A_192 : i32
      %dma_start3A_194 = arith.constant 0 : i32
      %dma_start3A_195 = tpu.memref_slice %arg13[%add3A_193, %dma_start3A_194] : memref<128x144xf32, #tpu.memory_space<vmem>> -> memref<1x144xf32, #tpu.memory_space<vmem>>
      %dma_start3A_196 = tpu.memref_squeeze %dma_start3A_195 : memref<1x144xf32, #tpu.memory_space<vmem>> -> memref<144xf32, #tpu.memory_space<vmem>>
      %dma_start3A_197 = arith.constant 0 : i32
      %dma_start3A_198 = tpu.memref_slice %arg3[%squeeze3A_191, %dma_start3A_197] : memref<100000x144xf32, #tpu.memory_space<hbm>> -> memref<1x144xf32, #tpu.memory_space<hbm>>
      %dma_start3A_199 = tpu.memref_squeeze %dma_start3A_198 : memref<1x144xf32, #tpu.memory_space<hbm>> -> memref<144xf32, #tpu.memory_space<hbm>>
      %dma_start3A_200 = arith.constant 0 : i32
      %dma_start3A_201 = tpu.memref_slice %arg13[%add3A_193, %dma_start3A_200] : memref<128x144xf32, #tpu.memory_space<vmem>> -> memref<1x144xf32, #tpu.memory_space<vmem>>
      %dma_start3A_202 = tpu.memref_squeeze %dma_start3A_201 : memref<1x144xf32, #tpu.memory_space<vmem>> -> memref<144xf32, #tpu.memory_space<vmem>>
      %dma_start3A_203 = arith.constant 0 : i32
      %dma_start3A_204 = tpu.memref_slice %arg3[%squeeze3A_191, %dma_start3A_203] : memref<100000x144xf32, #tpu.memory_space<hbm>> -> memref<1x144xf32, #tpu.memory_space<hbm>>
      %dma_start3A_205 = tpu.memref_squeeze %dma_start3A_204 : memref<1x144xf32, #tpu.memory_space<hbm>> -> memref<144xf32, #tpu.memory_space<hbm>>
      tpu.enqueue_dma source(%dma_start3A_205 : memref<144xf32, #tpu.memory_space<hbm>>) target(%dma_start3A_202 : memref<144xf32, #tpu.memory_space<vmem>>) target_semaphore(%arg16 : memref<!tpu.dma_semaphore, #tpu.memory_space<semaphore_mem>>)
      %slice3A_206 = vector.extract_strided_slice %get3A_64 {offsets = [9], sizes = [1], strides = [1]} : vector<16xi32> to vector<1xi32>
      %squeeze3A_207 = vector.extract %slice3A_206[0] : i32 from vector<1xi32>
      %add3A_208 = arith.constant 9 : i32
      %add3A_209 = arith.addi %multiple_of3A, %add3A_208 : i32
      %dma_start3A_210 = arith.constant 0 : i32
      %dma_start3A_211 = tpu.memref_slice %arg13[%add3A_209, %dma_start3A_210] : memref<128x144xf32, #tpu.memory_space<vmem>> -> memref<1x144xf32, #tpu.memory_space<vmem>>
      %dma_start3A_212 = tpu.memref_squeeze %dma_start3A_211 : memref<1x144xf32, #tpu.memory_space<vmem>> -> memref<144xf32, #tpu.memory_space<vmem>>
      %dma_start3A_213 = arith.constant 0 : i32
      %dma_start3A_214 = tpu.memref_slice %arg3[%squeeze3A_207, %dma_start3A_213] : memref<100000x144xf32, #tpu.memory_space<hbm>> -> memref<1x144xf32, #tpu.memory_space<hbm>>
      %dma_start3A_215 = tpu.memref_squeeze %dma_start3A_214 : memref<1x144xf32, #tpu.memory_space<hbm>> -> memref<144xf32, #tpu.memory_space<hbm>>
      %dma_start3A_216 = arith.constant 0 : i32
      %dma_start3A_217 = tpu.memref_slice %arg13[%add3A_209, %dma_start3A_216] : memref<128x144xf32, #tpu.memory_space<vmem>> -> memref<1x144xf32, #tpu.memory_space<vmem>>
      %dma_start3A_218 = tpu.memref_squeeze %dma_start3A_217 : memref<1x144xf32, #tpu.memory_space<vmem>> -> memref<144xf32, #tpu.memory_space<vmem>>
      %dma_start3A_219 = arith.constant 0 : i32
      %dma_start3A_220 = tpu.memref_slice %arg3[%squeeze3A_207, %dma_start3A_219] : memref<100000x144xf32, #tpu.memory_space<hbm>> -> memref<1x144xf32, #tpu.memory_space<hbm>>
      %dma_start3A_221 = tpu.memref_squeeze %dma_start3A_220 : memref<1x144xf32, #tpu.memory_space<hbm>> -> memref<144xf32, #tpu.memory_space<hbm>>
      tpu.enqueue_dma source(%dma_start3A_221 : memref<144xf32, #tpu.memory_space<hbm>>) target(%dma_start3A_218 : memref<144xf32, #tpu.memory_space<vmem>>) target_semaphore(%arg16 : memref<!tpu.dma_semaphore, #tpu.memory_space<semaphore_mem>>)
      %slice3A_222 = vector.extract_strided_slice %get3A_64 {offsets = [10], sizes = [1], strides = [1]} : vector<16xi32> to vector<1xi32>
      %squeeze3A_223 = vector.extract %slice3A_222[0] : i32 from vector<1xi32>
      %add3A_224 = arith.constant 10 : i32
      %add3A_225 = arith.addi %multiple_of3A, %add3A_224 : i32
      %dma_start3A_226 = arith.constant 0 : i32
      %dma_start3A_227 = tpu.memref_slice %arg13[%add3A_225, %dma_start3A_226] : memref<128x144xf32, #tpu.memory_space<vmem>> -> memref<1x144xf32, #tpu.memory_space<vmem>>
      %dma_start3A_228 = tpu.memref_squeeze %dma_start3A_227 : memref<1x144xf32, #tpu.memory_space<vmem>> -> memref<144xf32, #tpu.memory_space<vmem>>
      %dma_start3A_229 = arith.constant 0 : i32
      %dma_start3A_230 = tpu.memref_slice %arg3[%squeeze3A_223, %dma_start3A_229] : memref<100000x144xf32, #tpu.memory_space<hbm>> -> memref<1x144xf32, #tpu.memory_space<hbm>>
      %dma_start3A_231 = tpu.memref_squeeze %dma_start3A_230 : memref<1x144xf32, #tpu.memory_space<hbm>> -> memref<144xf32, #tpu.memory_space<hbm>>
      %dma_start3A_232 = arith.constant 0 : i32
      %dma_start3A_233 = tpu.memref_slice %arg13[%add3A_225, %dma_start3A_232] : memref<128x144xf32, #tpu.memory_space<vmem>> -> memref<1x144xf32, #tpu.memory_space<vmem>>
      %dma_start3A_234 = tpu.memref_squeeze %dma_start3A_233 : memref<1x144xf32, #tpu.memory_space<vmem>> -> memref<144xf32, #tpu.memory_space<vmem>>
      %dma_start3A_235 = arith.constant 0 : i32
      %dma_start3A_236 = tpu.memref_slice %arg3[%squeeze3A_223, %dma_start3A_235] : memref<100000x144xf32, #tpu.memory_space<hbm>> -> memref<1x144xf32, #tpu.memory_space<hbm>>
      %dma_start3A_237 = tpu.memref_squeeze %dma_start3A_236 : memref<1x144xf32, #tpu.memory_space<hbm>> -> memref<144xf32, #tpu.memory_space<hbm>>
      tpu.enqueue_dma source(%dma_start3A_237 : memref<144xf32, #tpu.memory_space<hbm>>) target(%dma_start3A_234 : memref<144xf32, #tpu.memory_space<vmem>>) target_semaphore(%arg16 : memref<!tpu.dma_semaphore, #tpu.memory_space<semaphore_mem>>)
      %slice3A_238 = vector.extract_strided_slice %get3A_64 {offsets = [11], sizes = [1], strides = [1]} : vector<16xi32> to vector<1xi32>
      %squeeze3A_239 = vector.extract %slice3A_238[0] : i32 from vector<1xi32>
      %add3A_240 = arith.constant 11 : i32
      %add3A_241 = arith.addi %multiple_of3A, %add3A_240 : i32
      %dma_start3A_242 = arith.constant 0 : i32
      %dma_start3A_243 = tpu.memref_slice %arg13[%add3A_241, %dma_start3A_242] : memref<128x144xf32, #tpu.memory_space<vmem>> -> memref<1x144xf32, #tpu.memory_space<vmem>>
      %dma_start3A_244 = tpu.memref_squeeze %dma_start3A_243 : memref<1x144xf32, #tpu.memory_space<vmem>> -> memref<144xf32, #tpu.memory_space<vmem>>
      %dma_start3A_245 = arith.constant 0 : i32
      %dma_start3A_246 = tpu.memref_slice %arg3[%squeeze3A_239, %dma_start3A_245] : memref<100000x144xf32, #tpu.memory_space<hbm>> -> memref<1x144xf32, #tpu.memory_space<hbm>>
      %dma_start3A_247 = tpu.memref_squeeze %dma_start3A_246 : memref<1x144xf32, #tpu.memory_space<hbm>> -> memref<144xf32, #tpu.memory_space<hbm>>
      %dma_start3A_248 = arith.constant 0 : i32
      %dma_start3A_249 = tpu.memref_slice %arg13[%add3A_241, %dma_start3A_248] : memref<128x144xf32, #tpu.memory_space<vmem>> -> memref<1x144xf32, #tpu.memory_space<vmem>>
      %dma_start3A_250 = tpu.memref_squeeze %dma_start3A_249 : memref<1x144xf32, #tpu.memory_space<vmem>> -> memref<144xf32, #tpu.memory_space<vmem>>
      %dma_start3A_251 = arith.constant 0 : i32
      %dma_start3A_252 = tpu.memref_slice %arg3[%squeeze3A_239, %dma_start3A_251] : memref<100000x144xf32, #tpu.memory_space<hbm>> -> memref<1x144xf32, #tpu.memory_space<hbm>>
      %dma_start3A_253 = tpu.memref_squeeze %dma_start3A_252 : memref<1x144xf32, #tpu.memory_space<hbm>> -> memref<144xf32, #tpu.memory_space<hbm>>
      tpu.enqueue_dma source(%dma_start3A_253 : memref<144xf32, #tpu.memory_space<hbm>>) target(%dma_start3A_250 : memref<144xf32, #tpu.memory_space<vmem>>) target_semaphore(%arg16 : memref<!tpu.dma_semaphore, #tpu.memory_space<semaphore_mem>>)
      %slice3A_254 = vector.extract_strided_slice %get3A_64 {offsets = [12], sizes = [1], strides = [1]} : vector<16xi32> to vector<1xi32>
      %squeeze3A_255 = vector.extract %slice3A_254[0] : i32 from vector<1xi32>
      %add3A_256 = arith.constant 12 : i32
      %add3A_257 = arith.addi %multiple_of3A, %add3A_256 : i32
      %dma_start3A_258 = arith.constant 0 : i32
      %dma_start3A_259 = tpu.memref_slice %arg13[%add3A_257, %dma_start3A_258] : memref<128x144xf32, #tpu.memory_space<vmem>> -> memref<1x144xf32, #tpu.memory_space<vmem>>
      %dma_start3A_260 = tpu.memref_squeeze %dma_start3A_259 : memref<1x144xf32, #tpu.memory_space<vmem>> -> memref<144xf32, #tpu.memory_space<vmem>>
      %dma_start3A_261 = arith.constant 0 : i32
      %dma_start3A_262 = tpu.memref_slice %arg3[%squeeze3A_255, %dma_start3A_261] : memref<100000x144xf32, #tpu.memory_space<hbm>> -> memref<1x144xf32, #tpu.memory_space<hbm>>
      %dma_start3A_263 = tpu.memref_squeeze %dma_start3A_262 : memref<1x144xf32, #tpu.memory_space<hbm>> -> memref<144xf32, #tpu.memory_space<hbm>>
      %dma_start3A_264 = arith.constant 0 : i32
      %dma_start3A_265 = tpu.memref_slice %arg13[%add3A_257, %dma_start3A_264] : memref<128x144xf32, #tpu.memory_space<vmem>> -> memref<1x144xf32, #tpu.memory_space<vmem>>
      %dma_start3A_266 = tpu.memref_squeeze %dma_start3A_265 : memref<1x144xf32, #tpu.memory_space<vmem>> -> memref<144xf32, #tpu.memory_space<vmem>>
      %dma_start3A_267 = arith.constant 0 : i32
      %dma_start3A_268 = tpu.memref_slice %arg3[%squeeze3A_255, %dma_start3A_267] : memref<100000x144xf32, #tpu.memory_space<hbm>> -> memref<1x144xf32, #tpu.memory_space<hbm>>
      %dma_start3A_269 = tpu.memref_squeeze %dma_start3A_268 : memref<1x144xf32, #tpu.memory_space<hbm>> -> memref<144xf32, #tpu.memory_space<hbm>>
      tpu.enqueue_dma source(%dma_start3A_269 : memref<144xf32, #tpu.memory_space<hbm>>) target(%dma_start3A_266 : memref<144xf32, #tpu.memory_space<vmem>>) target_semaphore(%arg16 : memref<!tpu.dma_semaphore, #tpu.memory_space<semaphore_mem>>)
      %slice3A_270 = vector.extract_strided_slice %get3A_64 {offsets = [13], sizes = [1], strides = [1]} : vector<16xi32> to vector<1xi32>
      %squeeze3A_271 = vector.extract %slice3A_270[0] : i32 from vector<1xi32>
      %add3A_272 = arith.constant 13 : i32
      %add3A_273 = arith.addi %multiple_of3A, %add3A_272 : i32
      %dma_start3A_274 = arith.constant 0 : i32
      %dma_start3A_275 = tpu.memref_slice %arg13[%add3A_273, %dma_start3A_274] : memref<128x144xf32, #tpu.memory_space<vmem>> -> memref<1x144xf32, #tpu.memory_space<vmem>>
      %dma_start3A_276 = tpu.memref_squeeze %dma_start3A_275 : memref<1x144xf32, #tpu.memory_space<vmem>> -> memref<144xf32, #tpu.memory_space<vmem>>
      %dma_start3A_277 = arith.constant 0 : i32
      %dma_start3A_278 = tpu.memref_slice %arg3[%squeeze3A_271, %dma_start3A_277] : memref<100000x144xf32, #tpu.memory_space<hbm>> -> memref<1x144xf32, #tpu.memory_space<hbm>>
      %dma_start3A_279 = tpu.memref_squeeze %dma_start3A_278 : memref<1x144xf32, #tpu.memory_space<hbm>> -> memref<144xf32, #tpu.memory_space<hbm>>
      %dma_start3A_280 = arith.constant 0 : i32
      %dma_start3A_281 = tpu.memref_slice %arg13[%add3A_273, %dma_start3A_280] : memref<128x144xf32, #tpu.memory_space<vmem>> -> memref<1x144xf32, #tpu.memory_space<vmem>>
      %dma_start3A_282 = tpu.memref_squeeze %dma_start3A_281 : memref<1x144xf32, #tpu.memory_space<vmem>> -> memref<144xf32, #tpu.memory_space<vmem>>
      %dma_start3A_283 = arith.constant 0 : i32
      %dma_start3A_284 = tpu.memref_slice %arg3[%squeeze3A_271, %dma_start3A_283] : memref<100000x144xf32, #tpu.memory_space<hbm>> -> memref<1x144xf32, #tpu.memory_space<hbm>>
      %dma_start3A_285 = tpu.memref_squeeze %dma_start3A_284 : memref<1x144xf32, #tpu.memory_space<hbm>> -> memref<144xf32, #tpu.memory_space<hbm>>
      tpu.enqueue_dma source(%dma_start3A_285 : memref<144xf32, #tpu.memory_space<hbm>>) target(%dma_start3A_282 : memref<144xf32, #tpu.memory_space<vmem>>) target_semaphore(%arg16 : memref<!tpu.dma_semaphore, #tpu.memory_space<semaphore_mem>>)
      %slice3A_286 = vector.extract_strided_slice %get3A_64 {offsets = [14], sizes = [1], strides = [1]} : vector<16xi32> to vector<1xi32>
      %squeeze3A_287 = vector.extract %slice3A_286[0] : i32 from vector<1xi32>
      %add3A_288 = arith.constant 14 : i32
      %add3A_289 = arith.addi %multiple_of3A, %add3A_288 : i32
      %dma_start3A_290 = arith.constant 0 : i32
      %dma_start3A_291 = tpu.memref_slice %arg13[%add3A_289, %dma_start3A_290] : memref<128x144xf32, #tpu.memory_space<vmem>> -> memref<1x144xf32, #tpu.memory_space<vmem>>
      %dma_start3A_292 = tpu.memref_squeeze %dma_start3A_291 : memref<1x144xf32, #tpu.memory_space<vmem>> -> memref<144xf32, #tpu.memory_space<vmem>>
      %dma_start3A_293 = arith.constant 0 : i32
      %dma_start3A_294 = tpu.memref_slice %arg3[%squeeze3A_287, %dma_start3A_293] : memref<100000x144xf32, #tpu.memory_space<hbm>> -> memref<1x144xf32, #tpu.memory_space<hbm>>
      %dma_start3A_295 = tpu.memref_squeeze %dma_start3A_294 : memref<1x144xf32, #tpu.memory_space<hbm>> -> memref<144xf32, #tpu.memory_space<hbm>>
      %dma_start3A_296 = arith.constant 0 : i32
      %dma_start3A_297 = tpu.memref_slice %arg13[%add3A_289, %dma_start3A_296] : memref<128x144xf32, #tpu.memory_space<vmem>> -> memref<1x144xf32, #tpu.memory_space<vmem>>
      %dma_start3A_298 = tpu.memref_squeeze %dma_start3A_297 : memref<1x144xf32, #tpu.memory_space<vmem>> -> memref<144xf32, #tpu.memory_space<vmem>>
      %dma_start3A_299 = arith.constant 0 : i32
      %dma_start3A_300 = tpu.memref_slice %arg3[%squeeze3A_287, %dma_start3A_299] : memref<100000x144xf32, #tpu.memory_space<hbm>> -> memref<1x144xf32, #tpu.memory_space<hbm>>
      %dma_start3A_301 = tpu.memref_squeeze %dma_start3A_300 : memref<1x144xf32, #tpu.memory_space<hbm>> -> memref<144xf32, #tpu.memory_space<hbm>>
      tpu.enqueue_dma source(%dma_start3A_301 : memref<144xf32, #tpu.memory_space<hbm>>) target(%dma_start3A_298 : memref<144xf32, #tpu.memory_space<vmem>>) target_semaphore(%arg16 : memref<!tpu.dma_semaphore, #tpu.memory_space<semaphore_mem>>)
      %slice3A_302 = vector.extract_strided_slice %get3A_64 {offsets = [15], sizes = [1], strides = [1]} : vector<16xi32> to vector<1xi32>
      %squeeze3A_303 = vector.extract %slice3A_302[0] : i32 from vector<1xi32>
      %add3A_304 = arith.constant 15 : i32
      %add3A_305 = arith.addi %multiple_of3A, %add3A_304 : i32
      %dma_start3A_306 = arith.constant 0 : i32
      %dma_start3A_307 = tpu.memref_slice %arg13[%add3A_305, %dma_start3A_306] : memref<128x144xf32, #tpu.memory_space<vmem>> -> memref<1x144xf32, #tpu.memory_space<vmem>>
      %dma_start3A_308 = tpu.memref_squeeze %dma_start3A_307 : memref<1x144xf32, #tpu.memory_space<vmem>> -> memref<144xf32, #tpu.memory_space<vmem>>
      %dma_start3A_309 = arith.constant 0 : i32
      %dma_start3A_310 = tpu.memref_slice %arg3[%squeeze3A_303, %dma_start3A_309] : memref<100000x144xf32, #tpu.memory_space<hbm>> -> memref<1x144xf32, #tpu.memory_space<hbm>>
      %dma_start3A_311 = tpu.memref_squeeze %dma_start3A_310 : memref<1x144xf32, #tpu.memory_space<hbm>> -> memref<144xf32, #tpu.memory_space<hbm>>
      %dma_start3A_312 = arith.constant 0 : i32
      %dma_start3A_313 = tpu.memref_slice %arg13[%add3A_305, %dma_start3A_312] : memref<128x144xf32, #tpu.memory_space<vmem>> -> memref<1x144xf32, #tpu.memory_space<vmem>>
      %dma_start3A_314 = tpu.memref_squeeze %dma_start3A_313 : memref<1x144xf32, #tpu.memory_space<vmem>> -> memref<144xf32, #tpu.memory_space<vmem>>
      %dma_start3A_315 = arith.constant 0 : i32
      %dma_start3A_316 = tpu.memref_slice %arg3[%squeeze3A_303, %dma_start3A_315] : memref<100000x144xf32, #tpu.memory_space<hbm>> -> memref<1x144xf32, #tpu.memory_space<hbm>>
      %dma_start3A_317 = tpu.memref_squeeze %dma_start3A_316 : memref<1x144xf32, #tpu.memory_space<hbm>> -> memref<144xf32, #tpu.memory_space<hbm>>
      tpu.enqueue_dma source(%dma_start3A_317 : memref<144xf32, #tpu.memory_space<hbm>>) target(%dma_start3A_314 : memref<144xf32, #tpu.memory_space<vmem>>) target_semaphore(%arg16 : memref<!tpu.dma_semaphore, #tpu.memory_space<semaphore_mem>>)
    }
    %scan3A_31 = arith.constant 8 : i32
    %scan3A_32 = arith.constant 0 : i32
    %scan3A_33 = arith.constant 128 : i32
    %scan3A_34 = arith.addi %scan3A_32, %scan3A_33 : i32
    %scan3A_35 = arith.constant 1 : i32
    scf.for %scan3A_56 = %scan3A_32 to %scan3A_34 step %scan3A_35  : i32 {
      %mul3A_57 = arith.constant 1 : i32
      %mul3A_58 = arith.muli %scan3A_56, %mul3A_57 : i32
      %add3A_59 = arith.constant 0 : i32
      %add3A_60 = arith.addi %add3A_59, %mul3A_58 : i32
      %dma_wait3A = arith.constant 0 : i32
      %dma_wait3A_61 = arith.constant 0 : i32
      %dma_wait3A_62 = arith.constant 0 : i32
      %dma_wait3A_63 = tpu.memref_slice %arg13[%dma_wait3A_61, %dma_wait3A_62] : memref<128x144xf32, #tpu.memory_space<vmem>> -> memref<1x144xf32, #tpu.memory_space<vmem>>
      %dma_wait3A_64 = tpu.memref_squeeze %dma_wait3A_63 : memref<1x144xf32, #tpu.memory_space<vmem>> -> memref<144xf32, #tpu.memory_space<vmem>>
      %dma_wait3A_65 = arith.constant 0 : i32
      %dma_wait3A_66 = tpu.memref_slice %arg3[%dma_wait3A, %dma_wait3A_65] : memref<100000x144xf32, #tpu.memory_space<hbm>> -> memref<1x144xf32, #tpu.memory_space<hbm>>
      %dma_wait3A_67 = tpu.memref_squeeze %dma_wait3A_66 : memref<1x144xf32, #tpu.memory_space<hbm>> -> memref<144xf32, #tpu.memory_space<hbm>>
      %dma_wait3A_68 = arith.constant 0 : i32
      %dma_wait3A_69 = tpu.memref_slice %arg13[%dma_wait3A_61, %dma_wait3A_68] : memref<128x144xf32, #tpu.memory_space<vmem>> -> memref<1x144xf32, #tpu.memory_space<vmem>>
      %dma_wait3A_70 = tpu.memref_squeeze %dma_wait3A_69 : memref<1x144xf32, #tpu.memory_space<vmem>> -> memref<144xf32, #tpu.memory_space<vmem>>
      %dma_wait3A_71 = arith.constant 0 : i32
      %dma_wait3A_72 = tpu.memref_slice %arg3[%dma_wait3A, %dma_wait3A_71] : memref<100000x144xf32, #tpu.memory_space<hbm>> -> memref<1x144xf32, #tpu.memory_space<hbm>>
      %dma_wait3A_73 = tpu.memref_squeeze %dma_wait3A_72 : memref<1x144xf32, #tpu.memory_space<hbm>> -> memref<144xf32, #tpu.memory_space<hbm>>
      tpu.wait_dma2 semaphore(%arg16 : memref<!tpu.dma_semaphore, #tpu.memory_space<semaphore_mem>>) src(%dma_wait3A_73 : memref<144xf32, #tpu.memory_space<hbm>>) dst(%dma_wait3A_70 : memref<144xf32, #tpu.memory_space<vmem>>)
    }
    %scan3A_36 = arith.constant 128 : i32
    "tpu.region"() ({
      %run_scoped3A_56 = tpu.sem_alloc : memref<!tpu.dma_semaphore, #tpu.memory_space<semaphore_mem>>
      %dma_start3A = arith.constant 0 : i32
      %dma_start3A_57 = tpu.memref_slice %arg8[%mul3A_23, %dma_start3A] : memref<12288x144xf32, #tpu.memory_space<hbm>> -> memref<128x144xf32, #tpu.memory_space<hbm>>
      %dma_start3A_58 = arith.constant 0 : i32
      %dma_start3A_59 = tpu.memref_slice %arg8[%mul3A_23, %dma_start3A_58] : memref<12288x144xf32, #tpu.memory_space<hbm>> -> memref<128x144xf32, #tpu.memory_space<hbm>>
      tpu.enqueue_dma source(%arg13 : memref<128x144xf32, #tpu.memory_space<vmem>>) target(%dma_start3A_59 : memref<128x144xf32, #tpu.memory_space<hbm>>) target_semaphore(%run_scoped3A_56 : memref<!tpu.dma_semaphore, #tpu.memory_space<semaphore_mem>>)
      %dma_wait3A = arith.constant 0 : i32
      %dma_wait3A_60 = tpu.memref_slice %arg8[%mul3A_23, %dma_wait3A] : memref<12288x144xf32, #tpu.memory_space<hbm>> -> memref<128x144xf32, #tpu.memory_space<hbm>>
      %dma_wait3A_61 = arith.constant 0 : i32
      %dma_wait3A_62 = tpu.memref_slice %arg8[%mul3A_23, %dma_wait3A_61] : memref<12288x144xf32, #tpu.memory_space<hbm>> -> memref<128x144xf32, #tpu.memory_space<hbm>>
      tpu.wait_dma2 semaphore(%run_scoped3A_56 : memref<!tpu.dma_semaphore, #tpu.memory_space<semaphore_mem>>) src(%arg13 : memref<128x144xf32, #tpu.memory_space<vmem>>) dst(%dma_wait3A_62 : memref<128x144xf32, #tpu.memory_space<hbm>>)
      tpu.yield
    }) : () -> ()
    %mul3A_37 = arith.constant 3 : i32
    %mul3A_38 = arith.muli %add3A, %mul3A_37 : i32
    %add3A_39 = arith.constant 2 : i32
    %add3A_40 = arith.addi %mul3A_38, %add3A_39 : i32
    %mul3A_41 = arith.constant 128 : i32
    %mul3A_42 = arith.muli %add3A_40, %mul3A_41 : i32
    %run_scoped3A_43 = arith.constant 2 : i32
    "tpu.region"() ({
      %run_scoped3A_56 = tpu.sem_alloc : memref<!tpu.dma_semaphore, #tpu.memory_space<semaphore_mem>>
      %dma_start3A = arith.constant 0 : i32
      %dma_start3A_57 = tpu.memref_slice %arg11[%run_scoped3A_43, %dma_start3A] : memref<3x128xi32, #tpu.memory_space<vmem>> -> memref<1x128xi32, #tpu.memory_space<vmem>>
      %dma_start3A_58 = tpu.memref_squeeze %dma_start3A_57 : memref<1x128xi32, #tpu.memory_space<vmem>> -> memref<128xi32, #tpu.memory_space<vmem>>
      %dma_start3A_59 = arith.constant 0 : i32
      %dma_start3A_60 = arith.constant 0 : i32
      %dma_start3A_61 = tpu.memref_slice %arg2[%dma_start3A_59, %dma_start3A_60] : memref<100000x128xf32, #tpu.memory_space<hbm>> -> memref<100000x128xf32, #tpu.memory_space<hbm>>
      tpu.enqueue_indirect_dma source(%dma_start3A_61 : memref<100000x128xf32, #tpu.memory_space<hbm>>) target(%arg12 : memref<128x128xf32, #tpu.memory_space<vmem>>) offsets(%dma_start3A_58 : memref<128xi32, #tpu.memory_space<vmem>>) semaphore(%run_scoped3A_56 : memref<!tpu.dma_semaphore, #tpu.memory_space<semaphore_mem>>)
      %dma_wait3A = arith.constant 0 : i32
      %dma_wait3A_62 = tpu.memref_slice %arg11[%run_scoped3A_43, %dma_wait3A] : memref<3x128xi32, #tpu.memory_space<vmem>> -> memref<1x128xi32, #tpu.memory_space<vmem>>
      %dma_wait3A_63 = tpu.memref_squeeze %dma_wait3A_62 : memref<1x128xi32, #tpu.memory_space<vmem>> -> memref<128xi32, #tpu.memory_space<vmem>>
      %dma_wait3A_64 = arith.constant 0 : i32
      %dma_wait3A_65 = arith.constant 0 : i32
      %dma_wait3A_66 = tpu.memref_slice %arg2[%dma_wait3A_64, %dma_wait3A_65] : memref<100000x128xf32, #tpu.memory_space<hbm>> -> memref<100000x128xf32, #tpu.memory_space<hbm>>
      tpu.wait_indirect_dma semaphore(%run_scoped3A_56 : memref<!tpu.dma_semaphore, #tpu.memory_space<semaphore_mem>>) src(%dma_wait3A_66 : memref<100000x128xf32, #tpu.memory_space<hbm>>) dst(%arg12 : memref<128x128xf32, #tpu.memory_space<vmem>>)
      tpu.yield
    }) : () -> ()
    "tpu.region"() ({
      %run_scoped3A_56 = tpu.sem_alloc : memref<!tpu.dma_semaphore, #tpu.memory_space<semaphore_mem>>
      %dma_start3A = arith.constant 0 : i32
      %dma_start3A_57 = tpu.memref_slice %arg7[%mul3A_42, %dma_start3A] : memref<12288x128xf32, #tpu.memory_space<hbm>> -> memref<128x128xf32, #tpu.memory_space<hbm>>
      %dma_start3A_58 = arith.constant 0 : i32
      %dma_start3A_59 = tpu.memref_slice %arg7[%mul3A_42, %dma_start3A_58] : memref<12288x128xf32, #tpu.memory_space<hbm>> -> memref<128x128xf32, #tpu.memory_space<hbm>>
      tpu.enqueue_dma source(%arg12 : memref<128x128xf32, #tpu.memory_space<vmem>>) target(%dma_start3A_59 : memref<128x128xf32, #tpu.memory_space<hbm>>) target_semaphore(%run_scoped3A_56 : memref<!tpu.dma_semaphore, #tpu.memory_space<semaphore_mem>>)
      %dma_wait3A = arith.constant 0 : i32
      %dma_wait3A_60 = tpu.memref_slice %arg7[%mul3A_42, %dma_wait3A] : memref<12288x128xf32, #tpu.memory_space<hbm>> -> memref<128x128xf32, #tpu.memory_space<hbm>>
      %dma_wait3A_61 = arith.constant 0 : i32
      %dma_wait3A_62 = tpu.memref_slice %arg7[%mul3A_42, %dma_wait3A_61] : memref<12288x128xf32, #tpu.memory_space<hbm>> -> memref<128x128xf32, #tpu.memory_space<hbm>>
      tpu.wait_dma2 semaphore(%run_scoped3A_56 : memref<!tpu.dma_semaphore, #tpu.memory_space<semaphore_mem>>) src(%arg12 : memref<128x128xf32, #tpu.memory_space<vmem>>) dst(%dma_wait3A_62 : memref<128x128xf32, #tpu.memory_space<hbm>>)
      tpu.yield
    }) : () -> ()
    %run_scoped3A_44 = arith.constant 2 : i32
    "tpu.region"() ({
      %run_scoped3A_56 = tpu.sem_alloc : memref<!tpu.dma_semaphore, #tpu.memory_space<semaphore_mem>>
      %dma_start3A = arith.constant 0 : i32
      %dma_start3A_57 = tpu.memref_slice %arg11[%run_scoped3A_44, %dma_start3A] : memref<3x128xi32, #tpu.memory_space<vmem>> -> memref<1x128xi32, #tpu.memory_space<vmem>>
      %dma_start3A_58 = tpu.memref_squeeze %dma_start3A_57 : memref<1x128xi32, #tpu.memory_space<vmem>> -> memref<128xi32, #tpu.memory_space<vmem>>
      %dma_start3A_59 = arith.constant 0 : i32
      %dma_start3A_60 = tpu.memref_slice %arg4[%dma_start3A_59] : memref<100000xf32, #tpu.memory_space<hbm>> -> memref<100000xf32, #tpu.memory_space<hbm>>
      tpu.enqueue_indirect_dma source(%dma_start3A_60 : memref<100000xf32, #tpu.memory_space<hbm>>) target(%arg14 : memref<128xf32, #tpu.memory_space<vmem>>) offsets(%dma_start3A_58 : memref<128xi32, #tpu.memory_space<vmem>>) semaphore(%run_scoped3A_56 : memref<!tpu.dma_semaphore, #tpu.memory_space<semaphore_mem>>)
      %dma_wait3A = arith.constant 0 : i32
      %dma_wait3A_61 = tpu.memref_slice %arg11[%run_scoped3A_44, %dma_wait3A] : memref<3x128xi32, #tpu.memory_space<vmem>> -> memref<1x128xi32, #tpu.memory_space<vmem>>
      %dma_wait3A_62 = tpu.memref_squeeze %dma_wait3A_61 : memref<1x128xi32, #tpu.memory_space<vmem>> -> memref<128xi32, #tpu.memory_space<vmem>>
      %dma_wait3A_63 = arith.constant 0 : i32
      %dma_wait3A_64 = tpu.memref_slice %arg4[%dma_wait3A_63] : memref<100000xf32, #tpu.memory_space<hbm>> -> memref<100000xf32, #tpu.memory_space<hbm>>
      tpu.wait_indirect_dma semaphore(%run_scoped3A_56 : memref<!tpu.dma_semaphore, #tpu.memory_space<semaphore_mem>>) src(%dma_wait3A_64 : memref<100000xf32, #tpu.memory_space<hbm>>) dst(%arg14 : memref<128xf32, #tpu.memory_space<vmem>>)
      tpu.yield
    }) : () -> ()
    "tpu.region"() ({
      %run_scoped3A_56 = tpu.sem_alloc : memref<!tpu.dma_semaphore, #tpu.memory_space<semaphore_mem>>
      %dma_start3A = tpu.memref_slice %arg9[%mul3A_42] : memref<12288xf32, #tpu.memory_space<hbm>> -> memref<128xf32, #tpu.memory_space<hbm>>
      %dma_start3A_57 = tpu.memref_slice %arg9[%mul3A_42] : memref<12288xf32, #tpu.memory_space<hbm>> -> memref<128xf32, #tpu.memory_space<hbm>>
      tpu.enqueue_dma source(%arg14 : memref<128xf32, #tpu.memory_space<vmem>>) target(%dma_start3A_57 : memref<128xf32, #tpu.memory_space<hbm>>) target_semaphore(%run_scoped3A_56 : memref<!tpu.dma_semaphore, #tpu.memory_space<semaphore_mem>>)
      %dma_wait3A = tpu.memref_slice %arg9[%mul3A_42] : memref<12288xf32, #tpu.memory_space<hbm>> -> memref<128xf32, #tpu.memory_space<hbm>>
      %dma_wait3A_58 = tpu.memref_slice %arg9[%mul3A_42] : memref<12288xf32, #tpu.memory_space<hbm>> -> memref<128xf32, #tpu.memory_space<hbm>>
      tpu.wait_dma2 semaphore(%run_scoped3A_56 : memref<!tpu.dma_semaphore, #tpu.memory_space<semaphore_mem>>) src(%arg14 : memref<128xf32, #tpu.memory_space<vmem>>) dst(%dma_wait3A_58 : memref<128xf32, #tpu.memory_space<hbm>>)
      tpu.yield
    }) : () -> ()
    %run_scoped3A_45 = arith.constant 2 : i32
    "tpu.region"() ({
      %run_scoped3A_56 = tpu.sem_alloc : memref<!tpu.dma_semaphore, #tpu.memory_space<semaphore_mem>>
      %dma_start3A = arith.constant 0 : i32
      %dma_start3A_57 = tpu.memref_slice %arg11[%run_scoped3A_45, %dma_start3A] : memref<3x128xi32, #tpu.memory_space<vmem>> -> memref<1x128xi32, #tpu.memory_space<vmem>>
      %dma_start3A_58 = tpu.memref_squeeze %dma_start3A_57 : memref<1x128xi32, #tpu.memory_space<vmem>> -> memref<128xi32, #tpu.memory_space<vmem>>
      %dma_start3A_59 = arith.constant 0 : i32
      %dma_start3A_60 = tpu.memref_slice %arg5[%dma_start3A_59] : memref<100000xf32, #tpu.memory_space<hbm>> -> memref<100000xf32, #tpu.memory_space<hbm>>
      tpu.enqueue_indirect_dma source(%dma_start3A_60 : memref<100000xf32, #tpu.memory_space<hbm>>) target(%arg15 : memref<128xf32, #tpu.memory_space<vmem>>) offsets(%dma_start3A_58 : memref<128xi32, #tpu.memory_space<vmem>>) semaphore(%run_scoped3A_56 : memref<!tpu.dma_semaphore, #tpu.memory_space<semaphore_mem>>)
      %dma_wait3A = arith.constant 0 : i32
      %dma_wait3A_61 = tpu.memref_slice %arg11[%run_scoped3A_45, %dma_wait3A] : memref<3x128xi32, #tpu.memory_space<vmem>> -> memref<1x128xi32, #tpu.memory_space<vmem>>
      %dma_wait3A_62 = tpu.memref_squeeze %dma_wait3A_61 : memref<1x128xi32, #tpu.memory_space<vmem>> -> memref<128xi32, #tpu.memory_space<vmem>>
      %dma_wait3A_63 = arith.constant 0 : i32
      %dma_wait3A_64 = tpu.memref_slice %arg5[%dma_wait3A_63] : memref<100000xf32, #tpu.memory_space<hbm>> -> memref<100000xf32, #tpu.memory_space<hbm>>
      tpu.wait_indirect_dma semaphore(%run_scoped3A_56 : memref<!tpu.dma_semaphore, #tpu.memory_space<semaphore_mem>>) src(%dma_wait3A_64 : memref<100000xf32, #tpu.memory_space<hbm>>) dst(%arg15 : memref<128xf32, #tpu.memory_space<vmem>>)
      tpu.yield
    }) : () -> ()
    "tpu.region"() ({
      %run_scoped3A_56 = tpu.sem_alloc : memref<!tpu.dma_semaphore, #tpu.memory_space<semaphore_mem>>
      %dma_start3A = tpu.memref_slice %arg10[%mul3A_42] : memref<12288xf32, #tpu.memory_space<hbm>> -> memref<128xf32, #tpu.memory_space<hbm>>
      %dma_start3A_57 = tpu.memref_slice %arg10[%mul3A_42] : memref<12288xf32, #tpu.memory_space<hbm>> -> memref<128xf32, #tpu.memory_space<hbm>>
      tpu.enqueue_dma source(%arg15 : memref<128xf32, #tpu.memory_space<vmem>>) target(%dma_start3A_57 : memref<128xf32, #tpu.memory_space<hbm>>) target_semaphore(%run_scoped3A_56 : memref<!tpu.dma_semaphore, #tpu.memory_space<semaphore_mem>>)
      %dma_wait3A = tpu.memref_slice %arg10[%mul3A_42] : memref<12288xf32, #tpu.memory_space<hbm>> -> memref<128xf32, #tpu.memory_space<hbm>>
      %dma_wait3A_58 = tpu.memref_slice %arg10[%mul3A_42] : memref<12288xf32, #tpu.memory_space<hbm>> -> memref<128xf32, #tpu.memory_space<hbm>>
      tpu.wait_dma2 semaphore(%run_scoped3A_56 : memref<!tpu.dma_semaphore, #tpu.memory_space<semaphore_mem>>) src(%arg15 : memref<128xf32, #tpu.memory_space<vmem>>) dst(%dma_wait3A_58 : memref<128xf32, #tpu.memory_space<hbm>>)
      tpu.yield
    }) : () -> ()
    %scan3A_46 = arith.constant 0 : i32
    %scan3A_47 = arith.constant 8 : i32
    %scan3A_48 = arith.addi %scan3A_46, %scan3A_47 : i32
    %scan3A_49 = arith.constant 1 : i32
    scf.for %scan3A_56 = %scan3A_46 to %scan3A_48 step %scan3A_49  : i32 {
      %mul3A_57 = arith.constant 16 : i32
      %mul3A_58 = arith.muli %scan3A_56, %mul3A_57 : i32
      %add3A_59 = arith.constant 0 : i32
      %add3A_60 = arith.addi %add3A_59, %mul3A_58 : i32
      %multiple_of3A = tpu.assume_multiple %add3A_60, 16 : i32
      %get3A = arith.constant 2 : i32
      %get3A_61 = arith.index_cast %get3A : i32 to index
      %get3A_62 = arith.index_cast %multiple_of3A : i32 to index
      %get3A_63 = tpu.vector_load %arg11[%get3A_61, %get3A_62] {strides = array<i32>} : memref<3x128xi32, #tpu.memory_space<vmem>>, vector<1x16xi32>,
      %get3A_64 = vector.shape_cast %get3A_63 : vector<1x16xi32> to vector<16xi32>
      %slice3A = vector.extract_strided_slice %get3A_64 {offsets = [0], sizes = [1], strides = [1]} : vector<16xi32> to vector<1xi32>
      %squeeze3A = vector.extract %slice3A[0] : i32 from vector<1xi32>
      %add3A_65 = arith.constant 0 : i32
      %add3A_66 = arith.addi %multiple_of3A, %add3A_65 : i32
      %dma_start3A = arith.constant 0 : i32
      %dma_start3A_67 = tpu.memref_slice %arg13[%add3A_66, %dma_start3A] : memref<128x144xf32, #tpu.memory_space<vmem>> -> memref<1x144xf32, #tpu.memory_space<vmem>>
      %dma_start3A_68 = tpu.memref_squeeze %dma_start3A_67 : memref<1x144xf32, #tpu.memory_space<vmem>> -> memref<144xf32, #tpu.memory_space<vmem>>
      %dma_start3A_69 = arith.constant 0 : i32
      %dma_start3A_70 = tpu.memref_slice %arg3[%squeeze3A, %dma_start3A_69] : memref<100000x144xf32, #tpu.memory_space<hbm>> -> memref<1x144xf32, #tpu.memory_space<hbm>>
      %dma_start3A_71 = tpu.memref_squeeze %dma_start3A_70 : memref<1x144xf32, #tpu.memory_space<hbm>> -> memref<144xf32, #tpu.memory_space<hbm>>
      %dma_start3A_72 = arith.constant 0 : i32
      %dma_start3A_73 = tpu.memref_slice %arg13[%add3A_66, %dma_start3A_72] : memref<128x144xf32, #tpu.memory_space<vmem>> -> memref<1x144xf32, #tpu.memory_space<vmem>>
      %dma_start3A_74 = tpu.memref_squeeze %dma_start3A_73 : memref<1x144xf32, #tpu.memory_space<vmem>> -> memref<144xf32, #tpu.memory_space<vmem>>
      %dma_start3A_75 = arith.constant 0 : i32
      %dma_start3A_76 = tpu.memref_slice %arg3[%squeeze3A, %dma_start3A_75] : memref<100000x144xf32, #tpu.memory_space<hbm>> -> memref<1x144xf32, #tpu.memory_space<hbm>>
      %dma_start3A_77 = tpu.memref_squeeze %dma_start3A_76 : memref<1x144xf32, #tpu.memory_space<hbm>> -> memref<144xf32, #tpu.memory_space<hbm>>
      tpu.enqueue_dma source(%dma_start3A_77 : memref<144xf32, #tpu.memory_space<hbm>>) target(%dma_start3A_74 : memref<144xf32, #tpu.memory_space<vmem>>) target_semaphore(%arg16 : memref<!tpu.dma_semaphore, #tpu.memory_space<semaphore_mem>>)
      %slice3A_78 = vector.extract_strided_slice %get3A_64 {offsets = [1], sizes = [1], strides = [1]} : vector<16xi32> to vector<1xi32>
      %squeeze3A_79 = vector.extract %slice3A_78[0] : i32 from vector<1xi32>
      %add3A_80 = arith.constant 1 : i32
      %add3A_81 = arith.addi %multiple_of3A, %add3A_80 : i32
      %dma_start3A_82 = arith.constant 0 : i32
      %dma_start3A_83 = tpu.memref_slice %arg13[%add3A_81, %dma_start3A_82] : memref<128x144xf32, #tpu.memory_space<vmem>> -> memref<1x144xf32, #tpu.memory_space<vmem>>
      %dma_start3A_84 = tpu.memref_squeeze %dma_start3A_83 : memref<1x144xf32, #tpu.memory_space<vmem>> -> memref<144xf32, #tpu.memory_space<vmem>>
      %dma_start3A_85 = arith.constant 0 : i32
      %dma_start3A_86 = tpu.memref_slice %arg3[%squeeze3A_79, %dma_start3A_85] : memref<100000x144xf32, #tpu.memory_space<hbm>> -> memref<1x144xf32, #tpu.memory_space<hbm>>
      %dma_start3A_87 = tpu.memref_squeeze %dma_start3A_86 : memref<1x144xf32, #tpu.memory_space<hbm>> -> memref<144xf32, #tpu.memory_space<hbm>>
      %dma_start3A_88 = arith.constant 0 : i32
      %dma_start3A_89 = tpu.memref_slice %arg13[%add3A_81, %dma_start3A_88] : memref<128x144xf32, #tpu.memory_space<vmem>> -> memref<1x144xf32, #tpu.memory_space<vmem>>
      %dma_start3A_90 = tpu.memref_squeeze %dma_start3A_89 : memref<1x144xf32, #tpu.memory_space<vmem>> -> memref<144xf32, #tpu.memory_space<vmem>>
      %dma_start3A_91 = arith.constant 0 : i32
      %dma_start3A_92 = tpu.memref_slice %arg3[%squeeze3A_79, %dma_start3A_91] : memref<100000x144xf32, #tpu.memory_space<hbm>> -> memref<1x144xf32, #tpu.memory_space<hbm>>
      %dma_start3A_93 = tpu.memref_squeeze %dma_start3A_92 : memref<1x144xf32, #tpu.memory_space<hbm>> -> memref<144xf32, #tpu.memory_space<hbm>>
      tpu.enqueue_dma source(%dma_start3A_93 : memref<144xf32, #tpu.memory_space<hbm>>) target(%dma_start3A_90 : memref<144xf32, #tpu.memory_space<vmem>>) target_semaphore(%arg16 : memref<!tpu.dma_semaphore, #tpu.memory_space<semaphore_mem>>)
      %slice3A_94 = vector.extract_strided_slice %get3A_64 {offsets = [2], sizes = [1], strides = [1]} : vector<16xi32> to vector<1xi32>
      %squeeze3A_95 = vector.extract %slice3A_94[0] : i32 from vector<1xi32>
      %add3A_96 = arith.constant 2 : i32
      %add3A_97 = arith.addi %multiple_of3A, %add3A_96 : i32
      %dma_start3A_98 = arith.constant 0 : i32
      %dma_start3A_99 = tpu.memref_slice %arg13[%add3A_97, %dma_start3A_98] : memref<128x144xf32, #tpu.memory_space<vmem>> -> memref<1x144xf32, #tpu.memory_space<vmem>>
      %dma_start3A_100 = tpu.memref_squeeze %dma_start3A_99 : memref<1x144xf32, #tpu.memory_space<vmem>> -> memref<144xf32, #tpu.memory_space<vmem>>
      %dma_start3A_101 = arith.constant 0 : i32
      %dma_start3A_102 = tpu.memref_slice %arg3[%squeeze3A_95, %dma_start3A_101] : memref<100000x144xf32, #tpu.memory_space<hbm>> -> memref<1x144xf32, #tpu.memory_space<hbm>>
      %dma_start3A_103 = tpu.memref_squeeze %dma_start3A_102 : memref<1x144xf32, #tpu.memory_space<hbm>> -> memref<144xf32, #tpu.memory_space<hbm>>
      %dma_start3A_104 = arith.constant 0 : i32
      %dma_start3A_105 = tpu.memref_slice %arg13[%add3A_97, %dma_start3A_104] : memref<128x144xf32, #tpu.memory_space<vmem>> -> memref<1x144xf32, #tpu.memory_space<vmem>>
      %dma_start3A_106 = tpu.memref_squeeze %dma_start3A_105 : memref<1x144xf32, #tpu.memory_space<vmem>> -> memref<144xf32, #tpu.memory_space<vmem>>
      %dma_start3A_107 = arith.constant 0 : i32
      %dma_start3A_108 = tpu.memref_slice %arg3[%squeeze3A_95, %dma_start3A_107] : memref<100000x144xf32, #tpu.memory_space<hbm>> -> memref<1x144xf32, #tpu.memory_space<hbm>>
      %dma_start3A_109 = tpu.memref_squeeze %dma_start3A_108 : memref<1x144xf32, #tpu.memory_space<hbm>> -> memref<144xf32, #tpu.memory_space<hbm>>
      tpu.enqueue_dma source(%dma_start3A_109 : memref<144xf32, #tpu.memory_space<hbm>>) target(%dma_start3A_106 : memref<144xf32, #tpu.memory_space<vmem>>) target_semaphore(%arg16 : memref<!tpu.dma_semaphore, #tpu.memory_space<semaphore_mem>>)
      %slice3A_110 = vector.extract_strided_slice %get3A_64 {offsets = [3], sizes = [1], strides = [1]} : vector<16xi32> to vector<1xi32>
      %squeeze3A_111 = vector.extract %slice3A_110[0] : i32 from vector<1xi32>
      %add3A_112 = arith.constant 3 : i32
      %add3A_113 = arith.addi %multiple_of3A, %add3A_112 : i32
      %dma_start3A_114 = arith.constant 0 : i32
      %dma_start3A_115 = tpu.memref_slice %arg13[%add3A_113, %dma_start3A_114] : memref<128x144xf32, #tpu.memory_space<vmem>> -> memref<1x144xf32, #tpu.memory_space<vmem>>
      %dma_start3A_116 = tpu.memref_squeeze %dma_start3A_115 : memref<1x144xf32, #tpu.memory_space<vmem>> -> memref<144xf32, #tpu.memory_space<vmem>>
      %dma_start3A_117 = arith.constant 0 : i32
      %dma_start3A_118 = tpu.memref_slice %arg3[%squeeze3A_111, %dma_start3A_117] : memref<100000x144xf32, #tpu.memory_space<hbm>> -> memref<1x144xf32, #tpu.memory_space<hbm>>
      %dma_start3A_119 = tpu.memref_squeeze %dma_start3A_118 : memref<1x144xf32, #tpu.memory_space<hbm>> -> memref<144xf32, #tpu.memory_space<hbm>>
      %dma_start3A_120 = arith.constant 0 : i32
      %dma_start3A_121 = tpu.memref_slice %arg13[%add3A_113, %dma_start3A_120] : memref<128x144xf32, #tpu.memory_space<vmem>> -> memref<1x144xf32, #tpu.memory_space<vmem>>
      %dma_start3A_122 = tpu.memref_squeeze %dma_start3A_121 : memref<1x144xf32, #tpu.memory_space<vmem>> -> memref<144xf32, #tpu.memory_space<vmem>>
      %dma_start3A_123 = arith.constant 0 : i32
      %dma_start3A_124 = tpu.memref_slice %arg3[%squeeze3A_111, %dma_start3A_123] : memref<100000x144xf32, #tpu.memory_space<hbm>> -> memref<1x144xf32, #tpu.memory_space<hbm>>
      %dma_start3A_125 = tpu.memref_squeeze %dma_start3A_124 : memref<1x144xf32, #tpu.memory_space<hbm>> -> memref<144xf32, #tpu.memory_space<hbm>>
      tpu.enqueue_dma source(%dma_start3A_125 : memref<144xf32, #tpu.memory_space<hbm>>) target(%dma_start3A_122 : memref<144xf32, #tpu.memory_space<vmem>>) target_semaphore(%arg16 : memref<!tpu.dma_semaphore, #tpu.memory_space<semaphore_mem>>)
      %slice3A_126 = vector.extract_strided_slice %get3A_64 {offsets = [4], sizes = [1], strides = [1]} : vector<16xi32> to vector<1xi32>
      %squeeze3A_127 = vector.extract %slice3A_126[0] : i32 from vector<1xi32>
      %add3A_128 = arith.constant 4 : i32
      %add3A_129 = arith.addi %multiple_of3A, %add3A_128 : i32
      %dma_start3A_130 = arith.constant 0 : i32
      %dma_start3A_131 = tpu.memref_slice %arg13[%add3A_129, %dma_start3A_130] : memref<128x144xf32, #tpu.memory_space<vmem>> -> memref<1x144xf32, #tpu.memory_space<vmem>>
      %dma_start3A_132 = tpu.memref_squeeze %dma_start3A_131 : memref<1x144xf32, #tpu.memory_space<vmem>> -> memref<144xf32, #tpu.memory_space<vmem>>
      %dma_start3A_133 = arith.constant 0 : i32
      %dma_start3A_134 = tpu.memref_slice %arg3[%squeeze3A_127, %dma_start3A_133] : memref<100000x144xf32, #tpu.memory_space<hbm>> -> memref<1x144xf32, #tpu.memory_space<hbm>>
      %dma_start3A_135 = tpu.memref_squeeze %dma_start3A_134 : memref<1x144xf32, #tpu.memory_space<hbm>> -> memref<144xf32, #tpu.memory_space<hbm>>
      %dma_start3A_136 = arith.constant 0 : i32
      %dma_start3A_137 = tpu.memref_slice %arg13[%add3A_129, %dma_start3A_136] : memref<128x144xf32, #tpu.memory_space<vmem>> -> memref<1x144xf32, #tpu.memory_space<vmem>>
      %dma_start3A_138 = tpu.memref_squeeze %dma_start3A_137 : memref<1x144xf32, #tpu.memory_space<vmem>> -> memref<144xf32, #tpu.memory_space<vmem>>
      %dma_start3A_139 = arith.constant 0 : i32
      %dma_start3A_140 = tpu.memref_slice %arg3[%squeeze3A_127, %dma_start3A_139] : memref<100000x144xf32, #tpu.memory_space<hbm>> -> memref<1x144xf32, #tpu.memory_space<hbm>>
      %dma_start3A_141 = tpu.memref_squeeze %dma_start3A_140 : memref<1x144xf32, #tpu.memory_space<hbm>> -> memref<144xf32, #tpu.memory_space<hbm>>
      tpu.enqueue_dma source(%dma_start3A_141 : memref<144xf32, #tpu.memory_space<hbm>>) target(%dma_start3A_138 : memref<144xf32, #tpu.memory_space<vmem>>) target_semaphore(%arg16 : memref<!tpu.dma_semaphore, #tpu.memory_space<semaphore_mem>>)
      %slice3A_142 = vector.extract_strided_slice %get3A_64 {offsets = [5], sizes = [1], strides = [1]} : vector<16xi32> to vector<1xi32>
      %squeeze3A_143 = vector.extract %slice3A_142[0] : i32 from vector<1xi32>
      %add3A_144 = arith.constant 5 : i32
      %add3A_145 = arith.addi %multiple_of3A, %add3A_144 : i32
      %dma_start3A_146 = arith.constant 0 : i32
      %dma_start3A_147 = tpu.memref_slice %arg13[%add3A_145, %dma_start3A_146] : memref<128x144xf32, #tpu.memory_space<vmem>> -> memref<1x144xf32, #tpu.memory_space<vmem>>
      %dma_start3A_148 = tpu.memref_squeeze %dma_start3A_147 : memref<1x144xf32, #tpu.memory_space<vmem>> -> memref<144xf32, #tpu.memory_space<vmem>>
      %dma_start3A_149 = arith.constant 0 : i32
      %dma_start3A_150 = tpu.memref_slice %arg3[%squeeze3A_143, %dma_start3A_149] : memref<100000x144xf32, #tpu.memory_space<hbm>> -> memref<1x144xf32, #tpu.memory_space<hbm>>
      %dma_start3A_151 = tpu.memref_squeeze %dma_start3A_150 : memref<1x144xf32, #tpu.memory_space<hbm>> -> memref<144xf32, #tpu.memory_space<hbm>>
      %dma_start3A_152 = arith.constant 0 : i32
      %dma_start3A_153 = tpu.memref_slice %arg13[%add3A_145, %dma_start3A_152] : memref<128x144xf32, #tpu.memory_space<vmem>> -> memref<1x144xf32, #tpu.memory_space<vmem>>
      %dma_start3A_154 = tpu.memref_squeeze %dma_start3A_153 : memref<1x144xf32, #tpu.memory_space<vmem>> -> memref<144xf32, #tpu.memory_space<vmem>>
      %dma_start3A_155 = arith.constant 0 : i32
      %dma_start3A_156 = tpu.memref_slice %arg3[%squeeze3A_143, %dma_start3A_155] : memref<100000x144xf32, #tpu.memory_space<hbm>> -> memref<1x144xf32, #tpu.memory_space<hbm>>
      %dma_start3A_157 = tpu.memref_squeeze %dma_start3A_156 : memref<1x144xf32, #tpu.memory_space<hbm>> -> memref<144xf32, #tpu.memory_space<hbm>>
      tpu.enqueue_dma source(%dma_start3A_157 : memref<144xf32, #tpu.memory_space<hbm>>) target(%dma_start3A_154 : memref<144xf32, #tpu.memory_space<vmem>>) target_semaphore(%arg16 : memref<!tpu.dma_semaphore, #tpu.memory_space<semaphore_mem>>)
      %slice3A_158 = vector.extract_strided_slice %get3A_64 {offsets = [6], sizes = [1], strides = [1]} : vector<16xi32> to vector<1xi32>
      %squeeze3A_159 = vector.extract %slice3A_158[0] : i32 from vector<1xi32>
      %add3A_160 = arith.constant 6 : i32
      %add3A_161 = arith.addi %multiple_of3A, %add3A_160 : i32
      %dma_start3A_162 = arith.constant 0 : i32
      %dma_start3A_163 = tpu.memref_slice %arg13[%add3A_161, %dma_start3A_162] : memref<128x144xf32, #tpu.memory_space<vmem>> -> memref<1x144xf32, #tpu.memory_space<vmem>>
      %dma_start3A_164 = tpu.memref_squeeze %dma_start3A_163 : memref<1x144xf32, #tpu.memory_space<vmem>> -> memref<144xf32, #tpu.memory_space<vmem>>
      %dma_start3A_165 = arith.constant 0 : i32
      %dma_start3A_166 = tpu.memref_slice %arg3[%squeeze3A_159, %dma_start3A_165] : memref<100000x144xf32, #tpu.memory_space<hbm>> -> memref<1x144xf32, #tpu.memory_space<hbm>>
      %dma_start3A_167 = tpu.memref_squeeze %dma_start3A_166 : memref<1x144xf32, #tpu.memory_space<hbm>> -> memref<144xf32, #tpu.memory_space<hbm>>
      %dma_start3A_168 = arith.constant 0 : i32
      %dma_start3A_169 = tpu.memref_slice %arg13[%add3A_161, %dma_start3A_168] : memref<128x144xf32, #tpu.memory_space<vmem>> -> memref<1x144xf32, #tpu.memory_space<vmem>>
      %dma_start3A_170 = tpu.memref_squeeze %dma_start3A_169 : memref<1x144xf32, #tpu.memory_space<vmem>> -> memref<144xf32, #tpu.memory_space<vmem>>
      %dma_start3A_171 = arith.constant 0 : i32
      %dma_start3A_172 = tpu.memref_slice %arg3[%squeeze3A_159, %dma_start3A_171] : memref<100000x144xf32, #tpu.memory_space<hbm>> -> memref<1x144xf32, #tpu.memory_space<hbm>>
      %dma_start3A_173 = tpu.memref_squeeze %dma_start3A_172 : memref<1x144xf32, #tpu.memory_space<hbm>> -> memref<144xf32, #tpu.memory_space<hbm>>
      tpu.enqueue_dma source(%dma_start3A_173 : memref<144xf32, #tpu.memory_space<hbm>>) target(%dma_start3A_170 : memref<144xf32, #tpu.memory_space<vmem>>) target_semaphore(%arg16 : memref<!tpu.dma_semaphore, #tpu.memory_space<semaphore_mem>>)
      %slice3A_174 = vector.extract_strided_slice %get3A_64 {offsets = [7], sizes = [1], strides = [1]} : vector<16xi32> to vector<1xi32>
      %squeeze3A_175 = vector.extract %slice3A_174[0] : i32 from vector<1xi32>
      %add3A_176 = arith.constant 7 : i32
      %add3A_177 = arith.addi %multiple_of3A, %add3A_176 : i32
      %dma_start3A_178 = arith.constant 0 : i32
      %dma_start3A_179 = tpu.memref_slice %arg13[%add3A_177, %dma_start3A_178] : memref<128x144xf32, #tpu.memory_space<vmem>> -> memref<1x144xf32, #tpu.memory_space<vmem>>
      %dma_start3A_180 = tpu.memref_squeeze %dma_start3A_179 : memref<1x144xf32, #tpu.memory_space<vmem>> -> memref<144xf32, #tpu.memory_space<vmem>>
      %dma_start3A_181 = arith.constant 0 : i32
      %dma_start3A_182 = tpu.memref_slice %arg3[%squeeze3A_175, %dma_start3A_181] : memref<100000x144xf32, #tpu.memory_space<hbm>> -> memref<1x144xf32, #tpu.memory_space<hbm>>
      %dma_start3A_183 = tpu.memref_squeeze %dma_start3A_182 : memref<1x144xf32, #tpu.memory_space<hbm>> -> memref<144xf32, #tpu.memory_space<hbm>>
      %dma_start3A_184 = arith.constant 0 : i32
      %dma_start3A_185 = tpu.memref_slice %arg13[%add3A_177, %dma_start3A_184] : memref<128x144xf32, #tpu.memory_space<vmem>> -> memref<1x144xf32, #tpu.memory_space<vmem>>
      %dma_start3A_186 = tpu.memref_squeeze %dma_start3A_185 : memref<1x144xf32, #tpu.memory_space<vmem>> -> memref<144xf32, #tpu.memory_space<vmem>>
      %dma_start3A_187 = arith.constant 0 : i32
      %dma_start3A_188 = tpu.memref_slice %arg3[%squeeze3A_175, %dma_start3A_187] : memref<100000x144xf32, #tpu.memory_space<hbm>> -> memref<1x144xf32, #tpu.memory_space<hbm>>
      %dma_start3A_189 = tpu.memref_squeeze %dma_start3A_188 : memref<1x144xf32, #tpu.memory_space<hbm>> -> memref<144xf32, #tpu.memory_space<hbm>>
      tpu.enqueue_dma source(%dma_start3A_189 : memref<144xf32, #tpu.memory_space<hbm>>) target(%dma_start3A_186 : memref<144xf32, #tpu.memory_space<vmem>>) target_semaphore(%arg16 : memref<!tpu.dma_semaphore, #tpu.memory_space<semaphore_mem>>)
      %slice3A_190 = vector.extract_strided_slice %get3A_64 {offsets = [8], sizes = [1], strides = [1]} : vector<16xi32> to vector<1xi32>
      %squeeze3A_191 = vector.extract %slice3A_190[0] : i32 from vector<1xi32>
      %add3A_192 = arith.constant 8 : i32
      %add3A_193 = arith.addi %multiple_of3A, %add3A_192 : i32
      %dma_start3A_194 = arith.constant 0 : i32
      %dma_start3A_195 = tpu.memref_slice %arg13[%add3A_193, %dma_start3A_194] : memref<128x144xf32, #tpu.memory_space<vmem>> -> memref<1x144xf32, #tpu.memory_space<vmem>>
      %dma_start3A_196 = tpu.memref_squeeze %dma_start3A_195 : memref<1x144xf32, #tpu.memory_space<vmem>> -> memref<144xf32, #tpu.memory_space<vmem>>
      %dma_start3A_197 = arith.constant 0 : i32
      %dma_start3A_198 = tpu.memref_slice %arg3[%squeeze3A_191, %dma_start3A_197] : memref<100000x144xf32, #tpu.memory_space<hbm>> -> memref<1x144xf32, #tpu.memory_space<hbm>>
      %dma_start3A_199 = tpu.memref_squeeze %dma_start3A_198 : memref<1x144xf32, #tpu.memory_space<hbm>> -> memref<144xf32, #tpu.memory_space<hbm>>
      %dma_start3A_200 = arith.constant 0 : i32
      %dma_start3A_201 = tpu.memref_slice %arg13[%add3A_193, %dma_start3A_200] : memref<128x144xf32, #tpu.memory_space<vmem>> -> memref<1x144xf32, #tpu.memory_space<vmem>>
      %dma_start3A_202 = tpu.memref_squeeze %dma_start3A_201 : memref<1x144xf32, #tpu.memory_space<vmem>> -> memref<144xf32, #tpu.memory_space<vmem>>
      %dma_start3A_203 = arith.constant 0 : i32
      %dma_start3A_204 = tpu.memref_slice %arg3[%squeeze3A_191, %dma_start3A_203] : memref<100000x144xf32, #tpu.memory_space<hbm>> -> memref<1x144xf32, #tpu.memory_space<hbm>>
      %dma_start3A_205 = tpu.memref_squeeze %dma_start3A_204 : memref<1x144xf32, #tpu.memory_space<hbm>> -> memref<144xf32, #tpu.memory_space<hbm>>
      tpu.enqueue_dma source(%dma_start3A_205 : memref<144xf32, #tpu.memory_space<hbm>>) target(%dma_start3A_202 : memref<144xf32, #tpu.memory_space<vmem>>) target_semaphore(%arg16 : memref<!tpu.dma_semaphore, #tpu.memory_space<semaphore_mem>>)
      %slice3A_206 = vector.extract_strided_slice %get3A_64 {offsets = [9], sizes = [1], strides = [1]} : vector<16xi32> to vector<1xi32>
      %squeeze3A_207 = vector.extract %slice3A_206[0] : i32 from vector<1xi32>
      %add3A_208 = arith.constant 9 : i32
      %add3A_209 = arith.addi %multiple_of3A, %add3A_208 : i32
      %dma_start3A_210 = arith.constant 0 : i32
      %dma_start3A_211 = tpu.memref_slice %arg13[%add3A_209, %dma_start3A_210] : memref<128x144xf32, #tpu.memory_space<vmem>> -> memref<1x144xf32, #tpu.memory_space<vmem>>
      %dma_start3A_212 = tpu.memref_squeeze %dma_start3A_211 : memref<1x144xf32, #tpu.memory_space<vmem>> -> memref<144xf32, #tpu.memory_space<vmem>>
      %dma_start3A_213 = arith.constant 0 : i32
      %dma_start3A_214 = tpu.memref_slice %arg3[%squeeze3A_207, %dma_start3A_213] : memref<100000x144xf32, #tpu.memory_space<hbm>> -> memref<1x144xf32, #tpu.memory_space<hbm>>
      %dma_start3A_215 = tpu.memref_squeeze %dma_start3A_214 : memref<1x144xf32, #tpu.memory_space<hbm>> -> memref<144xf32, #tpu.memory_space<hbm>>
      %dma_start3A_216 = arith.constant 0 : i32
      %dma_start3A_217 = tpu.memref_slice %arg13[%add3A_209, %dma_start3A_216] : memref<128x144xf32, #tpu.memory_space<vmem>> -> memref<1x144xf32, #tpu.memory_space<vmem>>
      %dma_start3A_218 = tpu.memref_squeeze %dma_start3A_217 : memref<1x144xf32, #tpu.memory_space<vmem>> -> memref<144xf32, #tpu.memory_space<vmem>>
      %dma_start3A_219 = arith.constant 0 : i32
      %dma_start3A_220 = tpu.memref_slice %arg3[%squeeze3A_207, %dma_start3A_219] : memref<100000x144xf32, #tpu.memory_space<hbm>> -> memref<1x144xf32, #tpu.memory_space<hbm>>
      %dma_start3A_221 = tpu.memref_squeeze %dma_start3A_220 : memref<1x144xf32, #tpu.memory_space<hbm>> -> memref<144xf32, #tpu.memory_space<hbm>>
      tpu.enqueue_dma source(%dma_start3A_221 : memref<144xf32, #tpu.memory_space<hbm>>) target(%dma_start3A_218 : memref<144xf32, #tpu.memory_space<vmem>>) target_semaphore(%arg16 : memref<!tpu.dma_semaphore, #tpu.memory_space<semaphore_mem>>)
      %slice3A_222 = vector.extract_strided_slice %get3A_64 {offsets = [10], sizes = [1], strides = [1]} : vector<16xi32> to vector<1xi32>
      %squeeze3A_223 = vector.extract %slice3A_222[0] : i32 from vector<1xi32>
      %add3A_224 = arith.constant 10 : i32
      %add3A_225 = arith.addi %multiple_of3A, %add3A_224 : i32
      %dma_start3A_226 = arith.constant 0 : i32
      %dma_start3A_227 = tpu.memref_slice %arg13[%add3A_225, %dma_start3A_226] : memref<128x144xf32, #tpu.memory_space<vmem>> -> memref<1x144xf32, #tpu.memory_space<vmem>>
      %dma_start3A_228 = tpu.memref_squeeze %dma_start3A_227 : memref<1x144xf32, #tpu.memory_space<vmem>> -> memref<144xf32, #tpu.memory_space<vmem>>
      %dma_start3A_229 = arith.constant 0 : i32
      %dma_start3A_230 = tpu.memref_slice %arg3[%squeeze3A_223, %dma_start3A_229] : memref<100000x144xf32, #tpu.memory_space<hbm>> -> memref<1x144xf32, #tpu.memory_space<hbm>>
      %dma_start3A_231 = tpu.memref_squeeze %dma_start3A_230 : memref<1x144xf32, #tpu.memory_space<hbm>> -> memref<144xf32, #tpu.memory_space<hbm>>
      %dma_start3A_232 = arith.constant 0 : i32
      %dma_start3A_233 = tpu.memref_slice %arg13[%add3A_225, %dma_start3A_232] : memref<128x144xf32, #tpu.memory_space<vmem>> -> memref<1x144xf32, #tpu.memory_space<vmem>>
      %dma_start3A_234 = tpu.memref_squeeze %dma_start3A_233 : memref<1x144xf32, #tpu.memory_space<vmem>> -> memref<144xf32, #tpu.memory_space<vmem>>
      %dma_start3A_235 = arith.constant 0 : i32
      %dma_start3A_236 = tpu.memref_slice %arg3[%squeeze3A_223, %dma_start3A_235] : memref<100000x144xf32, #tpu.memory_space<hbm>> -> memref<1x144xf32, #tpu.memory_space<hbm>>
      %dma_start3A_237 = tpu.memref_squeeze %dma_start3A_236 : memref<1x144xf32, #tpu.memory_space<hbm>> -> memref<144xf32, #tpu.memory_space<hbm>>
      tpu.enqueue_dma source(%dma_start3A_237 : memref<144xf32, #tpu.memory_space<hbm>>) target(%dma_start3A_234 : memref<144xf32, #tpu.memory_space<vmem>>) target_semaphore(%arg16 : memref<!tpu.dma_semaphore, #tpu.memory_space<semaphore_mem>>)
      %slice3A_238 = vector.extract_strided_slice %get3A_64 {offsets = [11], sizes = [1], strides = [1]} : vector<16xi32> to vector<1xi32>
      %squeeze3A_239 = vector.extract %slice3A_238[0] : i32 from vector<1xi32>
      %add3A_240 = arith.constant 11 : i32
      %add3A_241 = arith.addi %multiple_of3A, %add3A_240 : i32
      %dma_start3A_242 = arith.constant 0 : i32
      %dma_start3A_243 = tpu.memref_slice %arg13[%add3A_241, %dma_start3A_242] : memref<128x144xf32, #tpu.memory_space<vmem>> -> memref<1x144xf32, #tpu.memory_space<vmem>>
      %dma_start3A_244 = tpu.memref_squeeze %dma_start3A_243 : memref<1x144xf32, #tpu.memory_space<vmem>> -> memref<144xf32, #tpu.memory_space<vmem>>
      %dma_start3A_245 = arith.constant 0 : i32
      %dma_start3A_246 = tpu.memref_slice %arg3[%squeeze3A_239, %dma_start3A_245] : memref<100000x144xf32, #tpu.memory_space<hbm>> -> memref<1x144xf32, #tpu.memory_space<hbm>>
      %dma_start3A_247 = tpu.memref_squeeze %dma_start3A_246 : memref<1x144xf32, #tpu.memory_space<hbm>> -> memref<144xf32, #tpu.memory_space<hbm>>
      %dma_start3A_248 = arith.constant 0 : i32
      %dma_start3A_249 = tpu.memref_slice %arg13[%add3A_241, %dma_start3A_248] : memref<128x144xf32, #tpu.memory_space<vmem>> -> memref<1x144xf32, #tpu.memory_space<vmem>>
      %dma_start3A_250 = tpu.memref_squeeze %dma_start3A_249 : memref<1x144xf32, #tpu.memory_space<vmem>> -> memref<144xf32, #tpu.memory_space<vmem>>
      %dma_start3A_251 = arith.constant 0 : i32
      %dma_start3A_252 = tpu.memref_slice %arg3[%squeeze3A_239, %dma_start3A_251] : memref<100000x144xf32, #tpu.memory_space<hbm>> -> memref<1x144xf32, #tpu.memory_space<hbm>>
      %dma_start3A_253 = tpu.memref_squeeze %dma_start3A_252 : memref<1x144xf32, #tpu.memory_space<hbm>> -> memref<144xf32, #tpu.memory_space<hbm>>
      tpu.enqueue_dma source(%dma_start3A_253 : memref<144xf32, #tpu.memory_space<hbm>>) target(%dma_start3A_250 : memref<144xf32, #tpu.memory_space<vmem>>) target_semaphore(%arg16 : memref<!tpu.dma_semaphore, #tpu.memory_space<semaphore_mem>>)
      %slice3A_254 = vector.extract_strided_slice %get3A_64 {offsets = [12], sizes = [1], strides = [1]} : vector<16xi32> to vector<1xi32>
      %squeeze3A_255 = vector.extract %slice3A_254[0] : i32 from vector<1xi32>
      %add3A_256 = arith.constant 12 : i32
      %add3A_257 = arith.addi %multiple_of3A, %add3A_256 : i32
      %dma_start3A_258 = arith.constant 0 : i32
      %dma_start3A_259 = tpu.memref_slice %arg13[%add3A_257, %dma_start3A_258] : memref<128x144xf32, #tpu.memory_space<vmem>> -> memref<1x144xf32, #tpu.memory_space<vmem>>
      %dma_start3A_260 = tpu.memref_squeeze %dma_start3A_259 : memref<1x144xf32, #tpu.memory_space<vmem>> -> memref<144xf32, #tpu.memory_space<vmem>>
      %dma_start3A_261 = arith.constant 0 : i32
      %dma_start3A_262 = tpu.memref_slice %arg3[%squeeze3A_255, %dma_start3A_261] : memref<100000x144xf32, #tpu.memory_space<hbm>> -> memref<1x144xf32, #tpu.memory_space<hbm>>
      %dma_start3A_263 = tpu.memref_squeeze %dma_start3A_262 : memref<1x144xf32, #tpu.memory_space<hbm>> -> memref<144xf32, #tpu.memory_space<hbm>>
      %dma_start3A_264 = arith.constant 0 : i32
      %dma_start3A_265 = tpu.memref_slice %arg13[%add3A_257, %dma_start3A_264] : memref<128x144xf32, #tpu.memory_space<vmem>> -> memref<1x144xf32, #tpu.memory_space<vmem>>
      %dma_start3A_266 = tpu.memref_squeeze %dma_start3A_265 : memref<1x144xf32, #tpu.memory_space<vmem>> -> memref<144xf32, #tpu.memory_space<vmem>>
      %dma_start3A_267 = arith.constant 0 : i32
      %dma_start3A_268 = tpu.memref_slice %arg3[%squeeze3A_255, %dma_start3A_267] : memref<100000x144xf32, #tpu.memory_space<hbm>> -> memref<1x144xf32, #tpu.memory_space<hbm>>
      %dma_start3A_269 = tpu.memref_squeeze %dma_start3A_268 : memref<1x144xf32, #tpu.memory_space<hbm>> -> memref<144xf32, #tpu.memory_space<hbm>>
      tpu.enqueue_dma source(%dma_start3A_269 : memref<144xf32, #tpu.memory_space<hbm>>) target(%dma_start3A_266 : memref<144xf32, #tpu.memory_space<vmem>>) target_semaphore(%arg16 : memref<!tpu.dma_semaphore, #tpu.memory_space<semaphore_mem>>)
      %slice3A_270 = vector.extract_strided_slice %get3A_64 {offsets = [13], sizes = [1], strides = [1]} : vector<16xi32> to vector<1xi32>
      %squeeze3A_271 = vector.extract %slice3A_270[0] : i32 from vector<1xi32>
      %add3A_272 = arith.constant 13 : i32
      %add3A_273 = arith.addi %multiple_of3A, %add3A_272 : i32
      %dma_start3A_274 = arith.constant 0 : i32
      %dma_start3A_275 = tpu.memref_slice %arg13[%add3A_273, %dma_start3A_274] : memref<128x144xf32, #tpu.memory_space<vmem>> -> memref<1x144xf32, #tpu.memory_space<vmem>>
      %dma_start3A_276 = tpu.memref_squeeze %dma_start3A_275 : memref<1x144xf32, #tpu.memory_space<vmem>> -> memref<144xf32, #tpu.memory_space<vmem>>
      %dma_start3A_277 = arith.constant 0 : i32
      %dma_start3A_278 = tpu.memref_slice %arg3[%squeeze3A_271, %dma_start3A_277] : memref<100000x144xf32, #tpu.memory_space<hbm>> -> memref<1x144xf32, #tpu.memory_space<hbm>>
      %dma_start3A_279 = tpu.memref_squeeze %dma_start3A_278 : memref<1x144xf32, #tpu.memory_space<hbm>> -> memref<144xf32, #tpu.memory_space<hbm>>
      %dma_start3A_280 = arith.constant 0 : i32
      %dma_start3A_281 = tpu.memref_slice %arg13[%add3A_273, %dma_start3A_280] : memref<128x144xf32, #tpu.memory_space<vmem>> -> memref<1x144xf32, #tpu.memory_space<vmem>>
      %dma_start3A_282 = tpu.memref_squeeze %dma_start3A_281 : memref<1x144xf32, #tpu.memory_space<vmem>> -> memref<144xf32, #tpu.memory_space<vmem>>
      %dma_start3A_283 = arith.constant 0 : i32
      %dma_start3A_284 = tpu.memref_slice %arg3[%squeeze3A_271, %dma_start3A_283] : memref<100000x144xf32, #tpu.memory_space<hbm>> -> memref<1x144xf32, #tpu.memory_space<hbm>>
      %dma_start3A_285 = tpu.memref_squeeze %dma_start3A_284 : memref<1x144xf32, #tpu.memory_space<hbm>> -> memref<144xf32, #tpu.memory_space<hbm>>
      tpu.enqueue_dma source(%dma_start3A_285 : memref<144xf32, #tpu.memory_space<hbm>>) target(%dma_start3A_282 : memref<144xf32, #tpu.memory_space<vmem>>) target_semaphore(%arg16 : memref<!tpu.dma_semaphore, #tpu.memory_space<semaphore_mem>>)
      %slice3A_286 = vector.extract_strided_slice %get3A_64 {offsets = [14], sizes = [1], strides = [1]} : vector<16xi32> to vector<1xi32>
      %squeeze3A_287 = vector.extract %slice3A_286[0] : i32 from vector<1xi32>
      %add3A_288 = arith.constant 14 : i32
      %add3A_289 = arith.addi %multiple_of3A, %add3A_288 : i32
      %dma_start3A_290 = arith.constant 0 : i32
      %dma_start3A_291 = tpu.memref_slice %arg13[%add3A_289, %dma_start3A_290] : memref<128x144xf32, #tpu.memory_space<vmem>> -> memref<1x144xf32, #tpu.memory_space<vmem>>
      %dma_start3A_292 = tpu.memref_squeeze %dma_start3A_291 : memref<1x144xf32, #tpu.memory_space<vmem>> -> memref<144xf32, #tpu.memory_space<vmem>>
      %dma_start3A_293 = arith.constant 0 : i32
      %dma_start3A_294 = tpu.memref_slice %arg3[%squeeze3A_287, %dma_start3A_293] : memref<100000x144xf32, #tpu.memory_space<hbm>> -> memref<1x144xf32, #tpu.memory_space<hbm>>
      %dma_start3A_295 = tpu.memref_squeeze %dma_start3A_294 : memref<1x144xf32, #tpu.memory_space<hbm>> -> memref<144xf32, #tpu.memory_space<hbm>>
      %dma_start3A_296 = arith.constant 0 : i32
      %dma_start3A_297 = tpu.memref_slice %arg13[%add3A_289, %dma_start3A_296] : memref<128x144xf32, #tpu.memory_space<vmem>> -> memref<1x144xf32, #tpu.memory_space<vmem>>
      %dma_start3A_298 = tpu.memref_squeeze %dma_start3A_297 : memref<1x144xf32, #tpu.memory_space<vmem>> -> memref<144xf32, #tpu.memory_space<vmem>>
      %dma_start3A_299 = arith.constant 0 : i32
      %dma_start3A_300 = tpu.memref_slice %arg3[%squeeze3A_287, %dma_start3A_299] : memref<100000x144xf32, #tpu.memory_space<hbm>> -> memref<1x144xf32, #tpu.memory_space<hbm>>
      %dma_start3A_301 = tpu.memref_squeeze %dma_start3A_300 : memref<1x144xf32, #tpu.memory_space<hbm>> -> memref<144xf32, #tpu.memory_space<hbm>>
      tpu.enqueue_dma source(%dma_start3A_301 : memref<144xf32, #tpu.memory_space<hbm>>) target(%dma_start3A_298 : memref<144xf32, #tpu.memory_space<vmem>>) target_semaphore(%arg16 : memref<!tpu.dma_semaphore, #tpu.memory_space<semaphore_mem>>)
      %slice3A_302 = vector.extract_strided_slice %get3A_64 {offsets = [15], sizes = [1], strides = [1]} : vector<16xi32> to vector<1xi32>
      %squeeze3A_303 = vector.extract %slice3A_302[0] : i32 from vector<1xi32>
      %add3A_304 = arith.constant 15 : i32
      %add3A_305 = arith.addi %multiple_of3A, %add3A_304 : i32
      %dma_start3A_306 = arith.constant 0 : i32
      %dma_start3A_307 = tpu.memref_slice %arg13[%add3A_305, %dma_start3A_306] : memref<128x144xf32, #tpu.memory_space<vmem>> -> memref<1x144xf32, #tpu.memory_space<vmem>>
      %dma_start3A_308 = tpu.memref_squeeze %dma_start3A_307 : memref<1x144xf32, #tpu.memory_space<vmem>> -> memref<144xf32, #tpu.memory_space<vmem>>
      %dma_start3A_309 = arith.constant 0 : i32
      %dma_start3A_310 = tpu.memref_slice %arg3[%squeeze3A_303, %dma_start3A_309] : memref<100000x144xf32, #tpu.memory_space<hbm>> -> memref<1x144xf32, #tpu.memory_space<hbm>>
      %dma_start3A_311 = tpu.memref_squeeze %dma_start3A_310 : memref<1x144xf32, #tpu.memory_space<hbm>> -> memref<144xf32, #tpu.memory_space<hbm>>
      %dma_start3A_312 = arith.constant 0 : i32
      %dma_start3A_313 = tpu.memref_slice %arg13[%add3A_305, %dma_start3A_312] : memref<128x144xf32, #tpu.memory_space<vmem>> -> memref<1x144xf32, #tpu.memory_space<vmem>>
      %dma_start3A_314 = tpu.memref_squeeze %dma_start3A_313 : memref<1x144xf32, #tpu.memory_space<vmem>> -> memref<144xf32, #tpu.memory_space<vmem>>
      %dma_start3A_315 = arith.constant 0 : i32
      %dma_start3A_316 = tpu.memref_slice %arg3[%squeeze3A_303, %dma_start3A_315] : memref<100000x144xf32, #tpu.memory_space<hbm>> -> memref<1x144xf32, #tpu.memory_space<hbm>>
      %dma_start3A_317 = tpu.memref_squeeze %dma_start3A_316 : memref<1x144xf32, #tpu.memory_space<hbm>> -> memref<144xf32, #tpu.memory_space<hbm>>
      tpu.enqueue_dma source(%dma_start3A_317 : memref<144xf32, #tpu.memory_space<hbm>>) target(%dma_start3A_314 : memref<144xf32, #tpu.memory_space<vmem>>) target_semaphore(%arg16 : memref<!tpu.dma_semaphore, #tpu.memory_space<semaphore_mem>>)
    }
    %scan3A_50 = arith.constant 8 : i32
    %scan3A_51 = arith.constant 0 : i32
    %scan3A_52 = arith.constant 128 : i32
    %scan3A_53 = arith.addi %scan3A_51, %scan3A_52 : i32
    %scan3A_54 = arith.constant 1 : i32
    scf.for %scan3A_56 = %scan3A_51 to %scan3A_53 step %scan3A_54  : i32 {
      %mul3A_57 = arith.constant 1 : i32
      %mul3A_58 = arith.muli %scan3A_56, %mul3A_57 : i32
      %add3A_59 = arith.constant 0 : i32
      %add3A_60 = arith.addi %add3A_59, %mul3A_58 : i32
      %dma_wait3A = arith.constant 0 : i32
      %dma_wait3A_61 = arith.constant 0 : i32
      %dma_wait3A_62 = arith.constant 0 : i32
      %dma_wait3A_63 = tpu.memref_slice %arg13[%dma_wait3A_61, %dma_wait3A_62] : memref<128x144xf32, #tpu.memory_space<vmem>> -> memref<1x144xf32, #tpu.memory_space<vmem>>
      %dma_wait3A_64 = tpu.memref_squeeze %dma_wait3A_63 : memref<1x144xf32, #tpu.memory_space<vmem>> -> memref<144xf32, #tpu.memory_space<vmem>>
      %dma_wait3A_65 = arith.constant 0 : i32
      %dma_wait3A_66 = tpu.memref_slice %arg3[%dma_wait3A, %dma_wait3A_65] : memref<100000x144xf32, #tpu.memory_space<hbm>> -> memref<1x144xf32, #tpu.memory_space<hbm>>
      %dma_wait3A_67 = tpu.memref_squeeze %dma_wait3A_66 : memref<1x144xf32, #tpu.memory_space<hbm>> -> memref<144xf32, #tpu.memory_space<hbm>>
      %dma_wait3A_68 = arith.constant 0 : i32
      %dma_wait3A_69 = tpu.memref_slice %arg13[%dma_wait3A_61, %dma_wait3A_68] : memref<128x144xf32, #tpu.memory_space<vmem>> -> memref<1x144xf32, #tpu.memory_space<vmem>>
      %dma_wait3A_70 = tpu.memref_squeeze %dma_wait3A_69 : memref<1x144xf32, #tpu.memory_space<vmem>> -> memref<144xf32, #tpu.memory_space<vmem>>
      %dma_wait3A_71 = arith.constant 0 : i32
      %dma_wait3A_72 = tpu.memref_slice %arg3[%dma_wait3A, %dma_wait3A_71] : memref<100000x144xf32, #tpu.memory_space<hbm>> -> memref<1x144xf32, #tpu.memory_space<hbm>>
      %dma_wait3A_73 = tpu.memref_squeeze %dma_wait3A_72 : memref<1x144xf32, #tpu.memory_space<hbm>> -> memref<144xf32, #tpu.memory_space<hbm>>
      tpu.wait_dma2 semaphore(%arg16 : memref<!tpu.dma_semaphore, #tpu.memory_space<semaphore_mem>>) src(%dma_wait3A_73 : memref<144xf32, #tpu.memory_space<hbm>>) dst(%dma_wait3A_70 : memref<144xf32, #tpu.memory_space<vmem>>)
    }
    %scan3A_55 = arith.constant 128 : i32
    "tpu.region"() ({
      %run_scoped3A_56 = tpu.sem_alloc : memref<!tpu.dma_semaphore, #tpu.memory_space<semaphore_mem>>
      %dma_start3A = arith.constant 0 : i32
      %dma_start3A_57 = tpu.memref_slice %arg8[%mul3A_42, %dma_start3A] : memref<12288x144xf32, #tpu.memory_space<hbm>> -> memref<128x144xf32, #tpu.memory_space<hbm>>
      %dma_start3A_58 = arith.constant 0 : i32
      %dma_start3A_59 = tpu.memref_slice %arg8[%mul3A_42, %dma_start3A_58] : memref<12288x144xf32, #tpu.memory_space<hbm>> -> memref<128x144xf32, #tpu.memory_space<hbm>>
      tpu.enqueue_dma source(%arg13 : memref<128x144xf32, #tpu.memory_space<vmem>>) target(%dma_start3A_59 : memref<128x144xf32, #tpu.memory_space<hbm>>) target_semaphore(%run_scoped3A_56 : memref<!tpu.dma_semaphore, #tpu.memory_space<semaphore_mem>>)
      %dma_wait3A = arith.constant 0 : i32
      %dma_wait3A_60 = tpu.memref_slice %arg8[%mul3A_42, %dma_wait3A] : memref<12288x144xf32, #tpu.memory_space<hbm>> -> memref<128x144xf32, #tpu.memory_space<hbm>>
      %dma_wait3A_61 = arith.constant 0 : i32
      %dma_wait3A_62 = tpu.memref_slice %arg8[%mul3A_42, %dma_wait3A_61] : memref<12288x144xf32, #tpu.memory_space<hbm>> -> memref<128x144xf32, #tpu.memory_space<hbm>>
      tpu.wait_dma2 semaphore(%run_scoped3A_56 : memref<!tpu.dma_semaphore, #tpu.memory_space<semaphore_mem>>) src(%arg13 : memref<128x144xf32, #tpu.memory_space<vmem>>) dst(%dma_wait3A_62 : memref<128x144xf32, #tpu.memory_space<hbm>>)
      tpu.yield
    }) : () -> ()
    return
  }
}

module attributes {stable_mosaic.version = 14 : i64} {
  func.func @_dense_body(%arg0: i32, %arg1: memref<3x512x128xf32, #tpu.memory_space<vmem>>, %arg2: memref<3x512x144xf32, #tpu.memory_space<vmem>>, %arg3: memref<3x512x1xf32, #tpu.memory_space<vmem>>, %arg4: memref<3x512x1xf32, #tpu.memory_space<vmem>>, %arg5: memref<512x1xf32, #tpu.memory_space<vmem>>, %arg6: memref<512x16xf32, #tpu.memory_space<vmem>>, %arg7: memref<144x128xf32, #tpu.memory_space<vmem>>, %arg8: memref<100x128xf32, #tpu.memory_space<vmem>>, %arg9: memref<128x128xf32, #tpu.memory_space<vmem>>, %arg10: memref<1x128xf32, #tpu.memory_space<vmem>>, %arg11: memref<1x100xf32, #tpu.memory_space<vmem>>, %arg12: memref<1x100xf32, #tpu.memory_space<vmem>>, %arg13: memref<1x128xf32, #tpu.memory_space<vmem>>, %arg14: memref<1x128xf32, #tpu.memory_space<vmem>>, %arg15: memref<1x128xf32, #tpu.memory_space<vmem>>, %arg16: memref<1x128xf32, #tpu.memory_space<vmem>>, %arg17: memref<128x128xf32, #tpu.memory_space<vmem>>, %arg18: memref<1x128xf32, #tpu.memory_space<vmem>>, %arg19: memref<128x128xf32, #tpu.memory_space<vmem>>, %arg20: memref<1x128xf32, #tpu.memory_space<vmem>>, %arg21: memref<128x1xf32, #tpu.memory_space<vmem>>, %arg22: memref<1x1xf32, #tpu.memory_space<vmem>>, %arg23: memref<3x512x128xf32, #tpu.memory_space<vmem>>, %arg24: memref<2x512x144xf32, #tpu.memory_space<vmem>>, %arg25: memref<512x1xf32, #tpu.memory_space<vmem>>, %arg26: memref<512x1xf32, #tpu.memory_space<vmem>>) attributes {dimension_semantics = [#tpu.dimension_semantics<arbitrary>], iteration_bounds = array<i64: 8>, scalar_prefetch = 0 : i64, scratch_operands = 0 : i64, tpu.core_type = #tpu.core_type<tc>, window_params = [{transform_indices = @transform_0, window_bounds = array<i64: 3, 512, 128>}, {transform_indices = @transform_1, window_bounds = array<i64: 3, 512, 144>}, {transform_indices = @transform_2, window_bounds = array<i64: 3, 512, 1>}, {transform_indices = @transform_3, window_bounds = array<i64: 3, 512, 1>}, {transform_indices = @transform_4, window_bounds = array<i64: 512, 1>}, {transform_indices = @transform_5, window_bounds = array<i64: 512, 16>}, {pipeline_mode = #tpu.pipeline_mode<synchronous>, transform_indices = @transform_6, window_bounds = array<i64: 144, 128>}, {pipeline_mode = #tpu.pipeline_mode<synchronous>, transform_indices = @transform_7, window_bounds = array<i64: 100, 128>}, {pipeline_mode = #tpu.pipeline_mode<synchronous>, transform_indices = @transform_8, window_bounds = array<i64: 128, 128>}, {pipeline_mode = #tpu.pipeline_mode<synchronous>, transform_indices = @transform_9, window_bounds = array<i64: 1, 128>}, {pipeline_mode = #tpu.pipeline_mode<synchronous>, transform_indices = @transform_10, window_bounds = array<i64: 1, 100>}, {pipeline_mode = #tpu.pipeline_mode<synchronous>, transform_indices = @transform_11, window_bounds = array<i64: 1, 100>}, {pipeline_mode = #tpu.pipeline_mode<synchronous>, transform_indices = @transform_12, window_bounds = array<i64: 1, 128>}, {pipeline_mode = #tpu.pipeline_mode<synchronous>, transform_indices = @transform_13, window_bounds = array<i64: 1, 128>}, {pipeline_mode = #tpu.pipeline_mode<synchronous>, transform_indices = @transform_14, window_bounds = array<i64: 1, 128>}, {pipeline_mode = #tpu.pipeline_mode<synchronous>, transform_indices = @transform_15, window_bounds = array<i64: 1, 128>}, {pipeline_mode = #tpu.pipeline_mode<synchronous>, transform_indices = @transform_16, window_bounds = array<i64: 128, 128>}, {pipeline_mode = #tpu.pipeline_mode<synchronous>, transform_indices = @transform_17, window_bounds = array<i64: 1, 128>}, {pipeline_mode = #tpu.pipeline_mode<synchronous>, transform_indices = @transform_18, window_bounds = array<i64: 128, 128>}, {pipeline_mode = #tpu.pipeline_mode<synchronous>, transform_indices = @transform_19, window_bounds = array<i64: 1, 128>}, {pipeline_mode = #tpu.pipeline_mode<synchronous>, transform_indices = @transform_20, window_bounds = array<i64: 128, 1>}, {pipeline_mode = #tpu.pipeline_mode<synchronous>, transform_indices = @transform_21, window_bounds = array<i64: 1, 1>}, {transform_indices = @transform_22, window_bounds = array<i64: 3, 512, 128>}, {transform_indices = @transform_23, window_bounds = array<i64: 2, 512, 144>}, {transform_indices = @transform_24, window_bounds = array<i64: 512, 1>}, {transform_indices = @transform_25, window_bounds = array<i64: 512, 1>}]} {
    %get3A = arith.constant 0 : index
    %get3A_0 = arith.constant 0 : index
    %get3A_1 = arith.constant 0 : index
    %get3A_2 = vector.load %arg3[%get3A, %get3A_0, %get3A_1] : memref<3x512x1xf32, #tpu.memory_space<vmem>>, vector<3x512x1xf32>
    %reshape3A = vector.shape_cast %get3A_2 : vector<3x512x1xf32> to vector<1536x1xf32>
    %get3A_3 = arith.constant 0 : index
    %get3A_4 = arith.constant 0 : index
    %get3A_5 = arith.constant 0 : index
    %get3A_6 = vector.load %arg4[%get3A_3, %get3A_4, %get3A_5] : memref<3x512x1xf32, #tpu.memory_space<vmem>>, vector<3x512x1xf32>
    %reshape3A_7 = vector.shape_cast %get3A_6 : vector<3x512x1xf32> to vector<1536x1xf32>
    %sub3A = arith.subf %reshape3A_7, %reshape3A : vector<1536x1xf32>
    %get3A_8 = arith.constant 0 : index
    %get3A_9 = arith.constant 0 : index
    %get3A_10 = vector.load %arg11[%get3A_8, %get3A_9] : memref<1x100xf32, #tpu.memory_space<vmem>>, vector<1x100xf32>
    %mul3A = vector.broadcast %sub3A : vector<1536x1xf32> to vector<1536x100xf32>
    %mul3A_11 = vector.broadcast %get3A_10 : vector<1x100xf32> to vector<1536x100xf32>
    %mul3A_12 = arith.mulf %mul3A, %mul3A_11 : vector<1536x100xf32>
    %get3A_13 = arith.constant 0 : index
    %get3A_14 = arith.constant 0 : index
    %get3A_15 = vector.load %arg12[%get3A_13, %get3A_14] : memref<1x100xf32, #tpu.memory_space<vmem>>, vector<1x100xf32>
    %add3A = vector.broadcast %get3A_15 : vector<1x100xf32> to vector<1536x100xf32>
    %add3A_16 = arith.addf %mul3A_12, %add3A : vector<1536x100xf32>
    %cos3A = math.cos %add3A_16 : vector<1536x100xf32>
    %get3A_17 = arith.constant 0 : index
    %get3A_18 = arith.constant 0 : index
    %get3A_19 = arith.constant 0 : index
    %get3A_20 = vector.load %arg2[%get3A_17, %get3A_18, %get3A_19] : memref<3x512x144xf32, #tpu.memory_space<vmem>>, vector<3x512x144xf32>
    %reshape3A_21 = vector.shape_cast %get3A_20 : vector<3x512x144xf32> to vector<1536x144xf32>
    %get3A_22 = arith.constant 0 : index
    %get3A_23 = arith.constant 0 : index
    %get3A_24 = vector.load %arg7[%get3A_22, %get3A_23] : memref<144x128xf32, #tpu.memory_space<vmem>>, vector<144x128xf32>
    %dot_general3A = arith.constant dense<0.000000e+00> : vector<1536x128xf32>
    %dot_general3A_25 = tpu.matmul %reshape3A_21, %get3A_24, %dot_general3A {dimension_numbers = #tpu.dot_dimension_numbers<[1], [0], [0], [1], [0, 0, 1, 1], [], []>, transpose_lhs_hint = false} : vector<1536x144xf32>, vector<144x128xf32>, vector<1536x128xf32> -> vector<1536x128xf32>
    %get3A_26 = arith.constant 0 : index
    %get3A_27 = arith.constant 0 : index
    %get3A_28 = vector.load %arg8[%get3A_26, %get3A_27] : memref<100x128xf32, #tpu.memory_space<vmem>>, vector<100x128xf32>
    %dot_general3A_29 = arith.constant dense<0.000000e+00> : vector<1536x128xf32>
    %dot_general3A_30 = tpu.matmul %cos3A, %get3A_28, %dot_general3A_29 {dimension_numbers = #tpu.dot_dimension_numbers<[1], [0], [0], [1], [0, 0, 1, 1], [], []>, transpose_lhs_hint = false} : vector<1536x100xf32>, vector<100x128xf32>, vector<1536x128xf32> -> vector<1536x128xf32>
    %add3A_31 = arith.addf %dot_general3A_25, %dot_general3A_30 : vector<1536x128xf32>
    %get3A_32 = arith.constant 0 : index
    %get3A_33 = arith.constant 0 : index
    %get3A_34 = arith.constant 0 : index
    %get3A_35 = vector.load %arg1[%get3A_32, %get3A_33, %get3A_34] : memref<3x512x128xf32, #tpu.memory_space<vmem>>, vector<3x512x128xf32>
    %reshape3A_36 = vector.shape_cast %get3A_35 : vector<3x512x128xf32> to vector<1536x128xf32>
    %get3A_37 = arith.constant 0 : index
    %get3A_38 = arith.constant 0 : index
    %get3A_39 = vector.load %arg9[%get3A_37, %get3A_38] : memref<128x128xf32, #tpu.memory_space<vmem>>, vector<128x128xf32>
    %dot_general3A_40 = arith.constant dense<0.000000e+00> : vector<1536x128xf32>
    %dot_general3A_41 = tpu.matmul %reshape3A_36, %get3A_39, %dot_general3A_40 {dimension_numbers = #tpu.dot_dimension_numbers<[1], [0], [0], [1], [0, 0, 1, 1], [], []>, transpose_lhs_hint = false} : vector<1536x128xf32>, vector<128x128xf32>, vector<1536x128xf32> -> vector<1536x128xf32>
    %add3A_42 = arith.addf %add3A_31, %dot_general3A_41 : vector<1536x128xf32>
    %get3A_43 = arith.constant 0 : index
    %get3A_44 = arith.constant 0 : index
    %get3A_45 = vector.load %arg10[%get3A_43, %get3A_44] : memref<1x128xf32, #tpu.memory_space<vmem>>, vector<1x128xf32>
    %add3A_46 = vector.broadcast %get3A_45 : vector<1x128xf32> to vector<1536x128xf32>
    %add3A_47 = arith.addf %add3A_42, %add3A_46 : vector<1536x128xf32>
    %tanh3A = math.tanh %add3A_47 : vector<1536x128xf32>
    %reduce_sum3A = arith.constant dense<0.000000e+00> : vector<1536xf32>
    %reduce_sum3A_48 = vector.multi_reduction <add>, %tanh3A, %reduce_sum3A [1] : vector<1536x128xf32> to vector<1536xf32>
    %broadcast_in_dim3A = vector.shape_cast %reduce_sum3A_48 : vector<1536xf32> to vector<1536x1xf32>
    %div3A = arith.constant 1.280000e+02 : f32
    %div3A_49 = vector.broadcast %div3A : f32 to vector<1536x1xf32>
    %div3A_50 = arith.divf %broadcast_in_dim3A, %div3A_49 : vector<1536x1xf32>
    %sub3A_51 = vector.broadcast %div3A_50 : vector<1536x1xf32> to vector<1536x128xf32>
    %sub3A_52 = arith.subf %tanh3A, %sub3A_51 : vector<1536x128xf32>
    %integer_pow3A = arith.mulf %sub3A_52, %sub3A_52 : vector<1536x128xf32>
    %reduce_sum3A_53 = arith.constant dense<0.000000e+00> : vector<1536xf32>
    %reduce_sum3A_54 = vector.multi_reduction <add>, %integer_pow3A, %reduce_sum3A_53 [1] : vector<1536x128xf32> to vector<1536xf32>
    %broadcast_in_dim3A_55 = vector.shape_cast %reduce_sum3A_54 : vector<1536xf32> to vector<1536x1xf32>
    %div3A_56 = arith.constant 1.280000e+02 : f32
    %div3A_57 = vector.broadcast %div3A_56 : f32 to vector<1536x1xf32>
    %div3A_58 = arith.divf %broadcast_in_dim3A_55, %div3A_57 : vector<1536x1xf32>
    %sub3A_59 = vector.broadcast %div3A_50 : vector<1536x1xf32> to vector<1536x128xf32>
    %sub3A_60 = arith.subf %tanh3A, %sub3A_59 : vector<1536x128xf32>
    %add3A_61 = arith.constant 9.99999974E-6 : f32
    %add3A_62 = vector.broadcast %add3A_61 : f32 to vector<1536x1xf32>
    %add3A_63 = arith.addf %div3A_58, %add3A_62 : vector<1536x1xf32>
    %sqrt3A = math.sqrt %add3A_63 : vector<1536x1xf32>
    %div3A_64 = vector.broadcast %sqrt3A : vector<1536x1xf32> to vector<1536x128xf32>
    %div3A_65 = arith.divf %sub3A_60, %div3A_64 : vector<1536x128xf32>
    %get3A_66 = arith.constant 0 : index
    %get3A_67 = arith.constant 0 : index
    %get3A_68 = vector.load %arg15[%get3A_66, %get3A_67] : memref<1x128xf32, #tpu.memory_space<vmem>>, vector<1x128xf32>
    %mul3A_69 = vector.broadcast %get3A_68 : vector<1x128xf32> to vector<1536x128xf32>
    %mul3A_70 = arith.mulf %div3A_65, %mul3A_69 : vector<1536x128xf32>
    %get3A_71 = arith.constant 0 : index
    %get3A_72 = arith.constant 0 : index
    %get3A_73 = vector.load %arg16[%get3A_71, %get3A_72] : memref<1x128xf32, #tpu.memory_space<vmem>>, vector<1x128xf32>
    %add3A_74 = vector.broadcast %get3A_73 : vector<1x128xf32> to vector<1536x128xf32>
    %add3A_75 = arith.addf %mul3A_70, %add3A_74 : vector<1536x128xf32>
    %reshape3A_76 = vector.shape_cast %add3A_75 : vector<1536x128xf32> to vector<3x512x128xf32>
    %swap3A = arith.constant 0 : index
    %swap3A_77 = arith.constant 0 : index
    %swap3A_78 = arith.constant 0 : index
    %swap3A_79 = vector.load %arg23[%swap3A, %swap3A_77, %swap3A_78] : memref<3x512x128xf32, #tpu.memory_space<vmem>>, vector<3x512x128xf32>
    tpu.vector_store %arg23[%swap3A, %swap3A_77, %swap3A_78], %reshape3A_76 {strides = array<i32>} : memref<3x512x128xf32, #tpu.memory_space<vmem>>, vector<3x512x128xf32>,
    %slice3A = vector.extract_strided_slice %reshape3A_76 {offsets = [1, 0, 0], sizes = [1, 512, 128], strides = [1, 1, 1]} : vector<3x512x128xf32> to vector<1x512x128xf32>
    %squeeze3A = vector.shape_cast %slice3A : vector<1x512x128xf32> to vector<512x128xf32>
    %slice3A_80 = vector.extract_strided_slice %reshape3A_76 {offsets = [0, 0, 0], sizes = [1, 512, 128], strides = [1, 1, 1]} : vector<3x512x128xf32> to vector<1x512x128xf32>
    %squeeze3A_81 = vector.shape_cast %slice3A_80 : vector<1x512x128xf32> to vector<512x128xf32>
    %stack3A = vector.shape_cast %squeeze3A : vector<512x128xf32> to vector<1x512x128xf32>
    %stack3A_82 = vector.shape_cast %squeeze3A_81 : vector<512x128xf32> to vector<1x512x128xf32>
    %stack3A_83 = tpu.concatenate %stack3A, %stack3A_82 in 0 : vector<1x512x128xf32>, vector<1x512x128xf32> -> vector<2x512x128xf32>
    %get3A_84 = arith.constant 0 : index
    %get3A_85 = arith.constant 0 : index
    %get3A_86 = vector.load %arg6[%get3A_84, %get3A_85] : memref<512x16xf32, #tpu.memory_space<vmem>>, vector<512x16xf32>
    %broadcast_in_dim3A_87 = vector.shape_cast %get3A_86 : vector<512x16xf32> to vector<1x512x16xf32>
    %broadcast_in_dim3A_88 = vector.shape_cast %broadcast_in_dim3A_87 : vector<1x512x16xf32> to vector<1x512x16xf32>
    %broadcast_in_dim3A_89 = vector.broadcast %broadcast_in_dim3A_88 : vector<1x512x16xf32> to vector<2x512x16xf32>
    %concatenate3A = tpu.concatenate %stack3A_83, %broadcast_in_dim3A_89 in 2 : vector<2x512x128xf32>, vector<2x512x16xf32> -> vector<2x512x144xf32>
    %swap3A_90 = arith.constant 0 : index
    %swap3A_91 = arith.constant 0 : index
    %swap3A_92 = arith.constant 0 : index
    %swap3A_93 = vector.load %arg24[%swap3A_90, %swap3A_91, %swap3A_92] : memref<2x512x144xf32, #tpu.memory_space<vmem>>, vector<2x512x144xf32>
    tpu.vector_store %arg24[%swap3A_90, %swap3A_91, %swap3A_92], %concatenate3A {strides = array<i32>} : memref<2x512x144xf32, #tpu.memory_space<vmem>>, vector<2x512x144xf32>,
    %get3A_94 = arith.constant 0 : index
    %get3A_95 = arith.constant 0 : index
    %get3A_96 = vector.load %arg5[%get3A_94, %get3A_95] : memref<512x1xf32, #tpu.memory_space<vmem>>, vector<512x1xf32>
    %reshape3A_97 = vector.shape_cast %get3A_96 : vector<512x1xf32> to vector<1x512x1xf32>
    %broadcast_in_dim3A_98 = vector.shape_cast %reshape3A_97 : vector<1x512x1xf32> to vector<1x512x1xf32>
    %broadcast_in_dim3A_99 = vector.broadcast %broadcast_in_dim3A_98 : vector<1x512x1xf32> to vector<3x512x1xf32>
    %reshape3A_100 = vector.shape_cast %broadcast_in_dim3A_99 : vector<3x512x1xf32> to vector<1536x1xf32>
    %sub3A_101 = arith.subf %reshape3A_100, %reshape3A_7 : vector<1536x1xf32>
    %add3A_102 = arith.constant 1.000000e+00 : f32
    %add3A_103 = vector.broadcast %add3A_102 : f32 to vector<1536x1xf32>
    %add3A_104 = arith.addf %reshape3A_100, %add3A_103 : vector<1536x1xf32>
    %div3A_105 = arith.divf %sub3A_101, %add3A_104 : vector<1536x1xf32>
    %get3A_106 = arith.constant 0 : index
    %get3A_107 = arith.constant 0 : index
    %get3A_108 = vector.load %arg13[%get3A_106, %get3A_107] : memref<1x128xf32, #tpu.memory_space<vmem>>, vector<1x128xf32>
    %mul3A_109 = vector.broadcast %div3A_105 : vector<1536x1xf32> to vector<1536x128xf32>
    %mul3A_110 = vector.broadcast %get3A_108 : vector<1x128xf32> to vector<1536x128xf32>
    %mul3A_111 = arith.mulf %mul3A_109, %mul3A_110 : vector<1536x128xf32>
    %add3A_112 = arith.constant 1.000000e+00 : f32
    %add3A_113 = vector.broadcast %add3A_112 : f32 to vector<1536x128xf32>
    %add3A_114 = arith.addf %add3A_113, %mul3A_111 : vector<1536x128xf32>
    %get3A_115 = arith.constant 0 : index
    %get3A_116 = arith.constant 0 : index
    %get3A_117 = vector.load %arg14[%get3A_115, %get3A_116] : memref<1x128xf32, #tpu.memory_space<vmem>>, vector<1x128xf32>
    %add3A_118 = vector.broadcast %get3A_117 : vector<1x128xf32> to vector<1536x128xf32>
    %add3A_119 = arith.addf %add3A_114, %add3A_118 : vector<1536x128xf32>
    %mul3A_120 = arith.mulf %add3A_75, %add3A_119 : vector<1536x128xf32>
    %reshape3A_121 = vector.shape_cast %mul3A_120 : vector<1536x128xf32> to vector<3x512x128xf32>
    %slice3A_122 = vector.extract_strided_slice %reshape3A_121 {offsets = [0, 0, 0], sizes = [1, 512, 128], strides = [1, 1, 1]} : vector<3x512x128xf32> to vector<1x512x128xf32>
    %squeeze3A_123 = vector.shape_cast %slice3A_122 : vector<1x512x128xf32> to vector<512x128xf32>
    %get3A_124 = arith.constant 0 : index
    %get3A_125 = arith.constant 0 : index
    %get3A_126 = vector.load %arg17[%get3A_124, %get3A_125] : memref<128x128xf32, #tpu.memory_space<vmem>>, vector<128x128xf32>
    %dot_general3A_127 = arith.constant dense<0.000000e+00> : vector<512x128xf32>
    %dot_general3A_128 = tpu.matmul %squeeze3A_123, %get3A_126, %dot_general3A_127 {dimension_numbers = #tpu.dot_dimension_numbers<[1], [0], [0], [1], [0, 0, 1, 1], [], []>, transpose_lhs_hint = false} : vector<512x128xf32>, vector<128x128xf32>, vector<512x128xf32> -> vector<512x128xf32>
    %get3A_129 = arith.constant 0 : index
    %get3A_130 = arith.constant 0 : index
    %get3A_131 = vector.load %arg18[%get3A_129, %get3A_130] : memref<1x128xf32, #tpu.memory_space<vmem>>, vector<1x128xf32>
    %add3A_132 = vector.broadcast %get3A_131 : vector<1x128xf32> to vector<512x128xf32>
    %add3A_133 = arith.addf %dot_general3A_128, %add3A_132 : vector<512x128xf32>
    %slice3A_134 = vector.extract_strided_slice %reshape3A_121 {offsets = [1, 0, 0], sizes = [1, 512, 128], strides = [1, 1, 1]} : vector<3x512x128xf32> to vector<1x512x128xf32>
    %squeeze3A_135 = vector.shape_cast %slice3A_134 : vector<1x512x128xf32> to vector<512x128xf32>
    %get3A_136 = arith.constant 0 : index
    %get3A_137 = arith.constant 0 : index
    %get3A_138 = vector.load %arg19[%get3A_136, %get3A_137] : memref<128x128xf32, #tpu.memory_space<vmem>>, vector<128x128xf32>
    %dot_general3A_139 = arith.constant dense<0.000000e+00> : vector<512x128xf32>
    %dot_general3A_140 = tpu.matmul %squeeze3A_135, %get3A_138, %dot_general3A_139 {dimension_numbers = #tpu.dot_dimension_numbers<[1], [0], [0], [1], [0, 0, 1, 1], [], []>, transpose_lhs_hint = false} : vector<512x128xf32>, vector<128x128xf32>, vector<512x128xf32> -> vector<512x128xf32>
    %add3A_141 = arith.addf %add3A_133, %dot_general3A_140 : vector<512x128xf32>
    %get3A_142 = arith.constant 0 : index
    %get3A_143 = arith.constant 0 : index
    %get3A_144 = vector.load %arg20[%get3A_142, %get3A_143] : memref<1x128xf32, #tpu.memory_space<vmem>>, vector<1x128xf32>
    %add3A_145 = vector.broadcast %get3A_144 : vector<1x128xf32> to vector<512x128xf32>
    %add3A_146 = arith.addf %add3A_141, %add3A_145 : vector<512x128xf32>
    %max3A = arith.constant 0.000000e+00 : f32
    %max3A_147 = vector.broadcast %max3A : f32 to vector<512x128xf32>
    %max3A_148 = arith.maximumf %add3A_146, %max3A_147 : vector<512x128xf32>
    %slice3A_149 = vector.extract_strided_slice %reshape3A_121 {offsets = [2, 0, 0], sizes = [1, 512, 128], strides = [1, 1, 1]} : vector<3x512x128xf32> to vector<1x512x128xf32>
    %squeeze3A_150 = vector.shape_cast %slice3A_149 : vector<1x512x128xf32> to vector<512x128xf32>
    %get3A_151 = arith.constant 0 : index
    %get3A_152 = arith.constant 0 : index
    %get3A_153 = vector.load %arg19[%get3A_151, %get3A_152] : memref<128x128xf32, #tpu.memory_space<vmem>>, vector<128x128xf32>
    %dot_general3A_154 = arith.constant dense<0.000000e+00> : vector<512x128xf32>
    %dot_general3A_155 = tpu.matmul %squeeze3A_150, %get3A_153, %dot_general3A_154 {dimension_numbers = #tpu.dot_dimension_numbers<[1], [0], [0], [1], [0, 0, 1, 1], [], []>, transpose_lhs_hint = false} : vector<512x128xf32>, vector<128x128xf32>, vector<512x128xf32> -> vector<512x128xf32>
    %add3A_156 = arith.addf %add3A_133, %dot_general3A_155 : vector<512x128xf32>
    %get3A_157 = arith.constant 0 : index
    %get3A_158 = arith.constant 0 : index
    %get3A_159 = vector.load %arg20[%get3A_157, %get3A_158] : memref<1x128xf32, #tpu.memory_space<vmem>>, vector<1x128xf32>
    %add3A_160 = vector.broadcast %get3A_159 : vector<1x128xf32> to vector<512x128xf32>
    %add3A_161 = arith.addf %add3A_156, %add3A_160 : vector<512x128xf32>
    %max3A_162 = arith.constant 0.000000e+00 : f32
    %max3A_163 = vector.broadcast %max3A_162 : f32 to vector<512x128xf32>
    %max3A_164 = arith.maximumf %add3A_161, %max3A_163 : vector<512x128xf32>
    %get3A_165 = arith.constant 0 : index
    %get3A_166 = arith.constant 0 : index
    %get3A_167 = vector.load %arg21[%get3A_165, %get3A_166] : memref<128x1xf32, #tpu.memory_space<vmem>>, vector<128x1xf32>
    %dot_general3A_168 = arith.constant dense<0.000000e+00> : vector<512x1xf32>
    %dot_general3A_169 = tpu.matmul %max3A_148, %get3A_167, %dot_general3A_168 {dimension_numbers = #tpu.dot_dimension_numbers<[1], [0], [0], [1], [0, 0, 1, 1], [], []>, transpose_lhs_hint = false} : vector<512x128xf32>, vector<128x1xf32>, vector<512x1xf32> -> vector<512x1xf32>
    %get3A_170 = arith.constant 0 : index
    %get3A_171 = arith.constant 0 : index
    %get3A_172 = vector.load %arg22[%get3A_170, %get3A_171] : memref<1x1xf32, #tpu.memory_space<vmem>>, vector<1x1xf32>
    %add3A_173 = vector.broadcast %get3A_172 : vector<1x1xf32> to vector<512x1xf32>
    %add3A_174 = arith.addf %dot_general3A_169, %add3A_173 : vector<512x1xf32>
    %swap3A_175 = arith.constant 0 : index
    %swap3A_176 = arith.constant 0 : index
    %swap3A_177 = vector.load %arg25[%swap3A_175, %swap3A_176] : memref<512x1xf32, #tpu.memory_space<vmem>>, vector<512x1xf32>
    tpu.vector_store %arg25[%swap3A_175, %swap3A_176], %add3A_174 {strides = array<i32>} : memref<512x1xf32, #tpu.memory_space<vmem>>, vector<512x1xf32>,
    %get3A_178 = arith.constant 0 : index
    %get3A_179 = arith.constant 0 : index
    %get3A_180 = vector.load %arg21[%get3A_178, %get3A_179] : memref<128x1xf32, #tpu.memory_space<vmem>>, vector<128x1xf32>
    %dot_general3A_181 = arith.constant dense<0.000000e+00> : vector<512x1xf32>
    %dot_general3A_182 = tpu.matmul %max3A_164, %get3A_180, %dot_general3A_181 {dimension_numbers = #tpu.dot_dimension_numbers<[1], [0], [0], [1], [0, 0, 1, 1], [], []>, transpose_lhs_hint = false} : vector<512x128xf32>, vector<128x1xf32>, vector<512x1xf32> -> vector<512x1xf32>
    %get3A_183 = arith.constant 0 : index
    %get3A_184 = arith.constant 0 : index
    %get3A_185 = vector.load %arg22[%get3A_183, %get3A_184] : memref<1x1xf32, #tpu.memory_space<vmem>>, vector<1x1xf32>
    %add3A_186 = vector.broadcast %get3A_185 : vector<1x1xf32> to vector<512x1xf32>
    %add3A_187 = arith.addf %dot_general3A_182, %add3A_186 : vector<512x1xf32>
    %swap3A_188 = arith.constant 0 : index
    %swap3A_189 = arith.constant 0 : index
    %swap3A_190 = vector.load %arg26[%swap3A_188, %swap3A_189] : memref<512x1xf32, #tpu.memory_space<vmem>>, vector<512x1xf32>
    tpu.vector_store %arg26[%swap3A_188, %swap3A_189], %add3A_187 {strides = array<i32>} : memref<512x1xf32, #tpu.memory_space<vmem>>, vector<512x1xf32>,
    return
  }
  func.func @transform_0(%arg0: i32) -> (i32, i32, i32) {
    %c0_i32 = arith.constant 0 : i32
    %c0_i32_0 = arith.constant 0 : i32
    %c0_i32_1 = arith.constant 0 : i32
    return %c0_i32, %arg0, %c0_i32_0 : i32, i32, i32
  }
  func.func @transform_1(%arg0: i32) -> (i32, i32, i32) {
    %c0_i32 = arith.constant 0 : i32
    %c0_i32_0 = arith.constant 0 : i32
    %c0_i32_1 = arith.constant 0 : i32
    return %c0_i32, %arg0, %c0_i32_0 : i32, i32, i32
  }
  func.func @transform_2(%arg0: i32) -> (i32, i32, i32) {
    %c0_i32 = arith.constant 0 : i32
    %c0_i32_0 = arith.constant 0 : i32
    %c0_i32_1 = arith.constant 0 : i32
    return %c0_i32, %arg0, %c0_i32_0 : i32, i32, i32
  }
  func.func @transform_3(%arg0: i32) -> (i32, i32, i32) {
    %c0_i32 = arith.constant 0 : i32
    %c0_i32_0 = arith.constant 0 : i32
    %c0_i32_1 = arith.constant 0 : i32
    return %c0_i32, %arg0, %c0_i32_0 : i32, i32, i32
  }
  func.func @transform_4(%arg0: i32) -> (i32, i32) {
    %c0_i32 = arith.constant 0 : i32
    %c0_i32_0 = arith.constant 0 : i32
    return %arg0, %c0_i32 : i32, i32
  }
  func.func @transform_5(%arg0: i32) -> (i32, i32) {
    %c0_i32 = arith.constant 0 : i32
    %c0_i32_0 = arith.constant 0 : i32
    return %arg0, %c0_i32 : i32, i32
  }
  func.func @transform_6(%arg0: i32) -> (i32, i32) {
    %c0_i32 = arith.constant 0 : i32
    %c0_i32_0 = arith.constant 0 : i32
    %c0_i32_1 = arith.constant 0 : i32
    return %c0_i32, %c0_i32_0 : i32, i32
  }
  func.func @transform_7(%arg0: i32) -> (i32, i32) {
    %c0_i32 = arith.constant 0 : i32
    %c0_i32_0 = arith.constant 0 : i32
    %c0_i32_1 = arith.constant 0 : i32
    return %c0_i32, %c0_i32_0 : i32, i32
  }
  func.func @transform_8(%arg0: i32) -> (i32, i32) {
    %c0_i32 = arith.constant 0 : i32
    %c0_i32_0 = arith.constant 0 : i32
    %c0_i32_1 = arith.constant 0 : i32
    return %c0_i32, %c0_i32_0 : i32, i32
  }
  func.func @transform_9(%arg0: i32) -> (i32, i32) {
    %c0_i32 = arith.constant 0 : i32
    %c0_i32_0 = arith.constant 0 : i32
    %c0_i32_1 = arith.constant 0 : i32
    return %c0_i32, %c0_i32_0 : i32, i32
  }
  func.func @transform_10(%arg0: i32) -> (i32, i32) {
    %c0_i32 = arith.constant 0 : i32
    %c0_i32_0 = arith.constant 0 : i32
    %c0_i32_1 = arith.constant 0 : i32
    return %c0_i32, %c0_i32_0 : i32, i32
  }
  func.func @transform_11(%arg0: i32) -> (i32, i32) {
    %c0_i32 = arith.constant 0 : i32
    %c0_i32_0 = arith.constant 0 : i32
    %c0_i32_1 = arith.constant 0 : i32
    return %c0_i32, %c0_i32_0 : i32, i32
  }
  func.func @transform_12(%arg0: i32) -> (i32, i32) {
    %c0_i32 = arith.constant 0 : i32
    %c0_i32_0 = arith.constant 0 : i32
    %c0_i32_1 = arith.constant 0 : i32
    return %c0_i32, %c0_i32_0 : i32, i32
  }
  func.func @transform_13(%arg0: i32) -> (i32, i32) {
    %c0_i32 = arith.constant 0 : i32
    %c0_i32_0 = arith.constant 0 : i32
    %c0_i32_1 = arith.constant 0 : i32
    return %c0_i32, %c0_i32_0 : i32, i32
  }
  func.func @transform_14(%arg0: i32) -> (i32, i32) {
    %c0_i32 = arith.constant 0 : i32
    %c0_i32_0 = arith.constant 0 : i32
    %c0_i32_1 = arith.constant 0 : i32
    return %c0_i32, %c0_i32_0 : i32, i32
  }
  func.func @transform_15(%arg0: i32) -> (i32, i32) {
    %c0_i32 = arith.constant 0 : i32
    %c0_i32_0 = arith.constant 0 : i32
    %c0_i32_1 = arith.constant 0 : i32
    return %c0_i32, %c0_i32_0 : i32, i32
  }
  func.func @transform_16(%arg0: i32) -> (i32, i32) {
    %c0_i32 = arith.constant 0 : i32
    %c0_i32_0 = arith.constant 0 : i32
    %c0_i32_1 = arith.constant 0 : i32
    return %c0_i32, %c0_i32_0 : i32, i32
  }
  func.func @transform_17(%arg0: i32) -> (i32, i32) {
    %c0_i32 = arith.constant 0 : i32
    %c0_i32_0 = arith.constant 0 : i32
    %c0_i32_1 = arith.constant 0 : i32
    return %c0_i32, %c0_i32_0 : i32, i32
  }
  func.func @transform_18(%arg0: i32) -> (i32, i32) {
    %c0_i32 = arith.constant 0 : i32
    %c0_i32_0 = arith.constant 0 : i32
    %c0_i32_1 = arith.constant 0 : i32
    return %c0_i32, %c0_i32_0 : i32, i32
  }
  func.func @transform_19(%arg0: i32) -> (i32, i32) {
    %c0_i32 = arith.constant 0 : i32
    %c0_i32_0 = arith.constant 0 : i32
    %c0_i32_1 = arith.constant 0 : i32
    return %c0_i32, %c0_i32_0 : i32, i32
  }
  func.func @transform_20(%arg0: i32) -> (i32, i32) {
    %c0_i32 = arith.constant 0 : i32
    %c0_i32_0 = arith.constant 0 : i32
    %c0_i32_1 = arith.constant 0 : i32
    return %c0_i32, %c0_i32_0 : i32, i32
  }
  func.func @transform_21(%arg0: i32) -> (i32, i32) {
    %c0_i32 = arith.constant 0 : i32
    %c0_i32_0 = arith.constant 0 : i32
    %c0_i32_1 = arith.constant 0 : i32
    return %c0_i32, %c0_i32_0 : i32, i32
  }
  func.func @transform_22(%arg0: i32) -> (i32, i32, i32) {
    %c0_i32 = arith.constant 0 : i32
    %c0_i32_0 = arith.constant 0 : i32
    %c0_i32_1 = arith.constant 0 : i32
    return %c0_i32, %arg0, %c0_i32_0 : i32, i32, i32
  }
  func.func @transform_23(%arg0: i32) -> (i32, i32, i32) {
    %c0_i32 = arith.constant 0 : i32
    %c0_i32_0 = arith.constant 0 : i32
    %c0_i32_1 = arith.constant 0 : i32
    return %c0_i32, %arg0, %c0_i32_0 : i32, i32, i32
  }
  func.func @transform_24(%arg0: i32) -> (i32, i32) {
    %c0_i32 = arith.constant 0 : i32
    %c0_i32_0 = arith.constant 0 : i32
    return %arg0, %c0_i32 : i32, i32
  }
  func.func @transform_25(%arg0: i32) -> (i32, i32) {
    %c0_i32 = arith.constant 0 : i32
    %c0_i32_0 = arith.constant 0 : i32
    return %arg0, %c0_i32 : i32, i32
  }
}

</mosaic_0001>

<sc_bundles>
// kernel: kernel.12.cloned.1.call-start
scs
__scs_entry_jumppad:
0x0: {  	(pc) =	sbr.rel $0x88, $3  }
0x1: {  	(tag) =	ssettag $0x0;
	lr =	simm.s32 $0x1  }
0x2: {  	[smem:$0x3F8A] =	sst lr;
	_ =	strace $0xD0000000  }
0x3: {  	_ = 	snop  }
0x4: {  	_ = 	snop  }
0x5: {  	_ = 	snop  }
0x6: {  	_ = 	snop  }
0x7: {  	_ = 	snop  }
__scs_overlays_trampoline_lowered:
0x8: {  	[smem:$0x3F99] =	sst s0  }
0x9: {  	[smem:$0x3F9A] =	sst s1  }
0xa: {  	[smem:$0x3F9B] =	sst s2  }
0xb: {  	[smem:$0x3F9C] =	sst s3  }
0xc: {  	[smem:$0x3F9D] =	sst s4  }
0xd: {  	[smem:$0x3F9E] =	sst s5  }
0xe: {  	[smem:$0x3F9F] =	sst s6  }
0xf: {  	[smem:$0x3FA0] =	sst s7  }
0x10: {  	[smem:$0x3FA1] =	sst s8  }
0x11: {  	[smem:$0x3FA2] =	sst s9;
	s0 =	simm.s32 @!p0 $0x0  }
0x12: {  	s1 =	sld [smem:$0x3F88];
	s0 =	simm.s32 @p0 $0x1  }
0x13: {  	[smem:$0x3FA3] =	sst s0;
	s0 =	simm.s32 @!p1 $0x0  }
0x14: {  	s2 =	sld [smem:$0x3F87];
	s0 =	simm.s32 @p1 $0x1  }
0x15: {  	[smem:$0x3FA4] =	sst s0;
	s0 =	simm.s32 @!p2 $0x0  }
0x16: {  	s3 =	sld [smem:$0x3FDB];
	s0 =	simm.s32 @p2 $0x1  }
0x17: {  	s4 =	simm.s32 $0x1BF5;
	[smem:$0x3FA6] =	sst s0  }
0x18: {  	s0 =	sld [smem:$0x3F89];
	_ =	swait.ge [sflag:s4], $0x0  }
0x19: {  	s7 =	sld [smem:$0x3F8A]  }
0x1a: {  	s8 =	sadd.s32 $0xFFFFE003, lr  }
0x1b: {  	s9 =	sadd.s32 $0xFFFFFEF7, lr;
	s5 =	simm.s32 $0xFFFFFFFF;
	p2 =	slt.u32 s8, $0xFFFFF086  }
0x1c: {  	p1 =	slt.u32 s9, $0xF7A;
	s5 =	simm.s32 @!p2 $0x0  }
0x1d: {  	s5 =	simm.s32 @p1 $0x1;
	p0 =	seq.s32 s7, s2  }
0x1e: {  	s7 =	smul.u32 @!p0 $0xF7A, s2;
	p2 =	seq.s32 @!p0 s5, $0x0  }
0x1f: {  	s9 =	smul.u32 $0xF7A, s1;
	s8 =	simm.s32 @!p0 $0x1BF5;
	p2 =	por !p2, p0  }
0x20: {  	[sflag:s8] =	ssyncset.s32 @!p0 $0xFFFFF086;
	s6 =	sadd.s32 @!p0 s3, s7;
	s7 =	simm.s32 @!p0 $0x108  }
0x21: {  	s3 =	sadd.s32 s3, s9;
	s6 =	sadd.s32 @!p0 $0x88, s6;
	s7 =	simm.s32 @p2 $0x1082  }
0x22: {  	[simem:s7], [sflag:s8] =	dma.local @!p0 [hbm:s6], $0xF7A  }
0x23: {  	s9 =	sor.u32 $0xD0000000, s2;
	s6 =	simm.s32 $0x108;
	_ =	swait.ge @!p0 [sflag:s8], $0x0  }
0x24: {  	s3 =	sadd.s32 $0x88, s3;
	s6 =	simm.s32 @!p1 $0x1082;
	[sflag:s4] =	ssyncset.s32 $0xFFFFF086  }
0x25: {  	[simem:s6], [sflag:s4] =	dma.local [hbm:s3], $0xF7A  }
0x26: {  	[smem:$0x3F8A] =	sst s1;
	(tag) =	ssettag s2;
	_ =	strace s9  }
0x27: {  	s1 =	sld [smem:$0x3F9A]  }
0x28: {  	s2 =	sld [smem:$0x3F9B]  }
0x29: {  	s4 =	sld [smem:$0x3F9D]  }
0x2a: {  	p0 =	seq.s32 s5, $0x0;
	s5 =	sld [smem:$0x3F9E]  }
0x2b: {  	s6 =	sld [smem:$0x3F9F]  }
0x2c: {  	s7 =	sld [smem:$0x3FA0]  }
0x2d: {  	s3 =	simm.s32 $0x108;
	s8 =	sld [smem:$0x3FA1]  }
0x2e: {  	s3 =	simm.s32 @!p0 $0x1082;
	s9 =	sld [smem:$0x3FA2]  }
0x2f: {  	lr =	sadd.s32 s0, s3;
	s0 =	sld [smem:$0x3F99]  }
0x30: {  	s3 =	sld [smem:$0x3F9C]  }
0x31: {  	[smem:$0x3FA5] =	sst s10  }
0x32: {  	s10 =	sld [smem:$0x3FA3];
	_ =	sdelay $0x3  }
0x33: {  	p0 =	seq.s32 s10, $0x1;
	s10 =	sld [smem:$0x3FA5];
	_ =	sdelay $0x3  }
0x34: {  	[smem:$0x3FA5] =	sst s10  }
0x35: {  	s10 =	sld [smem:$0x3FA4];
	_ =	sdelay $0x3  }
0x36: {  	p1 =	seq.s32 s10, $0x1;
	s10 =	sld [smem:$0x3FA5];
	_ =	sdelay $0x3  }
0x37: {  	[smem:$0x3FA5] =	sst s10  }
0x38: {  	s10 =	sld [smem:$0x3FA6]  }
0x39: {  	_ = 	snop;
	(pc) =	sbr.ind lr, $3  }
0x3a: {  	_ = 	snop  }
0x3b: {  	_ = 	snop  }
0x3c: {  	p2 =	seq.s32 s10, $0x1;
	s10 =	sld [smem:$0x3FA5]  }
0x3d: {  	_ =	shalt  }
0x3e: {  	_ =	shalt  }
0x3f: {  	_ =	shalt  }
0x40: {  	_ =	shalt  }
0x41: {  	_ =	shalt  }
0x42: {  	_ =	shalt  }
0x43: {  	_ =	shalt  }
0x44: {  	_ =	shalt  }
0x45: {  	_ =	shalt  }
0x46: {  	_ =	shalt  }
0x47: {  	_ =	shalt  }
0x48: {  	_ =	shalt  }
0x49: {  	_ =	shalt  }
0x4a: {  	_ =	shalt  }
0x4b: {  	_ =	shalt  }
0x4c: {  	_ =	shalt  }
0x4d: {  	_ =	shalt  }
0x4e: {  	_ =	shalt  }
0x4f: {  	_ =	shalt  }
0x50: {  	_ =	shalt  }
0x51: {  	_ =	shalt  }
0x52: {  	_ =	shalt  }
0x53: {  	_ =	shalt  }
0x54: {  	_ =	shalt  }
0x55: {  	_ =	shalt  }
0x56: {  	_ =	shalt  }
0x57: {  	_ =	shalt  }
0x58: {  	_ =	shalt  }
0x59: {  	_ =	shalt  }
0x5a: {  	_ =	shalt  }
0x5b: {  	_ =	shalt  }
0x5c: {  	_ =	shalt  }
0x5d: {  	_ =	shalt  }
0x5e: {  	_ =	shalt  }
0x5f: {  	_ =	shalt  }
0x60: {  	_ =	shalt  }
0x61: {  	_ =	shalt  }
0x62: {  	_ =	shalt  }
0x63: {  	_ =	shalt  }
0x64: {  	_ =	shalt  }
0x65: {  	_ =	shalt  }
0x66: {  	_ =	shalt  }
0x67: {  	_ =	shalt  }
0x68: {  	_ =	shalt  }
0x69: {  	_ =	shalt  }
0x6a: {  	_ =	shalt  }
0x6b: {  	_ =	shalt  }
0x6c: {  	_ =	shalt  }
0x6d: {  	_ =	shalt  }
0x6e: {  	_ =	shalt  }
0x6f: {  	_ =	shalt  }
0x70: {  	_ =	shalt  }
0x71: {  	_ =	shalt  }
0x72: {  	_ =	shalt  }
0x73: {  	_ =	shalt  }
0x74: {  	_ =	shalt  }
0x75: {  	_ =	shalt  }
0x76: {  	_ =	shalt  }
0x77: {  	_ =	shalt  }
0x78: {  	_ =	shalt  }
0x79: {  	_ =	shalt  }
0x7a: {  	_ =	shalt  }
0x7b: {  	_ =	shalt  }
0x7c: {  	_ =	shalt  }
0x7d: {  	_ =	shalt  }
0x7e: {  	_ =	shalt  }
0x7f: {  	_ =	shalt  }
0x80: {  	_ =	shalt  }
0x81: {  	_ =	shalt  }
0x82: {  	_ =	shalt  }
0x83: {  	_ =	shalt  }
0x84: {  	_ =	shalt  }
0x85: {  	_ =	shalt  }
0x86: {  	_ =	shalt  }
0x87: {  	_ =	shalt  }
.Lfunc_end0:
.L_simem_size_0:
called_computation.2_lowered:
.L_overlay_start_0:
0x88: {  	s2 =	sld [smem:$0x3FD9]  }
0x89: {  	s3 =	sld [smem:$0x3FFE];
	_ =	sdelay $0x1  }
0x8a: {  	s1 =	srdreg.scid  }
0x8b: {  	s0 =	sand.u32 $0x1, s1  }
0x8c: {  	s14 =	sshll.u32 s0, $0xA;
	s2 =	sadd.s32 s3, s2  }
0x8d: {  	s2 =	sadd.s32 s2, s14  }
0x8e: {  	[smem:$0x3FB1] =	sst s2  }
0x8f: {  	_ = 	snop  }
0x90: {  	s2 =	sld [smem:$0x3FD0];
	_ =	sdelay $0x2  }
0x91: {  	s15 =	simm.s32 $0xB;
	s4 =	simm.s32 $0x10  }
0x92: {  	[smem:s4], [sflag:s15] =	dma.local [hbm:s2], $0x1  }
0x93: {  	_ =	swait.eq [sflag:s15], $0x1  }
0x94: {  	s16 =	sld [smem:$0x12]  }
0x95: {  	s17 =	sld [smem:$0x13];
	[sflag:s15] =	ssyncset.done $0x0  }
0x96: {  	s5 =	sld [smem:$0x14];
	[sflag:s15] =	ssyncadd.s32 $0xFFFFFFFF  }
0x97: {  	s18 =	sld [smem:$0x15];
	(tm) =	ssettm $0x1  }
0x98: {  	s6 =	sld [smem:$0x3FFB];
	_ =	sdelay $0x3  }
0x99: {  	_ =	strace s6  }
0x9a: {  	s6 =	sld [smem:$0x3FFC];
	_ =	sdelay $0x3  }
0x9b: {  	_ =	strace s6  }
0x9c: {  	s6 =	sld [smem:$0x3FFD];
	_ =	sdelay $0x3  }
0x9d: {  	_ =	strace s6  }
0x9e: {  	_ =	strace $0x8FFFFFFF  }
0x9f: {  	s19 =	sld [smem:$0x3FDB];
	_ =	sdelay $0x1  }
0xa0: {  	s7 =	simm.s32 $_scs_section_size  }
0xa1: {  	s8 =	simm.s32 $_size__tile_overlayer_lowered;
	s9 =	simm.s32 $_tile_overlayer_lowered  }
0xa2: {  	s22 =	simm.s32 $0x1BFF;
	s21 =	sshll.u32 s9, $0x1;
	s6 =	sadd.s32 s7, s19  }
0xa3: {  	s10 =	simm.s32 $0x0;
	s20 =	sshll.u32 s8, $0x1;
	s8 =	sadd.s32 s21, s6  }
0xa4: {  	[timem:s10], [sflag:s22] =	dma.local [hbm:s8], s20  }
0xa5: {  	_ =	swait.ge [sflag:s22], s20  }
0xa6: {  	s7 =	ssub.s32 $0x0, s20;
	[sflag:s22] =	ssyncset.done $0x0  }
0xa7: {  	[sflag:s22] =	ssyncadd.s32 s7;
	_ =	sdelay $0x1  }
0xa8: {  	s23 =	simm.s32 $0x1B8B  }
0xa9: {  	_ =	swait.ge [sflag:s23], $0x1  }
0xaa: {  	[sflag:s23] =	ssyncset.done $0x0  }
0xab: {  	s25 =	simm.s32 $0x1B8E;
	s24 =	sld [smem:$0x3FFE];
	[sflag:s23] =	ssyncadd.s32 $0xFFFFFFFF  }
0xac: {  	s26 =	simm.s32 $execute0_lowered;
	[smem:$0x3FD2] =	sst s25  }
0xad: {  	s8 =	sshll.u32 s26, $0x1;
	_ =	strace $0x8000004C;
	[dreg:$0x1] =	wrdreg $0xFFFFFFFF  }
0xae: {  	s28 =	simm.s32 $_size_execute0_lowered;
	s6 =	sadd.s32 s6, s8;
	[dreg:$0x0] =	wrdreg $0x0  }
0xaf: {  	s8 =	sshll.u32 s28, $0x1;
	[dreg:$0x2] =	wrdreg s6  }
0xb0: {  	[dreg:$0x3] =	wrdreg s8  }
0xb1: {  	[dreg:$0x4] =	wrdreg $0xC0  }
0xb2: {  	_ =	task [dreg:s10], $0x5FFFF  }
0xb3: {  	[dreg:$0x1] =	wrdreg $0xFFFFFFFF  }
0xb4: {  	[dreg:$0x0] =	wrdreg $0x60  }
0xb5: {  	[dreg:$0x2] =	wrdreg s16  }
0xb6: {  	[dreg:$0x3] =	wrdreg s24  }
0xb7: {  	[dreg:$0x4] =	wrdreg s17  }
0xb8: {  	[dreg:$0x5] =	wrdreg s18  }
0xb9: {  	[dreg:$0x6] =	wrdreg s5  }
0xba: {  	[dreg:$0x7] =	wrdreg $0x9  }
0xbb: {  	_ =	task.clear_ibuf [dreg:s10], $0x8FFFF;
	_ =	strace $0x9000004C  }
0xbc: {  	s29 =	simm.s32 $0x9;
	_ =	strace $0x8000004E  }
0xbd: {  	_ =	swait.ge [sflag:s29], $0x1  }
0xbe: {  	[sflag:s29] =	ssyncadd.s32 $0xFFFFFFFF  }
0xbf: {  	_ =	strace $0x9000004E  }
0xc0: {  	_ =	sfence  }
0xc1: {  	s30 =	sld [smem:$0x0];
	_ =	sdelay $0x2  }
0xc2: {  	s31 =	sshll.u32 s1, $0xD;
	s1 =	sshrl.u32 s1, $0x2  }
0xc3: {  	s3 =	sand.u32 $0x4000, s31;
	s1 =	sadd.s32 s1, s30  }
0xc4: {  	s0 =	sor.u32 s3, s0;
	s1 =	sshll.u32 s1, $0x11  }
0xc5: {  	s0 =	sor.u32 s1, s0  }
0xc6: {  	s0 =	sadd.s32 $0x8F2B, s0  }
0xc7: {  	[sflag:s0] =	ssyncadd.remote.s32 $0x1  }
0xc8: {  	_ =	sfence.sel $0xFFFF  }
0xc9: {  	[dreg:$0x0] =	wrdreg $0xFFFFFFFF;
	(pc) =	sbr.abs _section_cstart, $3  }
0xca: {  	[dreg:$0x1] =	wrdreg $0xFFFFFFFF  }
0xcb: {  	_ =	task.clear_ibuf [dreg:s10], $0x2FFFF;
	_ =	strace $0x9FFFFFFF  }
0xcc: {  	(tm) =	ssettm $0x7FFFFFFF  }
0xcd: {  	_ =	shalt  }
tec
execute0_lowered:
.L_overlay_start_1:
0x0: {  	(tag) =	ssettag $0x1  }
0x1: {  	s1 =	rddreg [dreg:$0x0]  }
0x2: {  	s10 =	rddreg [dreg:$0x1]  }
0x3: {  	s2 =	rddreg [dreg:$0x2]  }
0x4: {  	s3 =	rddreg [dreg:$0x3]  }
0x5: {  	s4 =	rddreg [dreg:$0x4]  }
0x6: {  	s0 =	rddreg [dreg:$0x5]  }
0x7: {  	s6 =	simm.s32 $0x0;
	s7 =	srdreg.scid;
	s5 =	stileid.u32  }
0x8: {  	s15 =	simm.s32 $0x100;
	s16 =	simm.s32 $0x80;
	s17 =	simm.s32 $0x200  }
0x9: {  	s18 =	simm.s32 $0x4200;
	s19 =	simm.s32 $0x4280;
	s21 =	simm.s32 $0x1  }
0xa: {  	s22 =	simm.s32 $0x180;
	s23 =	simm.s32 $0x0;
	[smem:$0x7FF] =	sst s6  }
0xb: {  	s9 =	sand.u32 $0x1, s7;
	s7 =	sadd.s32 $0x4800, s10;
	s20 =	sshll.u32 s5, $0x6  }
0xc: {  	s8 =	sadd.s32 $0x3A3400, s10;
	_ =	strace $0x8000004D;
	s11 =	sshll.u32 s9, $0x5  }
0xd: {  	s12 =	ssub.s32 $0x2, s9;
	s9 =	sadd.s32 $0x342200, s10;
	s11 =	sor.u32 s11, s20  }
0xe: {  	s31 =	sshrl.u32 s12, $0x1;
	s20 =	sor.u32 $0x1C01, s20;
	s13 =	sadd.s32 s11, s10  }
0xf: {  	s10 =	sadd.s32 $0x343000, s10;
	s14 =	ssub.s32 s12, s31;
	s11 =	sadd.s32 $0x342800, s13  }
0x10: {  	s12 =	sadd.s32 $0x342C00, s13;
	s13 =	smax.u32 s14, $0x1;
	s14 =	simm.s32 $0x2  }
.LBB2_1:
0x11: {  	[tilespmem:s6], [sflag:$0x2] =	stream.linear.gather [hbm4b:s11+s6], $0x100, $0x38;
	[tilespmem:$0x4300] =	vst v63  }
0x12: {  	_ =	swait.ge [sflag:s14], $0x100  }
0x13: {  	[sflag:s14] =	ssyncset.done $0x0  }
0x14: {  	[sflag:s14] =	ssyncadd.s32 $0xFFFFFF00  }
0x15: {  	[tilespmem:s15], [sflag:$0x2] =	stream.linear.gather [hbm4b:s12+s6], $0x100, $0x38;
	[tilespmem:$0x4300] =	vst v63  }
0x16: {  	_ =	swait.ge [sflag:s14], $0x100  }
0x17: {  	[sflag:s14] =	ssyncset.done $0x0  }
0x18: {  	[sflag:s14] =	ssyncadd.s32 $0xFFFFFF00  }
0x19: {  	[tilespmem:s17], [sflag:$0x2] =	stream.indirect.gather [hbm4b:s4+s16], $0x80, s15, s16, $0xb8;
	[tilespmem:$0x4300] =	vst v63  }
0x1a: {  	_ =	swait.ge [sflag:s14], $0x4000  }
0x1b: {  	[sflag:s14] =	ssyncset.done $0x0  }
0x1c: {  	[sflag:s14] =	ssyncadd.s32 $0xFFFFC000  }
0x1d: {  	[hbm4b:s1+s16] =	stream.indirect.scatter [tilespmem:s17], [sflag:$0x2], $0x80, s6, s16, $0xb8;
	[tilespmem:$0x4300] =	vst v63  }
0x1e: {  	_ =	swait.ge [sflag:s14], $0x4000  }
0x1f: {  	[sflag:s14] =	ssyncset.done $0x0  }
0x20: {  	[sflag:s14] =	ssyncadd.s32 $0xFFFFC000  }
0x21: {  	[tilespmem:s18], [sflag:$0x2] =	stream.indirect.gather [hbm4b:s9+s16], $0x1, s15, s16, $0xb8;
	[tilespmem:$0x4300] =	vst v63  }
0x22: {  	_ =	swait.ge [sflag:s14], $0x80  }
0x23: {  	[sflag:s14] =	ssyncset.done $0x0  }
0x24: {  	[sflag:s14] =	ssyncadd.s32 $0xFFFFFF80  }
0x25: {  	[hbm4b:s2+s16] =	stream.indirect.scatter [tilespmem:s18], [sflag:$0x2], $0x1, s6, s16, $0xb8;
	[tilespmem:$0x4300] =	vst v63  }
0x26: {  	_ =	swait.ge [sflag:s14], $0x80  }
0x27: {  	[sflag:s14] =	ssyncset.done $0x0  }
0x28: {  	[sflag:s14] =	ssyncadd.s32 $0xFFFFFF80  }
0x29: {  	[tilespmem:s19], [sflag:$0x2] =	stream.indirect.gather [hbm4b:s10+s16], $0x1, s15, s16, $0xb8;
	[tilespmem:$0x4300] =	vst v63  }
0x2a: {  	_ =	swait.ge [sflag:s14], $0x80  }
0x2b: {  	[sflag:s14] =	ssyncset.done $0x0  }
0x2c: {  	[sflag:s14] =	ssyncadd.s32 $0xFFFFFF80  }
0x2d: {  	[hbm4b:s3+s16] =	stream.indirect.scatter [tilespmem:s19], [sflag:$0x2], $0x1, s6, s16, $0xb8;
	[tilespmem:$0x4300] =	vst v63  }
0x2e: {  	_ =	swait.ge [sflag:s14], $0x80  }
0x2f: {  	[sflag:s14] =	ssyncset.done $0x0  }
0x30: {  	s24 =	simm.s32 $0x0;
	[sflag:s14] =	ssyncadd.s32 $0xFFFFFF80  }
.LBB2_2:
0x31: {  	s25 =	sshra.s32 s24, $0x2  }
0x32: {  	v1 =	vld [tilespmem:s25+$0x0]  }
0x33: {  	v0 =	vld [tilespmem:s25+$0x100];
	_ =	sdelay $0x3  }
0x34: {  	(v2sf) =	vpush v1, $0x0  }
0x35: {  	(v2sf) =	vpush v0, $0x0;
	_ =	sdelay $0xd  }
0x36: {  	s31 =	spop (v2sf)  }
0x37: {  	s26 =	sshll.u32 s31, $0x8;
	s28 =	spop (v2sf);
	s25 =	sshll.u32 s31, $0x7  }
0x38: {  	s26 =	sand.u32 $0xFFFFF800, s26;
	s29 =	sshll.u32 s28, $0x8;
	s28 =	sshll.u32 s28, $0x7  }
0x39: {  	s25 =	sand.u32 $0x380, s25;
	s29 =	sand.u32 $0xFFFFF800, s29;
	s28 =	sand.u32 $0x380, s28  }
0x3a: {  	s25 =	sor.u32 s25, s26;
	s28 =	sor.u32 s28, s29  }
0x3b: {  	s25 =	sshrl.u32 s25, $0x3;
	s26 =	sshrl.u32 s28, $0x3  }
0x3c: {  	s29 =	sadd.s32 s7, s25;
	s25 =	simm.s32 $0x80;
	s26 =	sadd.s32 s8, s26  }
0x3d: {  	[hbm:s29@s25], [sflag:s20] =	dma.strided [hbm:s26@s25], $0x20, s21, $0x10   }
0x3e: {  	(v2sf) =	vpush v1, $0x1  }
0x3f: {  	(v2sf) =	vpush v0, $0x1;
	_ =	sdelay $0xd  }
0x40: {  	s26 =	spop (v2sf)  }
0x41: {  	s30 =	sshll.u32 s26, $0x8;
	s31 =	spop (v2sf);
	s26 =	sshll.u32 s26, $0x7  }
0x42: {  	s28 =	sand.u32 $0xFFFFF800, s30;
	s30 =	sshll.u32 s31, $0x8;
	s29 =	sshll.u32 s31, $0x7  }
0x43: {  	s26 =	sand.u32 $0x380, s26;
	s30 =	sand.u32 $0xFFFFF800, s30;
	s29 =	sand.u32 $0x380, s29  }
0x44: {  	s26 =	sor.u32 s26, s28;
	s29 =	sor.u32 s29, s30  }
0x45: {  	s26 =	sshrl.u32 s26, $0x3;
	s28 =	sshrl.u32 s29, $0x3  }
0x46: {  	s26 =	sadd.s32 s7, s26;
	s28 =	sadd.s32 s8, s28  }
0x47: {  	[hbm:s26@s25], [sflag:s20] =	dma.strided [hbm:s28@s25], $0x20, s21, $0x10   }
0x48: {  	(v2sf) =	vpush v1, $0x2  }
0x49: {  	(v2sf) =	vpush v0, $0x2;
	_ =	sdelay $0xd  }
0x4a: {  	s26 =	spop (v2sf)  }
0x4b: {  	s30 =	sshll.u32 s26, $0x8;
	s29 =	spop (v2sf);
	s26 =	sshll.u32 s26, $0x7  }
0x4c: {  	s28 =	sand.u32 $0xFFFFF800, s30;
	s31 =	sshll.u32 s29, $0x8;
	s29 =	sshll.u32 s29, $0x7  }
0x4d: {  	s26 =	sand.u32 $0x380, s26;
	s30 =	sand.u32 $0xFFFFF800, s31;
	s29 =	sand.u32 $0x380, s29  }
0x4e: {  	s26 =	sor.u32 s26, s28;
	s29 =	sor.u32 s29, s30  }
0x4f: {  	s26 =	sshrl.u32 s26, $0x3;
	s28 =	sshrl.u32 s29, $0x3  }
0x50: {  	s26 =	sadd.s32 s7, s26;
	s28 =	sadd.s32 s8, s28  }
0x51: {  	[hbm:s26@s25], [sflag:s20] =	dma.strided [hbm:s28@s25], $0x20, s21, $0x10   }
0x52: {  	(v2sf) =	vpush v1, $0x3  }
0x53: {  	(v2sf) =	vpush v0, $0x3;
	_ =	sdelay $0xd  }
0x54: {  	s26 =	spop (v2sf)  }
0x55: {  	s30 =	sshll.u32 s26, $0x8;
	s29 =	spop (v2sf);
	s26 =	sshll.u32 s26, $0x7  }
0x56: {  	s28 =	sand.u32 $0xFFFFF800, s30;
	s31 =	sshll.u32 s29, $0x8;
	s29 =	sshll.u32 s29, $0x7  }
0x57: {  	s26 =	sand.u32 $0x380, s26;
	s30 =	sand.u32 $0xFFFFF800, s31;
	s29 =	sand.u32 $0x380, s29  }
0x58: {  	s26 =	sor.u32 s26, s28;
	s29 =	sor.u32 s29, s30  }
0x59: {  	s26 =	sshrl.u32 s26, $0x3;
	s28 =	sshrl.u32 s29, $0x3  }
0x5a: {  	s26 =	sadd.s32 s7, s26;
	s28 =	sadd.s32 s8, s28  }
0x5b: {  	[hbm:s26@s25], [sflag:s20] =	dma.strided [hbm:s28@s25], $0x20, s21, $0x10   }
0x5c: {  	(v2sf) =	vpush v1, $0x4  }
0x5d: {  	(v2sf) =	vpush v0, $0x4;
	_ =	sdelay $0xd  }
0x5e: {  	s26 =	spop (v2sf)  }
0x5f: {  	s30 =	sshll.u32 s26, $0x8;
	s29 =	spop (v2sf);
	s26 =	sshll.u32 s26, $0x7  }
0x60: {  	s28 =	sand.u32 $0xFFFFF800, s30;
	s31 =	sshll.u32 s29, $0x8;
	s29 =	sshll.u32 s29, $0x7  }
0x61: {  	s26 =	sand.u32 $0x380, s26;
	s30 =	sand.u32 $0xFFFFF800, s31;
	s29 =	sand.u32 $0x380, s29  }
0x62: {  	s26 =	sor.u32 s26, s28;
	s29 =	sor.u32 s29, s30  }
0x63: {  	s26 =	sshrl.u32 s26, $0x3;
	s28 =	sshrl.u32 s29, $0x3  }
0x64: {  	s26 =	sadd.s32 s7, s26;
	s28 =	sadd.s32 s8, s28  }
0x65: {  	[hbm:s26@s25], [sflag:s20] =	dma.strided [hbm:s28@s25], $0x20, s21, $0x10   }
0x66: {  	(v2sf) =	vpush v1, $0x5  }
0x67: {  	(v2sf) =	vpush v0, $0x5;
	_ =	sdelay $0xd  }
0x68: {  	s26 =	spop (v2sf)  }
0x69: {  	s30 =	sshll.u32 s26, $0x8;
	s29 =	spop (v2sf);
	s26 =	sshll.u32 s26, $0x7  }
0x6a: {  	s28 =	sand.u32 $0xFFFFF800, s30;
	s31 =	sshll.u32 s29, $0x8;
	s29 =	sshll.u32 s29, $0x7  }
0x6b: {  	s26 =	sand.u32 $0x380, s26;
	s30 =	sand.u32 $0xFFFFF800, s31;
	s29 =	sand.u32 $0x380, s29  }
0x6c: {  	s26 =	sor.u32 s26, s28;
	s29 =	sor.u32 s29, s30  }
0x6d: {  	s26 =	sshrl.u32 s26, $0x3;
	s28 =	sshrl.u32 s29, $0x3  }
0x6e: {  	s26 =	sadd.s32 s7, s26;
	s28 =	sadd.s32 s8, s28  }
0x6f: {  	[hbm:s26@s25], [sflag:s20] =	dma.strided [hbm:s28@s25], $0x20, s21, $0x10   }
0x70: {  	(v2sf) =	vpush v1, $0x6  }
0x71: {  	(v2sf) =	vpush v0, $0x6;
	_ =	sdelay $0xd  }
0x72: {  	s26 =	spop (v2sf)  }
0x73: {  	s30 =	sshll.u32 s26, $0x8;
	s29 =	spop (v2sf);
	s26 =	sshll.u32 s26, $0x7  }
0x74: {  	s28 =	sand.u32 $0xFFFFF800, s30;
	s31 =	sshll.u32 s29, $0x8;
	s29 =	sshll.u32 s29, $0x7  }
0x75: {  	s26 =	sand.u32 $0x380, s26;
	s30 =	sand.u32 $0xFFFFF800, s31;
	s29 =	sand.u32 $0x380, s29  }
0x76: {  	s26 =	sor.u32 s26, s28;
	s29 =	sor.u32 s29, s30  }
0x77: {  	s26 =	sshrl.u32 s26, $0x3;
	s28 =	sshrl.u32 s29, $0x3  }
0x78: {  	s26 =	sadd.s32 s7, s26;
	s28 =	sadd.s32 s8, s28  }
0x79: {  	[hbm:s26@s25], [sflag:s20] =	dma.strided [hbm:s28@s25], $0x20, s21, $0x10   }
0x7a: {  	(v2sf) =	vpush v1, $0x7  }
0x7b: {  	(v2sf) =	vpush v0, $0x7;
	_ =	sdelay $0xd  }
0x7c: {  	s26 =	spop (v2sf)  }
0x7d: {  	s30 =	sshll.u32 s26, $0x8;
	s29 =	spop (v2sf);
	s26 =	sshll.u32 s26, $0x7  }
0x7e: {  	s28 =	sand.u32 $0xFFFFF800, s30;
	s31 =	sshll.u32 s29, $0x8;
	s29 =	sshll.u32 s29, $0x7  }
0x7f: {  	s26 =	sand.u32 $0x380, s26;
	s30 =	sand.u32 $0xFFFFF800, s31;
	s29 =	sand.u32 $0x380, s29  }
0x80: {  	s26 =	sor.u32 s26, s28;
	s29 =	sor.u32 s29, s30  }
0x81: {  	s26 =	sshrl.u32 s26, $0x3;
	s28 =	sshrl.u32 s29, $0x3  }
0x82: {  	s26 =	sadd.s32 s7, s26;
	s28 =	sadd.s32 s8, s28  }
0x83: {  	[hbm:s26@s25], [sflag:s20] =	dma.strided [hbm:s28@s25], $0x20, s21, $0x10   }
0x84: {  	(v2sf) =	vpush v1, $0x8  }
0x85: {  	(v2sf) =	vpush v0, $0x8;
	_ =	sdelay $0xd  }
0x86: {  	s26 =	spop (v2sf)  }
0x87: {  	s30 =	sshll.u32 s26, $0x8;
	s29 =	spop (v2sf);
	s26 =	sshll.u32 s26, $0x7  }
0x88: {  	s28 =	sand.u32 $0xFFFFF800, s30;
	s31 =	sshll.u32 s29, $0x8;
	s29 =	sshll.u32 s29, $0x7  }
0x89: {  	s26 =	sand.u32 $0x380, s26;
	s30 =	sand.u32 $0xFFFFF800, s31;
	s29 =	sand.u32 $0x380, s29  }
0x8a: {  	s26 =	sor.u32 s26, s28;
	s29 =	sor.u32 s29, s30  }
0x8b: {  	s26 =	sshrl.u32 s26, $0x3;
	s28 =	sshrl.u32 s29, $0x3  }
0x8c: {  	s26 =	sadd.s32 s7, s26;
	s28 =	sadd.s32 s8, s28  }
0x8d: {  	[hbm:s26@s25], [sflag:s20] =	dma.strided [hbm:s28@s25], $0x20, s21, $0x10   }
0x8e: {  	(v2sf) =	vpush v1, $0x9  }
0x8f: {  	(v2sf) =	vpush v0, $0x9;
	_ =	sdelay $0xd  }
0x90: {  	s26 =	spop (v2sf)  }
0x91: {  	s30 =	sshll.u32 s26, $0x8;
	s29 =	spop (v2sf);
	s26 =	sshll.u32 s26, $0x7  }
0x92: {  	s28 =	sand.u32 $0xFFFFF800, s30;
	s31 =	sshll.u32 s29, $0x8;
	s29 =	sshll.u32 s29, $0x7  }
0x93: {  	s26 =	sand.u32 $0x380, s26;
	s30 =	sand.u32 $0xFFFFF800, s31;
	s29 =	sand.u32 $0x380, s29  }
0x94: {  	s26 =	sor.u32 s26, s28;
	s29 =	sor.u32 s29, s30  }
0x95: {  	s26 =	sshrl.u32 s26, $0x3;
	s28 =	sshrl.u32 s29, $0x3  }
0x96: {  	s26 =	sadd.s32 s7, s26;
	s28 =	sadd.s32 s8, s28  }
0x97: {  	[hbm:s26@s25], [sflag:s20] =	dma.strided [hbm:s28@s25], $0x20, s21, $0x10   }
0x98: {  	(v2sf) =	vpush v1, $0xA  }
0x99: {  	(v2sf) =	vpush v0, $0xA;
	_ =	sdelay $0xd  }
0x9a: {  	s26 =	spop (v2sf)  }
0x9b: {  	s30 =	sshll.u32 s26, $0x8;
	s29 =	spop (v2sf);
	s26 =	sshll.u32 s26, $0x7  }
0x9c: {  	s28 =	sand.u32 $0xFFFFF800, s30;
	s31 =	sshll.u32 s29, $0x8;
	s29 =	sshll.u32 s29, $0x7  }
0x9d: {  	s26 =	sand.u32 $0x380, s26;
	s30 =	sand.u32 $0xFFFFF800, s31;
	s29 =	sand.u32 $0x380, s29  }
0x9e: {  	s26 =	sor.u32 s26, s28;
	s29 =	sor.u32 s29, s30  }
0x9f: {  	s26 =	sshrl.u32 s26, $0x3;
	s28 =	sshrl.u32 s29, $0x3  }
0xa0: {  	s26 =	sadd.s32 s7, s26;
	s28 =	sadd.s32 s8, s28  }
0xa1: {  	[hbm:s26@s25], [sflag:s20] =	dma.strided [hbm:s28@s25], $0x20, s21, $0x10   }
0xa2: {  	(v2sf) =	vpush v1, $0xB  }
0xa3: {  	(v2sf) =	vpush v0, $0xB;
	_ =	sdelay $0xd  }
0xa4: {  	s26 =	spop (v2sf)  }
0xa5: {  	s30 =	sshll.u32 s26, $0x8;
	s29 =	spop (v2sf);
	s26 =	sshll.u32 s26, $0x7  }
0xa6: {  	s28 =	sand.u32 $0xFFFFF800, s30;
	s31 =	sshll.u32 s29, $0x8;
	s29 =	sshll.u32 s29, $0x7  }
0xa7: {  	s26 =	sand.u32 $0x380, s26;
	s30 =	sand.u32 $0xFFFFF800, s31;
	s29 =	sand.u32 $0x380, s29  }
0xa8: {  	s26 =	sor.u32 s26, s28;
	s29 =	sor.u32 s29, s30  }
0xa9: {  	s26 =	sshrl.u32 s26, $0x3;
	s28 =	sshrl.u32 s29, $0x3  }
0xaa: {  	s26 =	sadd.s32 s7, s26;
	s28 =	sadd.s32 s8, s28  }
0xab: {  	[hbm:s26@s25], [sflag:s20] =	dma.strided [hbm:s28@s25], $0x20, s21, $0x10   }
0xac: {  	(v2sf) =	vpush v1, $0xC  }
0xad: {  	(v2sf) =	vpush v0, $0xC;
	_ =	sdelay $0xd  }
0xae: {  	s26 =	spop (v2sf)  }
0xaf: {  	s30 =	sshll.u32 s26, $0x8;
	s29 =	spop (v2sf);
	s26 =	sshll.u32 s26, $0x7  }
0xb0: {  	s28 =	sand.u32 $0xFFFFF800, s30;
	s31 =	sshll.u32 s29, $0x8;
	s29 =	sshll.u32 s29, $0x7  }
0xb1: {  	s26 =	sand.u32 $0x380, s26;
	s30 =	sand.u32 $0xFFFFF800, s31;
	s29 =	sand.u32 $0x380, s29  }
0xb2: {  	s26 =	sor.u32 s26, s28;
	s29 =	sor.u32 s29, s30  }
0xb3: {  	s26 =	sshrl.u32 s26, $0x3;
	s28 =	sshrl.u32 s29, $0x3  }
0xb4: {  	s26 =	sadd.s32 s7, s26;
	s28 =	sadd.s32 s8, s28  }
0xb5: {  	[hbm:s26@s25], [sflag:s20] =	dma.strided [hbm:s28@s25], $0x20, s21, $0x10   }
0xb6: {  	(v2sf) =	vpush v1, $0xD  }
0xb7: {  	(v2sf) =	vpush v0, $0xD;
	_ =	sdelay $0xd  }
0xb8: {  	s26 =	spop (v2sf)  }
0xb9: {  	s30 =	sshll.u32 s26, $0x8;
	s29 =	spop (v2sf);
	s26 =	sshll.u32 s26, $0x7  }
0xba: {  	s28 =	sand.u32 $0xFFFFF800, s30;
	s31 =	sshll.u32 s29, $0x8;
	s29 =	sshll.u32 s29, $0x7  }
0xbb: {  	s26 =	sand.u32 $0x380, s26;
	s30 =	sand.u32 $0xFFFFF800, s31;
	s29 =	sand.u32 $0x380, s29  }
0xbc: {  	s26 =	sor.u32 s26, s28;
	s29 =	sor.u32 s29, s30  }
0xbd: {  	s26 =	sshrl.u32 s26, $0x3;
	s28 =	sshrl.u32 s29, $0x3  }
0xbe: {  	s26 =	sadd.s32 s7, s26;
	s28 =	sadd.s32 s8, s28  }
0xbf: {  	[hbm:s26@s25], [sflag:s20] =	dma.strided [hbm:s28@s25], $0x20, s21, $0x10   }
0xc0: {  	(v2sf) =	vpush v1, $0xE  }
0xc1: {  	(v2sf) =	vpush v0, $0xE;
	_ =	sdelay $0xd  }
0xc2: {  	s26 =	spop (v2sf)  }
0xc3: {  	s30 =	sshll.u32 s26, $0x8;
	s29 =	spop (v2sf);
	s26 =	sshll.u32 s26, $0x7  }
0xc4: {  	s28 =	sand.u32 $0xFFFFF800, s30;
	s31 =	sshll.u32 s29, $0x8;
	s29 =	sshll.u32 s29, $0x7  }
0xc5: {  	s26 =	sand.u32 $0x380, s26;
	s30 =	sand.u32 $0xFFFFF800, s31;
	s29 =	sand.u32 $0x380, s29  }
0xc6: {  	s26 =	sor.u32 s26, s28;
	s29 =	sor.u32 s29, s30  }
0xc7: {  	s26 =	sshrl.u32 s26, $0x3;
	s28 =	sshrl.u32 s29, $0x3  }
0xc8: {  	s26 =	sadd.s32 s7, s26;
	s28 =	sadd.s32 s8, s28  }
0xc9: {  	[hbm:s26@s25], [sflag:s20] =	dma.strided [hbm:s28@s25], $0x20, s21, $0x10   }
0xca: {  	(v2sf) =	vpush v1, $0xF;
	_ =	sdelay $0x1  }
0xcb: {  	(v2sf) =	vpush v0, $0xF;
	_ =	sdelay $0xc  }
0xcc: {  	s26 =	spop (v2sf)  }
0xcd: {  	p0 =	sne.s32 s24, $0x1C0;
	s30 =	sshll.u32 s26, $0x8  }
0xce: {  	s29 =	spop (v2sf);
	s26 =	sshll.u32 s26, $0x7;
	s28 =	sand.u32 $0xFFFFF800, s30  }
0xcf: {  	s31 =	sshll.u32 s29, $0x8;
	s29 =	sshll.u32 s29, $0x7;
	s26 =	sand.u32 $0x380, s26  }
.Ltmp0:
0xd0: {  	s30 =	sand.u32 $0xFFFFF800, s31;
	s29 =	sand.u32 $0x380, s29;
	(pc) =	sbr.rel @p0 .LBB2_2-.Ltmp0, $4  }
0xd1: {  	s26 =	sor.u32 s26, s28;
	s31 =	sor.u32 s29, s30  }
0xd2: {  	s26 =	sshrl.u32 s26, $0x3;
	s28 =	sshrl.u32 s31, $0x3  }
0xd3: {  	s24 =	sadd.s32 $0x40, s24;
	s26 =	sadd.s32 s7, s26;
	s28 =	sadd.s32 s8, s28  }
0xd4: {  	[hbm:s26@s25], [sflag:s20] =	dma.strided [hbm:s28@s25], $0x20, s21, $0x10   }
0xd5: {  	_ =	swait.ge [sflag:s21], $0x20  }
0xd6: {  	s24 =	sadd.s32 $0xFFFFFFFF, s25;
	[sflag:s21] =	ssyncset.done $0x0  }
.LBB2_4:
0xd7: {  	p0 =	sne.s32 s24, $0x1;
	s24 =	sadd.s32 $0xFFFFFFFF, s24;
	[sflag:s21] =	ssyncadd.s32 $0xFFFFFFE0  }
.Ltmp1:
0xd8: {  	(pc) =	sbr.rel @p0 .LBB2_4-.Ltmp1, $3  }
0xd9: {  	_ =	sdelay $0x1  }
0xda: {  	_ =	swait.ge [sflag:s21], $0x20  }
0xdb: {  	[sflag:s21] =	ssyncset.done $0x0  }
0xdc: {  	[sflag:s21] =	ssyncadd.s32 $0xFFFFFFE0  }
0xdd: {  	[tilespmem:s17], [sflag:$0x2] =	stream.indirect.gather [hbm4b:s4+s16], $0x80, s22, s16, $0xb8;
	[tilespmem:$0x4300] =	vst v63  }
0xde: {  	_ =	swait.ge [sflag:s14], $0x4000  }
0xdf: {  	[sflag:s14] =	ssyncset.done $0x0  }
0xe0: {  	[sflag:s14] =	ssyncadd.s32 $0xFFFFC000  }
0xe1: {  	[hbm4b:s1+s16] =	stream.indirect.scatter [tilespmem:s17], [sflag:$0x2], $0x80, s16, s16, $0xb8;
	[tilespmem:$0x4300] =	vst v63  }
0xe2: {  	_ =	swait.ge [sflag:s14], $0x4000  }
0xe3: {  	[sflag:s14] =	ssyncset.done $0x0  }
0xe4: {  	[sflag:s14] =	ssyncadd.s32 $0xFFFFC000  }
0xe5: {  	[tilespmem:s18], [sflag:$0x2] =	stream.indirect.gather [hbm4b:s9+s16], $0x1, s22, s16, $0xb8;
	[tilespmem:$0x4300] =	vst v63  }
0xe6: {  	_ =	swait.ge [sflag:s14], $0x80  }
0xe7: {  	[sflag:s14] =	ssyncset.done $0x0  }
0xe8: {  	[sflag:s14] =	ssyncadd.s32 $0xFFFFFF80  }
0xe9: {  	[hbm4b:s2+s16] =	stream.indirect.scatter [tilespmem:s18], [sflag:$0x2], $0x1, s16, s16, $0xb8;
	[tilespmem:$0x4300] =	vst v63  }
0xea: {  	_ =	swait.ge [sflag:s14], $0x80  }
0xeb: {  	[sflag:s14] =	ssyncset.done $0x0  }
0xec: {  	[sflag:s14] =	ssyncadd.s32 $0xFFFFFF80  }
0xed: {  	[tilespmem:s19], [sflag:$0x2] =	stream.indirect.gather [hbm4b:s10+s16], $0x1, s22, s16, $0xb8;
	[tilespmem:$0x4300] =	vst v63  }
0xee: {  	_ =	swait.ge [sflag:s14], $0x80  }
0xef: {  	[sflag:s14] =	ssyncset.done $0x0  }
0xf0: {  	[sflag:s14] =	ssyncadd.s32 $0xFFFFFF80  }
0xf1: {  	[hbm4b:s3+s16] =	stream.indirect.scatter [tilespmem:s19], [sflag:$0x2], $0x1, s16, s16, $0xb8;
	[tilespmem:$0x4300] =	vst v63  }
0xf2: {  	_ =	swait.ge [sflag:s14], $0x80  }
0xf3: {  	[sflag:s14] =	ssyncset.done $0x0  }
0xf4: {  	s24 =	simm.s32 $0x0;
	[sflag:s14] =	ssyncadd.s32 $0xFFFFFF80  }
.LBB2_6:
0xf5: {  	s25 =	sshra.s32 s24, $0x2  }
0xf6: {  	v1 =	vld [tilespmem:s25+$0x80]  }
0xf7: {  	v0 =	vld [tilespmem:s25+$0x180];
	_ =	sdelay $0x3  }
0xf8: {  	(v2sf) =	vpush v1, $0x0  }
0xf9: {  	(v2sf) =	vpush v0, $0x0;
	_ =	sdelay $0xd  }
0xfa: {  	s31 =	spop (v2sf)  }
0xfb: {  	s26 =	sshll.u32 s31, $0x8;
	s28 =	spop (v2sf);
	s25 =	sshll.u32 s31, $0x7  }
0xfc: {  	s26 =	sand.u32 $0xFFFFF800, s26;
	s29 =	sshll.u32 s28, $0x8;
	s28 =	sshll.u32 s28, $0x7  }
0xfd: {  	s25 =	sand.u32 $0x380, s25;
	s29 =	sand.u32 $0xFFFFF800, s29;
	s28 =	sand.u32 $0x380, s28  }
0xfe: {  	s25 =	sor.u32 s25, s26;
	s28 =	sor.u32 s28, s29  }
0xff: {  	s25 =	sshrl.u32 s25, $0x3;
	s26 =	sshrl.u32 s28, $0x3  }
0x100: {  	s29 =	sadd.s32 s7, s25;
	s25 =	simm.s32 $0x80;
	s26 =	sadd.s32 s8, s26  }
0x101: {  	[hbm:s29@s25], [sflag:s20] =	dma.strided [hbm:s26@s25], $0x20, s21, $0x10   }
0x102: {  	(v2sf) =	vpush v1, $0x1  }
0x103: {  	(v2sf) =	vpush v0, $0x1;
	_ =	sdelay $0xd  }
0x104: {  	s26 =	spop (v2sf)  }
0x105: {  	s30 =	sshll.u32 s26, $0x8;
	s31 =	spop (v2sf);
	s26 =	sshll.u32 s26, $0x7  }
0x106: {  	s28 =	sand.u32 $0xFFFFF800, s30;
	s30 =	sshll.u32 s31, $0x8;
	s29 =	sshll.u32 s31, $0x7  }
0x107: {  	s26 =	sand.u32 $0x380, s26;
	s30 =	sand.u32 $0xFFFFF800, s30;
	s29 =	sand.u32 $0x380, s29  }
0x108: {  	s26 =	sor.u32 s26, s28;
	s29 =	sor.u32 s29, s30  }
0x109: {  	s26 =	sshrl.u32 s26, $0x3;
	s28 =	sshrl.u32 s29, $0x3  }
0x10a: {  	s26 =	sadd.s32 s7, s26;
	s28 =	sadd.s32 s8, s28  }
0x10b: {  	[hbm:s26@s25], [sflag:s20] =	dma.strided [hbm:s28@s25], $0x20, s21, $0x10   }
0x10c: {  	(v2sf) =	vpush v1, $0x2  }
0x10d: {  	(v2sf) =	vpush v0, $0x2;
	_ =	sdelay $0xd  }
0x10e: {  	s26 =	spop (v2sf)  }
0x10f: {  	s30 =	sshll.u32 s26, $0x8;
	s29 =	spop (v2sf);
	s26 =	sshll.u32 s26, $0x7  }
0x110: {  	s28 =	sand.u32 $0xFFFFF800, s30;
	s31 =	sshll.u32 s29, $0x8;
	s29 =	sshll.u32 s29, $0x7  }
0x111: {  	s26 =	sand.u32 $0x380, s26;
	s30 =	sand.u32 $0xFFFFF800, s31;
	s29 =	sand.u32 $0x380, s29  }
0x112: {  	s26 =	sor.u32 s26, s28;
	s29 =	sor.u32 s29, s30  }
0x113: {  	s26 =	sshrl.u32 s26, $0x3;
	s28 =	sshrl.u32 s29, $0x3  }
0x114: {  	s26 =	sadd.s32 s7, s26;
	s28 =	sadd.s32 s8, s28  }
0x115: {  	[hbm:s26@s25], [sflag:s20] =	dma.strided [hbm:s28@s25], $0x20, s21, $0x10   }
0x116: {  	(v2sf) =	vpush v1, $0x3  }
0x117: {  	(v2sf) =	vpush v0, $0x3;
	_ =	sdelay $0xd  }
0x118: {  	s26 =	spop (v2sf)  }
0x119: {  	s30 =	sshll.u32 s26, $0x8;
	s29 =	spop (v2sf);
	s26 =	sshll.u32 s26, $0x7  }
0x11a: {  	s28 =	sand.u32 $0xFFFFF800, s30;
	s31 =	sshll.u32 s29, $0x8;
	s29 =	sshll.u32 s29, $0x7  }
0x11b: {  	s26 =	sand.u32 $0x380, s26;
	s30 =	sand.u32 $0xFFFFF800, s31;
	s29 =	sand.u32 $0x380, s29  }
0x11c: {  	s26 =	sor.u32 s26, s28;
	s29 =	sor.u32 s29, s30  }
0x11d: {  	s26 =	sshrl.u32 s26, $0x3;
	s28 =	sshrl.u32 s29, $0x3  }
0x11e: {  	s26 =	sadd.s32 s7, s26;
	s28 =	sadd.s32 s8, s28  }
0x11f: {  	[hbm:s26@s25], [sflag:s20] =	dma.strided [hbm:s28@s25], $0x20, s21, $0x10   }
0x120: {  	(v2sf) =	vpush v1, $0x4  }
0x121: {  	(v2sf) =	vpush v0, $0x4;
	_ =	sdelay $0xd  }
0x122: {  	s26 =	spop (v2sf)  }
0x123: {  	s30 =	sshll.u32 s26, $0x8;
	s29 =	spop (v2sf);
	s26 =	sshll.u32 s26, $0x7  }
0x124: {  	s28 =	sand.u32 $0xFFFFF800, s30;
	s31 =	sshll.u32 s29, $0x8;
	s29 =	sshll.u32 s29, $0x7  }
0x125: {  	s26 =	sand.u32 $0x380, s26;
	s30 =	sand.u32 $0xFFFFF800, s31;
	s29 =	sand.u32 $0x380, s29  }
0x126: {  	s26 =	sor.u32 s26, s28;
	s29 =	sor.u32 s29, s30  }
0x127: {  	s26 =	sshrl.u32 s26, $0x3;
	s28 =	sshrl.u32 s29, $0x3  }
0x128: {  	s26 =	sadd.s32 s7, s26;
	s28 =	sadd.s32 s8, s28  }
0x129: {  	[hbm:s26@s25], [sflag:s20] =	dma.strided [hbm:s28@s25], $0x20, s21, $0x10   }
0x12a: {  	(v2sf) =	vpush v1, $0x5  }
0x12b: {  	(v2sf) =	vpush v0, $0x5;
	_ =	sdelay $0xd  }
0x12c: {  	s26 =	spop (v2sf)  }
0x12d: {  	s30 =	sshll.u32 s26, $0x8;
	s29 =	spop (v2sf);
	s26 =	sshll.u32 s26, $0x7  }
0x12e: {  	s28 =	sand.u32 $0xFFFFF800, s30;
	s31 =	sshll.u32 s29, $0x8;
	s29 =	sshll.u32 s29, $0x7  }
0x12f: {  	s26 =	sand.u32 $0x380, s26;
	s30 =	sand.u32 $0xFFFFF800, s31;
	s29 =	sand.u32 $0x380, s29  }
0x130: {  	s26 =	sor.u32 s26, s28;
	s29 =	sor.u32 s29, s30  }
0x131: {  	s26 =	sshrl.u32 s26, $0x3;
	s28 =	sshrl.u32 s29, $0x3  }
0x132: {  	s26 =	sadd.s32 s7, s26;
	s28 =	sadd.s32 s8, s28  }
0x133: {  	[hbm:s26@s25], [sflag:s20] =	dma.strided [hbm:s28@s25], $0x20, s21, $0x10   }
0x134: {  	(v2sf) =	vpush v1, $0x6  }
0x135: {  	(v2sf) =	vpush v0, $0x6;
	_ =	sdelay $0xd  }
0x136: {  	s26 =	spop (v2sf)  }
0x137: {  	s30 =	sshll.u32 s26, $0x8;
	s29 =	spop (v2sf);
	s26 =	sshll.u32 s26, $0x7  }
0x138: {  	s28 =	sand.u32 $0xFFFFF800, s30;
	s31 =	sshll.u32 s29, $0x8;
	s29 =	sshll.u32 s29, $0x7  }
0x139: {  	s26 =	sand.u32 $0x380, s26;
	s30 =	sand.u32 $0xFFFFF800, s31;
	s29 =	sand.u32 $0x380, s29  }
0x13a: {  	s26 =	sor.u32 s26, s28;
	s29 =	sor.u32 s29, s30  }
0x13b: {  	s26 =	sshrl.u32 s26, $0x3;
	s28 =	sshrl.u32 s29, $0x3  }
0x13c: {  	s26 =	sadd.s32 s7, s26;
	s28 =	sadd.s32 s8, s28  }
0x13d: {  	[hbm:s26@s25], [sflag:s20] =	dma.strided [hbm:s28@s25], $0x20, s21, $0x10   }
0x13e: {  	(v2sf) =	vpush v1, $0x7  }
0x13f: {  	(v2sf) =	vpush v0, $0x7;
	_ =	sdelay $0xd  }
0x140: {  	s26 =	spop (v2sf)  }
0x141: {  	s30 =	sshll.u32 s26, $0x8;
	s29 =	spop (v2sf);
	s26 =	sshll.u32 s26, $0x7  }
0x142: {  	s28 =	sand.u32 $0xFFFFF800, s30;
	s31 =	sshll.u32 s29, $0x8;
	s29 =	sshll.u32 s29, $0x7  }
0x143: {  	s26 =	sand.u32 $0x380, s26;
	s30 =	sand.u32 $0xFFFFF800, s31;
	s29 =	sand.u32 $0x380, s29  }
0x144: {  	s26 =	sor.u32 s26, s28;
	s29 =	sor.u32 s29, s30  }
0x145: {  	s26 =	sshrl.u32 s26, $0x3;
	s28 =	sshrl.u32 s29, $0x3  }
0x146: {  	s26 =	sadd.s32 s7, s26;
	s28 =	sadd.s32 s8, s28  }
0x147: {  	[hbm:s26@s25], [sflag:s20] =	dma.strided [hbm:s28@s25], $0x20, s21, $0x10   }
0x148: {  	(v2sf) =	vpush v1, $0x8  }
0x149: {  	(v2sf) =	vpush v0, $0x8;
	_ =	sdelay $0xd  }
0x14a: {  	s26 =	spop (v2sf)  }
0x14b: {  	s30 =	sshll.u32 s26, $0x8;
	s29 =	spop (v2sf);
	s26 =	sshll.u32 s26, $0x7  }
0x14c: {  	s28 =	sand.u32 $0xFFFFF800, s30;
	s31 =	sshll.u32 s29, $0x8;
	s29 =	sshll.u32 s29, $0x7  }
0x14d: {  	s26 =	sand.u32 $0x380, s26;
	s30 =	sand.u32 $0xFFFFF800, s31;
	s29 =	sand.u32 $0x380, s29  }
0x14e: {  	s26 =	sor.u32 s26, s28;
	s29 =	sor.u32 s29, s30  }
0x14f: {  	s26 =	sshrl.u32 s26, $0x3;
	s28 =	sshrl.u32 s29, $0x3  }
0x150: {  	s26 =	sadd.s32 s7, s26;
	s28 =	sadd.s32 s8, s28  }
0x151: {  	[hbm:s26@s25], [sflag:s20] =	dma.strided [hbm:s28@s25], $0x20, s21, $0x10   }
0x152: {  	(v2sf) =	vpush v1, $0x9  }
0x153: {  	(v2sf) =	vpush v0, $0x9;
	_ =	sdelay $0xd  }
0x154: {  	s26 =	spop (v2sf)  }
0x155: {  	s30 =	sshll.u32 s26, $0x8;
	s29 =	spop (v2sf);
	s26 =	sshll.u32 s26, $0x7  }
0x156: {  	s28 =	sand.u32 $0xFFFFF800, s30;
	s31 =	sshll.u32 s29, $0x8;
	s29 =	sshll.u32 s29, $0x7  }
0x157: {  	s26 =	sand.u32 $0x380, s26;
	s30 =	sand.u32 $0xFFFFF800, s31;
	s29 =	sand.u32 $0x380, s29  }
0x158: {  	s26 =	sor.u32 s26, s28;
	s29 =	sor.u32 s29, s30  }
0x159: {  	s26 =	sshrl.u32 s26, $0x3;
	s28 =	sshrl.u32 s29, $0x3  }
0x15a: {  	s26 =	sadd.s32 s7, s26;
	s28 =	sadd.s32 s8, s28  }
0x15b: {  	[hbm:s26@s25], [sflag:s20] =	dma.strided [hbm:s28@s25], $0x20, s21, $0x10   }
0x15c: {  	(v2sf) =	vpush v1, $0xA  }
0x15d: {  	(v2sf) =	vpush v0, $0xA;
	_ =	sdelay $0xd  }
0x15e: {  	s26 =	spop (v2sf)  }
0x15f: {  	s30 =	sshll.u32 s26, $0x8;
	s29 =	spop (v2sf);
	s26 =	sshll.u32 s26, $0x7  }
0x160: {  	s28 =	sand.u32 $0xFFFFF800, s30;
	s31 =	sshll.u32 s29, $0x8;
	s29 =	sshll.u32 s29, $0x7  }
0x161: {  	s26 =	sand.u32 $0x380, s26;
	s30 =	sand.u32 $0xFFFFF800, s31;
	s29 =	sand.u32 $0x380, s29  }
0x162: {  	s26 =	sor.u32 s26, s28;
	s29 =	sor.u32 s29, s30  }
0x163: {  	s26 =	sshrl.u32 s26, $0x3;
	s28 =	sshrl.u32 s29, $0x3  }
0x164: {  	s26 =	sadd.s32 s7, s26;
	s28 =	sadd.s32 s8, s28  }
0x165: {  	[hbm:s26@s25], [sflag:s20] =	dma.strided [hbm:s28@s25], $0x20, s21, $0x10   }
0x166: {  	(v2sf) =	vpush v1, $0xB  }
0x167: {  	(v2sf) =	vpush v0, $0xB;
	_ =	sdelay $0xd  }
0x168: {  	s26 =	spop (v2sf)  }
0x169: {  	s30 =	sshll.u32 s26, $0x8;
	s29 =	spop (v2sf);
	s26 =	sshll.u32 s26, $0x7  }
0x16a: {  	s28 =	sand.u32 $0xFFFFF800, s30;
	s31 =	sshll.u32 s29, $0x8;
	s29 =	sshll.u32 s29, $0x7  }
0x16b: {  	s26 =	sand.u32 $0x380, s26;
	s30 =	sand.u32 $0xFFFFF800, s31;
	s29 =	sand.u32 $0x380, s29  }
0x16c: {  	s26 =	sor.u32 s26, s28;
	s29 =	sor.u32 s29, s30  }
0x16d: {  	s26 =	sshrl.u32 s26, $0x3;
	s28 =	sshrl.u32 s29, $0x3  }
0x16e: {  	s26 =	sadd.s32 s7, s26;
	s28 =	sadd.s32 s8, s28  }
0x16f: {  	[hbm:s26@s25], [sflag:s20] =	dma.strided [hbm:s28@s25], $0x20, s21, $0x10   }
0x170: {  	(v2sf) =	vpush v1, $0xC  }
0x171: {  	(v2sf) =	vpush v0, $0xC;
	_ =	sdelay $0xd  }
0x172: {  	s26 =	spop (v2sf)  }
0x173: {  	s30 =	sshll.u32 s26, $0x8;
	s29 =	spop (v2sf);
	s26 =	sshll.u32 s26, $0x7  }
0x174: {  	s28 =	sand.u32 $0xFFFFF800, s30;
	s31 =	sshll.u32 s29, $0x8;
	s29 =	sshll.u32 s29, $0x7  }
0x175: {  	s26 =	sand.u32 $0x380, s26;
	s30 =	sand.u32 $0xFFFFF800, s31;
	s29 =	sand.u32 $0x380, s29  }
0x176: {  	s26 =	sor.u32 s26, s28;
	s29 =	sor.u32 s29, s30  }
0x177: {  	s26 =	sshrl.u32 s26, $0x3;
	s28 =	sshrl.u32 s29, $0x3  }
0x178: {  	s26 =	sadd.s32 s7, s26;
	s28 =	sadd.s32 s8, s28  }
0x179: {  	[hbm:s26@s25], [sflag:s20] =	dma.strided [hbm:s28@s25], $0x20, s21, $0x10   }
0x17a: {  	(v2sf) =	vpush v1, $0xD  }
0x17b: {  	(v2sf) =	vpush v0, $0xD;
	_ =	sdelay $0xd  }
0x17c: {  	s26 =	spop (v2sf)  }
0x17d: {  	s30 =	sshll.u32 s26, $0x8;
	s29 =	spop (v2sf);
	s26 =	sshll.u32 s26, $0x7  }
0x17e: {  	s28 =	sand.u32 $0xFFFFF800, s30;
	s31 =	sshll.u32 s29, $0x8;
	s29 =	sshll.u32 s29, $0x7  }
0x17f: {  	s26 =	sand.u32 $0x380, s26;
	s30 =	sand.u32 $0xFFFFF800, s31;
	s29 =	sand.u32 $0x380, s29  }
0x180: {  	s26 =	sor.u32 s26, s28;
	s29 =	sor.u32 s29, s30  }
0x181: {  	s26 =	sshrl.u32 s26, $0x3;
	s28 =	sshrl.u32 s29, $0x3  }
0x182: {  	s26 =	sadd.s32 s7, s26;
	s28 =	sadd.s32 s8, s28  }
0x183: {  	[hbm:s26@s25], [sflag:s20] =	dma.strided [hbm:s28@s25], $0x20, s21, $0x10   }
0x184: {  	(v2sf) =	vpush v1, $0xE  }
0x185: {  	(v2sf) =	vpush v0, $0xE;
	_ =	sdelay $0xd  }
0x186: {  	s26 =	spop (v2sf)  }
0x187: {  	s30 =	sshll.u32 s26, $0x8;
	s29 =	spop (v2sf);
	s26 =	sshll.u32 s26, $0x7  }
0x188: {  	s28 =	sand.u32 $0xFFFFF800, s30;
	s31 =	sshll.u32 s29, $0x8;
	s29 =	sshll.u32 s29, $0x7  }
0x189: {  	s26 =	sand.u32 $0x380, s26;
	s30 =	sand.u32 $0xFFFFF800, s31;
	s29 =	sand.u32 $0x380, s29  }
0x18a: {  	s26 =	sor.u32 s26, s28;
	s29 =	sor.u32 s29, s30  }
0x18b: {  	s26 =	sshrl.u32 s26, $0x3;
	s28 =	sshrl.u32 s29, $0x3  }
0x18c: {  	s26 =	sadd.s32 s7, s26;
	s28 =	sadd.s32 s8, s28  }
0x18d: {  	[hbm:s26@s25], [sflag:s20] =	dma.strided [hbm:s28@s25], $0x20, s21, $0x10   }
0x18e: {  	(v2sf) =	vpush v1, $0xF;
	_ =	sdelay $0x1  }
0x18f: {  	(v2sf) =	vpush v0, $0xF;
	_ =	sdelay $0xc  }
0x190: {  	s26 =	spop (v2sf)  }
0x191: {  	p0 =	sne.s32 s24, $0x1C0;
	s30 =	sshll.u32 s26, $0x8  }
0x192: {  	s29 =	spop (v2sf);
	s26 =	sshll.u32 s26, $0x7;
	s28 =	sand.u32 $0xFFFFF800, s30  }
0x193: {  	s31 =	sshll.u32 s29, $0x8;
	s29 =	sshll.u32 s29, $0x7;
	s26 =	sand.u32 $0x380, s26  }
.Ltmp2:
0x194: {  	s30 =	sand.u32 $0xFFFFF800, s31;
	s29 =	sand.u32 $0x380, s29;
	(pc) =	sbr.rel @p0 .LBB2_6-.Ltmp2, $4  }
0x195: {  	s26 =	sor.u32 s26, s28;
	s31 =	sor.u32 s29, s30  }
0x196: {  	s26 =	sshrl.u32 s26, $0x3;
	s28 =	sshrl.u32 s31, $0x3  }
0x197: {  	s24 =	sadd.s32 $0x40, s24;
	s26 =	sadd.s32 s7, s26;
	s28 =	sadd.s32 s8, s28  }
0x198: {  	[hbm:s26@s25], [sflag:s20] =	dma.strided [hbm:s28@s25], $0x20, s21, $0x10   }
0x199: {  	_ =	swait.ge [sflag:s21], $0x20  }
0x19a: {  	s24 =	sadd.s32 $0xFFFFFFFF, s25;
	[sflag:s21] =	ssyncset.done $0x0  }
.LBB2_8:
0x19b: {  	p0 =	sne.s32 s24, $0x1;
	s24 =	sadd.s32 $0xFFFFFFFF, s24;
	[sflag:s21] =	ssyncadd.s32 $0xFFFFFFE0  }
.Ltmp3:
0x19c: {  	(pc) =	sbr.rel @p0 .LBB2_8-.Ltmp3, $3  }
0x19d: {  	_ =	sdelay $0x1  }
0x19e: {  	_ =	swait.ge [sflag:s21], $0x20  }
0x19f: {  	[sflag:s21] =	ssyncset.done $0x0  }
0x1a0: {  	s23 =	sadd.s32 $0x1, s23  }
0x1a1: {  	p0 =	sne.s32 s23, s13  }
.Ltmp4:
0x1a2: {  	_ = 	snop;
	(pc) =	sbr.rel @p0 .LBB2_1-.Ltmp4, $2  }
0x1a3: {  	_ =	sdelay $0x2  }
0x1a4: {  	[sflag:s21] =	ssyncadd.s32 $0xFFFFFFE0  }
0x1a5: {  	_ =	sfence.sel $0x180000  }
0x1a6: {  	[bflag:$0x0] =	sbarrier.arrive $0xFFFF  }
0x1a7: {  	p0 =	sne.s32 s5, $0x0;
	_ =	strace $0x9000004D  }
0x1a8: {  	s0 =	sadd.s32 @!p0 $0x100000, s0;
	[bflag:$0x2] =	sbarrier.arrive $0xFFFF  }
0x1a9: {  	[sflag:s0] =	ssyncadd.tile.s32 @!p0 $0x1;
	_ =	shalt  }
.Lfunc_end2:
_tile_overlayer_lowered:
.L_overlay_start_2:
0x1aa: {  	(tag) =	ssettag $0x2  }
0x1ab: {  	s0 =	rddreg [dreg:$0x0];
	s2 =	stileid.u32  }
0x1ac: {  	s1 =	rddreg [dreg:$0x1];
	p0 =	sne.s32 s2, $0x0  }
0x1ad: {  	s3 =	rddreg [dreg:$0x2];
	[bflag:$0x3] =	sbarrier.arrive $0xFFFF;
	s2 =	simm.s32 @!p0 $0x1C02  }
0x1ae: {  	[timem:s3], [sflag:s2] =	dma.local @!p0 [hbm:s0], s1  }
0x1af: {  	s0 =	simm.s32 @!p0 $0x2  }
0x1b0: {  	_ =	swait.ge @!p0 [sflag:s0], s1  }
0x1b1: {  	s1 =	ssub.s32 @!p0 $0x0, s1;
	[sflag:s0] =	ssyncset.done @!p0 $0x0  }
0x1b2: {  	[sflag:s0] =	ssyncadd.s32 @!p0 s1  }
0x1b3: {  	[bflag:$0x3] =	sbarrier.arrive $0xFFFF  }
0x1b4: {  	_ =	shalt  }

// kernel: kernel.6.cloned.1.call-start
scs
__scs_entry_jumppad:
0x0: {  	(pc) =	sbr.rel $0x88, $3  }
0x1: {  	(tag) =	ssettag $0x0;
	lr =	simm.s32 $0x1  }
0x2: {  	[smem:$0x3F8A] =	sst lr;
	_ =	strace $0xD0000000  }
0x3: {  	_ = 	snop  }
0x4: {  	_ = 	snop  }
0x5: {  	_ = 	snop  }
0x6: {  	_ = 	snop  }
0x7: {  	_ = 	snop  }
__scs_overlays_trampoline_lowered:
0x8: {  	[smem:$0x3F99] =	sst s0  }
0x9: {  	[smem:$0x3F9A] =	sst s1  }
0xa: {  	[smem:$0x3F9B] =	sst s2  }
0xb: {  	[smem:$0x3F9C] =	sst s3  }
0xc: {  	[smem:$0x3F9D] =	sst s4  }
0xd: {  	[smem:$0x3F9E] =	sst s5  }
0xe: {  	[smem:$0x3F9F] =	sst s6  }
0xf: {  	[smem:$0x3FA0] =	sst s7  }
0x10: {  	[smem:$0x3FA1] =	sst s8  }
0x11: {  	[smem:$0x3FA2] =	sst s9;
	s0 =	simm.s32 @!p0 $0x0  }
0x12: {  	s1 =	sld [smem:$0x3F88];
	s0 =	simm.s32 @p0 $0x1  }
0x13: {  	[smem:$0x3FA3] =	sst s0;
	s0 =	simm.s32 @!p1 $0x0  }
0x14: {  	s2 =	sld [smem:$0x3F87];
	s0 =	simm.s32 @p1 $0x1  }
0x15: {  	[smem:$0x3FA4] =	sst s0;
	s0 =	simm.s32 @!p2 $0x0  }
0x16: {  	s3 =	sld [smem:$0x3FDB];
	s0 =	simm.s32 @p2 $0x1  }
0x17: {  	s4 =	simm.s32 $0x1BF5;
	[smem:$0x3FA6] =	sst s0  }
0x18: {  	s0 =	sld [smem:$0x3F89];
	_ =	swait.ge [sflag:s4], $0x0  }
0x19: {  	s7 =	sld [smem:$0x3F8A]  }
0x1a: {  	s8 =	sadd.s32 $0xFFFFE003, lr  }
0x1b: {  	s9 =	sadd.s32 $0xFFFFFEF7, lr;
	s5 =	simm.s32 $0xFFFFFFFF;
	p2 =	slt.u32 s8, $0xFFFFF086  }
0x1c: {  	p1 =	slt.u32 s9, $0xF7A;
	s5 =	simm.s32 @!p2 $0x0  }
0x1d: {  	s5 =	simm.s32 @p1 $0x1;
	p0 =	seq.s32 s7, s2  }
0x1e: {  	s7 =	smul.u32 @!p0 $0xF7A, s2;
	p2 =	seq.s32 @!p0 s5, $0x0  }
0x1f: {  	s9 =	smul.u32 $0xF7A, s1;
	s8 =	simm.s32 @!p0 $0x1BF5;
	p2 =	por !p2, p0  }
0x20: {  	[sflag:s8] =	ssyncset.s32 @!p0 $0xFFFFF086;
	s6 =	sadd.s32 @!p0 s3, s7;
	s7 =	simm.s32 @!p0 $0x108  }
0x21: {  	s3 =	sadd.s32 s3, s9;
	s6 =	sadd.s32 @!p0 $0x88, s6;
	s7 =	simm.s32 @p2 $0x1082  }
0x22: {  	[simem:s7], [sflag:s8] =	dma.local @!p0 [hbm:s6], $0xF7A  }
0x23: {  	s9 =	sor.u32 $0xD0000000, s2;
	s6 =	simm.s32 $0x108;
	_ =	swait.ge @!p0 [sflag:s8], $0x0  }
0x24: {  	s3 =	sadd.s32 $0x88, s3;
	s6 =	simm.s32 @!p1 $0x1082;
	[sflag:s4] =	ssyncset.s32 $0xFFFFF086  }
0x25: {  	[simem:s6], [sflag:s4] =	dma.local [hbm:s3], $0xF7A  }
0x26: {  	[smem:$0x3F8A] =	sst s1;
	(tag) =	ssettag s2;
	_ =	strace s9  }
0x27: {  	s1 =	sld [smem:$0x3F9A]  }
0x28: {  	s2 =	sld [smem:$0x3F9B]  }
0x29: {  	s4 =	sld [smem:$0x3F9D]  }
0x2a: {  	p0 =	seq.s32 s5, $0x0;
	s5 =	sld [smem:$0x3F9E]  }
0x2b: {  	s6 =	sld [smem:$0x3F9F]  }
0x2c: {  	s7 =	sld [smem:$0x3FA0]  }
0x2d: {  	s3 =	simm.s32 $0x108;
	s8 =	sld [smem:$0x3FA1]  }
0x2e: {  	s3 =	simm.s32 @!p0 $0x1082;
	s9 =	sld [smem:$0x3FA2]  }
0x2f: {  	lr =	sadd.s32 s0, s3;
	s0 =	sld [smem:$0x3F99]  }
0x30: {  	s3 =	sld [smem:$0x3F9C]  }
0x31: {  	[smem:$0x3FA5] =	sst s10  }
0x32: {  	s10 =	sld [smem:$0x3FA3];
	_ =	sdelay $0x3  }
0x33: {  	p0 =	seq.s32 s10, $0x1;
	s10 =	sld [smem:$0x3FA5];
	_ =	sdelay $0x3  }
0x34: {  	[smem:$0x3FA5] =	sst s10  }
0x35: {  	s10 =	sld [smem:$0x3FA4];
	_ =	sdelay $0x3  }
0x36: {  	p1 =	seq.s32 s10, $0x1;
	s10 =	sld [smem:$0x3FA5];
	_ =	sdelay $0x3  }
0x37: {  	[smem:$0x3FA5] =	sst s10  }
0x38: {  	s10 =	sld [smem:$0x3FA6]  }
0x39: {  	_ = 	snop;
	(pc) =	sbr.ind lr, $3  }
0x3a: {  	_ = 	snop  }
0x3b: {  	_ = 	snop  }
0x3c: {  	p2 =	seq.s32 s10, $0x1;
	s10 =	sld [smem:$0x3FA5]  }
0x3d: {  	_ =	shalt  }
0x3e: {  	_ =	shalt  }
0x3f: {  	_ =	shalt  }
0x40: {  	_ =	shalt  }
0x41: {  	_ =	shalt  }
0x42: {  	_ =	shalt  }
0x43: {  	_ =	shalt  }
0x44: {  	_ =	shalt  }
0x45: {  	_ =	shalt  }
0x46: {  	_ =	shalt  }
0x47: {  	_ =	shalt  }
0x48: {  	_ =	shalt  }
0x49: {  	_ =	shalt  }
0x4a: {  	_ =	shalt  }
0x4b: {  	_ =	shalt  }
0x4c: {  	_ =	shalt  }
0x4d: {  	_ =	shalt  }
0x4e: {  	_ =	shalt  }
0x4f: {  	_ =	shalt  }
0x50: {  	_ =	shalt  }
0x51: {  	_ =	shalt  }
0x52: {  	_ =	shalt  }
0x53: {  	_ =	shalt  }
0x54: {  	_ =	shalt  }
0x55: {  	_ =	shalt  }
0x56: {  	_ =	shalt  }
0x57: {  	_ =	shalt  }
0x58: {  	_ =	shalt  }
0x59: {  	_ =	shalt  }
0x5a: {  	_ =	shalt  }
0x5b: {  	_ =	shalt  }
0x5c: {  	_ =	shalt  }
0x5d: {  	_ =	shalt  }
0x5e: {  	_ =	shalt  }
0x5f: {  	_ =	shalt  }
0x60: {  	_ =	shalt  }
0x61: {  	_ =	shalt  }
0x62: {  	_ =	shalt  }
0x63: {  	_ =	shalt  }
0x64: {  	_ =	shalt  }
0x65: {  	_ =	shalt  }
0x66: {  	_ =	shalt  }
0x67: {  	_ =	shalt  }
0x68: {  	_ =	shalt  }
0x69: {  	_ =	shalt  }
0x6a: {  	_ =	shalt  }
0x6b: {  	_ =	shalt  }
0x6c: {  	_ =	shalt  }
0x6d: {  	_ =	shalt  }
0x6e: {  	_ =	shalt  }
0x6f: {  	_ =	shalt  }
0x70: {  	_ =	shalt  }
0x71: {  	_ =	shalt  }
0x72: {  	_ =	shalt  }
0x73: {  	_ =	shalt  }
0x74: {  	_ =	shalt  }
0x75: {  	_ =	shalt  }
0x76: {  	_ =	shalt  }
0x77: {  	_ =	shalt  }
0x78: {  	_ =	shalt  }
0x79: {  	_ =	shalt  }
0x7a: {  	_ =	shalt  }
0x7b: {  	_ =	shalt  }
0x7c: {  	_ =	shalt  }
0x7d: {  	_ =	shalt  }
0x7e: {  	_ =	shalt  }
0x7f: {  	_ =	shalt  }
0x80: {  	_ =	shalt  }
0x81: {  	_ =	shalt  }
0x82: {  	_ =	shalt  }
0x83: {  	_ =	shalt  }
0x84: {  	_ =	shalt  }
0x85: {  	_ =	shalt  }
0x86: {  	_ =	shalt  }
0x87: {  	_ =	shalt  }
.Lfunc_end0:
.L_simem_size_0:
called_computation_lowered:
.L_overlay_start_0:
0x88: {  	s2 =	sld [smem:$0x3FD9]  }
0x89: {  	s3 =	sld [smem:$0x3FFE];
	_ =	sdelay $0x1  }
0x8a: {  	s1 =	srdreg.scid  }
0x8b: {  	s0 =	sand.u32 $0x1, s1  }
0x8c: {  	s14 =	sshll.u32 s0, $0xA;
	s2 =	sadd.s32 s3, s2  }
0x8d: {  	s2 =	sadd.s32 s2, s14  }
0x8e: {  	[smem:$0x3FB1] =	sst s2  }
0x8f: {  	_ = 	snop  }
0x90: {  	s2 =	sld [smem:$0x3FD0];
	_ =	sdelay $0x2  }
0x91: {  	s15 =	simm.s32 $0xB;
	s4 =	simm.s32 $0x10  }
0x92: {  	[smem:s4], [sflag:s15] =	dma.local [hbm:s2], $0x1  }
0x93: {  	_ =	swait.eq [sflag:s15], $0x1  }
0x94: {  	s16 =	sld [smem:$0x12]  }
0x95: {  	s17 =	sld [smem:$0x13];
	[sflag:s15] =	ssyncset.done $0x0  }
0x96: {  	s5 =	sld [smem:$0x14];
	[sflag:s15] =	ssyncadd.s32 $0xFFFFFFFF  }
0x97: {  	s18 =	sld [smem:$0x15];
	(tm) =	ssettm $0x1  }
0x98: {  	s6 =	sld [smem:$0x3FFB];
	_ =	sdelay $0x3  }
0x99: {  	_ =	strace s6  }
0x9a: {  	s6 =	sld [smem:$0x3FFC];
	_ =	sdelay $0x3  }
0x9b: {  	_ =	strace s6  }
0x9c: {  	s6 =	sld [smem:$0x3FFD];
	_ =	sdelay $0x3  }
0x9d: {  	_ =	strace s6  }
0x9e: {  	_ =	strace $0x8FFFFFFF  }
0x9f: {  	s19 =	sld [smem:$0x3FDB];
	_ =	sdelay $0x1  }
0xa0: {  	s7 =	simm.s32 $_scs_section_size  }
0xa1: {  	s8 =	simm.s32 $_size__tile_overlayer_lowered;
	s9 =	simm.s32 $_tile_overlayer_lowered  }
0xa2: {  	s22 =	simm.s32 $0x1BFF;
	s21 =	sshll.u32 s9, $0x1;
	s6 =	sadd.s32 s7, s19  }
0xa3: {  	s10 =	simm.s32 $0x0;
	s20 =	sshll.u32 s8, $0x1;
	s8 =	sadd.s32 s21, s6  }
0xa4: {  	[timem:s10], [sflag:s22] =	dma.local [hbm:s8], s20  }
0xa5: {  	_ =	swait.ge [sflag:s22], s20  }
0xa6: {  	s7 =	ssub.s32 $0x0, s20;
	[sflag:s22] =	ssyncset.done $0x0  }
0xa7: {  	[sflag:s22] =	ssyncadd.s32 s7;
	_ =	sdelay $0x1  }
0xa8: {  	s23 =	simm.s32 $0x1B8B  }
0xa9: {  	_ =	swait.ge [sflag:s23], $0x1  }
0xaa: {  	[sflag:s23] =	ssyncset.done $0x0  }
0xab: {  	s25 =	simm.s32 $0x1B8E;
	s24 =	sld [smem:$0x3FFE];
	[sflag:s23] =	ssyncadd.s32 $0xFFFFFFFF  }
0xac: {  	s26 =	simm.s32 $execute0_lowered;
	[smem:$0x3FD2] =	sst s25  }
0xad: {  	s8 =	sshll.u32 s26, $0x1;
	_ =	strace $0x80000046;
	[dreg:$0x1] =	wrdreg $0xFFFFFFFF  }
0xae: {  	s28 =	simm.s32 $_size_execute0_lowered;
	s6 =	sadd.s32 s6, s8;
	[dreg:$0x0] =	wrdreg $0x0  }
0xaf: {  	s8 =	sshll.u32 s28, $0x1;
	[dreg:$0x2] =	wrdreg s6  }
0xb0: {  	[dreg:$0x3] =	wrdreg s8  }
0xb1: {  	[dreg:$0x4] =	wrdreg $0xC0  }
0xb2: {  	_ =	task [dreg:s10], $0x5FFFF  }
0xb3: {  	[dreg:$0x1] =	wrdreg $0xFFFFFFFF  }
0xb4: {  	[dreg:$0x0] =	wrdreg $0x60  }
0xb5: {  	[dreg:$0x2] =	wrdreg s16  }
0xb6: {  	[dreg:$0x3] =	wrdreg s24  }
0xb7: {  	[dreg:$0x4] =	wrdreg s17  }
0xb8: {  	[dreg:$0x5] =	wrdreg s18  }
0xb9: {  	[dreg:$0x6] =	wrdreg s5  }
0xba: {  	[dreg:$0x7] =	wrdreg $0x9  }
0xbb: {  	_ =	task.clear_ibuf [dreg:s10], $0x8FFFF;
	_ =	strace $0x90000046  }
0xbc: {  	s29 =	simm.s32 $0x9;
	_ =	strace $0x80000048  }
0xbd: {  	_ =	swait.ge [sflag:s29], $0x1  }
0xbe: {  	[sflag:s29] =	ssyncadd.s32 $0xFFFFFFFF  }
0xbf: {  	_ =	strace $0x90000048  }
0xc0: {  	_ =	sfence  }
0xc1: {  	s30 =	sld [smem:$0x0];
	_ =	sdelay $0x2  }
0xc2: {  	s31 =	sshll.u32 s1, $0xD;
	s1 =	sshrl.u32 s1, $0x2  }
0xc3: {  	s3 =	sand.u32 $0x4000, s31;
	s1 =	sadd.s32 s1, s30  }
0xc4: {  	s0 =	sor.u32 s3, s0;
	s1 =	sshll.u32 s1, $0x11  }
0xc5: {  	s0 =	sor.u32 s1, s0  }
0xc6: {  	s0 =	sadd.s32 $0x8F2B, s0  }
0xc7: {  	[sflag:s0] =	ssyncadd.remote.s32 $0x1  }
0xc8: {  	_ =	sfence.sel $0xFFFF  }
0xc9: {  	[dreg:$0x0] =	wrdreg $0xFFFFFFFF;
	(pc) =	sbr.abs _section_cstart, $3  }
0xca: {  	[dreg:$0x1] =	wrdreg $0xFFFFFFFF  }
0xcb: {  	_ =	task.clear_ibuf [dreg:s10], $0x2FFFF;
	_ =	strace $0x9FFFFFFF  }
0xcc: {  	(tm) =	ssettm $0x7FFFFFFF  }
0xcd: {  	_ =	shalt  }
tec
execute0_lowered:
.L_overlay_start_1:
0x0: {  	(tag) =	ssettag $0x1  }
0x1: {  	s0 =	rddreg [dreg:$0x1]  }
0x2: {  	s1 =	rddreg [dreg:$0x4];
	s2 =	srdreg.scid  }
0x3: {  	s3 =	stileid.u32;
	s5 =	simm.s32 $0x0;
	s2 =	sand.u32 $0x1, s2  }
0x4: {  	s3 =	sshll.u32 s3, $0x1;
	[smem:$0x7FF] =	sst s5;
	s6 =	sadd.s32 $0x4800, s0  }
0x5: {  	s7 =	sadd.s32 $0x312200, s0;
	s8 =	sadd.s32 $0x311C00, s0;
	s3 =	sor.u32 s2, s3  }
0x6: {  	_ =	strace $0x80000047;
	s4 =	sshll.u32 s3, $0x6;
	s9 =	smul.u32 $0x1800, s3  }
0x7: {  	s2 =	ssub.s32 $0x2, s2;
	s11 =	smul.u32 $0x180, s3;
	s4 =	sadd.s32 s4, s0  }
0x8: {  	s10 =	sshrl.u32 s2, $0x1;
	s15 =	smul.u32 $0x30, s3;
	s4 =	sadd.s32 $0x4000, s4  }
0x9: {  	s3 =	smul.u32 $0x3000, s3;
	s9 =	sadd.s32 s7, s9;
	[dreg:$0x1e] =	wrdreg s4  }
0xa: {  	s0 =	sadd.s32 $0x342200, s0;
	s17 =	sadd.s32 s8, s15;
	[dreg:$0x1f] =	wrdreg s9  }
0xb: {  	s2 =	ssub.s32 s2, s10;
	s3 =	sadd.s32 s1, s3;
	[smem:$0x7F2] =	sst s17  }
0xc: {  	s16 =	sadd.s32 $0x80, s11;
	s31 =	smax.u32 s2, $0x1;
	[smem:$0x7F4] =	sst s3  }
0xd: {  	s4 =	sadd.s32 s0, s15;
	s18 =	sshll.u32 s16, $0x4;
	[smem:$0x7FD] =	sst s31  }
0xe: {  	s20 =	sshrl.u32 s16, $0x3;
	[smem:$0x7F3] =	sst s4;
	s19 =	sadd.s32 s7, s18  }
0xf: {  	s23 =	sadd.s32 $0x100, s11;
	s21 =	sadd.s32 s8, s20;
	[smem:$0x7F5] =	sst s19  }
0x10: {  	s22 =	sshll.u32 s16, $0x5;
	s3 =	sadd.s32 s0, s20;
	[smem:$0x7F6] =	sst s21  }
0x11: {  	s26 =	sshrl.u32 s23, $0x3;
	s24 =	sadd.s32 s1, s22;
	[smem:$0x7F7] =	sst s3  }
0x12: {  	s29 =	sadd.s32 s8, s26;
	[smem:$0x7F8] =	sst s24  }
0x13: {  	s28 =	sshll.u32 s23, $0x5;
	s0 =	sadd.s32 s0, s26;
	[smem:$0x7FA] =	sst s29  }
0x14: {  	s25 =	sshll.u32 s23, $0x4;
	s30 =	sadd.s32 s1, s28;
	[smem:$0x7FB] =	sst s0  }
0x15: {  	s3 =	sadd.s32 s7, s25;
	[smem:$0x7FC] =	sst s30  }
0x16: {  	s2 =	simm.s32 $0x0;
	s1 =	simm.s32 $0x2;
	[smem:$0x7F9] =	sst s3  }
.LBB2_1:
0x17: {  	[smem:$0x7F1] =	sst s2  }
0x18: {  	s0 =	rddreg [dreg:$0x1e]  }
0x19: {  	[tilespmem:s5], [sflag:$0x2] =	stream.linear.gather [hbm4b:s0+s5], $0x180, $0x38;
	[tilespmem:$0xC300] =	vst v63  }
0x1a: {  	_ =	swait.ge [sflag:s1], $0x180  }
0x1b: {  	[sflag:s1] =	ssyncset.done $0x0  }
0x1c: {  	[sflag:s1] =	ssyncadd.s32 $0xFFFFFE80  }
0x1d: {  	s9 =	simm.s32 $0x80;
	s3 =	simm.s32 $0x200;
	s8 =	rddreg [dreg:$0x0]  }
0x1e: {  	[tilespmem:s3], [sflag:$0x2] =	stream.indirect.gather [hbm4b:s8+s9], $0x80, s5, s9, $0xb8;
	[tilespmem:$0xC300] =	vst v63  }
0x1f: {  	_ =	swait.ge [sflag:s1], $0x4000  }
0x20: {  	[sflag:s1] =	ssyncset.done $0x0  }
0x21: {  	s10 =	rddreg [dreg:$0x1f];
	[sflag:s1] =	ssyncadd.s32 $0xFFFFC000  }
0x22: {  	[hbm4b:s10+s5] =	stream.linear.scatter [tilespmem:s3], [sflag:$0x2], $0x4000, $0x38;
	[tilespmem:$0xC300] =	vst v63  }
0x23: {  	_ =	swait.ge [sflag:s1], $0x4000  }
0x24: {  	[sflag:s1] =	ssyncset.done $0x0  }
0x25: {  	[sflag:s1] =	ssyncadd.s32 $0xFFFFC000  }
0x26: {  	s12 =	simm.s32 $0xC200;
	s11 =	rddreg [dreg:$0x2]  }
0x27: {  	[tilespmem:s12], [sflag:$0x2] =	stream.indirect.gather [hbm4b:s11+s9], $0x1, s5, s9, $0xb8;
	[tilespmem:$0xC300] =	vst v63  }
0x28: {  	_ =	swait.ge [sflag:s1], $0x80  }
0x29: {  	s13 =	sld [smem:$0x7F2]  }
0x2a: {  	[sflag:s1] =	ssyncset.done $0x0  }
0x2b: {  	[sflag:s1] =	ssyncadd.s32 $0xFFFFFF80  }
0x2c: {  	[hbm4b:s13+s5] =	stream.linear.scatter [tilespmem:s12], [sflag:$0x2], $0x80, $0x38;
	[tilespmem:$0xC300] =	vst v63  }
0x2d: {  	_ =	swait.ge [sflag:s1], $0x80  }
0x2e: {  	[sflag:s1] =	ssyncset.done $0x0  }
0x2f: {  	[sflag:s1] =	ssyncadd.s32 $0xFFFFFF80  }
0x30: {  	s15 =	simm.s32 $0xC280;
	s14 =	rddreg [dreg:$0x3]  }
0x31: {  	[tilespmem:s15], [sflag:$0x2] =	stream.indirect.gather [hbm4b:s14+s9], $0x1, s5, s9, $0xb8;
	[tilespmem:$0xC300] =	vst v63  }
0x32: {  	_ =	swait.ge [sflag:s1], $0x80  }
0x33: {  	s16 =	sld [smem:$0x7F3]  }
0x34: {  	[sflag:s1] =	ssyncset.done $0x0  }
0x35: {  	[sflag:s1] =	ssyncadd.s32 $0xFFFFFF80  }
0x36: {  	[hbm4b:s16+s5] =	stream.linear.scatter [tilespmem:s15], [sflag:$0x2], $0x80, $0x38;
	[tilespmem:$0xC300] =	vst v63  }
0x37: {  	_ =	swait.ge [sflag:s1], $0x80  }
0x38: {  	[sflag:s1] =	ssyncset.done $0x0  }
0x39: {  	[sflag:s1] =	ssyncadd.s32 $0xFFFFFF80  }
0x3a: {  	v0 =	vld [tilespmem:s5+$0x0];
	_ =	sdelay $0x4  }
0x3b: {  	(v2sf) =	vpush v0, $0x2  }
0x3c: {  	(v2sf) =	vpush v0, $0x4  }
0x3d: {  	(v2sf) =	vpush v0, $0x0;
	_ =	sdelay $0x1  }
0x3e: {  	(v2sf) =	vpush v0, $0x1;
	_ =	sdelay $0x4  }
0x3f: {  	s31 =	simm.s32 $0x4000;
	s30 =	simm.s32 $0x0  }
0x40: {  	s18 =	simm.s32 $0x4600;
	s2 =	simm.s32 $0x4780;
	s19 =	simm.s32 $0x4700  }
0x41: {  	s4 =	simm.s32 $0x4380;
	s20 =	simm.s32 $0x4680;
	s7 =	simm.s32 $0x5000  }
0x42: {  	s17 =	simm.s32 $0x4C80;
	s22 =	simm.s32 $0x4300;
	s0 =	simm.s32 $0x10  }
0x43: {  	s8 =	simm.s32 $0x4C00;
	s3 =	simm.s32 $0x4280;
	s11 =	simm.s32 $0x4F00;
	(v2sf) =	vpush v0, $0x3  }
0x44: {  	s13 =	simm.s32 $0x4580;
	s12 =	simm.s32 $0x4B00;
	s9 =	simm.s32 $0x4F80  }
0x45: {  	s16 =	simm.s32 $0x4200;
	[dreg:$0x7] =	wrdreg s17;
	s17 =	spop (v2sf)  }
0x46: {  	s15 =	simm.s32 $0x4E00;
	s1 =	simm.s32 $0x4800;
	s23 =	spop (v2sf)  }
0x47: {  	s25 =	sshll.u32 s17, $0x8;
	s17 =	sshll.u32 s17, $0x7;
	s10 =	spop (v2sf)  }
0x48: {  	s21 =	sand.u32 $0xFFFFF800, s25;
	s17 =	sand.u32 $0x380, s17;
	s14 =	sshll.u32 s10, $0x8  }
0x49: {  	(v2sf) =	vpush v0, $0x6;
	s10 =	sshll.u32 s10, $0x7;
	s28 =	spop (v2sf);
	s29 =	sor.u32 s17, s21  }
0x4a: {  	s17 =	simm.s32 $0x4980;
	s21 =	sshll.u32 s23, $0x7;
	s23 =	sshll.u32 s23, $0x8  }
0x4b: {  	(v2sf) =	vpush v0, $0xC;
	s14 =	sand.u32 $0xFFFFF800, s14;
	s24 =	sand.u32 $0x380, s10;
	s10 =	simm.s32 $0x4B80  }
0x4c: {  	(v2sf) =	vpush v0, $0x7;
	s26 =	sshll.u32 s28, $0x8;
	s28 =	sshll.u32 s28, $0x7;
	s24 =	sor.u32 s24, s14  }
0x4d: {  	s28 =	sand.u32 $0x380, s28;
	s25 =	sand.u32 $0xFFFFF800, s26;
	s24 =	sshrl.u32 s24, $0x3  }
0x4e: {  	(v2sf) =	vpush v0, $0x5;
	s23 =	sand.u32 $0xFFFFF800, s23;
	s25 =	sor.u32 s28, s25;
	s24 =	sadd.s32 s6, s24  }
0x4f: {  	[tilespmem:s16], [sflag:$0x1] =	stream.linear.gather [hbm4b:s24+s5], $0x80, $0x38;
	[tilespmem:$0xC300] =	vst v63  }
0x50: {  	s14 =	simm.s32 $0x4A80;
	s25 =	sshrl.u32 s25, $0x3;
	s24 =	sadd.s32 $0x80, s24  }
0x51: {  	[tilespmem:s18], [sflag:$0x1] =	stream.linear.gather [hbm4b:s24+s5], $0x80, $0x38;
	[tilespmem:$0xC300] =	vst v63  }
0x52: {  	s28 =	sshrl.u32 s29, $0x3;
	s25 =	sadd.s32 s6, s25;
	s18 =	spop (v2sf)  }
0x53: {  	[tilespmem:s3], [sflag:$0x1] =	stream.linear.gather [hbm4b:s25+s5], $0x80, $0x38;
	[tilespmem:$0xC300] =	vst v63  }
0x54: {  	s28 =	sadd.s32 s6, s28;
	s26 =	sshll.u32 s18, $0x8;
	s25 =	sadd.s32 $0x80, s25  }
0x55: {  	[tilespmem:s20], [sflag:$0x1] =	stream.linear.gather [hbm4b:s25+s5], $0x80, $0x38;
	[tilespmem:$0xC300] =	vst v63  }
0x56: {  	s16 =	simm.s32 $0x4E80;
	s3 =	sshll.u32 s18, $0x7;
	s25 =	sand.u32 $0xFFFFF800, s26  }
0x57: {  	(v2sf) =	vpush v0, $0x9;
	[tilespmem:s22], [sflag:$0x1] =	stream.linear.gather [hbm4b:s28+s5], $0x80, $0x38;
	[tilespmem:$0xC300] =	vst v63  }
0x58: {  	s20 =	spop (v2sf);
	s28 =	sadd.s32 $0x80, s28;
	s22 =	sand.u32 $0x380, s3  }
0x59: {  	[tilespmem:s19], [sflag:$0x1] =	stream.linear.gather [hbm4b:s28+s5], $0x80, $0x38;
	[tilespmem:$0xC300] =	vst v63  }
0x5a: {  	s18 =	spop (v2sf);
	s22 =	sor.u32 s22, s25;
	s19 =	sand.u32 $0x380, s21  }
0x5b: {  	s21 =	sshll.u32 s20, $0x7;
	s28 =	spop (v2sf);
	s20 =	sshll.u32 s20, $0x8  }
0x5c: {  	(v2sf) =	vpush v0, $0x8;
	s22 =	sshrl.u32 s22, $0x3;
	s20 =	sand.u32 $0xFFFFF800, s20;
	s24 =	sand.u32 $0x380, s21  }
0x5d: {  	s26 =	spop (v2sf);
	s23 =	sor.u32 s19, s23;
	s19 =	simm.s32 $0x4A00  }
0x5e: {  	s21 =	sshll.u32 s28, $0x7;
	s28 =	sshll.u32 s28, $0x8;
	s22 =	sadd.s32 s6, s22  }
0x5f: {  	s20 =	sor.u32 s24, s20;
	s3 =	sshll.u32 s26, $0x8;
	s25 =	sshll.u32 s26, $0x7  }
0x60: {  	[tilespmem:s4], [sflag:$0x1] =	stream.linear.gather [hbm4b:s22+s5], $0x80, $0x38;
	[tilespmem:$0xC300] =	vst v63  }
0x61: {  	s28 =	sand.u32 $0xFFFFF800, s28;
	s24 =	sand.u32 $0xFFFFF800, s3;
	s25 =	sand.u32 $0x380, s25  }
0x62: {  	(v2sf) =	vpush v0, $0xB;
	s22 =	sadd.s32 $0x80, s22;
	s24 =	sor.u32 s25, s24;
	s25 =	sand.u32 $0x380, s21  }
0x63: {  	[tilespmem:s2], [sflag:$0x1] =	stream.linear.gather [hbm4b:s22+s5], $0x80, $0x38;
	[tilespmem:$0xC300] =	vst v63  }
0x64: {  	(v2sf) =	vpush v0, $0xA;
	s29 =	sshrl.u32 s23, $0x3;
	s20 =	sshrl.u32 s20, $0x3;
	s26 =	sor.u32 s25, s28  }
0x65: {  	s22 =	simm.s32 $0x4400;
	s24 =	sshrl.u32 s24, $0x3;
	s23 =	sshrl.u32 s26, $0x3  }
0x66: {  	s26 =	sshll.u32 s18, $0x8;
	s24 =	sadd.s32 s6, s24;
	s3 =	spop (v2sf)  }
0x67: {  	s21 =	sshll.u32 s3, $0x7;
	s25 =	sshll.u32 s3, $0x8;
	s3 =	sadd.s32 s6, s29  }
0x68: {  	[tilespmem:s22], [sflag:$0x1] =	stream.linear.gather [hbm4b:s3+s5], $0x80, $0x38;
	[tilespmem:$0xC300] =	vst v63  }
0x69: {  	s2 =	sand.u32 $0xFFFFF800, s26;
	s26 =	simm.s32 $0x4480;
	s4 =	sadd.s32 $0x80, s3  }
0x6a: {  	[tilespmem:s1], [sflag:$0x1] =	stream.linear.gather [hbm4b:s4+s5], $0x80, $0x38;
	[tilespmem:$0xC300] =	vst v63  }
0x6b: {  	s29 =	simm.s32 $0x4900;
	s28 =	sand.u32 $0x380, s21;
	s21 =	spop (v2sf)  }
0x6c: {  	[tilespmem:s26], [sflag:$0x1] =	stream.linear.gather [hbm4b:s24+s5], $0x80, $0x38;
	[tilespmem:$0xC300] =	vst v63  }
0x6d: {  	s1 =	sshll.u32 s21, $0x8;
	s3 =	sshll.u32 s21, $0x7;
	s21 =	simm.s32 $0x4880  }
0x6e: {  	s24 =	sadd.s32 $0x80, s24;
	s1 =	sand.u32 $0xFFFFF800, s1;
	s4 =	sand.u32 $0x380, s3  }
0x6f: {  	[tilespmem:s21], [sflag:$0x1] =	stream.linear.gather [hbm4b:s24+s5], $0x80, $0x38;
	[tilespmem:$0xC300] =	vst v63  }
0x70: {  	s22 =	simm.s32 $0x4500;
	s25 =	sand.u32 $0xFFFFF800, s25;
	s4 =	sor.u32 s4, s1  }
0x71: {  	s24 =	spop (v2sf);
	s21 =	sor.u32 s28, s25;
	s25 =	sadd.s32 s6, s20  }
0x72: {  	s26 =	sshll.u32 s24, $0x8;
	s1 =	sshll.u32 s24, $0x7;
	s20 =	sshrl.u32 s21, $0x3  }
0x73: {  	(v2sf) =	vpush v0, $0xD;
	s24 =	sand.u32 $0xFFFFF800, s26;
	s28 =	sand.u32 $0x380, s1;
	s1 =	spop (v2sf)  }
.LBB2_2:
0x74: {  	_ = 	snop  }
0x75: {  	[tilespmem:s22], [sflag:$0x1] =	stream.linear.gather [hbm4b:s25+s5], $0x80, $0x38;
	[tilespmem:$0xC300] =	vst v63  }
0x76: {  	s21 =	sadd.s32 $0x80, s25;
	s26 =	sshll.u32 s1, $0x8;
	s3 =	sshll.u32 s1, $0x7  }
0x77: {  	[tilespmem:s29], [sflag:$0x1] =	stream.linear.gather [hbm4b:s21+s5], $0x80, $0x38;
	[tilespmem:$0xC300] =	vst v63  }
0x78: {  	s25 =	sadd.s32 s6, s23;
	s26 =	sand.u32 $0xFFFFF800, s26;
	s3 =	sand.u32 $0x380, s3  }
0x79: {  	[tilespmem:s13], [sflag:$0x1] =	stream.linear.gather [hbm4b:s25+s5], $0x80, $0x38;
	[tilespmem:$0xC300] =	vst v63  }
0x7a: {  	s4 =	sshrl.u32 s4, $0x3;
	s3 =	sor.u32 s3, s26;
	s26 =	sadd.s32 $0x80, s25  }
0x7b: {  	(v2sf) =	vpush v0, $0xE;
	[tilespmem:s17], [sflag:$0x1] =	stream.linear.gather [hbm4b:s26+s5], $0x80, $0x38;
	[tilespmem:$0xC300] =	vst v63  }
0x7c: {  	s4 =	sadd.s32 s6, s4  }
0x7d: {  	[tilespmem:s19], [sflag:$0x1] =	stream.linear.gather [hbm4b:s4+s5], $0x80, $0x38;
	[tilespmem:$0xC300] =	vst v63  }
0x7e: {  	s24 =	sor.u32 s28, s24;
	s22 =	sshll.u32 s18, $0x7;
	s21 =	sadd.s32 $0x80, s4  }
0x7f: {  	[tilespmem:s15], [sflag:$0x1] =	stream.linear.gather [hbm4b:s21+s5], $0x80, $0x38;
	[tilespmem:$0xC300] =	vst v63  }
0x80: {  	s3 =	sshrl.u32 s3, $0x3;
	s25 =	sadd.s32 s6, s20;
	s17 =	sand.u32 $0x380, s22  }
0x81: {  	[tilespmem:s14], [sflag:$0x1] =	stream.linear.gather [hbm4b:s25+s5], $0x80, $0x38;
	[tilespmem:$0xC300] =	vst v63  }
0x82: {  	s20 =	sadd.s32 $0x80, s25;
	s2 =	sor.u32 s17, s2;
	s23 =	spop (v2sf)  }
0x83: {  	(v2sf) =	vpush v0, $0xF;
	[tilespmem:s16], [sflag:$0x1] =	stream.linear.gather [hbm4b:s20+s5], $0x80, $0x38;
	[tilespmem:$0xC300] =	vst v63  }
0x84: {  	s3 =	sadd.s32 s6, s3;
	s2 =	sshrl.u32 s2, $0x3;
	s26 =	sshll.u32 s23, $0x8  }
0x85: {  	[tilespmem:s12], [sflag:$0x1] =	stream.linear.gather [hbm4b:s3+s5], $0x80, $0x38;
	[tilespmem:$0xC300] =	vst v63  }
0x86: {  	s25 =	sadd.s32 $0x80, s3;
	s22 =	sand.u32 $0xFFFFF800, s26;
	s26 =	sshrl.u32 s24, $0x3  }
0x87: {  	[tilespmem:s11], [sflag:$0x1] =	stream.linear.gather [hbm4b:s25+s5], $0x80, $0x38;
	[tilespmem:$0xC300] =	vst v63  }
0x88: {  	s2 =	sadd.s32 s6, s2;
	s21 =	sshll.u32 s23, $0x7;
	s15 =	sadd.s32 s6, s26  }
0x89: {  	[tilespmem:s10], [sflag:$0x1] =	stream.linear.gather [hbm4b:s15+s5], $0x80, $0x38;
	[tilespmem:$0xC300] =	vst v63  }
0x8a: {  	s16 =	spop (v2sf);
	s23 =	sand.u32 $0x380, s21;
	s17 =	sadd.s32 $0x80, s15  }
0x8b: {  	[tilespmem:s9], [sflag:$0x1] =	stream.linear.gather [hbm4b:s17+s5], $0x80, $0x38;
	[tilespmem:$0xC300] =	vst v63  }
0x8c: {  	s18 =	sshll.u32 s16, $0x8;
	s12 =	sshll.u32 s16, $0x7;
	s4 =	sor.u32 s23, s22  }
0x8d: {  	[tilespmem:s8], [sflag:$0x1] =	stream.linear.gather [hbm4b:s2+s5], $0x80, $0x38;
	[tilespmem:$0xC300] =	vst v63  }
0x8e: {  	s19 =	sand.u32 $0xFFFFF800, s18;
	s4 =	sshrl.u32 s4, $0x3;
	s2 =	sadd.s32 $0x80, s2  }
0x8f: {  	[tilespmem:s7], [sflag:$0x1] =	stream.linear.gather [hbm4b:s2+s5], $0x80, $0x38;
	[tilespmem:$0xC300] =	vst v63  }
0x90: {  	s20 =	sand.u32 $0x380, s12;
	s26 =	rddreg [dreg:$0x7];
	s23 =	sadd.s32 s6, s4  }
0x91: {  	[tilespmem:s26], [sflag:$0x1] =	stream.linear.gather [hbm4b:s23+s5], $0x80, $0x38;
	[tilespmem:$0xC300] =	vst v63  }
0x92: {  	s3 =	sor.u32 s20, s19;
	s9 =	sadd.s32 $0x5080, s30;
	s21 =	spop (v2sf)  }
0x93: {  	s2 =	sadd.s32 $0x80, s23;
	s22 =	sshll.u32 s21, $0x8;
	s25 =	sshll.u32 s21, $0x7  }
0x94: {  	[tilespmem:s9], [sflag:$0x1] =	stream.linear.gather [hbm4b:s2+s5], $0x80, $0x38;
	[tilespmem:$0xC300] =	vst v63  }
0x95: {  	s3 =	sshrl.u32 s3, $0x3;
	s24 =	sand.u32 $0xFFFFF800, s22;
	s7 =	sand.u32 $0x380, s25  }
0x96: {  	s10 =	sadd.s32 $0x4D00, s30;
	s3 =	sadd.s32 s6, s3;
	s4 =	sor.u32 s7, s24  }
0x97: {  	[tilespmem:s10], [sflag:$0x1] =	stream.linear.gather [hbm4b:s3+s5], $0x80, $0x38;
	[tilespmem:$0xC300] =	vst v63  }
0x98: {  	s12 =	sadd.s32 $0x5100, s30;
	s11 =	sadd.s32 $0x80, s3;
	s4 =	sshrl.u32 s4, $0x3  }
0x99: {  	[tilespmem:s12], [sflag:$0x1] =	stream.linear.gather [hbm4b:s11+s5], $0x80, $0x38;
	[tilespmem:$0xC300] =	vst v63  }
0x9a: {  	s13 =	sadd.s32 $0x4D80, s30;
	s14 =	sadd.s32 s6, s4  }
0x9b: {  	[tilespmem:s13], [sflag:$0x1] =	stream.linear.gather [hbm4b:s14+s5], $0x80, $0x38;
	[tilespmem:$0xC300] =	vst v63  }
0x9c: {  	s16 =	sadd.s32 $0x5180, s30;
	s15 =	sadd.s32 $0x80, s14  }
0x9d: {  	[tilespmem:s16], [sflag:$0x1] =	stream.linear.gather [hbm4b:s15+s5], $0x80, $0x38;
	[tilespmem:$0xC300] =	vst v63  }
0x9e: {  	v0 =	vld [tilespmem:s0+$0x0];
	_ =	sdelay $0x4  }
0x9f: {  	(v2sf) =	vpush v0, $0x2  }
0xa0: {  	(v2sf) =	vpush v0, $0x4  }
0xa1: {  	(v2sf) =	vpush v0, $0x0  }
0xa2: {  	s1 =	smov.u32 s31  }
0xa3: {  	s30 =	sshra.s32 s1, $0x2;
	(v2sf) =	vpush v0, $0x1  }
0xa4: {  	s1 =	sadd.s32 $0x4780, s30  }
0xa5: {  	p0 =	sne.s32 s31, $0x1C000;
	s17 =	sadd.s32 $0x4800, s30;
	[dreg:$0x12] =	wrdreg s1  }
0xa6: {  	s31 =	sadd.s32 $0x4000, s31;
	s18 =	sadd.s32 $0x5000, s30;
	[dreg:$0x9] =	wrdreg s17;
	(v2sf) =	vpush v0, $0x3  }
0xa7: {  	s28 =	sadd.s32 $0x4700, s30;
	s19 =	sadd.s32 $0x4C80, s30;
	[dreg:$0x16] =	wrdreg s18;
	(v2sf) =	vpush v0, $0x6  }
0xa8: {  	s20 =	sadd.s32 $0x4F80, s30;
	s1 =	sadd.s32 $0x4580, s30;
	[dreg:$0x7] =	wrdreg s19  }
0xa9: {  	[dreg:$0xd] =	wrdreg s20;
	s20 =	sadd.s32 $0x4B00, s30;
	s17 =	sadd.s32 $0x4980, s30;
	(v2sf) =	vpush v0, $0xC  }
0xaa: {  	s19 =	sadd.s32 $0x4A00, s30;
	s23 =	sadd.s32 $0x4200, s30;
	s26 =	sadd.s32 $0x4B80, s30  }
0xab: {  	[dreg:$0x19] =	wrdreg s26;
	s2 =	sadd.s32 $0x4600, s30;
	s21 =	sadd.s32 $0x4C00, s30;
	(v2sf) =	vpush v0, $0x7  }
0xac: {  	s22 =	sadd.s32 $0x4680, s30;
	[dreg:$0x10] =	wrdreg s21;
	s25 =	sadd.s32 $0x4F00, s30  }
0xad: {  	s24 =	sadd.s32 $0x4300, s30;
	[dreg:$0x1c] =	wrdreg s25;
	s4 =	sadd.s32 $0x4380, s30  }
0xae: {  	s14 =	sadd.s32 $0x4A80, s30;
	s15 =	sadd.s32 $0x4E00, s30;
	s7 =	spop (v2sf)  }
0xaf: {  	s16 =	sadd.s32 $0x4E80, s30;
	s0 =	sadd.s32 $0x10, s0;
	s21 =	spop (v2sf)  }
0xb0: {  	s8 =	sshll.u32 s7, $0x8;
	s3 =	sshll.u32 s7, $0x7;
	s9 =	spop (v2sf)  }
0xb1: {  	s18 =	sand.u32 $0xFFFFF800, s8;
	s3 =	sand.u32 $0x380, s3;
	s10 =	sshll.u32 s9, $0x8  }
0xb2: {  	s25 =	sshll.u32 s9, $0x7;
	s29 =	sor.u32 s3, s18;
	s13 =	spop (v2sf)  }
0xb3: {  	(v2sf) =	vpush v0, $0x5;
	s9 =	sshll.u32 s21, $0x7;
	s21 =	sshll.u32 s21, $0x8;
	s11 =	sand.u32 $0xFFFFF800, s10  }
0xb4: {  	s12 =	sand.u32 $0x380, s25;
	s26 =	sshll.u32 s13, $0x8;
	s25 =	sshll.u32 s13, $0x7  }
0xb5: {  	s7 =	spop (v2sf);
	s3 =	sor.u32 s12, s11;
	s25 =	sand.u32 $0x380, s25  }
0xb6: {  	(v2sf) =	vpush v0, $0x9;
	s8 =	spop (v2sf);
	s10 =	sshll.u32 s7, $0x8;
	s13 =	sshll.u32 s7, $0x7  }
0xb7: {  	s7 =	sand.u32 $0x380, s9;
	s26 =	sand.u32 $0xFFFFF800, s26;
	s3 =	sshrl.u32 s3, $0x3  }
0xb8: {  	s18 =	spop (v2sf);
	s11 =	sshll.u32 s8, $0x7;
	s9 =	sand.u32 $0xFFFFF800, s10  }
0xb9: {  	s10 =	sand.u32 $0x380, s13;
	s8 =	sshll.u32 s8, $0x8;
	s26 =	sor.u32 s25, s26  }
0xba: {  	s3 =	sadd.s32 s6, s3;
	s12 =	spop (v2sf);
	s9 =	sor.u32 s10, s9  }
0xbb: {  	s10 =	sand.u32 $0xFFFFF800, s21;
	s8 =	sand.u32 $0xFFFFF800, s8;
	s11 =	sand.u32 $0x380, s11  }
0xbc: {  	[tilespmem:s23], [sflag:$0x1] =	stream.linear.gather [hbm4b:s3+s5], $0x80, $0x38;
	[tilespmem:$0xC300] =	vst v63  }
0xbd: {  	s13 =	sshll.u32 s12, $0x8;
	s12 =	sshll.u32 s12, $0x7;
	s9 =	sshrl.u32 s9, $0x3  }
0xbe: {  	(v2sf) =	vpush v0, $0x8;
	s8 =	sor.u32 s11, s8;
	s7 =	sor.u32 s7, s10;
	s3 =	sadd.s32 $0x80, s3  }
0xbf: {  	s11 =	sand.u32 $0x380, s12;
	s25 =	sshrl.u32 s8, $0x3;
	s8 =	sand.u32 $0xFFFFF800, s13  }
0xc0: {  	s13 =	sshrl.u32 s26, $0x3;
	s7 =	sshrl.u32 s7, $0x3;
	s9 =	sadd.s32 s6, s9  }
0xc1: {  	[tilespmem:s2], [sflag:$0x1] =	stream.linear.gather [hbm4b:s3+s5], $0x80, $0x38;
	[tilespmem:$0xC300] =	vst v63  }
0xc2: {  	s8 =	sor.u32 s11, s8;
	s3 =	sadd.s32 $0x4400, s30;
	s23 =	spop (v2sf)  }
0xc3: {  	s7 =	sadd.s32 s6, s7;
	s26 =	sshll.u32 s23, $0x8;
	s12 =	sshll.u32 s23, $0x7  }
0xc4: {  	s25 =	sadd.s32 s6, s25;
	s21 =	sand.u32 $0xFFFFF800, s26;
	s12 =	sand.u32 $0x380, s12  }
0xc5: {  	s23 =	spop (v2sf);
	s26 =	sadd.s32 s6, s13;
	s13 =	sshrl.u32 s29, $0x3  }
0xc6: {  	s29 =	sadd.s32 $0x4900, s30;
	s10 =	sor.u32 s12, s21;
	s21 =	sadd.s32 $0x4280, s30  }
0xc7: {  	(v2sf) =	vpush v0, $0xB;
	s11 =	sshll.u32 s23, $0x7;
	s12 =	sshll.u32 s23, $0x8;
	s23 =	sshrl.u32 s8, $0x3  }
0xc8: {  	[tilespmem:s21], [sflag:$0x1] =	stream.linear.gather [hbm4b:s26+s5], $0x80, $0x38;
	[tilespmem:$0xC300] =	vst v63  }
0xc9: {  	s2 =	sadd.s32 $0x80, s26;
	s8 =	sadd.s32 s6, s13;
	s10 =	sshrl.u32 s10, $0x3  }
0xca: {  	[tilespmem:s22], [sflag:$0x1] =	stream.linear.gather [hbm4b:s2+s5], $0x80, $0x38;
	[tilespmem:$0xC300] =	vst v63  }
0xcb: {  	s21 =	sshll.u32 s18, $0x8;
	s11 =	sand.u32 $0x380, s11;
	s10 =	sadd.s32 s6, s10  }
0xcc: {  	[tilespmem:s24], [sflag:$0x1] =	stream.linear.gather [hbm4b:s8+s5], $0x80, $0x38;
	[tilespmem:$0xC300] =	vst v63  }
0xcd: {  	s2 =	sand.u32 $0xFFFFF800, s21;
	s8 =	sadd.s32 $0x80, s8;
	s24 =	spop (v2sf)  }
0xce: {  	[tilespmem:s28], [sflag:$0x1] =	stream.linear.gather [hbm4b:s8+s5], $0x80, $0x38;
	[tilespmem:$0xC300] =	vst v63  }
0xcf: {  	(v2sf) =	vpush v0, $0xA;
	s22 =	sadd.s32 $0x4500, s30;
	s21 =	sadd.s32 $0x80, s9;
	s26 =	sshll.u32 s24, $0x8  }
0xd0: {  	[tilespmem:s4], [sflag:$0x1] =	stream.linear.gather [hbm4b:s9+s5], $0x80, $0x38;
	[tilespmem:$0xC300] =	vst v63  }
0xd1: {  	s13 =	sshll.u32 s24, $0x7;
	s8 =	sand.u32 $0xFFFFF800, s26;
	s26 =	rddreg [dreg:$0x12]  }
0xd2: {  	[tilespmem:s26], [sflag:$0x1] =	stream.linear.gather [hbm4b:s21+s5], $0x80, $0x38;
	[tilespmem:$0xC300] =	vst v63  }
0xd3: {  	s24 =	sand.u32 $0x380, s13;
	s13 =	smov.u32 s1;
	s1 =	sadd.s32 $0x4480, s30  }
0xd4: {  	[tilespmem:s3], [sflag:$0x1] =	stream.linear.gather [hbm4b:s7+s5], $0x80, $0x38;
	[tilespmem:$0xC300] =	vst v63  }
0xd5: {  	s4 =	sor.u32 s24, s8;
	s8 =	sadd.s32 $0x80, s7;
	s3 =	sand.u32 $0xFFFFF800, s12  }
0xd6: {  	s21 =	spop (v2sf);
	s3 =	sor.u32 s11, s3;
	s11 =	rddreg [dreg:$0x1c]  }
0xd7: {  	s26 =	sshll.u32 s21, $0x8;
	s7 =	sshll.u32 s21, $0x7;
	s21 =	rddreg [dreg:$0x9]  }
0xd8: {  	[tilespmem:s21], [sflag:$0x1] =	stream.linear.gather [hbm4b:s8+s5], $0x80, $0x38;
	[tilespmem:$0xC300] =	vst v63  }
0xd9: {  	s9 =	sadd.s32 $0x4880, s30;
	s28 =	sand.u32 $0x380, s7;
	s7 =	rddreg [dreg:$0x16]  }
.Ltmp0:
0xda: {  	s12 =	smov.u32 s20;
	s8 =	rddreg [dreg:$0x10];
	(pc) =	sbr.rel @p0 .LBB2_2-.Ltmp0, $4  }
0xdb: {  	[tilespmem:s1], [sflag:$0x1] =	stream.linear.gather [hbm4b:s10+s5], $0x80, $0x38;
	[tilespmem:$0xC300] =	vst v63  }
0xdc: {  	s24 =	sand.u32 $0xFFFFF800, s26;
	s26 =	sadd.s32 $0x80, s10;
	s10 =	rddreg [dreg:$0x19]  }
0xdd: {  	[tilespmem:s9], [sflag:$0x1] =	stream.linear.gather [hbm4b:s26+s5], $0x80, $0x38;
	[tilespmem:$0xC300] =	vst v63  }
0xde: {  	(v2sf) =	vpush v0, $0xD;
	s20 =	sshrl.u32 s3, $0x3;
	s1 =	spop (v2sf);
	s9 =	rddreg [dreg:$0xd]  }
0xdf: {  	[tilespmem:s22], [sflag:$0x1] =	stream.linear.gather [hbm4b:s25+s5], $0x80, $0x38;
	[tilespmem:$0xC300] =	vst v63  }
0xe0: {  	s0 =	sadd.s32 $0x80, s25  }
0xe1: {  	[tilespmem:s29], [sflag:$0x1] =	stream.linear.gather [hbm4b:s0+s5], $0x80, $0x38;
	[tilespmem:$0xC300] =	vst v63  }
0xe2: {  	s3 =	sadd.s32 s6, s23  }
0xe3: {  	[tilespmem:s13], [sflag:$0x1] =	stream.linear.gather [hbm4b:s3+s5], $0x80, $0x38;
	[tilespmem:$0xC300] =	vst v63  }
0xe4: {  	s4 =	sshrl.u32 s4, $0x3;
	s0 =	sadd.s32 $0x80, s3  }
0xe5: {  	[tilespmem:s17], [sflag:$0x1] =	stream.linear.gather [hbm4b:s0+s5], $0x80, $0x38;
	[tilespmem:$0xC300] =	vst v63  }
0xe6: {  	s0 =	sadd.s32 s6, s4  }
0xe7: {  	[tilespmem:s19], [sflag:$0x1] =	stream.linear.gather [hbm4b:s0+s5], $0x80, $0x38;
	[tilespmem:$0xC300] =	vst v63  }
0xe8: {  	s0 =	sadd.s32 $0x80, s0  }
0xe9: {  	[tilespmem:s15], [sflag:$0x1] =	stream.linear.gather [hbm4b:s0+s5], $0x80, $0x38;
	[tilespmem:$0xC300] =	vst v63  }
0xea: {  	s13 =	sadd.s32 s6, s20  }
0xeb: {  	[tilespmem:s14], [sflag:$0x1] =	stream.linear.gather [hbm4b:s13+s5], $0x80, $0x38;
	[tilespmem:$0xC300] =	vst v63  }
0xec: {  	s0 =	sadd.s32 $0x80, s13;
	s15 =	sshll.u32 s1, $0x7;
	s14 =	sshll.u32 s1, $0x8  }
0xed: {  	[tilespmem:s16], [sflag:$0x1] =	stream.linear.gather [hbm4b:s0+s5], $0x80, $0x38;
	[tilespmem:$0xC300] =	vst v63  }
0xee: {  	s1 =	sand.u32 $0x380, s15;
	s0 =	sand.u32 $0xFFFFF800, s14  }
0xef: {  	s0 =	sor.u32 s1, s0  }
0xf0: {  	s0 =	sshrl.u32 s0, $0x3  }
0xf1: {  	s0 =	sadd.s32 s6, s0  }
0xf2: {  	[tilespmem:s12], [sflag:$0x1] =	stream.linear.gather [hbm4b:s0+s5], $0x80, $0x38;
	[tilespmem:$0xC300] =	vst v63  }
0xf3: {  	s16 =	sor.u32 s28, s24;
	s0 =	sadd.s32 $0x80, s0  }
0xf4: {  	[tilespmem:s11], [sflag:$0x1] =	stream.linear.gather [hbm4b:s0+s5], $0x80, $0x38;
	[tilespmem:$0xC300] =	vst v63  }
0xf5: {  	s0 =	sshrl.u32 s16, $0x3  }
0xf6: {  	s0 =	sadd.s32 s6, s0  }
0xf7: {  	[tilespmem:s10], [sflag:$0x1] =	stream.linear.gather [hbm4b:s0+s5], $0x80, $0x38;
	[tilespmem:$0xC300] =	vst v63  }
0xf8: {  	(v2sf) =	vpush v0, $0xE;
	s17 =	sshll.u32 s18, $0x7;
	s0 =	sadd.s32 $0x80, s0  }
0xf9: {  	[tilespmem:s9], [sflag:$0x1] =	stream.linear.gather [hbm4b:s0+s5], $0x80, $0x38;
	[tilespmem:$0xC300] =	vst v63  }
0xfa: {  	s0 =	sand.u32 $0x380, s17  }
0xfb: {  	s0 =	sor.u32 s0, s2  }
0xfc: {  	s0 =	sshrl.u32 s0, $0x3  }
0xfd: {  	s0 =	sadd.s32 s6, s0  }
0xfe: {  	[tilespmem:s8], [sflag:$0x1] =	stream.linear.gather [hbm4b:s0+s5], $0x80, $0x38;
	[tilespmem:$0xC300] =	vst v63  }
0xff: {  	s18 =	spop (v2sf);
	s0 =	sadd.s32 $0x80, s0  }
0x100: {  	(v2sf) =	vpush v0, $0xF;
	[tilespmem:s7], [sflag:$0x1] =	stream.linear.gather [hbm4b:s0+s5], $0x80, $0x38;
	[tilespmem:$0xC300] =	vst v63  }
0x101: {  	s19 =	sshll.u32 s18, $0x8;
	s0 =	sshll.u32 s18, $0x7  }
0x102: {  	s1 =	sand.u32 $0xFFFFF800, s19;
	s0 =	sand.u32 $0x380, s0  }
0x103: {  	s0 =	sor.u32 s0, s1  }
0x104: {  	s0 =	sshrl.u32 s0, $0x3  }
0x105: {  	s20 =	rddreg [dreg:$0x7];
	s0 =	sadd.s32 s6, s0  }
0x106: {  	[tilespmem:s20], [sflag:$0x1] =	stream.linear.gather [hbm4b:s0+s5], $0x80, $0x38;
	[tilespmem:$0xC300] =	vst v63  }
0x107: {  	s21 =	sadd.s32 $0x5080, s30;
	s22 =	spop (v2sf);
	s0 =	sadd.s32 $0x80, s0  }
0x108: {  	[tilespmem:s21], [sflag:$0x1] =	stream.linear.gather [hbm4b:s0+s5], $0x80, $0x38;
	[tilespmem:$0xC300] =	vst v63  }
0x109: {  	s23 =	sshll.u32 s22, $0x8;
	s0 =	sshll.u32 s22, $0x7  }
0x10a: {  	s1 =	sand.u32 $0xFFFFF800, s23;
	s0 =	sand.u32 $0x380, s0  }
0x10b: {  	s0 =	sor.u32 s0, s1  }
0x10c: {  	s0 =	sshrl.u32 s0, $0x3  }
0x10d: {  	s24 =	sadd.s32 $0x4D00, s30;
	s0 =	sadd.s32 s6, s0  }
0x10e: {  	[tilespmem:s24], [sflag:$0x1] =	stream.linear.gather [hbm4b:s0+s5], $0x80, $0x38;
	[tilespmem:$0xC300] =	vst v63  }
0x10f: {  	s25 =	sadd.s32 $0x5100, s30;
	s26 =	spop (v2sf);
	s0 =	sadd.s32 $0x80, s0  }
0x110: {  	[tilespmem:s25], [sflag:$0x1] =	stream.linear.gather [hbm4b:s0+s5], $0x80, $0x38;
	[tilespmem:$0xC300] =	vst v63  }
0x111: {  	s28 =	sshll.u32 s26, $0x8;
	s0 =	sshll.u32 s26, $0x7  }
0x112: {  	s1 =	sand.u32 $0xFFFFF800, s28;
	s0 =	sand.u32 $0x380, s0  }
0x113: {  	s0 =	sor.u32 s0, s1  }
0x114: {  	s0 =	sshrl.u32 s0, $0x3  }
0x115: {  	s29 =	sadd.s32 $0x4D80, s30;
	s0 =	sadd.s32 s6, s0  }
0x116: {  	[tilespmem:s29], [sflag:$0x1] =	stream.linear.gather [hbm4b:s0+s5], $0x80, $0x38;
	[tilespmem:$0xC300] =	vst v63  }
0x117: {  	s31 =	sadd.s32 $0x5180, s30;
	s1 =	simm.s32 $0x1;
	s0 =	sadd.s32 $0x80, s0  }
0x118: {  	[tilespmem:s31], [sflag:$0x1] =	stream.linear.gather [hbm4b:s0+s5], $0x80, $0x38;
	[tilespmem:$0xC300] =	vst v63  }
0x119: {  	_ =	swait.ge [sflag:s1], $0x100  }
0x11a: {  	s0 =	simm.s32 $0x7F;
	[sflag:s1] =	ssyncset.done $0x0  }
.LBB2_4:
0x11b: {  	p0 =	sne.s32 s0, $0x1;
	s0 =	sadd.s32 $0xFFFFFFFF, s0;
	[sflag:s1] =	ssyncadd.s32 $0xFFFFFF00  }
.Ltmp1:
0x11c: {  	(pc) =	sbr.rel @p0 .LBB2_4-.Ltmp1, $3  }
0x11d: {  	_ =	sdelay $0x1  }
0x11e: {  	_ =	swait.ge [sflag:s1], $0x100  }
0x11f: {  	[sflag:s1] =	ssyncset.done $0x0  }
0x120: {  	s15 =	sld [smem:$0x7F4]  }
0x121: {  	[sflag:s1] =	ssyncadd.s32 $0xFFFFFF00  }
0x122: {  	s0 =	simm.s32 $0x0;
	s2 =	simm.s32 $0x4200;
	s3 =	simm.s32 $0x2  }
0x123: {  	[hbm4b:s15+s0] =	stream.linear.scatter [tilespmem:s2], [sflag:$0x2], $0x8000, $0x38;
	[tilespmem:$0xC300] =	vst v63  }
0x124: {  	_ =	swait.ge [sflag:s3], $0x8000  }
0x125: {  	[sflag:s3] =	ssyncset.done $0x0  }
0x126: {  	[sflag:s3] =	ssyncadd.s32 $0xFFFF8000  }
0x127: {  	s16 =	simm.s32 $0x80;
	s4 =	simm.s32 $0x200;
	s17 =	rddreg [dreg:$0x0]  }
0x128: {  	[tilespmem:s4], [sflag:$0x2] =	stream.indirect.gather [hbm4b:s17+s16], $0x80, s16, s16, $0xb8;
	[tilespmem:$0xC300] =	vst v63  }
0x129: {  	_ =	swait.ge [sflag:s3], $0x4000  }
0x12a: {  	s18 =	sld [smem:$0x7F5]  }
0x12b: {  	[sflag:s3] =	ssyncset.done $0x0  }
0x12c: {  	[sflag:s3] =	ssyncadd.s32 $0xFFFFC000  }
0x12d: {  	[hbm4b:s18+s0] =	stream.linear.scatter [tilespmem:s4], [sflag:$0x2], $0x4000, $0x38;
	[tilespmem:$0xC300] =	vst v63  }
0x12e: {  	_ =	swait.ge [sflag:s3], $0x4000  }
0x12f: {  	[sflag:s3] =	ssyncset.done $0x0  }
0x130: {  	[sflag:s3] =	ssyncadd.s32 $0xFFFFC000  }
0x131: {  	s20 =	simm.s32 $0xC200;
	s19 =	rddreg [dreg:$0x2]  }
0x132: {  	[tilespmem:s20], [sflag:$0x2] =	stream.indirect.gather [hbm4b:s19+s16], $0x1, s16, s16, $0xb8;
	[tilespmem:$0xC300] =	vst v63  }
0x133: {  	_ =	swait.ge [sflag:s3], $0x80  }
0x134: {  	s21 =	sld [smem:$0x7F6]  }
0x135: {  	[sflag:s3] =	ssyncset.done $0x0  }
0x136: {  	[sflag:s3] =	ssyncadd.s32 $0xFFFFFF80  }
0x137: {  	[hbm4b:s21+s0] =	stream.linear.scatter [tilespmem:s20], [sflag:$0x2], $0x80, $0x38;
	[tilespmem:$0xC300] =	vst v63  }
0x138: {  	_ =	swait.ge [sflag:s3], $0x80  }
0x139: {  	[sflag:s3] =	ssyncset.done $0x0  }
0x13a: {  	[sflag:s3] =	ssyncadd.s32 $0xFFFFFF80  }
0x13b: {  	s23 =	simm.s32 $0xC280;
	s22 =	rddreg [dreg:$0x3]  }
0x13c: {  	[tilespmem:s23], [sflag:$0x2] =	stream.indirect.gather [hbm4b:s22+s16], $0x1, s16, s16, $0xb8;
	[tilespmem:$0xC300] =	vst v63  }
0x13d: {  	_ =	swait.ge [sflag:s3], $0x80  }
0x13e: {  	s24 =	sld [smem:$0x7F7]  }
0x13f: {  	[sflag:s3] =	ssyncset.done $0x0  }
0x140: {  	[sflag:s3] =	ssyncadd.s32 $0xFFFFFF80  }
0x141: {  	[hbm4b:s24+s0] =	stream.linear.scatter [tilespmem:s23], [sflag:$0x2], $0x80, $0x38;
	[tilespmem:$0xC300] =	vst v63  }
0x142: {  	_ =	swait.ge [sflag:s3], $0x80  }
0x143: {  	[sflag:s3] =	ssyncset.done $0x0  }
0x144: {  	[sflag:s3] =	ssyncadd.s32 $0xFFFFFF80  }
0x145: {  	v0 =	vld [tilespmem:s16+$0x0];
	_ =	sdelay $0x4  }
0x146: {  	(v2sf) =	vpush v0, $0x2  }
0x147: {  	(v2sf) =	vpush v0, $0x4  }
0x148: {  	(v2sf) =	vpush v0, $0x0;
	_ =	sdelay $0x1  }
0x149: {  	(v2sf) =	vpush v0, $0x1;
	_ =	sdelay $0x4  }
0x14a: {  	s31 =	simm.s32 $0x4000;
	s30 =	simm.s32 $0x0  }
0x14b: {  	s1 =	simm.s32 $0x4800;
	s13 =	simm.s32 $0x4580;
	s7 =	simm.s32 $0x5000  }
0x14c: {  	s25 =	simm.s32 $0x4C80;
	s9 =	simm.s32 $0x4F80;
	s8 =	simm.s32 $0x4C00  }
0x14d: {  	s12 =	simm.s32 $0x4B00;
	s11 =	simm.s32 $0x4F00;
	s29 =	simm.s32 $0x4900  }
0x14e: {  	s2 =	simm.s32 $0x4780;
	s15 =	simm.s32 $0x4E00;
	s18 =	simm.s32 $0x4600;
	(v2sf) =	vpush v0, $0x3  }
0x14f: {  	s4 =	simm.s32 $0x4380;
	s19 =	simm.s32 $0x4700;
	s20 =	simm.s32 $0x4680  }
0x150: {  	s21 =	simm.s32 $0x4300;
	s0 =	simm.s32 $0x90;
	s17 =	spop (v2sf)  }
0x151: {  	[dreg:$0x6] =	wrdreg s25;
	s16 =	simm.s32 $0x4200;
	s22 =	spop (v2sf)  }
0x152: {  	(v2sf) =	vpush v0, $0x6;
	s24 =	sshll.u32 s17, $0x8;
	s17 =	sshll.u32 s17, $0x7;
	s10 =	spop (v2sf)  }
0x153: {  	s26 =	sand.u32 $0xFFFFF800, s24;
	s17 =	sand.u32 $0x380, s17;
	s14 =	sshll.u32 s10, $0x8  }
0x154: {  	(v2sf) =	vpush v0, $0xC;
	s10 =	sshll.u32 s10, $0x7;
	s25 =	spop (v2sf);
	s26 =	sor.u32 s17, s26  }
0x155: {  	s17 =	simm.s32 $0x4980;
	s14 =	sand.u32 $0xFFFFF800, s14;
	s23 =	sand.u32 $0x380, s10  }
0x156: {  	s10 =	simm.s32 $0x4B80;
	s3 =	sshll.u32 s25, $0x8;
	s25 =	sshll.u32 s25, $0x7  }
0x157: {  	s23 =	sor.u32 s23, s14;
	s14 =	simm.s32 $0x4A80;
	s25 =	sand.u32 $0x380, s25  }
0x158: {  	(v2sf) =	vpush v0, $0x7;
	s24 =	sand.u32 $0xFFFFF800, s3;
	s3 =	sshrl.u32 s26, $0x3;
	s23 =	sshrl.u32 s23, $0x3  }
0x159: {  	(v2sf) =	vpush v0, $0x5;
	s24 =	sor.u32 s25, s24;
	s25 =	simm.s32 $0x4280;
	s23 =	sadd.s32 s6, s23  }
0x15a: {  	[tilespmem:s16], [sflag:$0x1] =	stream.linear.gather [hbm4b:s23+s5], $0x80, $0x38;
	[tilespmem:$0xC300] =	vst v63  }
0x15b: {  	s24 =	sshrl.u32 s24, $0x3;
	s16 =	simm.s32 $0x4E80;
	s23 =	sadd.s32 $0x80, s23  }
0x15c: {  	[tilespmem:s18], [sflag:$0x1] =	stream.linear.gather [hbm4b:s23+s5], $0x80, $0x38;
	[tilespmem:$0xC300] =	vst v63  }
0x15d: {  	s24 =	sadd.s32 s6, s24;
	s18 =	spop (v2sf);
	s23 =	sshll.u32 s22, $0x7  }
0x15e: {  	[tilespmem:s25], [sflag:$0x1] =	stream.linear.gather [hbm4b:s24+s5], $0x80, $0x38;
	[tilespmem:$0xC300] =	vst v63  }
0x15f: {  	s22 =	sshll.u32 s22, $0x8;
	s26 =	sshll.u32 s18, $0x7;
	s24 =	sadd.s32 $0x80, s24  }
0x160: {  	[tilespmem:s20], [sflag:$0x1] =	stream.linear.gather [hbm4b:s24+s5], $0x80, $0x38;
	[tilespmem:$0xC300] =	vst v63  }
0x161: {  	(v2sf) =	vpush v0, $0x9;
	s25 =	sadd.s32 s6, s3;
	s24 =	sshll.u32 s18, $0x8;
	s20 =	spop (v2sf)  }
0x162: {  	[tilespmem:s21], [sflag:$0x1] =	stream.linear.gather [hbm4b:s25+s5], $0x80, $0x38;
	[tilespmem:$0xC300] =	vst v63  }
0x163: {  	s22 =	sand.u32 $0xFFFFF800, s22;
	s24 =	sand.u32 $0xFFFFF800, s24;
	s18 =	spop (v2sf)  }
0x164: {  	s3 =	sshll.u32 s20, $0x7;
	s21 =	sand.u32 $0x380, s26;
	s20 =	sshll.u32 s20, $0x8  }
0x165: {  	s25 =	sadd.s32 $0x80, s25;
	s21 =	sor.u32 s21, s24;
	s20 =	sand.u32 $0xFFFFF800, s20  }
0x166: {  	[tilespmem:s19], [sflag:$0x1] =	stream.linear.gather [hbm4b:s25+s5], $0x80, $0x38;
	[tilespmem:$0xC300] =	vst v63  }
0x167: {  	(v2sf) =	vpush v0, $0x8;
	s19 =	sand.u32 $0x380, s23;
	s25 =	spop (v2sf);
	s23 =	sand.u32 $0x380, s3  }
0x168: {  	s21 =	sshrl.u32 s21, $0x3;
	s26 =	spop (v2sf);
	s20 =	sor.u32 s23, s20  }
0x169: {  	s22 =	sor.u32 s19, s22;
	s19 =	simm.s32 $0x4A00;
	s21 =	sadd.s32 s6, s21  }
0x16a: {  	s3 =	sshll.u32 s26, $0x8;
	s24 =	sshll.u32 s26, $0x7;
	s26 =	sshll.u32 s25, $0x7  }
0x16b: {  	[tilespmem:s4], [sflag:$0x1] =	stream.linear.gather [hbm4b:s21+s5], $0x80, $0x38;
	[tilespmem:$0xC300] =	vst v63  }
0x16c: {  	s25 =	sshll.u32 s25, $0x8;
	s22 =	sshrl.u32 s22, $0x3;
	s21 =	sadd.s32 $0x80, s21  }
0x16d: {  	(v2sf) =	vpush v0, $0xB;
	s23 =	sand.u32 $0xFFFFF800, s3;
	s24 =	sand.u32 $0x380, s24;
	s25 =	sand.u32 $0xFFFFF800, s25  }
0x16e: {  	[tilespmem:s2], [sflag:$0x1] =	stream.linear.gather [hbm4b:s21+s5], $0x80, $0x38;
	[tilespmem:$0xC300] =	vst v63  }
0x16f: {  	(v2sf) =	vpush v0, $0xA;
	s23 =	sor.u32 s24, s23;
	s24 =	sand.u32 $0x380, s26;
	s2 =	simm.s32 $0x4400  }
0x170: {  	s24 =	sor.u32 s24, s25;
	s26 =	sshrl.u32 s23, $0x3;
	s25 =	spop (v2sf)  }
0x171: {  	s23 =	sshrl.u32 s24, $0x3;
	s24 =	sshll.u32 s18, $0x8;
	s3 =	sshll.u32 s25, $0x7  }
0x172: {  	s21 =	sshll.u32 s25, $0x8;
	s25 =	sand.u32 $0x380, s3;
	s3 =	sadd.s32 s6, s22  }
0x173: {  	[tilespmem:s2], [sflag:$0x1] =	stream.linear.gather [hbm4b:s3+s5], $0x80, $0x38;
	[tilespmem:$0xC300] =	vst v63  }
0x174: {  	s20 =	sshrl.u32 s20, $0x3;
	s21 =	sand.u32 $0xFFFFF800, s21;
	s2 =	sand.u32 $0xFFFFF800, s24  }
0x175: {  	s4 =	sadd.s32 $0x80, s3;
	s3 =	simm.s32 $0x4480;
	s24 =	sadd.s32 s6, s26  }
0x176: {  	s21 =	sor.u32 s25, s21;
	s25 =	sadd.s32 s6, s20;
	s22 =	spop (v2sf)  }
0x177: {  	[tilespmem:s1], [sflag:$0x1] =	stream.linear.gather [hbm4b:s4+s5], $0x80, $0x38;
	[tilespmem:$0xC300] =	vst v63  }
0x178: {  	s20 =	sshrl.u32 s21, $0x3;
	s1 =	sshll.u32 s22, $0x8;
	s26 =	sshll.u32 s22, $0x7  }
0x179: {  	[tilespmem:s3], [sflag:$0x1] =	stream.linear.gather [hbm4b:s24+s5], $0x80, $0x38;
	[tilespmem:$0xC300] =	vst v63  }
0x17a: {  	s22 =	simm.s32 $0x4500;
	s3 =	simm.s32 $0x4880;
	s24 =	sadd.s32 $0x80, s24  }
0x17b: {  	[tilespmem:s3], [sflag:$0x1] =	stream.linear.gather [hbm4b:s24+s5], $0x80, $0x38;
	[tilespmem:$0xC300] =	vst v63  }
0x17c: {  	s1 =	sand.u32 $0xFFFFF800, s1;
	s4 =	sand.u32 $0x380, s26;
	s24 =	spop (v2sf)  }
0x17d: {  	s4 =	sor.u32 s4, s1;
	s26 =	sshll.u32 s24, $0x8;
	s1 =	sshll.u32 s24, $0x7  }
0x17e: {  	(v2sf) =	vpush v0, $0xD;
	s24 =	sand.u32 $0xFFFFF800, s26;
	s28 =	sand.u32 $0x380, s1;
	s1 =	spop (v2sf)  }
.LBB2_6:
0x17f: {  	_ = 	snop  }
0x180: {  	[tilespmem:s22], [sflag:$0x1] =	stream.linear.gather [hbm4b:s25+s5], $0x80, $0x38;
	[tilespmem:$0xC300] =	vst v63  }
0x181: {  	s21 =	sadd.s32 $0x80, s25;
	s26 =	sshll.u32 s1, $0x8;
	s3 =	sshll.u32 s1, $0x7  }
0x182: {  	[tilespmem:s29], [sflag:$0x1] =	stream.linear.gather [hbm4b:s21+s5], $0x80, $0x38;
	[tilespmem:$0xC300] =	vst v63  }
0x183: {  	s25 =	sadd.s32 s6, s23;
	s26 =	sand.u32 $0xFFFFF800, s26;
	s3 =	sand.u32 $0x380, s3  }
0x184: {  	[tilespmem:s13], [sflag:$0x1] =	stream.linear.gather [hbm4b:s25+s5], $0x80, $0x38;
	[tilespmem:$0xC300] =	vst v63  }
0x185: {  	s4 =	sshrl.u32 s4, $0x3;
	s3 =	sor.u32 s3, s26;
	s26 =	sadd.s32 $0x80, s25  }
0x186: {  	(v2sf) =	vpush v0, $0xE;
	[tilespmem:s17], [sflag:$0x1] =	stream.linear.gather [hbm4b:s26+s5], $0x80, $0x38;
	[tilespmem:$0xC300] =	vst v63  }
0x187: {  	s4 =	sadd.s32 s6, s4  }
0x188: {  	[tilespmem:s19], [sflag:$0x1] =	stream.linear.gather [hbm4b:s4+s5], $0x80, $0x38;
	[tilespmem:$0xC300] =	vst v63  }
0x189: {  	s24 =	sor.u32 s28, s24;
	s22 =	sshll.u32 s18, $0x7;
	s21 =	sadd.s32 $0x80, s4  }
0x18a: {  	[tilespmem:s15], [sflag:$0x1] =	stream.linear.gather [hbm4b:s21+s5], $0x80, $0x38;
	[tilespmem:$0xC300] =	vst v63  }
0x18b: {  	s3 =	sshrl.u32 s3, $0x3;
	s25 =	sadd.s32 s6, s20;
	s17 =	sand.u32 $0x380, s22  }
0x18c: {  	[tilespmem:s14], [sflag:$0x1] =	stream.linear.gather [hbm4b:s25+s5], $0x80, $0x38;
	[tilespmem:$0xC300] =	vst v63  }
0x18d: {  	s20 =	sadd.s32 $0x80, s25;
	s2 =	sor.u32 s17, s2;
	s23 =	spop (v2sf)  }
0x18e: {  	(v2sf) =	vpush v0, $0xF;
	[tilespmem:s16], [sflag:$0x1] =	stream.linear.gather [hbm4b:s20+s5], $0x80, $0x38;
	[tilespmem:$0xC300] =	vst v63  }
0x18f: {  	s3 =	sadd.s32 s6, s3;
	s2 =	sshrl.u32 s2, $0x3;
	s26 =	sshll.u32 s23, $0x8  }
0x190: {  	[tilespmem:s12], [sflag:$0x1] =	stream.linear.gather [hbm4b:s3+s5], $0x80, $0x38;
	[tilespmem:$0xC300] =	vst v63  }
0x191: {  	s25 =	sadd.s32 $0x80, s3;
	s22 =	sand.u32 $0xFFFFF800, s26;
	s26 =	sshrl.u32 s24, $0x3  }
0x192: {  	[tilespmem:s11], [sflag:$0x1] =	stream.linear.gather [hbm4b:s25+s5], $0x80, $0x38;
	[tilespmem:$0xC300] =	vst v63  }
0x193: {  	s2 =	sadd.s32 s6, s2;
	s21 =	sshll.u32 s23, $0x7;
	s15 =	sadd.s32 s6, s26  }
0x194: {  	[tilespmem:s10], [sflag:$0x1] =	stream.linear.gather [hbm4b:s15+s5], $0x80, $0x38;
	[tilespmem:$0xC300] =	vst v63  }
0x195: {  	s16 =	spop (v2sf);
	s23 =	sand.u32 $0x380, s21;
	s17 =	sadd.s32 $0x80, s15  }
0x196: {  	[tilespmem:s9], [sflag:$0x1] =	stream.linear.gather [hbm4b:s17+s5], $0x80, $0x38;
	[tilespmem:$0xC300] =	vst v63  }
0x197: {  	s18 =	sshll.u32 s16, $0x8;
	s12 =	sshll.u32 s16, $0x7;
	s4 =	sor.u32 s23, s22  }
0x198: {  	[tilespmem:s8], [sflag:$0x1] =	stream.linear.gather [hbm4b:s2+s5], $0x80, $0x38;
	[tilespmem:$0xC300] =	vst v63  }
0x199: {  	s19 =	sand.u32 $0xFFFFF800, s18;
	s4 =	sshrl.u32 s4, $0x3;
	s2 =	sadd.s32 $0x80, s2  }
0x19a: {  	[tilespmem:s7], [sflag:$0x1] =	stream.linear.gather [hbm4b:s2+s5], $0x80, $0x38;
	[tilespmem:$0xC300] =	vst v63  }
0x19b: {  	s20 =	sand.u32 $0x380, s12;
	s26 =	rddreg [dreg:$0x6];
	s23 =	sadd.s32 s6, s4  }
0x19c: {  	[tilespmem:s26], [sflag:$0x1] =	stream.linear.gather [hbm4b:s23+s5], $0x80, $0x38;
	[tilespmem:$0xC300] =	vst v63  }
0x19d: {  	s3 =	sor.u32 s20, s19;
	s9 =	sadd.s32 $0x5080, s30;
	s21 =	spop (v2sf)  }
0x19e: {  	s2 =	sadd.s32 $0x80, s23;
	s22 =	sshll.u32 s21, $0x8;
	s25 =	sshll.u32 s21, $0x7  }
0x19f: {  	[tilespmem:s9], [sflag:$0x1] =	stream.linear.gather [hbm4b:s2+s5], $0x80, $0x38;
	[tilespmem:$0xC300] =	vst v63  }
0x1a0: {  	s3 =	sshrl.u32 s3, $0x3;
	s24 =	sand.u32 $0xFFFFF800, s22;
	s7 =	sand.u32 $0x380, s25  }
0x1a1: {  	s10 =	sadd.s32 $0x4D00, s30;
	s3 =	sadd.s32 s6, s3;
	s4 =	sor.u32 s7, s24  }
0x1a2: {  	[tilespmem:s10], [sflag:$0x1] =	stream.linear.gather [hbm4b:s3+s5], $0x80, $0x38;
	[tilespmem:$0xC300] =	vst v63  }
0x1a3: {  	s12 =	sadd.s32 $0x5100, s30;
	s11 =	sadd.s32 $0x80, s3;
	s4 =	sshrl.u32 s4, $0x3  }
0x1a4: {  	[tilespmem:s12], [sflag:$0x1] =	stream.linear.gather [hbm4b:s11+s5], $0x80, $0x38;
	[tilespmem:$0xC300] =	vst v63  }
0x1a5: {  	s13 =	sadd.s32 $0x4D80, s30;
	s14 =	sadd.s32 s6, s4  }
0x1a6: {  	[tilespmem:s13], [sflag:$0x1] =	stream.linear.gather [hbm4b:s14+s5], $0x80, $0x38;
	[tilespmem:$0xC300] =	vst v63  }
0x1a7: {  	s16 =	sadd.s32 $0x5180, s30;
	s15 =	sadd.s32 $0x80, s14  }
0x1a8: {  	[tilespmem:s16], [sflag:$0x1] =	stream.linear.gather [hbm4b:s15+s5], $0x80, $0x38;
	[tilespmem:$0xC300] =	vst v63  }
0x1a9: {  	v0 =	vld [tilespmem:s0+$0x0];
	_ =	sdelay $0x4  }
0x1aa: {  	(v2sf) =	vpush v0, $0x2  }
0x1ab: {  	(v2sf) =	vpush v0, $0x4  }
0x1ac: {  	(v2sf) =	vpush v0, $0x0  }
0x1ad: {  	s1 =	smov.u32 s31  }
0x1ae: {  	s30 =	sshra.s32 s1, $0x2;
	(v2sf) =	vpush v0, $0x1  }
0x1af: {  	s1 =	sadd.s32 $0x4780, s30  }
0x1b0: {  	p0 =	sne.s32 s31, $0x1C000;
	s17 =	sadd.s32 $0x4800, s30;
	[dreg:$0x13] =	wrdreg s1  }
0x1b1: {  	s31 =	sadd.s32 $0x4000, s31;
	s18 =	sadd.s32 $0x5000, s30;
	[dreg:$0xa] =	wrdreg s17;
	(v2sf) =	vpush v0, $0x3  }
0x1b2: {  	s28 =	sadd.s32 $0x4700, s30;
	s19 =	sadd.s32 $0x4C80, s30;
	[dreg:$0x15] =	wrdreg s18;
	(v2sf) =	vpush v0, $0x6  }
0x1b3: {  	s20 =	sadd.s32 $0x4F80, s30;
	s1 =	sadd.s32 $0x4580, s30;
	[dreg:$0x6] =	wrdreg s19  }
0x1b4: {  	[dreg:$0xc] =	wrdreg s20;
	s20 =	sadd.s32 $0x4B00, s30;
	s17 =	sadd.s32 $0x4980, s30;
	(v2sf) =	vpush v0, $0xC  }
0x1b5: {  	s19 =	sadd.s32 $0x4A00, s30;
	s23 =	sadd.s32 $0x4200, s30;
	s26 =	sadd.s32 $0x4B80, s30  }
0x1b6: {  	[dreg:$0x18] =	wrdreg s26;
	s2 =	sadd.s32 $0x4600, s30;
	s21 =	sadd.s32 $0x4C00, s30;
	(v2sf) =	vpush v0, $0x7  }
0x1b7: {  	s22 =	sadd.s32 $0x4680, s30;
	[dreg:$0xf] =	wrdreg s21;
	s25 =	sadd.s32 $0x4F00, s30  }
0x1b8: {  	s24 =	sadd.s32 $0x4300, s30;
	[dreg:$0x1b] =	wrdreg s25;
	s4 =	sadd.s32 $0x4380, s30  }
0x1b9: {  	s14 =	sadd.s32 $0x4A80, s30;
	s15 =	sadd.s32 $0x4E00, s30;
	s7 =	spop (v2sf)  }
0x1ba: {  	s16 =	sadd.s32 $0x4E80, s30;
	s0 =	sadd.s32 $0x10, s0;
	s21 =	spop (v2sf)  }
0x1bb: {  	s8 =	sshll.u32 s7, $0x8;
	s3 =	sshll.u32 s7, $0x7;
	s9 =	spop (v2sf)  }
0x1bc: {  	s18 =	sand.u32 $0xFFFFF800, s8;
	s3 =	sand.u32 $0x380, s3;
	s10 =	sshll.u32 s9, $0x8  }
0x1bd: {  	s25 =	sshll.u32 s9, $0x7;
	s29 =	sor.u32 s3, s18;
	s13 =	spop (v2sf)  }
0x1be: {  	(v2sf) =	vpush v0, $0x5;
	s9 =	sshll.u32 s21, $0x7;
	s21 =	sshll.u32 s21, $0x8;
	s11 =	sand.u32 $0xFFFFF800, s10  }
0x1bf: {  	s12 =	sand.u32 $0x380, s25;
	s26 =	sshll.u32 s13, $0x8;
	s25 =	sshll.u32 s13, $0x7  }
0x1c0: {  	s7 =	spop (v2sf);
	s3 =	sor.u32 s12, s11;
	s25 =	sand.u32 $0x380, s25  }
0x1c1: {  	(v2sf) =	vpush v0, $0x9;
	s8 =	spop (v2sf);
	s10 =	sshll.u32 s7, $0x8;
	s13 =	sshll.u32 s7, $0x7  }
0x1c2: {  	s7 =	sand.u32 $0x380, s9;
	s26 =	sand.u32 $0xFFFFF800, s26;
	s3 =	sshrl.u32 s3, $0x3  }
0x1c3: {  	s18 =	spop (v2sf);
	s11 =	sshll.u32 s8, $0x7;
	s9 =	sand.u32 $0xFFFFF800, s10  }
0x1c4: {  	s10 =	sand.u32 $0x380, s13;
	s8 =	sshll.u32 s8, $0x8;
	s26 =	sor.u32 s25, s26  }
0x1c5: {  	s3 =	sadd.s32 s6, s3;
	s12 =	spop (v2sf);
	s9 =	sor.u32 s10, s9  }
0x1c6: {  	s10 =	sand.u32 $0xFFFFF800, s21;
	s8 =	sand.u32 $0xFFFFF800, s8;
	s11 =	sand.u32 $0x380, s11  }
0x1c7: {  	[tilespmem:s23], [sflag:$0x1] =	stream.linear.gather [hbm4b:s3+s5], $0x80, $0x38;
	[tilespmem:$0xC300] =	vst v63  }
0x1c8: {  	s13 =	sshll.u32 s12, $0x8;
	s12 =	sshll.u32 s12, $0x7;
	s9 =	sshrl.u32 s9, $0x3  }
0x1c9: {  	(v2sf) =	vpush v0, $0x8;
	s8 =	sor.u32 s11, s8;
	s7 =	sor.u32 s7, s10;
	s3 =	sadd.s32 $0x80, s3  }
0x1ca: {  	s11 =	sand.u32 $0x380, s12;
	s25 =	sshrl.u32 s8, $0x3;
	s8 =	sand.u32 $0xFFFFF800, s13  }
0x1cb: {  	s13 =	sshrl.u32 s26, $0x3;
	s7 =	sshrl.u32 s7, $0x3;
	s9 =	sadd.s32 s6, s9  }
0x1cc: {  	[tilespmem:s2], [sflag:$0x1] =	stream.linear.gather [hbm4b:s3+s5], $0x80, $0x38;
	[tilespmem:$0xC300] =	vst v63  }
0x1cd: {  	s8 =	sor.u32 s11, s8;
	s3 =	sadd.s32 $0x4400, s30;
	s23 =	spop (v2sf)  }
0x1ce: {  	s7 =	sadd.s32 s6, s7;
	s26 =	sshll.u32 s23, $0x8;
	s12 =	sshll.u32 s23, $0x7  }
0x1cf: {  	s25 =	sadd.s32 s6, s25;
	s21 =	sand.u32 $0xFFFFF800, s26;
	s12 =	sand.u32 $0x380, s12  }
0x1d0: {  	s23 =	spop (v2sf);
	s26 =	sadd.s32 s6, s13;
	s13 =	sshrl.u32 s29, $0x3  }
0x1d1: {  	s29 =	sadd.s32 $0x4900, s30;
	s10 =	sor.u32 s12, s21;
	s21 =	sadd.s32 $0x4280, s30  }
0x1d2: {  	(v2sf) =	vpush v0, $0xB;
	s11 =	sshll.u32 s23, $0x7;
	s12 =	sshll.u32 s23, $0x8;
	s23 =	sshrl.u32 s8, $0x3  }
0x1d3: {  	[tilespmem:s21], [sflag:$0x1] =	stream.linear.gather [hbm4b:s26+s5], $0x80, $0x38;
	[tilespmem:$0xC300] =	vst v63  }
0x1d4: {  	s2 =	sadd.s32 $0x80, s26;
	s8 =	sadd.s32 s6, s13;
	s10 =	sshrl.u32 s10, $0x3  }
0x1d5: {  	[tilespmem:s22], [sflag:$0x1] =	stream.linear.gather [hbm4b:s2+s5], $0x80, $0x38;
	[tilespmem:$0xC300] =	vst v63  }
0x1d6: {  	s21 =	sshll.u32 s18, $0x8;
	s11 =	sand.u32 $0x380, s11;
	s10 =	sadd.s32 s6, s10  }
0x1d7: {  	[tilespmem:s24], [sflag:$0x1] =	stream.linear.gather [hbm4b:s8+s5], $0x80, $0x38;
	[tilespmem:$0xC300] =	vst v63  }
0x1d8: {  	s2 =	sand.u32 $0xFFFFF800, s21;
	s8 =	sadd.s32 $0x80, s8;
	s24 =	spop (v2sf)  }
0x1d9: {  	[tilespmem:s28], [sflag:$0x1] =	stream.linear.gather [hbm4b:s8+s5], $0x80, $0x38;
	[tilespmem:$0xC300] =	vst v63  }
0x1da: {  	(v2sf) =	vpush v0, $0xA;
	s22 =	sadd.s32 $0x4500, s30;
	s21 =	sadd.s32 $0x80, s9;
	s26 =	sshll.u32 s24, $0x8  }
0x1db: {  	[tilespmem:s4], [sflag:$0x1] =	stream.linear.gather [hbm4b:s9+s5], $0x80, $0x38;
	[tilespmem:$0xC300] =	vst v63  }
0x1dc: {  	s13 =	sshll.u32 s24, $0x7;
	s8 =	sand.u32 $0xFFFFF800, s26;
	s26 =	rddreg [dreg:$0x13]  }
0x1dd: {  	[tilespmem:s26], [sflag:$0x1] =	stream.linear.gather [hbm4b:s21+s5], $0x80, $0x38;
	[tilespmem:$0xC300] =	vst v63  }
0x1de: {  	s24 =	sand.u32 $0x380, s13;
	s13 =	smov.u32 s1;
	s1 =	sadd.s32 $0x4480, s30  }
0x1df: {  	[tilespmem:s3], [sflag:$0x1] =	stream.linear.gather [hbm4b:s7+s5], $0x80, $0x38;
	[tilespmem:$0xC300] =	vst v63  }
0x1e0: {  	s4 =	sor.u32 s24, s8;
	s8 =	sadd.s32 $0x80, s7;
	s3 =	sand.u32 $0xFFFFF800, s12  }
0x1e1: {  	s21 =	spop (v2sf);
	s3 =	sor.u32 s11, s3;
	s11 =	rddreg [dreg:$0x1b]  }
0x1e2: {  	s26 =	sshll.u32 s21, $0x8;
	s7 =	sshll.u32 s21, $0x7;
	s21 =	rddreg [dreg:$0xa]  }
0x1e3: {  	[tilespmem:s21], [sflag:$0x1] =	stream.linear.gather [hbm4b:s8+s5], $0x80, $0x38;
	[tilespmem:$0xC300] =	vst v63  }
0x1e4: {  	s9 =	sadd.s32 $0x4880, s30;
	s28 =	sand.u32 $0x380, s7;
	s7 =	rddreg [dreg:$0x15]  }
.Ltmp2:
0x1e5: {  	s12 =	smov.u32 s20;
	s8 =	rddreg [dreg:$0xf];
	(pc) =	sbr.rel @p0 .LBB2_6-.Ltmp2, $4  }
0x1e6: {  	[tilespmem:s1], [sflag:$0x1] =	stream.linear.gather [hbm4b:s10+s5], $0x80, $0x38;
	[tilespmem:$0xC300] =	vst v63  }
0x1e7: {  	s24 =	sand.u32 $0xFFFFF800, s26;
	s26 =	sadd.s32 $0x80, s10;
	s10 =	rddreg [dreg:$0x18]  }
0x1e8: {  	[tilespmem:s9], [sflag:$0x1] =	stream.linear.gather [hbm4b:s26+s5], $0x80, $0x38;
	[tilespmem:$0xC300] =	vst v63  }
0x1e9: {  	(v2sf) =	vpush v0, $0xD;
	s20 =	sshrl.u32 s3, $0x3;
	s1 =	spop (v2sf);
	s9 =	rddreg [dreg:$0xc]  }
0x1ea: {  	[tilespmem:s22], [sflag:$0x1] =	stream.linear.gather [hbm4b:s25+s5], $0x80, $0x38;
	[tilespmem:$0xC300] =	vst v63  }
0x1eb: {  	s0 =	sadd.s32 $0x80, s25  }
0x1ec: {  	[tilespmem:s29], [sflag:$0x1] =	stream.linear.gather [hbm4b:s0+s5], $0x80, $0x38;
	[tilespmem:$0xC300] =	vst v63  }
0x1ed: {  	s3 =	sadd.s32 s6, s23  }
0x1ee: {  	[tilespmem:s13], [sflag:$0x1] =	stream.linear.gather [hbm4b:s3+s5], $0x80, $0x38;
	[tilespmem:$0xC300] =	vst v63  }
0x1ef: {  	s4 =	sshrl.u32 s4, $0x3;
	s0 =	sadd.s32 $0x80, s3  }
0x1f0: {  	[tilespmem:s17], [sflag:$0x1] =	stream.linear.gather [hbm4b:s0+s5], $0x80, $0x38;
	[tilespmem:$0xC300] =	vst v63  }
0x1f1: {  	s0 =	sadd.s32 s6, s4  }
0x1f2: {  	[tilespmem:s19], [sflag:$0x1] =	stream.linear.gather [hbm4b:s0+s5], $0x80, $0x38;
	[tilespmem:$0xC300] =	vst v63  }
0x1f3: {  	s0 =	sadd.s32 $0x80, s0  }
0x1f4: {  	[tilespmem:s15], [sflag:$0x1] =	stream.linear.gather [hbm4b:s0+s5], $0x80, $0x38;
	[tilespmem:$0xC300] =	vst v63  }
0x1f5: {  	s13 =	sadd.s32 s6, s20  }
0x1f6: {  	[tilespmem:s14], [sflag:$0x1] =	stream.linear.gather [hbm4b:s13+s5], $0x80, $0x38;
	[tilespmem:$0xC300] =	vst v63  }
0x1f7: {  	s0 =	sadd.s32 $0x80, s13;
	s15 =	sshll.u32 s1, $0x7;
	s14 =	sshll.u32 s1, $0x8  }
0x1f8: {  	[tilespmem:s16], [sflag:$0x1] =	stream.linear.gather [hbm4b:s0+s5], $0x80, $0x38;
	[tilespmem:$0xC300] =	vst v63  }
0x1f9: {  	s1 =	sand.u32 $0x380, s15;
	s0 =	sand.u32 $0xFFFFF800, s14  }
0x1fa: {  	s0 =	sor.u32 s1, s0  }
0x1fb: {  	s0 =	sshrl.u32 s0, $0x3  }
0x1fc: {  	s0 =	sadd.s32 s6, s0  }
0x1fd: {  	[tilespmem:s12], [sflag:$0x1] =	stream.linear.gather [hbm4b:s0+s5], $0x80, $0x38;
	[tilespmem:$0xC300] =	vst v63  }
0x1fe: {  	s16 =	sor.u32 s28, s24;
	s0 =	sadd.s32 $0x80, s0  }
0x1ff: {  	[tilespmem:s11], [sflag:$0x1] =	stream.linear.gather [hbm4b:s0+s5], $0x80, $0x38;
	[tilespmem:$0xC300] =	vst v63  }
0x200: {  	s0 =	sshrl.u32 s16, $0x3  }
0x201: {  	s0 =	sadd.s32 s6, s0  }
0x202: {  	[tilespmem:s10], [sflag:$0x1] =	stream.linear.gather [hbm4b:s0+s5], $0x80, $0x38;
	[tilespmem:$0xC300] =	vst v63  }
0x203: {  	(v2sf) =	vpush v0, $0xE;
	s17 =	sshll.u32 s18, $0x7;
	s0 =	sadd.s32 $0x80, s0  }
0x204: {  	[tilespmem:s9], [sflag:$0x1] =	stream.linear.gather [hbm4b:s0+s5], $0x80, $0x38;
	[tilespmem:$0xC300] =	vst v63  }
0x205: {  	s0 =	sand.u32 $0x380, s17  }
0x206: {  	s0 =	sor.u32 s0, s2  }
0x207: {  	s0 =	sshrl.u32 s0, $0x3  }
0x208: {  	s0 =	sadd.s32 s6, s0  }
0x209: {  	[tilespmem:s8], [sflag:$0x1] =	stream.linear.gather [hbm4b:s0+s5], $0x80, $0x38;
	[tilespmem:$0xC300] =	vst v63  }
0x20a: {  	s18 =	spop (v2sf);
	s0 =	sadd.s32 $0x80, s0  }
0x20b: {  	(v2sf) =	vpush v0, $0xF;
	[tilespmem:s7], [sflag:$0x1] =	stream.linear.gather [hbm4b:s0+s5], $0x80, $0x38;
	[tilespmem:$0xC300] =	vst v63  }
0x20c: {  	s19 =	sshll.u32 s18, $0x8;
	s0 =	sshll.u32 s18, $0x7  }
0x20d: {  	s1 =	sand.u32 $0xFFFFF800, s19;
	s0 =	sand.u32 $0x380, s0  }
0x20e: {  	s0 =	sor.u32 s0, s1  }
0x20f: {  	s0 =	sshrl.u32 s0, $0x3  }
0x210: {  	s20 =	rddreg [dreg:$0x6];
	s0 =	sadd.s32 s6, s0  }
0x211: {  	[tilespmem:s20], [sflag:$0x1] =	stream.linear.gather [hbm4b:s0+s5], $0x80, $0x38;
	[tilespmem:$0xC300] =	vst v63  }
0x212: {  	s21 =	sadd.s32 $0x5080, s30;
	s22 =	spop (v2sf);
	s0 =	sadd.s32 $0x80, s0  }
0x213: {  	[tilespmem:s21], [sflag:$0x1] =	stream.linear.gather [hbm4b:s0+s5], $0x80, $0x38;
	[tilespmem:$0xC300] =	vst v63  }
0x214: {  	s23 =	sshll.u32 s22, $0x8;
	s0 =	sshll.u32 s22, $0x7  }
0x215: {  	s1 =	sand.u32 $0xFFFFF800, s23;
	s0 =	sand.u32 $0x380, s0  }
0x216: {  	s0 =	sor.u32 s0, s1  }
0x217: {  	s0 =	sshrl.u32 s0, $0x3  }
0x218: {  	s24 =	sadd.s32 $0x4D00, s30;
	s0 =	sadd.s32 s6, s0  }
0x219: {  	[tilespmem:s24], [sflag:$0x1] =	stream.linear.gather [hbm4b:s0+s5], $0x80, $0x38;
	[tilespmem:$0xC300] =	vst v63  }
0x21a: {  	s25 =	sadd.s32 $0x5100, s30;
	s26 =	spop (v2sf);
	s0 =	sadd.s32 $0x80, s0  }
0x21b: {  	[tilespmem:s25], [sflag:$0x1] =	stream.linear.gather [hbm4b:s0+s5], $0x80, $0x38;
	[tilespmem:$0xC300] =	vst v63  }
0x21c: {  	s28 =	sshll.u32 s26, $0x8;
	s0 =	sshll.u32 s26, $0x7  }
0x21d: {  	s1 =	sand.u32 $0xFFFFF800, s28;
	s0 =	sand.u32 $0x380, s0  }
0x21e: {  	s0 =	sor.u32 s0, s1  }
0x21f: {  	s0 =	sshrl.u32 s0, $0x3  }
0x220: {  	s29 =	sadd.s32 $0x4D80, s30;
	s0 =	sadd.s32 s6, s0  }
0x221: {  	[tilespmem:s29], [sflag:$0x1] =	stream.linear.gather [hbm4b:s0+s5], $0x80, $0x38;
	[tilespmem:$0xC300] =	vst v63  }
0x222: {  	s31 =	sadd.s32 $0x5180, s30;
	s1 =	simm.s32 $0x1;
	s0 =	sadd.s32 $0x80, s0  }
0x223: {  	[tilespmem:s31], [sflag:$0x1] =	stream.linear.gather [hbm4b:s0+s5], $0x80, $0x38;
	[tilespmem:$0xC300] =	vst v63  }
0x224: {  	_ =	swait.ge [sflag:s1], $0x100  }
0x225: {  	s0 =	simm.s32 $0x7F;
	[sflag:s1] =	ssyncset.done $0x0  }
.LBB2_8:
0x226: {  	p0 =	sne.s32 s0, $0x1;
	s0 =	sadd.s32 $0xFFFFFFFF, s0;
	[sflag:s1] =	ssyncadd.s32 $0xFFFFFF00  }
.Ltmp3:
0x227: {  	(pc) =	sbr.rel @p0 .LBB2_8-.Ltmp3, $3  }
0x228: {  	_ =	sdelay $0x1  }
0x229: {  	_ =	swait.ge [sflag:s1], $0x100  }
0x22a: {  	[sflag:s1] =	ssyncset.done $0x0  }
0x22b: {  	s15 =	sld [smem:$0x7F8]  }
0x22c: {  	[sflag:s1] =	ssyncadd.s32 $0xFFFFFF00  }
0x22d: {  	s0 =	simm.s32 $0x0;
	s2 =	simm.s32 $0x4200;
	s3 =	simm.s32 $0x2  }
0x22e: {  	[hbm4b:s15+s0] =	stream.linear.scatter [tilespmem:s2], [sflag:$0x2], $0x8000, $0x38;
	[tilespmem:$0xC300] =	vst v63  }
0x22f: {  	_ =	swait.ge [sflag:s3], $0x8000  }
0x230: {  	[sflag:s3] =	ssyncset.done $0x0  }
0x231: {  	s16 =	simm.s32 $0x100;
	[sflag:s3] =	ssyncadd.s32 $0xFFFF8000  }
0x232: {  	s4 =	simm.s32 $0x80;
	s7 =	simm.s32 $0x200;
	s17 =	rddreg [dreg:$0x0]  }
0x233: {  	[tilespmem:s7], [sflag:$0x2] =	stream.indirect.gather [hbm4b:s17+s4], $0x80, s16, s4, $0xb8;
	[tilespmem:$0xC300] =	vst v63  }
0x234: {  	_ =	swait.ge [sflag:s3], $0x4000  }
0x235: {  	s18 =	sld [smem:$0x7F9]  }
0x236: {  	[sflag:s3] =	ssyncset.done $0x0  }
0x237: {  	[sflag:s3] =	ssyncadd.s32 $0xFFFFC000  }
0x238: {  	[hbm4b:s18+s0] =	stream.linear.scatter [tilespmem:s7], [sflag:$0x2], $0x4000, $0x38;
	[tilespmem:$0xC300] =	vst v63  }
0x239: {  	_ =	swait.ge [sflag:s3], $0x4000  }
0x23a: {  	[sflag:s3] =	ssyncset.done $0x0  }
0x23b: {  	[sflag:s3] =	ssyncadd.s32 $0xFFFFC000  }
0x23c: {  	s20 =	simm.s32 $0xC200;
	s19 =	rddreg [dreg:$0x2]  }
0x23d: {  	[tilespmem:s20], [sflag:$0x2] =	stream.indirect.gather [hbm4b:s19+s4], $0x1, s16, s4, $0xb8;
	[tilespmem:$0xC300] =	vst v63  }
0x23e: {  	_ =	swait.ge [sflag:s3], $0x80  }
0x23f: {  	s21 =	sld [smem:$0x7FA]  }
0x240: {  	[sflag:s3] =	ssyncset.done $0x0  }
0x241: {  	[sflag:s3] =	ssyncadd.s32 $0xFFFFFF80  }
0x242: {  	[hbm4b:s21+s0] =	stream.linear.scatter [tilespmem:s20], [sflag:$0x2], $0x80, $0x38;
	[tilespmem:$0xC300] =	vst v63  }
0x243: {  	_ =	swait.ge [sflag:s3], $0x80  }
0x244: {  	[sflag:s3] =	ssyncset.done $0x0  }
0x245: {  	[sflag:s3] =	ssyncadd.s32 $0xFFFFFF80  }
0x246: {  	s23 =	simm.s32 $0xC280;
	s22 =	rddreg [dreg:$0x3]  }
0x247: {  	[tilespmem:s23], [sflag:$0x2] =	stream.indirect.gather [hbm4b:s22+s4], $0x1, s16, s4, $0xb8;
	[tilespmem:$0xC300] =	vst v63  }
0x248: {  	_ =	swait.ge [sflag:s3], $0x80  }
0x249: {  	s24 =	sld [smem:$0x7FB]  }
0x24a: {  	[sflag:s3] =	ssyncset.done $0x0  }
0x24b: {  	[sflag:s3] =	ssyncadd.s32 $0xFFFFFF80  }
0x24c: {  	[hbm4b:s24+s0] =	stream.linear.scatter [tilespmem:s23], [sflag:$0x2], $0x80, $0x38;
	[tilespmem:$0xC300] =	vst v63  }
0x24d: {  	_ =	swait.ge [sflag:s3], $0x80  }
0x24e: {  	[sflag:s3] =	ssyncset.done $0x0  }
0x24f: {  	[sflag:s3] =	ssyncadd.s32 $0xFFFFFF80  }
0x250: {  	v0 =	vld [tilespmem:s16+$0x0];
	_ =	sdelay $0x4  }
0x251: {  	(v2sf) =	vpush v0, $0x2  }
0x252: {  	(v2sf) =	vpush v0, $0x4  }
0x253: {  	(v2sf) =	vpush v0, $0x0;
	_ =	sdelay $0x1  }
0x254: {  	(v2sf) =	vpush v0, $0x1;
	_ =	sdelay $0x4  }
0x255: {  	s31 =	simm.s32 $0x4000;
	s30 =	simm.s32 $0x0  }
0x256: {  	s1 =	simm.s32 $0x4800;
	s13 =	simm.s32 $0x4580;
	s25 =	simm.s32 $0x4C80  }
0x257: {  	s9 =	simm.s32 $0x4F80;
	s8 =	simm.s32 $0x4C00;
	s12 =	simm.s32 $0x4B00  }
0x258: {  	s11 =	simm.s32 $0x4F00;
	s29 =	simm.s32 $0x4900;
	s2 =	simm.s32 $0x4780  }
0x259: {  	s15 =	simm.s32 $0x4E00;
	s18 =	simm.s32 $0x4600;
	s7 =	simm.s32 $0x5000;
	(v2sf) =	vpush v0, $0x3  }
0x25a: {  	s19 =	simm.s32 $0x4700;
	s20 =	simm.s32 $0x4680;
	s21 =	simm.s32 $0x4300  }
0x25b: {  	s4 =	simm.s32 $0x4380;
	s0 =	simm.s32 $0x110;
	s17 =	spop (v2sf)  }
0x25c: {  	[dreg:$0x8] =	wrdreg s25;
	s16 =	simm.s32 $0x4200;
	s22 =	spop (v2sf)  }
0x25d: {  	(v2sf) =	vpush v0, $0x6;
	s24 =	sshll.u32 s17, $0x8;
	s17 =	sshll.u32 s17, $0x7;
	s10 =	spop (v2sf)  }
0x25e: {  	s26 =	sand.u32 $0xFFFFF800, s24;
	s17 =	sand.u32 $0x380, s17;
	s14 =	sshll.u32 s10, $0x8  }
0x25f: {  	(v2sf) =	vpush v0, $0xC;
	s10 =	sshll.u32 s10, $0x7;
	s25 =	spop (v2sf);
	s26 =	sor.u32 s17, s26  }
0x260: {  	s17 =	simm.s32 $0x4980;
	s14 =	sand.u32 $0xFFFFF800, s14;
	s23 =	sand.u32 $0x380, s10  }
0x261: {  	s10 =	simm.s32 $0x4B80;
	s3 =	sshll.u32 s25, $0x8;
	s25 =	sshll.u32 s25, $0x7  }
0x262: {  	s23 =	sor.u32 s23, s14;
	s14 =	simm.s32 $0x4A80;
	s25 =	sand.u32 $0x380, s25  }
0x263: {  	(v2sf) =	vpush v0, $0x7;
	s24 =	sand.u32 $0xFFFFF800, s3;
	s3 =	sshrl.u32 s26, $0x3;
	s23 =	sshrl.u32 s23, $0x3  }
0x264: {  	(v2sf) =	vpush v0, $0x5;
	s24 =	sor.u32 s25, s24;
	s25 =	simm.s32 $0x4280;
	s23 =	sadd.s32 s6, s23  }
0x265: {  	[tilespmem:s16], [sflag:$0x1] =	stream.linear.gather [hbm4b:s23+s5], $0x80, $0x38;
	[tilespmem:$0xC300] =	vst v63  }
0x266: {  	s24 =	sshrl.u32 s24, $0x3;
	s16 =	simm.s32 $0x4E80;
	s23 =	sadd.s32 $0x80, s23  }
0x267: {  	[tilespmem:s18], [sflag:$0x1] =	stream.linear.gather [hbm4b:s23+s5], $0x80, $0x38;
	[tilespmem:$0xC300] =	vst v63  }
0x268: {  	s24 =	sadd.s32 s6, s24;
	s18 =	spop (v2sf);
	s23 =	sshll.u32 s22, $0x7  }
0x269: {  	[tilespmem:s25], [sflag:$0x1] =	stream.linear.gather [hbm4b:s24+s5], $0x80, $0x38;
	[tilespmem:$0xC300] =	vst v63  }
0x26a: {  	s22 =	sshll.u32 s22, $0x8;
	s26 =	sshll.u32 s18, $0x7;
	s24 =	sadd.s32 $0x80, s24  }
0x26b: {  	[tilespmem:s20], [sflag:$0x1] =	stream.linear.gather [hbm4b:s24+s5], $0x80, $0x38;
	[tilespmem:$0xC300] =	vst v63  }
0x26c: {  	(v2sf) =	vpush v0, $0x9;
	s25 =	sadd.s32 s6, s3;
	s24 =	sshll.u32 s18, $0x8;
	s20 =	spop (v2sf)  }
0x26d: {  	[tilespmem:s21], [sflag:$0x1] =	stream.linear.gather [hbm4b:s25+s5], $0x80, $0x38;
	[tilespmem:$0xC300] =	vst v63  }
0x26e: {  	s22 =	sand.u32 $0xFFFFF800, s22;
	s24 =	sand.u32 $0xFFFFF800, s24;
	s18 =	spop (v2sf)  }
0x26f: {  	s3 =	sshll.u32 s20, $0x7;
	s21 =	sand.u32 $0x380, s26;
	s20 =	sshll.u32 s20, $0x8  }
0x270: {  	s25 =	sadd.s32 $0x80, s25;
	s21 =	sor.u32 s21, s24;
	s20 =	sand.u32 $0xFFFFF800, s20  }
0x271: {  	[tilespmem:s19], [sflag:$0x1] =	stream.linear.gather [hbm4b:s25+s5], $0x80, $0x38;
	[tilespmem:$0xC300] =	vst v63  }
0x272: {  	(v2sf) =	vpush v0, $0x8;
	s19 =	sand.u32 $0x380, s23;
	s25 =	spop (v2sf);
	s23 =	sand.u32 $0x380, s3  }
0x273: {  	s21 =	sshrl.u32 s21, $0x3;
	s26 =	spop (v2sf);
	s20 =	sor.u32 s23, s20  }
0x274: {  	s22 =	sor.u32 s19, s22;
	s19 =	simm.s32 $0x4A00;
	s21 =	sadd.s32 s6, s21  }
0x275: {  	s3 =	sshll.u32 s26, $0x8;
	s24 =	sshll.u32 s26, $0x7;
	s26 =	sshll.u32 s25, $0x7  }
0x276: {  	[tilespmem:s4], [sflag:$0x1] =	stream.linear.gather [hbm4b:s21+s5], $0x80, $0x38;
	[tilespmem:$0xC300] =	vst v63  }
0x277: {  	s25 =	sshll.u32 s25, $0x8;
	s22 =	sshrl.u32 s22, $0x3;
	s21 =	sadd.s32 $0x80, s21  }
0x278: {  	(v2sf) =	vpush v0, $0xB;
	s23 =	sand.u32 $0xFFFFF800, s3;
	s24 =	sand.u32 $0x380, s24;
	s25 =	sand.u32 $0xFFFFF800, s25  }
0x279: {  	[tilespmem:s2], [sflag:$0x1] =	stream.linear.gather [hbm4b:s21+s5], $0x80, $0x38;
	[tilespmem:$0xC300] =	vst v63  }
0x27a: {  	(v2sf) =	vpush v0, $0xA;
	s23 =	sor.u32 s24, s23;
	s24 =	sand.u32 $0x380, s26;
	s2 =	simm.s32 $0x4400  }
0x27b: {  	s24 =	sor.u32 s24, s25;
	s26 =	sshrl.u32 s23, $0x3;
	s25 =	spop (v2sf)  }
0x27c: {  	s23 =	sshrl.u32 s24, $0x3;
	s24 =	sshll.u32 s18, $0x8;
	s3 =	sshll.u32 s25, $0x7  }
0x27d: {  	s21 =	sshll.u32 s25, $0x8;
	s25 =	sand.u32 $0x380, s3;
	s3 =	sadd.s32 s6, s22  }
0x27e: {  	[tilespmem:s2], [sflag:$0x1] =	stream.linear.gather [hbm4b:s3+s5], $0x80, $0x38;
	[tilespmem:$0xC300] =	vst v63  }
0x27f: {  	s20 =	sshrl.u32 s20, $0x3;
	s21 =	sand.u32 $0xFFFFF800, s21;
	s2 =	sand.u32 $0xFFFFF800, s24  }
0x280: {  	s4 =	sadd.s32 $0x80, s3;
	s3 =	simm.s32 $0x4480;
	s24 =	sadd.s32 s6, s26  }
0x281: {  	s21 =	sor.u32 s25, s21;
	s25 =	sadd.s32 s6, s20;
	s22 =	spop (v2sf)  }
0x282: {  	[tilespmem:s1], [sflag:$0x1] =	stream.linear.gather [hbm4b:s4+s5], $0x80, $0x38;
	[tilespmem:$0xC300] =	vst v63  }
0x283: {  	s20 =	sshrl.u32 s21, $0x3;
	s1 =	sshll.u32 s22, $0x8;
	s26 =	sshll.u32 s22, $0x7  }
0x284: {  	[tilespmem:s3], [sflag:$0x1] =	stream.linear.gather [hbm4b:s24+s5], $0x80, $0x38;
	[tilespmem:$0xC300] =	vst v63  }
0x285: {  	s22 =	simm.s32 $0x4500;
	s3 =	simm.s32 $0x4880;
	s24 =	sadd.s32 $0x80, s24  }
0x286: {  	[tilespmem:s3], [sflag:$0x1] =	stream.linear.gather [hbm4b:s24+s5], $0x80, $0x38;
	[tilespmem:$0xC300] =	vst v63  }
0x287: {  	s1 =	sand.u32 $0xFFFFF800, s1;
	s4 =	sand.u32 $0x380, s26;
	s24 =	spop (v2sf)  }
0x288: {  	s4 =	sor.u32 s4, s1;
	s26 =	sshll.u32 s24, $0x8;
	s1 =	sshll.u32 s24, $0x7  }
0x289: {  	(v2sf) =	vpush v0, $0xD;
	s24 =	sand.u32 $0xFFFFF800, s26;
	s28 =	sand.u32 $0x380, s1;
	s1 =	spop (v2sf)  }
.LBB2_10:
0x28a: {  	_ = 	snop  }
0x28b: {  	[tilespmem:s22], [sflag:$0x1] =	stream.linear.gather [hbm4b:s25+s5], $0x80, $0x38;
	[tilespmem:$0xC300] =	vst v63  }
0x28c: {  	s21 =	sadd.s32 $0x80, s25;
	s26 =	sshll.u32 s1, $0x8;
	s3 =	sshll.u32 s1, $0x7  }
0x28d: {  	[tilespmem:s29], [sflag:$0x1] =	stream.linear.gather [hbm4b:s21+s5], $0x80, $0x38;
	[tilespmem:$0xC300] =	vst v63  }
0x28e: {  	s25 =	sadd.s32 s6, s23;
	s26 =	sand.u32 $0xFFFFF800, s26;
	s3 =	sand.u32 $0x380, s3  }
0x28f: {  	[tilespmem:s13], [sflag:$0x1] =	stream.linear.gather [hbm4b:s25+s5], $0x80, $0x38;
	[tilespmem:$0xC300] =	vst v63  }
0x290: {  	s4 =	sshrl.u32 s4, $0x3;
	s3 =	sor.u32 s3, s26;
	s26 =	sadd.s32 $0x80, s25  }
0x291: {  	(v2sf) =	vpush v0, $0xE;
	[tilespmem:s17], [sflag:$0x1] =	stream.linear.gather [hbm4b:s26+s5], $0x80, $0x38;
	[tilespmem:$0xC300] =	vst v63  }
0x292: {  	s4 =	sadd.s32 s6, s4  }
0x293: {  	[tilespmem:s19], [sflag:$0x1] =	stream.linear.gather [hbm4b:s4+s5], $0x80, $0x38;
	[tilespmem:$0xC300] =	vst v63  }
0x294: {  	s24 =	sor.u32 s28, s24;
	s22 =	sshll.u32 s18, $0x7;
	s21 =	sadd.s32 $0x80, s4  }
0x295: {  	[tilespmem:s15], [sflag:$0x1] =	stream.linear.gather [hbm4b:s21+s5], $0x80, $0x38;
	[tilespmem:$0xC300] =	vst v63  }
0x296: {  	s3 =	sshrl.u32 s3, $0x3;
	s25 =	sadd.s32 s6, s20;
	s17 =	sand.u32 $0x380, s22  }
0x297: {  	[tilespmem:s14], [sflag:$0x1] =	stream.linear.gather [hbm4b:s25+s5], $0x80, $0x38;
	[tilespmem:$0xC300] =	vst v63  }
0x298: {  	s20 =	sadd.s32 $0x80, s25;
	s2 =	sor.u32 s17, s2;
	s23 =	spop (v2sf)  }
0x299: {  	(v2sf) =	vpush v0, $0xF;
	[tilespmem:s16], [sflag:$0x1] =	stream.linear.gather [hbm4b:s20+s5], $0x80, $0x38;
	[tilespmem:$0xC300] =	vst v63  }
0x29a: {  	s3 =	sadd.s32 s6, s3;
	s2 =	sshrl.u32 s2, $0x3;
	s26 =	sshll.u32 s23, $0x8  }
0x29b: {  	[tilespmem:s12], [sflag:$0x1] =	stream.linear.gather [hbm4b:s3+s5], $0x80, $0x38;
	[tilespmem:$0xC300] =	vst v63  }
0x29c: {  	s25 =	sadd.s32 $0x80, s3;
	s22 =	sand.u32 $0xFFFFF800, s26;
	s26 =	sshrl.u32 s24, $0x3  }
0x29d: {  	[tilespmem:s11], [sflag:$0x1] =	stream.linear.gather [hbm4b:s25+s5], $0x80, $0x38;
	[tilespmem:$0xC300] =	vst v63  }
0x29e: {  	s2 =	sadd.s32 s6, s2;
	s21 =	sshll.u32 s23, $0x7;
	s15 =	sadd.s32 s6, s26  }
0x29f: {  	[tilespmem:s10], [sflag:$0x1] =	stream.linear.gather [hbm4b:s15+s5], $0x80, $0x38;
	[tilespmem:$0xC300] =	vst v63  }
0x2a0: {  	s16 =	spop (v2sf);
	s23 =	sand.u32 $0x380, s21;
	s17 =	sadd.s32 $0x80, s15  }
0x2a1: {  	[tilespmem:s9], [sflag:$0x1] =	stream.linear.gather [hbm4b:s17+s5], $0x80, $0x38;
	[tilespmem:$0xC300] =	vst v63  }
0x2a2: {  	s18 =	sshll.u32 s16, $0x8;
	s12 =	sshll.u32 s16, $0x7;
	s4 =	sor.u32 s23, s22  }
0x2a3: {  	[tilespmem:s8], [sflag:$0x1] =	stream.linear.gather [hbm4b:s2+s5], $0x80, $0x38;
	[tilespmem:$0xC300] =	vst v63  }
0x2a4: {  	s19 =	sand.u32 $0xFFFFF800, s18;
	s4 =	sshrl.u32 s4, $0x3;
	s2 =	sadd.s32 $0x80, s2  }
0x2a5: {  	[tilespmem:s7], [sflag:$0x1] =	stream.linear.gather [hbm4b:s2+s5], $0x80, $0x38;
	[tilespmem:$0xC300] =	vst v63  }
0x2a6: {  	s20 =	sand.u32 $0x380, s12;
	s26 =	rddreg [dreg:$0x8];
	s23 =	sadd.s32 s6, s4  }
0x2a7: {  	[tilespmem:s26], [sflag:$0x1] =	stream.linear.gather [hbm4b:s23+s5], $0x80, $0x38;
	[tilespmem:$0xC300] =	vst v63  }
0x2a8: {  	s3 =	sor.u32 s20, s19;
	s9 =	sadd.s32 $0x5080, s30;
	s21 =	spop (v2sf)  }
0x2a9: {  	s2 =	sadd.s32 $0x80, s23;
	s22 =	sshll.u32 s21, $0x8;
	s25 =	sshll.u32 s21, $0x7  }
0x2aa: {  	[tilespmem:s9], [sflag:$0x1] =	stream.linear.gather [hbm4b:s2+s5], $0x80, $0x38;
	[tilespmem:$0xC300] =	vst v63  }
0x2ab: {  	s3 =	sshrl.u32 s3, $0x3;
	s24 =	sand.u32 $0xFFFFF800, s22;
	s7 =	sand.u32 $0x380, s25  }
0x2ac: {  	s10 =	sadd.s32 $0x4D00, s30;
	s3 =	sadd.s32 s6, s3;
	s4 =	sor.u32 s7, s24  }
0x2ad: {  	[tilespmem:s10], [sflag:$0x1] =	stream.linear.gather [hbm4b:s3+s5], $0x80, $0x38;
	[tilespmem:$0xC300] =	vst v63  }
0x2ae: {  	s12 =	sadd.s32 $0x5100, s30;
	s11 =	sadd.s32 $0x80, s3;
	s4 =	sshrl.u32 s4, $0x3  }
0x2af: {  	[tilespmem:s12], [sflag:$0x1] =	stream.linear.gather [hbm4b:s11+s5], $0x80, $0x38;
	[tilespmem:$0xC300] =	vst v63  }
0x2b0: {  	s13 =	sadd.s32 $0x4D80, s30;
	s14 =	sadd.s32 s6, s4  }
0x2b1: {  	[tilespmem:s13], [sflag:$0x1] =	stream.linear.gather [hbm4b:s14+s5], $0x80, $0x38;
	[tilespmem:$0xC300] =	vst v63  }
0x2b2: {  	s16 =	sadd.s32 $0x5180, s30;
	s15 =	sadd.s32 $0x80, s14  }
0x2b3: {  	[tilespmem:s16], [sflag:$0x1] =	stream.linear.gather [hbm4b:s15+s5], $0x80, $0x38;
	[tilespmem:$0xC300] =	vst v63  }
0x2b4: {  	v0 =	vld [tilespmem:s0+$0x0];
	_ =	sdelay $0x4  }
0x2b5: {  	(v2sf) =	vpush v0, $0x2  }
0x2b6: {  	(v2sf) =	vpush v0, $0x4  }
0x2b7: {  	(v2sf) =	vpush v0, $0x0  }
0x2b8: {  	s1 =	smov.u32 s31  }
0x2b9: {  	s30 =	sshra.s32 s1, $0x2;
	(v2sf) =	vpush v0, $0x1  }
0x2ba: {  	s1 =	sadd.s32 $0x4780, s30  }
0x2bb: {  	p0 =	sne.s32 s31, $0x1C000;
	s17 =	sadd.s32 $0x4800, s30;
	[dreg:$0x14] =	wrdreg s1  }
0x2bc: {  	s31 =	sadd.s32 $0x4000, s31;
	s18 =	sadd.s32 $0x5000, s30;
	[dreg:$0xb] =	wrdreg s17;
	(v2sf) =	vpush v0, $0x3  }
0x2bd: {  	s28 =	sadd.s32 $0x4700, s30;
	s19 =	sadd.s32 $0x4C80, s30;
	[dreg:$0x17] =	wrdreg s18;
	(v2sf) =	vpush v0, $0x6  }
0x2be: {  	s20 =	sadd.s32 $0x4F80, s30;
	s1 =	sadd.s32 $0x4580, s30;
	[dreg:$0x8] =	wrdreg s19  }
0x2bf: {  	[dreg:$0xe] =	wrdreg s20;
	s20 =	sadd.s32 $0x4B00, s30;
	s17 =	sadd.s32 $0x4980, s30;
	(v2sf) =	vpush v0, $0xC  }
0x2c0: {  	s19 =	sadd.s32 $0x4A00, s30;
	s23 =	sadd.s32 $0x4200, s30;
	s26 =	sadd.s32 $0x4B80, s30  }
0x2c1: {  	[dreg:$0x1a] =	wrdreg s26;
	s2 =	sadd.s32 $0x4600, s30;
	s21 =	sadd.s32 $0x4C00, s30;
	(v2sf) =	vpush v0, $0x7  }
0x2c2: {  	s22 =	sadd.s32 $0x4680, s30;
	[dreg:$0x11] =	wrdreg s21;
	s25 =	sadd.s32 $0x4F00, s30  }
0x2c3: {  	s24 =	sadd.s32 $0x4300, s30;
	[dreg:$0x1d] =	wrdreg s25;
	s4 =	sadd.s32 $0x4380, s30  }
0x2c4: {  	s14 =	sadd.s32 $0x4A80, s30;
	s15 =	sadd.s32 $0x4E00, s30;
	s7 =	spop (v2sf)  }
0x2c5: {  	s16 =	sadd.s32 $0x4E80, s30;
	s0 =	sadd.s32 $0x10, s0;
	s21 =	spop (v2sf)  }
0x2c6: {  	s8 =	sshll.u32 s7, $0x8;
	s3 =	sshll.u32 s7, $0x7;
	s9 =	spop (v2sf)  }
0x2c7: {  	s18 =	sand.u32 $0xFFFFF800, s8;
	s3 =	sand.u32 $0x380, s3;
	s10 =	sshll.u32 s9, $0x8  }
0x2c8: {  	s25 =	sshll.u32 s9, $0x7;
	s29 =	sor.u32 s3, s18;
	s13 =	spop (v2sf)  }
0x2c9: {  	(v2sf) =	vpush v0, $0x5;
	s9 =	sshll.u32 s21, $0x7;
	s21 =	sshll.u32 s21, $0x8;
	s11 =	sand.u32 $0xFFFFF800, s10  }
0x2ca: {  	s12 =	sand.u32 $0x380, s25;
	s26 =	sshll.u32 s13, $0x8;
	s25 =	sshll.u32 s13, $0x7  }
0x2cb: {  	s7 =	spop (v2sf);
	s3 =	sor.u32 s12, s11;
	s25 =	sand.u32 $0x380, s25  }
0x2cc: {  	(v2sf) =	vpush v0, $0x9;
	s8 =	spop (v2sf);
	s10 =	sshll.u32 s7, $0x8;
	s13 =	sshll.u32 s7, $0x7  }
0x2cd: {  	s7 =	sand.u32 $0x380, s9;
	s26 =	sand.u32 $0xFFFFF800, s26;
	s3 =	sshrl.u32 s3, $0x3  }
0x2ce: {  	s18 =	spop (v2sf);
	s11 =	sshll.u32 s8, $0x7;
	s9 =	sand.u32 $0xFFFFF800, s10  }
0x2cf: {  	s10 =	sand.u32 $0x380, s13;
	s8 =	sshll.u32 s8, $0x8;
	s26 =	sor.u32 s25, s26  }
0x2d0: {  	s3 =	sadd.s32 s6, s3;
	s12 =	spop (v2sf);
	s9 =	sor.u32 s10, s9  }
0x2d1: {  	s10 =	sand.u32 $0xFFFFF800, s21;
	s8 =	sand.u32 $0xFFFFF800, s8;
	s11 =	sand.u32 $0x380, s11  }
0x2d2: {  	[tilespmem:s23], [sflag:$0x1] =	stream.linear.gather [hbm4b:s3+s5], $0x80, $0x38;
	[tilespmem:$0xC300] =	vst v63  }
0x2d3: {  	s13 =	sshll.u32 s12, $0x8;
	s12 =	sshll.u32 s12, $0x7;
	s9 =	sshrl.u32 s9, $0x3  }
0x2d4: {  	(v2sf) =	vpush v0, $0x8;
	s8 =	sor.u32 s11, s8;
	s7 =	sor.u32 s7, s10;
	s3 =	sadd.s32 $0x80, s3  }
0x2d5: {  	s11 =	sand.u32 $0x380, s12;
	s25 =	sshrl.u32 s8, $0x3;
	s8 =	sand.u32 $0xFFFFF800, s13  }
0x2d6: {  	s13 =	sshrl.u32 s26, $0x3;
	s7 =	sshrl.u32 s7, $0x3;
	s9 =	sadd.s32 s6, s9  }
0x2d7: {  	[tilespmem:s2], [sflag:$0x1] =	stream.linear.gather [hbm4b:s3+s5], $0x80, $0x38;
	[tilespmem:$0xC300] =	vst v63  }
0x2d8: {  	s8 =	sor.u32 s11, s8;
	s3 =	sadd.s32 $0x4400, s30;
	s23 =	spop (v2sf)  }
0x2d9: {  	s7 =	sadd.s32 s6, s7;
	s26 =	sshll.u32 s23, $0x8;
	s12 =	sshll.u32 s23, $0x7  }
0x2da: {  	s25 =	sadd.s32 s6, s25;
	s21 =	sand.u32 $0xFFFFF800, s26;
	s12 =	sand.u32 $0x380, s12  }
0x2db: {  	s23 =	spop (v2sf);
	s26 =	sadd.s32 s6, s13;
	s13 =	sshrl.u32 s29, $0x3  }
0x2dc: {  	s29 =	sadd.s32 $0x4900, s30;
	s10 =	sor.u32 s12, s21;
	s21 =	sadd.s32 $0x4280, s30  }
0x2dd: {  	(v2sf) =	vpush v0, $0xB;
	s11 =	sshll.u32 s23, $0x7;
	s12 =	sshll.u32 s23, $0x8;
	s23 =	sshrl.u32 s8, $0x3  }
0x2de: {  	[tilespmem:s21], [sflag:$0x1] =	stream.linear.gather [hbm4b:s26+s5], $0x80, $0x38;
	[tilespmem:$0xC300] =	vst v63  }
0x2df: {  	s2 =	sadd.s32 $0x80, s26;
	s8 =	sadd.s32 s6, s13;
	s10 =	sshrl.u32 s10, $0x3  }
0x2e0: {  	[tilespmem:s22], [sflag:$0x1] =	stream.linear.gather [hbm4b:s2+s5], $0x80, $0x38;
	[tilespmem:$0xC300] =	vst v63  }
0x2e1: {  	s21 =	sshll.u32 s18, $0x8;
	s11 =	sand.u32 $0x380, s11;
	s10 =	sadd.s32 s6, s10  }
0x2e2: {  	[tilespmem:s24], [sflag:$0x1] =	stream.linear.gather [hbm4b:s8+s5], $0x80, $0x38;
	[tilespmem:$0xC300] =	vst v63  }
0x2e3: {  	s2 =	sand.u32 $0xFFFFF800, s21;
	s8 =	sadd.s32 $0x80, s8;
	s24 =	spop (v2sf)  }
0x2e4: {  	[tilespmem:s28], [sflag:$0x1] =	stream.linear.gather [hbm4b:s8+s5], $0x80, $0x38;
	[tilespmem:$0xC300] =	vst v63  }
0x2e5: {  	(v2sf) =	vpush v0, $0xA;
	s22 =	sadd.s32 $0x4500, s30;
	s21 =	sadd.s32 $0x80, s9;
	s26 =	sshll.u32 s24, $0x8  }
0x2e6: {  	[tilespmem:s4], [sflag:$0x1] =	stream.linear.gather [hbm4b:s9+s5], $0x80, $0x38;
	[tilespmem:$0xC300] =	vst v63  }
0x2e7: {  	s13 =	sshll.u32 s24, $0x7;
	s8 =	sand.u32 $0xFFFFF800, s26;
	s26 =	rddreg [dreg:$0x14]  }
0x2e8: {  	[tilespmem:s26], [sflag:$0x1] =	stream.linear.gather [hbm4b:s21+s5], $0x80, $0x38;
	[tilespmem:$0xC300] =	vst v63  }
0x2e9: {  	s24 =	sand.u32 $0x380, s13;
	s13 =	smov.u32 s1;
	s1 =	sadd.s32 $0x4480, s30  }
0x2ea: {  	[tilespmem:s3], [sflag:$0x1] =	stream.linear.gather [hbm4b:s7+s5], $0x80, $0x38;
	[tilespmem:$0xC300] =	vst v63  }
0x2eb: {  	s4 =	sor.u32 s24, s8;
	s8 =	sadd.s32 $0x80, s7;
	s3 =	sand.u32 $0xFFFFF800, s12  }
0x2ec: {  	s21 =	spop (v2sf);
	s3 =	sor.u32 s11, s3;
	s11 =	rddreg [dreg:$0x1d]  }
0x2ed: {  	s26 =	sshll.u32 s21, $0x8;
	s7 =	sshll.u32 s21, $0x7;
	s21 =	rddreg [dreg:$0xb]  }
0x2ee: {  	[tilespmem:s21], [sflag:$0x1] =	stream.linear.gather [hbm4b:s8+s5], $0x80, $0x38;
	[tilespmem:$0xC300] =	vst v63  }
0x2ef: {  	s9 =	sadd.s32 $0x4880, s30;
	s28 =	sand.u32 $0x380, s7;
	s7 =	rddreg [dreg:$0x17]  }
.Ltmp4:
0x2f0: {  	s12 =	smov.u32 s20;
	s8 =	rddreg [dreg:$0x11];
	(pc) =	sbr.rel @p0 .LBB2_10-.Ltmp4, $4  }
0x2f1: {  	[tilespmem:s1], [sflag:$0x1] =	stream.linear.gather [hbm4b:s10+s5], $0x80, $0x38;
	[tilespmem:$0xC300] =	vst v63  }
0x2f2: {  	s24 =	sand.u32 $0xFFFFF800, s26;
	s26 =	sadd.s32 $0x80, s10;
	s10 =	rddreg [dreg:$0x1a]  }
0x2f3: {  	[tilespmem:s9], [sflag:$0x1] =	stream.linear.gather [hbm4b:s26+s5], $0x80, $0x38;
	[tilespmem:$0xC300] =	vst v63  }
0x2f4: {  	(v2sf) =	vpush v0, $0xD;
	s20 =	sshrl.u32 s3, $0x3;
	s1 =	spop (v2sf);
	s9 =	rddreg [dreg:$0xe]  }
0x2f5: {  	[tilespmem:s22], [sflag:$0x1] =	stream.linear.gather [hbm4b:s25+s5], $0x80, $0x38;
	[tilespmem:$0xC300] =	vst v63  }
0x2f6: {  	s0 =	sadd.s32 $0x80, s25  }
0x2f7: {  	[tilespmem:s29], [sflag:$0x1] =	stream.linear.gather [hbm4b:s0+s5], $0x80, $0x38;
	[tilespmem:$0xC300] =	vst v63  }
0x2f8: {  	s3 =	sadd.s32 s6, s23  }
0x2f9: {  	[tilespmem:s13], [sflag:$0x1] =	stream.linear.gather [hbm4b:s3+s5], $0x80, $0x38;
	[tilespmem:$0xC300] =	vst v63  }
0x2fa: {  	s4 =	sshrl.u32 s4, $0x3;
	s0 =	sadd.s32 $0x80, s3  }
0x2fb: {  	[tilespmem:s17], [sflag:$0x1] =	stream.linear.gather [hbm4b:s0+s5], $0x80, $0x38;
	[tilespmem:$0xC300] =	vst v63  }
0x2fc: {  	s0 =	sadd.s32 s6, s4  }
0x2fd: {  	[tilespmem:s19], [sflag:$0x1] =	stream.linear.gather [hbm4b:s0+s5], $0x80, $0x38;
	[tilespmem:$0xC300] =	vst v63  }
0x2fe: {  	s0 =	sadd.s32 $0x80, s0  }
0x2ff: {  	[tilespmem:s15], [sflag:$0x1] =	stream.linear.gather [hbm4b:s0+s5], $0x80, $0x38;
	[tilespmem:$0xC300] =	vst v63  }
0x300: {  	s13 =	sadd.s32 s6, s20  }
0x301: {  	[tilespmem:s14], [sflag:$0x1] =	stream.linear.gather [hbm4b:s13+s5], $0x80, $0x38;
	[tilespmem:$0xC300] =	vst v63  }
0x302: {  	s0 =	sadd.s32 $0x80, s13;
	s15 =	sshll.u32 s1, $0x7;
	s14 =	sshll.u32 s1, $0x8  }
0x303: {  	[tilespmem:s16], [sflag:$0x1] =	stream.linear.gather [hbm4b:s0+s5], $0x80, $0x38;
	[tilespmem:$0xC300] =	vst v63  }
0x304: {  	s1 =	sand.u32 $0x380, s15;
	s0 =	sand.u32 $0xFFFFF800, s14  }
0x305: {  	s0 =	sor.u32 s1, s0  }
0x306: {  	s0 =	sshrl.u32 s0, $0x3  }
0x307: {  	s0 =	sadd.s32 s6, s0  }
0x308: {  	[tilespmem:s12], [sflag:$0x1] =	stream.linear.gather [hbm4b:s0+s5], $0x80, $0x38;
	[tilespmem:$0xC300] =	vst v63  }
0x309: {  	s16 =	sor.u32 s28, s24;
	s0 =	sadd.s32 $0x80, s0  }
0x30a: {  	[tilespmem:s11], [sflag:$0x1] =	stream.linear.gather [hbm4b:s0+s5], $0x80, $0x38;
	[tilespmem:$0xC300] =	vst v63  }
0x30b: {  	s0 =	sshrl.u32 s16, $0x3  }
0x30c: {  	s0 =	sadd.s32 s6, s0  }
0x30d: {  	[tilespmem:s10], [sflag:$0x1] =	stream.linear.gather [hbm4b:s0+s5], $0x80, $0x38;
	[tilespmem:$0xC300] =	vst v63  }
0x30e: {  	(v2sf) =	vpush v0, $0xE;
	s17 =	sshll.u32 s18, $0x7;
	s0 =	sadd.s32 $0x80, s0  }
0x30f: {  	[tilespmem:s9], [sflag:$0x1] =	stream.linear.gather [hbm4b:s0+s5], $0x80, $0x38;
	[tilespmem:$0xC300] =	vst v63  }
0x310: {  	s0 =	sand.u32 $0x380, s17  }
0x311: {  	s0 =	sor.u32 s0, s2  }
0x312: {  	s0 =	sshrl.u32 s0, $0x3  }
0x313: {  	s0 =	sadd.s32 s6, s0  }
0x314: {  	[tilespmem:s8], [sflag:$0x1] =	stream.linear.gather [hbm4b:s0+s5], $0x80, $0x38;
	[tilespmem:$0xC300] =	vst v63  }
0x315: {  	s18 =	spop (v2sf);
	s0 =	sadd.s32 $0x80, s0  }
0x316: {  	(v2sf) =	vpush v0, $0xF;
	[tilespmem:s7], [sflag:$0x1] =	stream.linear.gather [hbm4b:s0+s5], $0x80, $0x38;
	[tilespmem:$0xC300] =	vst v63  }
0x317: {  	s19 =	sshll.u32 s18, $0x8;
	s0 =	sshll.u32 s18, $0x7  }
0x318: {  	s1 =	sand.u32 $0xFFFFF800, s19;
	s0 =	sand.u32 $0x380, s0  }
0x319: {  	s0 =	sor.u32 s0, s1  }
0x31a: {  	s0 =	sshrl.u32 s0, $0x3  }
0x31b: {  	s20 =	rddreg [dreg:$0x8];
	s0 =	sadd.s32 s6, s0  }
0x31c: {  	[tilespmem:s20], [sflag:$0x1] =	stream.linear.gather [hbm4b:s0+s5], $0x80, $0x38;
	[tilespmem:$0xC300] =	vst v63  }
0x31d: {  	s21 =	sadd.s32 $0x5080, s30;
	s22 =	spop (v2sf);
	s0 =	sadd.s32 $0x80, s0  }
0x31e: {  	[tilespmem:s21], [sflag:$0x1] =	stream.linear.gather [hbm4b:s0+s5], $0x80, $0x38;
	[tilespmem:$0xC300] =	vst v63  }
0x31f: {  	s23 =	sshll.u32 s22, $0x8;
	s0 =	sshll.u32 s22, $0x7  }
0x320: {  	s1 =	sand.u32 $0xFFFFF800, s23;
	s0 =	sand.u32 $0x380, s0  }
0x321: {  	s0 =	sor.u32 s0, s1  }
0x322: {  	s0 =	sshrl.u32 s0, $0x3  }
0x323: {  	s24 =	sadd.s32 $0x4D00, s30;
	s0 =	sadd.s32 s6, s0  }
0x324: {  	[tilespmem:s24], [sflag:$0x1] =	stream.linear.gather [hbm4b:s0+s5], $0x80, $0x38;
	[tilespmem:$0xC300] =	vst v63  }
0x325: {  	s25 =	sadd.s32 $0x5100, s30;
	s26 =	spop (v2sf);
	s0 =	sadd.s32 $0x80, s0  }
0x326: {  	[tilespmem:s25], [sflag:$0x1] =	stream.linear.gather [hbm4b:s0+s5], $0x80, $0x38;
	[tilespmem:$0xC300] =	vst v63  }
0x327: {  	s28 =	sshll.u32 s26, $0x8;
	s0 =	sshll.u32 s26, $0x7  }
0x328: {  	s1 =	sand.u32 $0xFFFFF800, s28;
	s0 =	sand.u32 $0x380, s0  }
0x329: {  	s0 =	sor.u32 s0, s1  }
0x32a: {  	s0 =	sshrl.u32 s0, $0x3  }
0x32b: {  	s29 =	sadd.s32 $0x4D80, s30;
	s0 =	sadd.s32 s6, s0  }
0x32c: {  	[tilespmem:s29], [sflag:$0x1] =	stream.linear.gather [hbm4b:s0+s5], $0x80, $0x38;
	[tilespmem:$0xC300] =	vst v63  }
0x32d: {  	s31 =	sadd.s32 $0x5180, s30;
	s1 =	simm.s32 $0x1;
	s0 =	sadd.s32 $0x80, s0  }
0x32e: {  	[tilespmem:s31], [sflag:$0x1] =	stream.linear.gather [hbm4b:s0+s5], $0x80, $0x38;
	[tilespmem:$0xC300] =	vst v63  }
0x32f: {  	_ =	swait.ge [sflag:s1], $0x100  }
0x330: {  	s0 =	simm.s32 $0x7F;
	[sflag:s1] =	ssyncset.done $0x0  }
.LBB2_12:
0x331: {  	p0 =	sne.s32 s0, $0x1;
	s0 =	sadd.s32 $0xFFFFFFFF, s0;
	[sflag:s1] =	ssyncadd.s32 $0xFFFFFF00  }
.Ltmp5:
0x332: {  	(pc) =	sbr.rel @p0 .LBB2_12-.Ltmp5, $3  }
0x333: {  	_ =	sdelay $0x1  }
0x334: {  	_ =	swait.ge [sflag:s1], $0x100  }
0x335: {  	[sflag:s1] =	ssyncset.done $0x0  }
0x336: {  	s0 =	sld [smem:$0x7FC];
	_ =	sdelay $0x1  }
0x337: {  	[sflag:s1] =	ssyncadd.s32 $0xFFFFFF00;
	s30 =	simm.s32 $0x4200;
	s1 =	simm.s32 $0x2  }
0x338: {  	[hbm4b:s0+s5] =	stream.linear.scatter [tilespmem:s30], [sflag:$0x2], $0x8000, $0x38;
	[tilespmem:$0xC300] =	vst v63  }
0x339: {  	_ =	swait.ge [sflag:s1], $0x8000  }
0x33a: {  	s2 =	sld [smem:$0x7F1]  }
0x33b: {  	s31 =	sld [smem:$0x7FD];
	_ =	sdelay $0x1  }
0x33c: {  	s2 =	sadd.s32 $0x1, s2  }
0x33d: {  	p0 =	sne.s32 s2, s31  }
.Ltmp6:
0x33e: {  	_ = 	snop;
	(pc) =	sbr.rel @p0 .LBB2_1-.Ltmp6, $3  }
0x33f: {  	_ =	sdelay $0x1  }
0x340: {  	[sflag:s1] =	ssyncset.done $0x0  }
0x341: {  	[sflag:s1] =	ssyncadd.s32 $0xFFFF8000  }
0x342: {  	_ =	sfence.sel $0x180000  }
0x343: {  	[bflag:$0x0] =	sbarrier.arrive $0xFFFF  }
0x344: {  	_ =	strace $0x90000047  }
0x345: {  	s0 =	stileid.u32;
	[bflag:$0x2] =	sbarrier.arrive $0xFFFF  }
0x346: {  	p0 =	sne.s32 s0, $0x0;
	s0 =	rddreg [dreg:$0x5]  }
0x347: {  	s0 =	sadd.s32 @!p0 $0x100000, s0  }
0x348: {  	[sflag:s0] =	ssyncadd.tile.s32 @!p0 $0x1;
	_ =	shalt  }
.Lfunc_end2:
_tile_overlayer_lowered:
.L_overlay_start_2:
0x349: {  	(tag) =	ssettag $0x2  }
0x34a: {  	s0 =	rddreg [dreg:$0x0];
	s2 =	stileid.u32  }
0x34b: {  	s1 =	rddreg [dreg:$0x1];
	p0 =	sne.s32 s2, $0x0  }
0x34c: {  	s3 =	rddreg [dreg:$0x2];
	[bflag:$0x3] =	sbarrier.arrive $0xFFFF;
	s2 =	simm.s32 @!p0 $0x1C02  }
0x34d: {  	[timem:s3], [sflag:s2] =	dma.local @!p0 [hbm:s0], s1  }
0x34e: {  	s0 =	simm.s32 @!p0 $0x2  }
0x34f: {  	_ =	swait.ge @!p0 [sflag:s0], s1  }
0x350: {  	s1 =	ssub.s32 @!p0 $0x0, s1;
	[sflag:s0] =	ssyncset.done @!p0 $0x0  }
0x351: {  	[sflag:s0] =	ssyncadd.s32 @!p0 s1  }
0x352: {  	[bflag:$0x3] =	sbarrier.arrive $0xFFFF  }
0x353: {  	_ =	shalt  }

// kernel: kernel.9.cloned.1.call-start
scs
__scs_entry_jumppad:
0x0: {  	(pc) =	sbr.rel $0x88, $3  }
0x1: {  	(tag) =	ssettag $0x0;
	lr =	simm.s32 $0x1  }
0x2: {  	[smem:$0x3F8A] =	sst lr;
	_ =	strace $0xD0000000  }
0x3: {  	_ = 	snop  }
0x4: {  	_ = 	snop  }
0x5: {  	_ = 	snop  }
0x6: {  	_ = 	snop  }
0x7: {  	_ = 	snop  }
__scs_overlays_trampoline_lowered:
0x8: {  	[smem:$0x3F99] =	sst s0  }
0x9: {  	[smem:$0x3F9A] =	sst s1  }
0xa: {  	[smem:$0x3F9B] =	sst s2  }
0xb: {  	[smem:$0x3F9C] =	sst s3  }
0xc: {  	[smem:$0x3F9D] =	sst s4  }
0xd: {  	[smem:$0x3F9E] =	sst s5  }
0xe: {  	[smem:$0x3F9F] =	sst s6  }
0xf: {  	[smem:$0x3FA0] =	sst s7  }
0x10: {  	[smem:$0x3FA1] =	sst s8  }
0x11: {  	[smem:$0x3FA2] =	sst s9;
	s0 =	simm.s32 @!p0 $0x0  }
0x12: {  	s1 =	sld [smem:$0x3F88];
	s0 =	simm.s32 @p0 $0x1  }
0x13: {  	[smem:$0x3FA3] =	sst s0;
	s0 =	simm.s32 @!p1 $0x0  }
0x14: {  	s2 =	sld [smem:$0x3F87];
	s0 =	simm.s32 @p1 $0x1  }
0x15: {  	[smem:$0x3FA4] =	sst s0;
	s0 =	simm.s32 @!p2 $0x0  }
0x16: {  	s3 =	sld [smem:$0x3FDB];
	s0 =	simm.s32 @p2 $0x1  }
0x17: {  	s4 =	simm.s32 $0x1BF5;
	[smem:$0x3FA6] =	sst s0  }
0x18: {  	s0 =	sld [smem:$0x3F89];
	_ =	swait.ge [sflag:s4], $0x0  }
0x19: {  	s7 =	sld [smem:$0x3F8A]  }
0x1a: {  	s8 =	sadd.s32 $0xFFFFE003, lr  }
0x1b: {  	s9 =	sadd.s32 $0xFFFFFEF7, lr;
	s5 =	simm.s32 $0xFFFFFFFF;
	p2 =	slt.u32 s8, $0xFFFFF086  }
0x1c: {  	p1 =	slt.u32 s9, $0xF7A;
	s5 =	simm.s32 @!p2 $0x0  }
0x1d: {  	s5 =	simm.s32 @p1 $0x1;
	p0 =	seq.s32 s7, s2  }
0x1e: {  	s7 =	smul.u32 @!p0 $0xF7A, s2;
	p2 =	seq.s32 @!p0 s5, $0x0  }
0x1f: {  	s9 =	smul.u32 $0xF7A, s1;
	s8 =	simm.s32 @!p0 $0x1BF5;
	p2 =	por !p2, p0  }
0x20: {  	[sflag:s8] =	ssyncset.s32 @!p0 $0xFFFFF086;
	s6 =	sadd.s32 @!p0 s3, s7;
	s7 =	simm.s32 @!p0 $0x108  }
0x21: {  	s3 =	sadd.s32 s3, s9;
	s6 =	sadd.s32 @!p0 $0x88, s6;
	s7 =	simm.s32 @p2 $0x1082  }
0x22: {  	[simem:s7], [sflag:s8] =	dma.local @!p0 [hbm:s6], $0xF7A  }
0x23: {  	s9 =	sor.u32 $0xD0000000, s2;
	s6 =	simm.s32 $0x108;
	_ =	swait.ge @!p0 [sflag:s8], $0x0  }
0x24: {  	s3 =	sadd.s32 $0x88, s3;
	s6 =	simm.s32 @!p1 $0x1082;
	[sflag:s4] =	ssyncset.s32 $0xFFFFF086  }
0x25: {  	[simem:s6], [sflag:s4] =	dma.local [hbm:s3], $0xF7A  }
0x26: {  	[smem:$0x3F8A] =	sst s1;
	(tag) =	ssettag s2;
	_ =	strace s9  }
0x27: {  	s1 =	sld [smem:$0x3F9A]  }
0x28: {  	s2 =	sld [smem:$0x3F9B]  }
0x29: {  	s4 =	sld [smem:$0x3F9D]  }
0x2a: {  	p0 =	seq.s32 s5, $0x0;
	s5 =	sld [smem:$0x3F9E]  }
0x2b: {  	s6 =	sld [smem:$0x3F9F]  }
0x2c: {  	s7 =	sld [smem:$0x3FA0]  }
0x2d: {  	s3 =	simm.s32 $0x108;
	s8 =	sld [smem:$0x3FA1]  }
0x2e: {  	s3 =	simm.s32 @!p0 $0x1082;
	s9 =	sld [smem:$0x3FA2]  }
0x2f: {  	lr =	sadd.s32 s0, s3;
	s0 =	sld [smem:$0x3F99]  }
0x30: {  	s3 =	sld [smem:$0x3F9C]  }
0x31: {  	[smem:$0x3FA5] =	sst s10  }
0x32: {  	s10 =	sld [smem:$0x3FA3];
	_ =	sdelay $0x3  }
0x33: {  	p0 =	seq.s32 s10, $0x1;
	s10 =	sld [smem:$0x3FA5];
	_ =	sdelay $0x3  }
0x34: {  	[smem:$0x3FA5] =	sst s10  }
0x35: {  	s10 =	sld [smem:$0x3FA4];
	_ =	sdelay $0x3  }
0x36: {  	p1 =	seq.s32 s10, $0x1;
	s10 =	sld [smem:$0x3FA5];
	_ =	sdelay $0x3  }
0x37: {  	[smem:$0x3FA5] =	sst s10  }
0x38: {  	s10 =	sld [smem:$0x3FA6]  }
0x39: {  	_ = 	snop;
	(pc) =	sbr.ind lr, $3  }
0x3a: {  	_ = 	snop  }
0x3b: {  	_ = 	snop  }
0x3c: {  	p2 =	seq.s32 s10, $0x1;
	s10 =	sld [smem:$0x3FA5]  }
0x3d: {  	_ =	shalt  }
0x3e: {  	_ =	shalt  }
0x3f: {  	_ =	shalt  }
0x40: {  	_ =	shalt  }
0x41: {  	_ =	shalt  }
0x42: {  	_ =	shalt  }
0x43: {  	_ =	shalt  }
0x44: {  	_ =	shalt  }
0x45: {  	_ =	shalt  }
0x46: {  	_ =	shalt  }
0x47: {  	_ =	shalt  }
0x48: {  	_ =	shalt  }
0x49: {  	_ =	shalt  }
0x4a: {  	_ =	shalt  }
0x4b: {  	_ =	shalt  }
0x4c: {  	_ =	shalt  }
0x4d: {  	_ =	shalt  }
0x4e: {  	_ =	shalt  }
0x4f: {  	_ =	shalt  }
0x50: {  	_ =	shalt  }
0x51: {  	_ =	shalt  }
0x52: {  	_ =	shalt  }
0x53: {  	_ =	shalt  }
0x54: {  	_ =	shalt  }
0x55: {  	_ =	shalt  }
0x56: {  	_ =	shalt  }
0x57: {  	_ =	shalt  }
0x58: {  	_ =	shalt  }
0x59: {  	_ =	shalt  }
0x5a: {  	_ =	shalt  }
0x5b: {  	_ =	shalt  }
0x5c: {  	_ =	shalt  }
0x5d: {  	_ =	shalt  }
0x5e: {  	_ =	shalt  }
0x5f: {  	_ =	shalt  }
0x60: {  	_ =	shalt  }
0x61: {  	_ =	shalt  }
0x62: {  	_ =	shalt  }
0x63: {  	_ =	shalt  }
0x64: {  	_ =	shalt  }
0x65: {  	_ =	shalt  }
0x66: {  	_ =	shalt  }
0x67: {  	_ =	shalt  }
0x68: {  	_ =	shalt  }
0x69: {  	_ =	shalt  }
0x6a: {  	_ =	shalt  }
0x6b: {  	_ =	shalt  }
0x6c: {  	_ =	shalt  }
0x6d: {  	_ =	shalt  }
0x6e: {  	_ =	shalt  }
0x6f: {  	_ =	shalt  }
0x70: {  	_ =	shalt  }
0x71: {  	_ =	shalt  }
0x72: {  	_ =	shalt  }
0x73: {  	_ =	shalt  }
0x74: {  	_ =	shalt  }
0x75: {  	_ =	shalt  }
0x76: {  	_ =	shalt  }
0x77: {  	_ =	shalt  }
0x78: {  	_ =	shalt  }
0x79: {  	_ =	shalt  }
0x7a: {  	_ =	shalt  }
0x7b: {  	_ =	shalt  }
0x7c: {  	_ =	shalt  }
0x7d: {  	_ =	shalt  }
0x7e: {  	_ =	shalt  }
0x7f: {  	_ =	shalt  }
0x80: {  	_ =	shalt  }
0x81: {  	_ =	shalt  }
0x82: {  	_ =	shalt  }
0x83: {  	_ =	shalt  }
0x84: {  	_ =	shalt  }
0x85: {  	_ =	shalt  }
0x86: {  	_ =	shalt  }
0x87: {  	_ =	shalt  }
.Lfunc_end0:
.L_simem_size_0:
called_computation.1_lowered:
.L_overlay_start_0:
0x88: {  	s2 =	sld [smem:$0x3FD9]  }
0x89: {  	s3 =	sld [smem:$0x3FFE];
	_ =	sdelay $0x1  }
0x8a: {  	s1 =	srdreg.scid  }
0x8b: {  	s0 =	sand.u32 $0x1, s1  }
0x8c: {  	s17 =	sshll.u32 s0, $0xA;
	s2 =	sadd.s32 s3, s2  }
0x8d: {  	s2 =	sadd.s32 s2, s17  }
0x8e: {  	[smem:$0x3FB1] =	sst s2  }
0x8f: {  	_ = 	snop  }
0x90: {  	(tm) =	ssettm $0x1  }
0x91: {  	s18 =	sld [smem:$0x3FFB];
	_ =	sdelay $0x3  }
0x92: {  	_ =	strace s18  }
0x93: {  	s2 =	sld [smem:$0x3FFC];
	_ =	sdelay $0x3  }
0x94: {  	_ =	strace s2  }
0x95: {  	s2 =	sld [smem:$0x3FFD];
	_ =	sdelay $0x3  }
0x96: {  	_ =	strace s2  }
0x97: {  	_ =	strace $0x8FFFFFFF  }
0x98: {  	s19 =	sld [smem:$0x3FDB];
	_ =	sdelay $0x1  }
0x99: {  	s20 =	simm.s32 $_scs_section_size  }
0x9a: {  	s4 =	simm.s32 $_size__tile_overlayer_lowered;
	s5 =	simm.s32 $_tile_overlayer_lowered  }
0x9b: {  	s6 =	simm.s32 $0x1BFF;
	s21 =	sshll.u32 s5, $0x1;
	s3 =	sadd.s32 s20, s19  }
0x9c: {  	s22 =	simm.s32 $0x0;
	s4 =	sshll.u32 s4, $0x1;
	s5 =	sadd.s32 s21, s3  }
0x9d: {  	[timem:s22], [sflag:s6] =	dma.local [hbm:s5], s4  }
0x9e: {  	_ =	swait.ge [sflag:s6], s4  }
0x9f: {  	s4 =	ssub.s32 $0x0, s4;
	[sflag:s6] =	ssyncset.done $0x0  }
0xa0: {  	[sflag:s6] =	ssyncadd.s32 s4;
	_ =	sdelay $0x1  }
0xa1: {  	s23 =	simm.s32 $0x1B8B  }
0xa2: {  	_ =	swait.ge [sflag:s23], $0x1  }
0xa3: {  	[sflag:s23] =	ssyncset.done $0x0  }
0xa4: {  	[sflag:s23] =	ssyncadd.s32 $0xFFFFFFFF  }
0xa5: {  	s4 =	sld [smem:$0x0]  }
0xa6: {  	s5 =	sand.u32 $0xFFFFFFFE, s1  }
0xa7: {  	p0 =	sne.s32 s1, s5  }
0xa8: {  	s5 =	sshll.u32 @p0 s5, $0xE  }
0xa9: {  	s5 =	sadd.s32 @p0 $0x11B8D, s5;
	s6 =	sshll.u32 @p0 s4, $0x11  }
0xaa: {  	s5 =	sor.u32 @p0 s6, s5  }
0xab: {  	[sflag:s5] =	ssyncadd.remote.s32 @p0 $0x1;
	_ =	sdelay $0x1  }
0xac: {  	s5 =	simm.s32 @p0 $0x1B8D  }
0xad: {  	_ =	swait.eq @p0 [sflag:s5], $0x1  }
0xae: {  	[sflag:s5] =	ssyncadd.s32 @p0 $0xFFFFFFFF  }
0xaf: {  	s6 =	sshll.u32 @!p0 s1, $0xE  }
0xb0: {  	s6 =	sor.u32 @!p0 $0x4000, s6;
	s5 =	simm.s32 @!p0 $0x1B8D  }
0xb1: {  	s4 =	sshll.u32 @!p0 s4, $0x11;
	s6 =	sadd.s32 @!p0 $0x11B8D, s6;
	_ =	swait.eq @!p0 [sflag:s5], $0x1  }
0xb2: {  	s4 =	sor.u32 @!p0 s4, s6;
	[sflag:s5] =	ssyncadd.s32 @!p0 $0xFFFFFFFF  }
0xb3: {  	s25 =	simm.s32 $0x1B8E;
	s24 =	sld [smem:$0x3FFE];
	[sflag:s4] =	ssyncadd.remote.s32 @!p0 $0x1  }
0xb4: {  	s26 =	simm.s32 $execute0_lowered;
	[smem:$0x3FD2] =	sst s25  }
0xb5: {  	s5 =	sshll.u32 s26, $0x1;
	_ =	strace $0x80000049;
	[dreg:$0x1] =	wrdreg $0xFFFFFFFF  }
0xb6: {  	s28 =	simm.s32 $_size_execute0_lowered;
	s3 =	sadd.s32 s3, s5;
	[dreg:$0x0] =	wrdreg $0x0  }
0xb7: {  	s5 =	sshll.u32 s28, $0x1;
	[dreg:$0x2] =	wrdreg s3  }
0xb8: {  	[dreg:$0x3] =	wrdreg s5  }
0xb9: {  	[dreg:$0x4] =	wrdreg $0xC0  }
0xba: {  	_ =	task [dreg:s22], $0x5FFFF  }
0xbb: {  	[dreg:$0x1] =	wrdreg $0xFFFFFFFF  }
0xbc: {  	[dreg:$0x0] =	wrdreg $0x60  }
0xbd: {  	[dreg:$0x2] =	wrdreg s24  }
0xbe: {  	[dreg:$0x3] =	wrdreg $0xA  }
0xbf: {  	_ =	task.clear_ibuf [dreg:s22], $0x4FFFF;
	_ =	strace $0x90000049  }
0xc0: {  	s29 =	simm.s32 $0xA;
	_ =	strace $0x8000004B  }
0xc1: {  	_ =	swait.ge [sflag:s29], $0x1  }
0xc2: {  	[sflag:s29] =	ssyncadd.s32 $0xFFFFFFFF  }
0xc3: {  	_ =	strace $0x9000004B  }
0xc4: {  	_ =	sfence  }
0xc5: {  	s30 =	sld [smem:$0x0];
	_ =	sdelay $0x2  }
0xc6: {  	s31 =	sshll.u32 s1, $0xD;
	s1 =	sshrl.u32 s1, $0x2  }
0xc7: {  	s4 =	sand.u32 $0x4000, s31;
	s1 =	sadd.s32 s1, s30  }
0xc8: {  	s0 =	sor.u32 s4, s0;
	s1 =	sshll.u32 s1, $0x11  }
0xc9: {  	s0 =	sor.u32 s1, s0  }
0xca: {  	s0 =	sadd.s32 $0x8F2B, s0  }
0xcb: {  	[sflag:s0] =	ssyncadd.remote.s32 $0x1  }
0xcc: {  	_ =	sfence.sel $0xFFFF  }
0xcd: {  	[dreg:$0x0] =	wrdreg $0xFFFFFFFF;
	(pc) =	sbr.abs _section_cstart, $3  }
0xce: {  	[dreg:$0x1] =	wrdreg $0xFFFFFFFF  }
0xcf: {  	_ =	task.clear_ibuf [dreg:s22], $0x2FFFF;
	_ =	strace $0x9FFFFFFF  }
0xd0: {  	(tm) =	ssettm $0x7FFFFFFF  }
0xd1: {  	_ =	shalt  }
tec
execute0_lowered:
.L_overlay_start_1:
0x0: {  	(tag) =	ssettag $0x1  }
0x1: {  	s0 =	srdreg.scid  }
0x2: {  	s2 =	sand.u32 $0x1, s0;
	s0 =	stileid.u32  }
0x3: {  	s4 =	sshll.u32 s0, $0x1;
	s5 =	ssub.s32 $0x0, s2  }
0x4: {  	p0 =	sne.s32 s4, s5  }
.Ltmp0:
0x5: {  	_ = 	snop;
	(pc) =	sbr.rel @p0 .LBB2_7-.Ltmp0, $3  }
0x6: {  	_ =	sdelay $0x1  }
0x7: {  	s3 =	rddreg [dreg:$0x0]  }
0x8: {  	s1 =	rddreg [dreg:$0x1];
	_ =	strace $0x8000004A  }
0x9: {  	v0 =	vimm.s32 $0xFFEDCBA9;
	v1 =	vimm.s32 $0x87654321  }
0xa: {  	v0 =	vunpack.c.l.s4.s8 v0;
	v1 =	vunpack.c.l.s4.s8 v1  }
0xb: {  	s4 =	ssub.s32 $0x2, s2;
	s2 =	sadd.s32 $0x342800, s3  }
0xc: {  	s3 =	sadd.s32 $0x342C00, s3;
	s6 =	simm.s32 $0x1;
	s5 =	sshrl.u32 s4, $0x1;
	v2 =	vunpack.c.0.s8.s32 v0;
	v1 =	vunpack.c.0.s8.s32 v1  }
0xd: {  	s7 =	simm.s32 $0x2000;
	s8 =	simm.s32 $0x1A700;
	s4 =	ssub.s32 s4, s5  }
0xe: {  	vm0 =	vcmask $0x3F3C;
	s9 =	simm.s32 $0x0;
	s5 =	simm.s32 $0x0;
	s4 =	smax.u32 s4, $0x1;
	v0 =	vlaneseq.u32;
	v1 =	vcombine.low v1, v2  }
.LBB2_2:
0xf: {  	[tilespmem:s5], [sflag:$0x1] =	stream.linear.gather [hbm4b:s2+s5], $0x2000, $0x38;
	[tilespmem:$0x1C700] =	vst v63  }
0x10: {  	_ =	swait.ge [sflag:s6], $0x2000  }
0x11: {  	[sflag:s6] =	ssyncset.done $0x0  }
0x12: {  	s10 =	simm.s32 $0x0;
	s11 =	simm.s32 $0x0;
	[sflag:s6] =	ssyncadd.s32 $0xFFFFE000  }
.LBB2_3:
0x13: {  	v2 =	vld [tilespmem:s10+$0x0];
	_ =	sdelay $0x4  }
0x14: {  	v2 =	vshll.u32 v2, $0xD  }
0x15: {  	v2 =	vadd.s32 s11, v2  }
0x16: {  	v2 =	vadd.s32 v0, v2  }
0x17: {  	v3 =	vxor.u32 $0x80000000, v2  }
0x18: {  	(xrf1) =	vsort.ascd.msk.u32 $0xffff, v3, v2;
	_ =	sdelay $0xd  }
0x19: {  	v2, _, _ =	vpop (xrf1)  }
0x1a: {  	v3 =	vshra.s32 v2, $0xD  }
0x1b: {  	v3 =	vxor.u32 $0xFFFC0000, v3  }
0x1c: {  	v4 =	vperm.xlane v3, v1;
	_ =	sdelay $0x1  }
0x1d: {  	vm1 =	vne.s32 v3, v4  }
0x1e: {  	vm1 =	vmor vm1, vm0  }
0x1f: {  	p0 =	sne.s32 s11, $0x1FF0  }
.Ltmp1:
0x20: {  	_ = 	snop;
	(pc) =	sbr.rel @p0 .LBB2_3-.Ltmp1, $3  }
0x21: {  	_ =	sdelay $0x1  }
0x22: {  	v2 =	vand.u32 $0x1FFF, v2  }
0x23: {  	s10 =	sadd.s32 $0x10, s10;
	s11 =	sadd.s32 $0x10, s11;
	[tilespmem:v3+s7+$0x0] =	vst.idx.msk vm1, v2  }
0x24: {  	s10 =	simm.s32 $0x0  }
0x25: {  	v2 =	vld [tilespmem:s10+$0x0];
	_ =	sdelay $0x7  }
0x26: {  	s11 =	simm.s32 $0x10;
	s12 =	simm.s32 $0x80;
	v2 =	vld.idx.msk [tilespmem:v2+s7+$0x0], $0xffff  }
.LBB2_5:
0x27: {  	p0 =	sne.s32 s12, $0x7FC0;
	v3 =	vld [tilespmem:s11+$0x0];
	_ =	sdelay $0x3  }
.Ltmp2:
0x28: {  	(pc) =	sbr.rel @p0 .LBB2_5-.Ltmp2, $2  }
0x29: {  	[tilespmem:s10+$0x1A700] =	vst v2;
	s10 =	smov.u32 s11;
	_ =	sdelay $0x2  }
0x2a: {  	s11 =	sshra.s32 s12, $0x2;
	s12 =	sadd.s32 $0x40, s12;
	v2 =	vld.idx.msk [tilespmem:v3+s7+$0x0], $0xffff  }
0x2b: {  	v3 =	vld [tilespmem:s11+$0x0];
	_ =	sdelay $0x6  }
0x2c: {  	[tilespmem:s10+$0x1A700] =	vst v2  }
0x2d: {  	v2 =	vld.idx.msk [tilespmem:v3+s7+$0x0], $0xffff;
	_ =	sdelay $0x2  }
0x2e: {  	s9 =	sadd.s32 $0x1, s9  }
0x2f: {  	p0 =	sne.s32 s9, s4  }
.Ltmp3:
0x30: {  	[tilespmem:s11+$0x1A700] =	vst v2;
	(pc) =	sbr.rel @p0 .LBB2_2-.Ltmp3, $4  }
0x31: {  	[hbm4b:s3+s5] =	stream.linear.scatter [tilespmem:s8], [sflag:$0x1], $0x2000, $0x38;
	[tilespmem:$0x1C700] =	vst v63  }
0x32: {  	_ =	swait.ge [sflag:s6], $0x2000  }
0x33: {  	[sflag:s6] =	ssyncset.done $0x0  }
0x34: {  	[sflag:s6] =	ssyncadd.s32 $0xFFFFE000  }
.LBB2_7:
0x35: {  	_ =	sfence.sel $0x180000  }
0x36: {  	[bflag:$0x0] =	sbarrier.arrive $0xFFFF  }
0x37: {  	p0 =	sne.s32 s0, $0x0;
	_ =	strace $0x9000004A  }
0x38: {  	s0 =	sadd.s32 @!p0 $0x100000, s1;
	[bflag:$0x2] =	sbarrier.arrive $0xFFFF  }
0x39: {  	[sflag:s0] =	ssyncadd.tile.s32 @!p0 $0x1;
	_ =	shalt  }
.Lfunc_end2:
_tile_overlayer_lowered:
.L_overlay_start_2:
0x3a: {  	(tag) =	ssettag $0x2  }
0x3b: {  	s0 =	rddreg [dreg:$0x0];
	s2 =	stileid.u32  }
0x3c: {  	s1 =	rddreg [dreg:$0x1];
	p0 =	sne.s32 s2, $0x0  }
0x3d: {  	s3 =	rddreg [dreg:$0x2];
	[bflag:$0x3] =	sbarrier.arrive $0xFFFF;
	s2 =	simm.s32 @!p0 $0x1C01  }
0x3e: {  	[timem:s3], [sflag:s2] =	dma.local @!p0 [hbm:s0], s1  }
0x3f: {  	s0 =	simm.s32 @!p0 $0x1  }
0x40: {  	_ =	swait.ge @!p0 [sflag:s0], s1  }
0x41: {  	s1 =	ssub.s32 @!p0 $0x0, s1;
	[sflag:s0] =	ssyncset.done @!p0 $0x0  }
0x42: {  	[sflag:s0] =	ssyncadd.s32 @!p0 s1  }
0x43: {  	[bflag:$0x3] =	sbarrier.arrive $0xFFFF  }
0x44: {  	_ =	shalt  }

</sc_bundles>
